<compile_context>
chip_gen: v7x
topology: tpu7x:2x2x1
jax: 0.10.2.dev20260603
libtpu: 0.0.44.dev20260713+nightly
codegen_flags: <defaults>
</compile_context>

<pallas_src>
import jax
import jax.numpy as jnp
import numpy as np
from jax import lax
from jax.experimental import pallas as pl
from jax.experimental.pallas import tpu as pltpu
from jax.experimental.pallas import tpu_sc as plsc

F32 = jnp.float32
BF16 = jnp.bfloat16

N = 10000
E = 320000
D = 128
NHEADS = 4
HDIM = 32
NGRAPH = 64

NCORES = 2
NSUB = 16
NW = NCORES * NSUB
SLICES = (192000, 128000)
CB = 80
NPAD = 10240
RPT = NPAD // NSUB

_SIGMA = np.zeros(D, np.int32)
for _m in range(D // 32):
    for _i in range(16):
        for _b in range(2):
            _SIGMA[32 * _m + 2 * _i + _b] = 32 * _m + 16 * _b + _i


def _pre_body(x_ref, waT_ref, wbT_ref, xa_ref, xb_ref):
    x = x_ref[...]
    xa_ref[...] = jnp.dot(x, waT_ref[...], preferred_element_type=F32)
    xb_ref[...] = jnp.dot(x, wbT_ref[...], preferred_element_type=F32)


def _tc_pre(x, waT, wbT):
    bn = 2000
    grid = N // bn
    return pl.pallas_call(
        _pre_body,
        grid=(grid,),
        in_specs=[
            pl.BlockSpec((bn, D), lambda i: (i, 0)),
            pl.BlockSpec((D, D), lambda i: (0, 0)),
            pl.BlockSpec((D, D), lambda i: (0, 0)),
        ],
        out_specs=[
            pl.BlockSpec((bn, D), lambda i: (i, 0)),
            pl.BlockSpec((bn, D), lambda i: (i, 0)),
        ],
        out_shape=[
            jax.ShapeDtypeStruct((N, D), F32),
            jax.ShapeDtypeStruct((N, D), F32),
        ],
    )(x, waT, wbT)


def _ring(nch, process, issue):
    issue(0, 0)
    issue(1, 1)

    def step(i, carry):
        jj = i * 2
        for b in range(2):
            j = jj + b
            process(j, b)

            @pl.when(j + 2 < nch)
            def _():
                issue(j + 2, b)
        return carry

    if nch % 2 == 0:
        lax.fori_loop(0, (nch - 2) // 2, step, 0)
        process(nch - 2, 0)
        process(nch - 1, 1)
    else:
        lax.fori_loop(0, (nch - 1) // 2, step, 0)
        process(nch - 1, 0)


def _make_gather_body(ews, nch):
    def body(xa_hbm, xb_hbm, px_hbm, py_hbm, pz_hbm, row_hbm, col_hbm,
             s_hbm, d2_hbm,
             row_v, col_v, px_v, py_v, pz_v,
             bufa0, bufb0, bufa1, bufb1, d2_v,
             sa0, sb0, sa1, sb1):
        c = lax.axis_index("c")
        s = lax.axis_index("s")
        wid = s * NCORES + c
        base = wid * ews

        pltpu.sync_copy(row_hbm.at[wid], row_v)
        pltpu.sync_copy(col_hbm.at[wid], col_v)
        pltpu.sync_copy(px_hbm, px_v)
        pltpu.sync_copy(py_hbm, py_v)
        pltpu.sync_copy(pz_hbm, pz_v)

        bufs = ((bufa0, bufb0, sa0, sb0), (bufa1, bufb1, sa1, sb1))

        def issue(j, b):
            ba, bb, sa, sb = bufs[b]
            pltpu.async_copy(xa_hbm.at[col_v.at[j]], ba, sa)
            pltpu.async_copy(xb_hbm.at[row_v.at[j]], bb, sb)

        def process(j, b):
            ba, bb, sa, sb = bufs[b]
            for l in range(CB // 16):
                ir = row_v[j, pl.ds(l * 16, 16)]
                ic = col_v[j, pl.ds(l * 16, 16)]
                dx = plsc.load_gather(px_v, [ic]) - plsc.load_gather(px_v, [ir])
                dy = plsc.load_gather(py_v, [ic]) - plsc.load_gather(py_v, [ir])
                dz = plsc.load_gather(pz_v, [ic]) - plsc.load_gather(pz_v, [ir])
                d2_v[pl.ds(j * CB + l * 16, 16)] = dx * dx + dy * dy + dz * dz
            pltpu.make_async_copy(xa_hbm.at[col_v.at[j]], ba, sa).wait()
            pltpu.make_async_copy(xb_hbm.at[row_v.at[j]], bb, sb).wait()

            def addrow(r, cr):
                for cc in range(D // 16):
                    sl = pl.ds(cc * 16, 16)
                    ba[r, sl] = ba[r, sl] + bb[r, sl]
                return cr

            lax.fori_loop(0, CB, addrow, 0)
            pltpu.sync_copy(ba, s_hbm.at[pl.ds(base + j * CB, CB)])

        _ring(nch, process, issue)
        pltpu.sync_copy(d2_v, d2_hbm.at[pl.ds(base, ews)])

    return body


def _sc_gather(xa, xb, px, py, pz, row3, col3):
    nw, nch, cb = row3.shape
    ews = nch * cb
    es = nw * ews
    mesh = plsc.VectorSubcoreMesh(
        core_axis_name="c", subcore_axis_name="s",
        num_cores=NCORES, num_subcores=NSUB)
    f = pl.kernel(
        _make_gather_body(ews, nch),
        out_type=(
            jax.ShapeDtypeStruct((es, D), F32),
            jax.ShapeDtypeStruct((es,), F32),
        ),
        mesh=mesh,
        compiler_params=pltpu.CompilerParams(needs_layout_passes=False),
        scratch_types=[
            pltpu.VMEM((nch, CB), jnp.int32),
            pltpu.VMEM((nch, CB), jnp.int32),
            pltpu.VMEM((N,), F32),
            pltpu.VMEM((N,), F32),
            pltpu.VMEM((N,), F32),
            pltpu.VMEM((CB, D), F32),
            pltpu.VMEM((CB, D), F32),
            pltpu.VMEM((CB, D), F32),
            pltpu.VMEM((CB, D), F32),
            pltpu.VMEM((ews,), F32),
            pltpu.SemaphoreType.DMA,
            pltpu.SemaphoreType.DMA,
            pltpu.SemaphoreType.DMA,
            pltpu.SemaphoreType.DMA,
        ],
    )
    return f(xa, xb, px, py, pz, row3, col3)


def _edge_body(s_ref, d2_ref, ea_ref, wd_ref, bm1_ref, weT_ref, w2T_ref,
               bm2_ref, msg_ref):
    d2 = d2_ref[...]
    dist = jnp.clip(jnp.sqrt(d2 + 1e-12), 1e-4, 100.0)
    h = (s_ref[...] + dist * wd_ref[...]
         + jnp.dot(ea_ref[...], weT_ref[...], preferred_element_type=F32)
         + bm1_ref[...])
    h = h * jax.nn.sigmoid(h)
    m = jnp.dot(h.astype(BF16), w2T_ref[...],
                preferred_element_type=F32) + bm2_ref[...]
    msg_ref[...] = m * jax.nn.sigmoid(m)


def _tc_edge(s, d2c, ea, wd, bm1r, weT, w2T, bm2r):
    be = 2000
    es = s.shape[0]
    grid = es // be
    ed = ea.shape[1]
    return pl.pallas_call(
        _edge_body,
        grid=(grid,),
        in_specs=[
            pl.BlockSpec((be, D), lambda i: (i, 0)),
            pl.BlockSpec((be, 1), lambda i: (i, 0)),
            pl.BlockSpec((be, ed), lambda i: (i, 0)),
            pl.BlockSpec((1, D), lambda i: (0, 0)),
            pl.BlockSpec((1, D), lambda i: (0, 0)),
            pl.BlockSpec((ed, D), lambda i: (0, 0)),
            pl.BlockSpec((D, D), lambda i: (0, 0)),
            pl.BlockSpec((1, D), lambda i: (0, 0)),
        ],
        out_specs=pl.BlockSpec((be, D), lambda i: (i, 0)),
        out_shape=jax.ShapeDtypeStruct((es, D), F32),
    )(s, d2c, ea, wd, bm1r, weT, w2T, bm2r)


def _make_scatter_body(ews, nch):
    def body(msg_hbm, col_hbm, out_hbm, col_v, msg_v0, msg_v1, acc, sm0, sm1):
        c = lax.axis_index("c")
        s = lax.axis_index("s")
        wid = s * NCORES + c
        base = wid * ews

        def zrow(r, cr):
            for cc in range(D // 16):
                msg_v0[r, pl.ds(cc * 16, 16)] = jnp.zeros((16,), F32)
            return cr

        lax.fori_loop(0, CB, zrow, 0)
        for z in range(RPT // CB):
            pltpu.sync_copy(msg_v0, acc.at[pl.ds(s * RPT + z * CB, CB)])
        plsc.subcore_barrier()

        pltpu.sync_copy(col_hbm.at[wid], col_v)

        bufs = ((msg_v0, sm0), (msg_v1, sm1))

        def issue(j, b):
            mv, sm = bufs[b]
            pltpu.async_copy(msg_hbm.at[pl.ds(base + j * CB, CB)], mv, sm)

        def process(j, b):
            mv, sm = bufs[b]
            pltpu.make_async_copy(msg_hbm.at[pl.ds(base + j * CB, CB)], mv,
                                  sm).wait()
            pltpu.sync_copy(mv, acc.at[col_v.at[j]], add=True)

        _ring(nch, process, issue)
        plsc.subcore_barrier()
        pltpu.sync_copy(acc.at[pl.ds(s * RPT, RPT)],
                        out_hbm.at[c].at[pl.ds(s * RPT, RPT)])

    return body


def _sc_scatter(msg, col3):
    nw, nch, cb = col3.shape
    ews = nch * cb
    mesh = plsc.VectorSubcoreMesh(
        core_axis_name="c", subcore_axis_name="s",
        num_cores=NCORES, num_subcores=NSUB)
    f = pl.kernel(
        _make_scatter_body(ews, nch),
        out_type=jax.ShapeDtypeStruct((NCORES, NPAD, D), F32),
        mesh=mesh,
        compiler_params=pltpu.CompilerParams(needs_layout_passes=False),
        scratch_types=[
            pltpu.VMEM((nch, CB), jnp.int32),
            pltpu.VMEM((CB, D), F32),
            pltpu.VMEM((CB, D), F32),
            pltpu.VMEM_SHARED((NPAD, D), F32),
            pltpu.SemaphoreType.DMA,
            pltpu.SemaphoreType.DMA,
        ],
    )
    return f(msg, col3)


def _node_body(x_ref, p0_ref, p1_ref, wu1xT_ref, wu1aT_ref, bu1_ref, wu2T_ref,
               bu2_ref, wkT_ref, bk_ref, wvT_ref, bv_ref, qbd_ref,
               xn_ref, v_ref, ae_ref):
    agg = p0_ref[0] + p0_ref[1] + p1_ref[0] + p1_ref[1]
    h = (jnp.dot(x_ref[...], wu1xT_ref[...], preferred_element_type=F32)
         + jnp.dot(agg, wu1aT_ref[...], preferred_element_type=F32)
         + bu1_ref[...])
    h = h * jax.nn.sigmoid(h)
    xn = jnp.dot(h, wu2T_ref[...], preferred_element_type=F32) + bu2_ref[...]
    xn_ref[...] = xn
    k = jnp.dot(xn, wkT_ref[...], preferred_element_type=F32) + bk_ref[...]
    v_ref[...] = jnp.dot(xn, wvT_ref[...], preferred_element_type=F32) + bv_ref[...]
    attn = jnp.clip(jnp.dot(k, qbd_ref[...], preferred_element_type=F32)
                    * (HDIM ** -0.5), -20.0, 20.0)
    ae_ref[...] = jnp.exp(attn)


def _tc_node(x, p0, p1, wu1xT, wu1aT, bu1r, wu2T, bu2r, wkT, bkr, wvT, bvr,
             qbd):
    bn = 2000
    grid = N // bn
    return pl.pallas_call(
        _node_body,
        grid=(grid,),
        in_specs=[
            pl.BlockSpec((bn, D), lambda i: (i, 0)),
            pl.BlockSpec((NCORES, bn, D), lambda i: (0, i, 0)),
            pl.BlockSpec((NCORES, bn, D), lambda i: (0, i, 0)),
            pl.BlockSpec((D, D), lambda i: (0, 0)),
            pl.BlockSpec((D, D), lambda i: (0, 0)),
            pl.BlockSpec((1, D), lambda i: (0, 0)),
            pl.BlockSpec((D, D), lambda i: (0, 0)),
            pl.BlockSpec((1, D), lambda i: (0, 0)),
            pl.BlockSpec((D, D), lambda i: (0, 0)),
            pl.BlockSpec((1, D), lambda i: (0, 0)),
            pl.BlockSpec((D, D), lambda i: (0, 0)),
            pl.BlockSpec((1, D), lambda i: (0, 0)),
            pl.BlockSpec((D, NHEADS), lambda i: (0, 0)),
        ],
        out_specs=[
            pl.BlockSpec((bn, D), lambda i: (i, 0)),
            pl.BlockSpec((bn, D), lambda i: (i, 0)),
            pl.BlockSpec((bn, NHEADS), lambda i: (i, 0)),
        ],
        out_shape=[
            jax.ShapeDtypeStruct((N, D), F32),
            jax.ShapeDtypeStruct((N, D), F32),
            jax.ShapeDtypeStruct((N, NHEADS), F32),
        ],
    )(x, p0, p1, wu1xT, wu1aT, bu1r, wu2T, bu2r, wkT, bkr, wvT, bvr, qbd)


def _tail_body(xn_ref, v_ref, ae_ref, b2_ref, bT_ref, wihT_ref, whhT_ref,
               bih_ref, bhh_ref, out_ref):
    xn = xn_ref[...]
    v = v_ref[...]
    ae = ae_ref[...]
    oh = (b2_ref[...] == lax.broadcasted_iota(jnp.int32, (N, NGRAPH), 1)
          ).astype(F32)
    ohT = (bT_ref[...] == lax.broadcasted_iota(jnp.int32, (NGRAPH, N), 0)
           ).astype(F32)

    asum = jnp.dot(ohT, ae, preferred_element_type=F32)
    cols = []
    for hh in range(NHEADS):
        u = ae[:, hh:hh + 1] * v[:, HDIM * hh:HDIM * (hh + 1)]
        num = jnp.dot(ohT, u, preferred_element_type=F32)
        cols.append(num / (asum[:, hh:hh + 1] + 1e-8))
    pooled = jnp.concatenate(cols, axis=1)

    hs = jnp.zeros((NGRAPH, D), F32)
    cs = jnp.zeros((NGRAPH, D), F32)
    qs = jnp.zeros((NGRAPH, 2 * D), F32)
    for _ in range(3):
        gates = (jnp.dot(qs, wihT_ref[...], preferred_element_type=F32)
                 + bih_ref[...]
                 + jnp.dot(hs, whhT_ref[...], preferred_element_type=F32)
                 + bhh_ref[...])
        ig = jax.nn.sigmoid(gates[:, :D])
        fg = jax.nn.sigmoid(gates[:, D:2 * D])
        gg = jnp.tanh(gates[:, 2 * D:3 * D])
        og = jax.nn.sigmoid(gates[:, 3 * D:4 * D])
        cs = fg * cs + ig * gg
        hs = og * jnp.tanh(cs)
        qn = jnp.dot(oh, hs, preferred_element_type=F32)
        a = jnp.clip(jnp.sum(xn * qn, axis=1, keepdims=True), -20.0, 20.0)
        ae2 = jnp.exp(a)
        s2 = jnp.dot(ohT, ae2, preferred_element_type=F32)
        r = jnp.dot(ohT, ae2 * xn, preferred_element_type=F32) / (s2 + 1e-8)
        qs = jnp.concatenate([hs, r], axis=1)
    out_ref[...] = jnp.concatenate([pooled, qs], axis=1)


def _tc_tail(xn, v, ae, b2, bT, wihT, whhT, bihr, bhhr):
    return pl.pallas_call(
        _tail_body,
        out_shape=jax.ShapeDtypeStruct((NGRAPH, 3 * D), F32),
    )(xn, v, ae, b2, bT, wihT, whhT, bihr, bhhr)


def kernel(x, pos, edge_index, edge_attr, batch, Wm1, bm1, Wm2, bm2,
           Wu1, bu1, Wu2, bu2, Wp1, bp1, Wp2, bp2, q_ap, Wk, bk, Wv, bv,
           Wih, Whh, bih, bhh):
    row = edge_index[0]
    col = edge_index[1]
    bounds = []
    off = 0
    for es in SLICES:
        bounds.append((off, off + es))
        off += es
    row4 = [row[a:b].reshape(NW, (b - a) // (NW * CB), CB) for a, b in bounds]
    col4 = [col[a:b].reshape(NW, (b - a) // (NW * CB), CB) for a, b in bounds]
    eab = edge_attr.astype(BF16)
    ea3 = [eab[a:b] for a, b in bounds]
    px = pos[:, 0]
    py = pos[:, 1]
    pz = pos[:, 2]

    waT = Wm1[:, :D].T
    wbT = Wm1[:, D:2 * D].T
    wd = Wm1[:, 2 * D].reshape(1, D)
    weT = Wm1[:, 2 * D + 1:].T.astype(BF16)
    w2T = Wm2.T.astype(BF16)
    bm1r = bm1.reshape(1, D)
    bm2r = bm2.reshape(1, D)

    qbd = jnp.zeros((D, NHEADS), F32)
    for hh in range(NHEADS):
        qbd = qbd.at[HDIM * hh:HDIM * (hh + 1), hh].set(q_ap[hh])

    xa, xb = _tc_pre(x, waT, wbT)
    parts = []
    for si in range(len(SLICES)):
        s, d2 = _sc_gather(xa, xb, px, py, pz, row4[si], col4[si])
        msg = _tc_edge(s, d2.reshape(-1, 1), ea3[si], wd, bm1r, weT, w2T,
                       bm2r)
        parts.append(_sc_scatter(msg, col4[si]))
    xn, v, ae = _tc_node(
        x, parts[0][:, :N, :], parts[1][:, :N, :],
        Wu1[:, :D].T, Wu1[:, D:].T, bu1.reshape(1, D),
        Wu2.T, bu2.reshape(1, D), Wk.T, bk.reshape(1, D), Wv.T,
        bv.reshape(1, D), qbd)
    out = _tc_tail(
        xn, v, ae, batch.reshape(N, 1), batch.reshape(1, N),
        Wih.T, Whh.T, bih.reshape(1, 4 * D), bhh.reshape(1, 4 * D))
    return out

# --- scband reference (transcript-rebuilt; emitter-appended) ---
"""Pipeline reference for scband-molecular-encoder-2826088481346 (READ-ONLY COPY).

The authoritative reference and input builder live on the scoring server;
editing this copy changes nothing except your own understanding.
"""

import jax, jax.numpy as jnp
import numpy as np

N = 10000
E = 320000
D = 128
H = 128
ED = 16
NH = 4
HD = D // NH
B = 64
STEPS = 3

def _lin(x, W, b):
    return x @ W.T + b

def _forward(x, pos, edge_attr, Wm1, bm1, Wm2, bm2, Wu1, bu1, Wu2, bu2, Wp1, bp1, Wp2, bp2, q_ap, Wk, bk, Wv, bv, Wih, Whh, bih, bhh, edge_index, batch):
    row = edge_index[0]
    col = edge_index[1]
    n = x.shape[0]
    # ---- E3EquivariantConv ----
    x_i = x[col]
    x_j = x[row]
    pos_i = pos[col]
    pos_j = pos[row]
    d = pos_i - pos_j
    dist = jnp.clip(jnp.sqrt(jnp.sum(d * d, axis=-1, keepdims=True) + 1e-12), 1e-4, 100.0)
    msg_in = jnp.concatenate([x_i, x_j, dist, edge_attr], axis=-1)
    msg = jax.nn.silu(_lin(msg_in, Wm1, bm1))
    msg = jax.nn.silu(_lin(msg, Wm2, bm2))
    agg = jax.ops.segment_sum(msg, col, num_segments=n)
    x_new = _lin(jax.nn.silu(_lin(jnp.concatenate([x, agg], axis=-1), Wu1, bu1)), Wu2, bu2)
    pos_diff = pos[row] - pos[col]
    pdn = jnp.clip(jnp.sqrt(jnp.sum(pos_diff * pos_diff, axis=-1, keepdims=True) + 1e-12), 1e-4, None)
    pos_dir = pos_diff / pdn
    scal = _lin(jax.nn.silu(_lin(msg, Wp1, bp1)), Wp2, bp2)
    pos_upd = jnp.clip(scal * pos_dir, -10.0, 10.0)
    summed = jax.ops.segment_sum(pos_upd, col, num_segments=n)
    cnt = jax.ops.segment_sum(jnp.ones((pos_upd.shape[0],), dtype=x.dtype), col, num_segments=n)
    pos_new = pos + summed / jnp.clip(cnt, 1.0, None)[:, None]
    # ---- AttentionPooling ----
    k = _lin(x_new, Wk, bk).reshape(-1, NH, HD)
    v = _lin(x_new, Wv, bv).reshape(-1, NH, HD)
    scale = HD ** -0.5
    attn = jnp.clip(jnp.sum(q_ap[None] * k, axis=-1) * scale, -20.0, 20.0)
    # original torch scatter 'max' helper returns zeros, so the max-shift is a no-op (kept faithful)
    attn_exp = jnp.exp(attn)
    asum = jax.ops.segment_sum(attn_exp, batch, num_segments=B)[batch]
    attn_norm = attn_exp / (asum + 1e-08)
    pooled = jax.ops.segment_sum(attn_norm[..., None] * v, batch, num_segments=B).reshape(B, -1)
    # ---- Set2Set ----
    h = jnp.zeros((B, D), dtype=x.dtype)
    c = jnp.zeros((B, D), dtype=x.dtype)
    q_star = jnp.zeros((B, 2 * D), dtype=x.dtype)
    for _ in range(STEPS):
        gates = q_star @ Wih.T + bih + h @ Whh.T + bhh
        ig, fg, gg, og = jnp.split(gates, 4, axis=-1)
        ig = jax.nn.sigmoid(ig)
        fg = jax.nn.sigmoid(fg)
        gg = jnp.tanh(gg)
        og = jax.nn.sigmoid(og)
        c = fg * c + ig * gg
        h = og * jnp.tanh(c)
        q = h
        a = jnp.clip(jnp.sum(x_new * q[batch], axis=-1), -20.0, 20.0)
        ae = jnp.exp(a)
        asum2 = jax.ops.segment_sum(ae, batch, num_segments=B)[batch]
        an = ae / (asum2 + 1e-08)
        r = jax.ops.segment_sum(an[:, None] * x_new, batch, num_segments=B)
        q_star = jnp.concatenate([q, r], axis=-1)
    return jnp.concatenate([pooled, q_star], axis=-1)

def setup_inputs(seed: int = 0):
    key = jax.random.key(seed)
    ks = jax.random.split(key, 32)
    def pr(i, shape, s=0.05):
        return jax.random.normal(ks[i], shape, dtype=jnp.float32) * s
    return {
        "x": jax.random.normal(ks[0], (N, D), dtype=jnp.float32),
        "pos": jax.random.normal(ks[1], (N, 3), dtype=jnp.float32),
        "edge_index": jax.random.randint(ks[2], (2, E), 0, N, dtype=jnp.int32),
        "edge_attr": jax.random.normal(ks[3], (E, ED), dtype=jnp.float32),
        "batch": jnp.sort(jax.random.randint(ks[4], (N,), 0, B, dtype=jnp.int32)),
        "Wm1": pr(5, (H, 2 * D + ED + 1)),
        "bm1": jnp.zeros((H,), jnp.float32),
        "Wm2": pr(6, (H, H)),
        "bm2": jnp.zeros((H,), jnp.float32),
        "Wu1": pr(7, (H, D + H)),
        "bu1": jnp.zeros((H,), jnp.float32),
        "Wu2": pr(8, (D, H)),
        "bu2": jnp.zeros((D,), jnp.float32),
        "Wp1": pr(9, (H // 2, H)),
        "bp1": jnp.zeros((H // 2,), jnp.float32),
        "Wp2": pr(10, (1, H // 2)),
        "bp2": jnp.zeros((1,), jnp.float32),
        "q_ap": pr(11, (NH, HD), 1.0),
        "Wk": pr(12, (D, D)),
        "bk": jnp.zeros((D,), jnp.float32),
        "Wv": pr(13, (D, D)),
        "bv": jnp.zeros((D,), jnp.float32),
        "Wih": pr(14, (4 * D, 2 * D)),
        "Whh": pr(15, (4 * D, D)),
        "bih": jnp.zeros((4 * D,), jnp.float32),
        "bhh": jnp.zeros((4 * D,), jnp.float32),
    }

def reference(x, pos, edge_index, edge_attr, batch, Wm1, bm1, Wm2, bm2, Wu1, bu1, Wu2, bu2, Wp1, bp1, Wp2, bp2, q_ap, Wk, bk, Wv, bv, Wih, Whh, bih, bhh):
    return _forward(x, pos, edge_attr, Wm1, bm1, Wm2, bm2, Wu1, bu1, Wu2, bu2, Wp1, bp1, Wp2, bp2, q_ap, Wk, bk, Wv, bv, Wih, Whh, bih, bhh, edge_index, batch)

if __name__ == "__main__":
    import jax
    _d = setup_inputs()
    print(jax.jit(kernel)(*tuple(_d.values())))

</pallas_src>

<mosaic_0001>
#map = affine_map<(d0, d1) -> (0, 0)>
#map1 = affine_map<(d0, d1) -> (0)>
#map2 = affine_map<(d0, d1) -> (0, 0, 0)>
module attributes {stable_mosaic.version = 14 : i64} {
  func.func @body(%arg0: i32, %arg1: i32, %arg2: memref<10000x128xf32, #tpu.memory_space<hbm>>, %arg3: memref<10000x128xf32, #tpu.memory_space<hbm>>, %arg4: memref<10000xf32, #tpu.memory_space<hbm>>, %arg5: memref<10000xf32, #tpu.memory_space<hbm>>, %arg6: memref<10000xf32, #tpu.memory_space<hbm>>, %arg7: memref<32x75x80xi32, #tpu.memory_space<hbm>>, %arg8: memref<32x75x80xi32, #tpu.memory_space<hbm>>, %arg9: memref<192000x128xf32, #tpu.memory_space<hbm>>, %arg10: memref<192000xf32, #tpu.memory_space<hbm>>, %arg11: memref<75x80xi32, #tpu.memory_space<vmem>>, %arg12: memref<75x80xi32, #tpu.memory_space<vmem>>, %arg13: memref<10000xf32, #tpu.memory_space<vmem>>, %arg14: memref<10000xf32, #tpu.memory_space<vmem>>, %arg15: memref<10000xf32, #tpu.memory_space<vmem>>, %arg16: memref<80x128xf32, #tpu.memory_space<vmem>>, %arg17: memref<80x128xf32, #tpu.memory_space<vmem>>, %arg18: memref<80x128xf32, #tpu.memory_space<vmem>>, %arg19: memref<80x128xf32, #tpu.memory_space<vmem>>, %arg20: memref<6000xf32, #tpu.memory_space<vmem>>, %arg21: memref<!tpu.dma_semaphore, #tpu.memory_space<semaphore_mem>>, %arg22: memref<!tpu.dma_semaphore, #tpu.memory_space<semaphore_mem>>, %arg23: memref<!tpu.dma_semaphore, #tpu.memory_space<semaphore_mem>>, %arg24: memref<!tpu.dma_semaphore, #tpu.memory_space<semaphore_mem>>) attributes {dimension_semantics = [#tpu.dimension_semantics<core_parallel>, #tpu.dimension_semantics<subcore_parallel>], iteration_bounds = array<i64: 2, 16>, scalar_prefetch = 0 : i64, scratch_operands = 14 : i64, tpu.core_type = #tpu.core_type<sc_vector_subcore>, window_params = [{transform_indices = #map}, {transform_indices = #map}, {transform_indices = #map1}, {transform_indices = #map1}, {transform_indices = #map1}, {transform_indices = #map2}, {transform_indices = #map2}, {transform_indices = #map}, {transform_indices = #map1}]} {
    %mul3A = arith.constant 2 : i32
    %mul3A_0 = arith.muli %arg1, %mul3A : i32
    %add3A = arith.addi %mul3A_0, %arg0 : i32
    %mul3A_1 = arith.constant 6000 : i32
    %mul3A_2 = arith.muli %add3A, %mul3A_1 : i32
    "tpu.region"() ({
      %run_scoped3A = tpu.sem_alloc : memref<!tpu.dma_semaphore, #tpu.memory_space<semaphore_mem>>
      %dma_start3A_172 = arith.constant 0 : i32
      %dma_start3A_173 = arith.constant 0 : i32
      %dma_start3A_174 = tpu.memref_slice %arg7[%add3A, %dma_start3A_172, %dma_start3A_173] : memref<32x75x80xi32, #tpu.memory_space<hbm>> -> memref<1x75x80xi32, #tpu.memory_space<hbm>>
      %dma_start3A_175 = tpu.memref_squeeze %dma_start3A_174 : memref<1x75x80xi32, #tpu.memory_space<hbm>> -> memref<75x80xi32, #tpu.memory_space<hbm>>
      %dma_start3A_176 = arith.constant 0 : i32
      %dma_start3A_177 = arith.constant 0 : i32
      %dma_start3A_178 = tpu.memref_slice %arg7[%add3A, %dma_start3A_176, %dma_start3A_177] : memref<32x75x80xi32, #tpu.memory_space<hbm>> -> memref<1x75x80xi32, #tpu.memory_space<hbm>>
      %dma_start3A_179 = tpu.memref_squeeze %dma_start3A_178 : memref<1x75x80xi32, #tpu.memory_space<hbm>> -> memref<75x80xi32, #tpu.memory_space<hbm>>
      tpu.enqueue_dma source(%dma_start3A_179 : memref<75x80xi32, #tpu.memory_space<hbm>>) target(%arg11 : memref<75x80xi32, #tpu.memory_space<vmem>>) target_semaphore(%run_scoped3A : memref<!tpu.dma_semaphore, #tpu.memory_space<semaphore_mem>>)
      %dma_wait3A_180 = arith.constant 0 : i32
      %dma_wait3A_181 = arith.constant 0 : i32
      %dma_wait3A_182 = tpu.memref_slice %arg7[%add3A, %dma_wait3A_180, %dma_wait3A_181] : memref<32x75x80xi32, #tpu.memory_space<hbm>> -> memref<1x75x80xi32, #tpu.memory_space<hbm>>
      %dma_wait3A_183 = tpu.memref_squeeze %dma_wait3A_182 : memref<1x75x80xi32, #tpu.memory_space<hbm>> -> memref<75x80xi32, #tpu.memory_space<hbm>>
      %dma_wait3A_184 = arith.constant 0 : i32
      %dma_wait3A_185 = arith.constant 0 : i32
      %dma_wait3A_186 = tpu.memref_slice %arg7[%add3A, %dma_wait3A_184, %dma_wait3A_185] : memref<32x75x80xi32, #tpu.memory_space<hbm>> -> memref<1x75x80xi32, #tpu.memory_space<hbm>>
      %dma_wait3A_187 = tpu.memref_squeeze %dma_wait3A_186 : memref<1x75x80xi32, #tpu.memory_space<hbm>> -> memref<75x80xi32, #tpu.memory_space<hbm>>
      tpu.wait_dma2 semaphore(%run_scoped3A : memref<!tpu.dma_semaphore, #tpu.memory_space<semaphore_mem>>) src(%dma_wait3A_187 : memref<75x80xi32, #tpu.memory_space<hbm>>) dst(%arg11 : memref<75x80xi32, #tpu.memory_space<vmem>>)
      tpu.yield
    }) : () -> ()
    "tpu.region"() ({
      %run_scoped3A = tpu.sem_alloc : memref<!tpu.dma_semaphore, #tpu.memory_space<semaphore_mem>>
      %dma_start3A_172 = arith.constant 0 : i32
      %dma_start3A_173 = arith.constant 0 : i32
      %dma_start3A_174 = tpu.memref_slice %arg8[%add3A, %dma_start3A_172, %dma_start3A_173] : memref<32x75x80xi32, #tpu.memory_space<hbm>> -> memref<1x75x80xi32, #tpu.memory_space<hbm>>
      %dma_start3A_175 = tpu.memref_squeeze %dma_start3A_174 : memref<1x75x80xi32, #tpu.memory_space<hbm>> -> memref<75x80xi32, #tpu.memory_space<hbm>>
      %dma_start3A_176 = arith.constant 0 : i32
      %dma_start3A_177 = arith.constant 0 : i32
      %dma_start3A_178 = tpu.memref_slice %arg8[%add3A, %dma_start3A_176, %dma_start3A_177] : memref<32x75x80xi32, #tpu.memory_space<hbm>> -> memref<1x75x80xi32, #tpu.memory_space<hbm>>
      %dma_start3A_179 = tpu.memref_squeeze %dma_start3A_178 : memref<1x75x80xi32, #tpu.memory_space<hbm>> -> memref<75x80xi32, #tpu.memory_space<hbm>>
      tpu.enqueue_dma source(%dma_start3A_179 : memref<75x80xi32, #tpu.memory_space<hbm>>) target(%arg12 : memref<75x80xi32, #tpu.memory_space<vmem>>) target_semaphore(%run_scoped3A : memref<!tpu.dma_semaphore, #tpu.memory_space<semaphore_mem>>)
      %dma_wait3A_180 = arith.constant 0 : i32
      %dma_wait3A_181 = arith.constant 0 : i32
      %dma_wait3A_182 = tpu.memref_slice %arg8[%add3A, %dma_wait3A_180, %dma_wait3A_181] : memref<32x75x80xi32, #tpu.memory_space<hbm>> -> memref<1x75x80xi32, #tpu.memory_space<hbm>>
      %dma_wait3A_183 = tpu.memref_squeeze %dma_wait3A_182 : memref<1x75x80xi32, #tpu.memory_space<hbm>> -> memref<75x80xi32, #tpu.memory_space<hbm>>
      %dma_wait3A_184 = arith.constant 0 : i32
      %dma_wait3A_185 = arith.constant 0 : i32
      %dma_wait3A_186 = tpu.memref_slice %arg8[%add3A, %dma_wait3A_184, %dma_wait3A_185] : memref<32x75x80xi32, #tpu.memory_space<hbm>> -> memref<1x75x80xi32, #tpu.memory_space<hbm>>
      %dma_wait3A_187 = tpu.memref_squeeze %dma_wait3A_186 : memref<1x75x80xi32, #tpu.memory_space<hbm>> -> memref<75x80xi32, #tpu.memory_space<hbm>>
      tpu.wait_dma2 semaphore(%run_scoped3A : memref<!tpu.dma_semaphore, #tpu.memory_space<semaphore_mem>>) src(%dma_wait3A_187 : memref<75x80xi32, #tpu.memory_space<hbm>>) dst(%arg12 : memref<75x80xi32, #tpu.memory_space<vmem>>)
      tpu.yield
    }) : () -> ()
    "tpu.region"() ({
      %run_scoped3A = tpu.sem_alloc : memref<!tpu.dma_semaphore, #tpu.memory_space<semaphore_mem>>
      tpu.enqueue_dma source(%arg4 : memref<10000xf32, #tpu.memory_space<hbm>>) target(%arg13 : memref<10000xf32, #tpu.memory_space<vmem>>) target_semaphore(%run_scoped3A : memref<!tpu.dma_semaphore, #tpu.memory_space<semaphore_mem>>)
      tpu.wait_dma2 semaphore(%run_scoped3A : memref<!tpu.dma_semaphore, #tpu.memory_space<semaphore_mem>>) src(%arg4 : memref<10000xf32, #tpu.memory_space<hbm>>) dst(%arg13 : memref<10000xf32, #tpu.memory_space<vmem>>)
      tpu.yield
    }) : () -> ()
    "tpu.region"() ({
      %run_scoped3A = tpu.sem_alloc : memref<!tpu.dma_semaphore, #tpu.memory_space<semaphore_mem>>
      tpu.enqueue_dma source(%arg5 : memref<10000xf32, #tpu.memory_space<hbm>>) target(%arg14 : memref<10000xf32, #tpu.memory_space<vmem>>) target_semaphore(%run_scoped3A : memref<!tpu.dma_semaphore, #tpu.memory_space<semaphore_mem>>)
      tpu.wait_dma2 semaphore(%run_scoped3A : memref<!tpu.dma_semaphore, #tpu.memory_space<semaphore_mem>>) src(%arg5 : memref<10000xf32, #tpu.memory_space<hbm>>) dst(%arg14 : memref<10000xf32, #tpu.memory_space<vmem>>)
      tpu.yield
    }) : () -> ()
    "tpu.region"() ({
      %run_scoped3A = tpu.sem_alloc : memref<!tpu.dma_semaphore, #tpu.memory_space<semaphore_mem>>
      tpu.enqueue_dma source(%arg6 : memref<10000xf32, #tpu.memory_space<hbm>>) target(%arg15 : memref<10000xf32, #tpu.memory_space<vmem>>) target_semaphore(%run_scoped3A : memref<!tpu.dma_semaphore, #tpu.memory_space<semaphore_mem>>)
      tpu.wait_dma2 semaphore(%run_scoped3A : memref<!tpu.dma_semaphore, #tpu.memory_space<semaphore_mem>>) src(%arg6 : memref<10000xf32, #tpu.memory_space<hbm>>) dst(%arg15 : memref<10000xf32, #tpu.memory_space<vmem>>)
      tpu.yield
    }) : () -> ()
    %dma_start3A = arith.constant 0 : i32
    %dma_start3A_3 = arith.constant 0 : i32
    %dma_start3A_4 = tpu.memref_slice %arg12[%dma_start3A, %dma_start3A_3] : memref<75x80xi32, #tpu.memory_space<vmem>> -> memref<1x80xi32, #tpu.memory_space<vmem>>
    %dma_start3A_5 = tpu.memref_squeeze %dma_start3A_4 : memref<1x80xi32, #tpu.memory_space<vmem>> -> memref<80xi32, #tpu.memory_space<vmem>>
    %dma_start3A_6 = arith.constant 0 : i32
    %dma_start3A_7 = arith.constant 0 : i32
    %dma_start3A_8 = tpu.memref_slice %arg2[%dma_start3A_6, %dma_start3A_7] : memref<10000x128xf32, #tpu.memory_space<hbm>> -> memref<10000x128xf32, #tpu.memory_space<hbm>>
    tpu.enqueue_indirect_dma source(%dma_start3A_8 : memref<10000x128xf32, #tpu.memory_space<hbm>>) target(%arg16 : memref<80x128xf32, #tpu.memory_space<vmem>>) offsets(%dma_start3A_5 : memref<80xi32, #tpu.memory_space<vmem>>) semaphore(%arg21 : memref<!tpu.dma_semaphore, #tpu.memory_space<semaphore_mem>>)
    %dma_start3A_9 = arith.constant 0 : i32
    %dma_start3A_10 = arith.constant 0 : i32
    %dma_start3A_11 = tpu.memref_slice %arg11[%dma_start3A_9, %dma_start3A_10] : memref<75x80xi32, #tpu.memory_space<vmem>> -> memref<1x80xi32, #tpu.memory_space<vmem>>
    %dma_start3A_12 = tpu.memref_squeeze %dma_start3A_11 : memref<1x80xi32, #tpu.memory_space<vmem>> -> memref<80xi32, #tpu.memory_space<vmem>>
    %dma_start3A_13 = arith.constant 0 : i32
    %dma_start3A_14 = arith.constant 0 : i32
    %dma_start3A_15 = tpu.memref_slice %arg3[%dma_start3A_13, %dma_start3A_14] : memref<10000x128xf32, #tpu.memory_space<hbm>> -> memref<10000x128xf32, #tpu.memory_space<hbm>>
    tpu.enqueue_indirect_dma source(%dma_start3A_15 : memref<10000x128xf32, #tpu.memory_space<hbm>>) target(%arg17 : memref<80x128xf32, #tpu.memory_space<vmem>>) offsets(%dma_start3A_12 : memref<80xi32, #tpu.memory_space<vmem>>) semaphore(%arg22 : memref<!tpu.dma_semaphore, #tpu.memory_space<semaphore_mem>>)
    %dma_start3A_16 = arith.constant 1 : i32
    %dma_start3A_17 = arith.constant 0 : i32
    %dma_start3A_18 = tpu.memref_slice %arg12[%dma_start3A_16, %dma_start3A_17] : memref<75x80xi32, #tpu.memory_space<vmem>> -> memref<1x80xi32, #tpu.memory_space<vmem>>
    %dma_start3A_19 = tpu.memref_squeeze %dma_start3A_18 : memref<1x80xi32, #tpu.memory_space<vmem>> -> memref<80xi32, #tpu.memory_space<vmem>>
    %dma_start3A_20 = arith.constant 0 : i32
    %dma_start3A_21 = arith.constant 0 : i32
    %dma_start3A_22 = tpu.memref_slice %arg2[%dma_start3A_20, %dma_start3A_21] : memref<10000x128xf32, #tpu.memory_space<hbm>> -> memref<10000x128xf32, #tpu.memory_space<hbm>>
    tpu.enqueue_indirect_dma source(%dma_start3A_22 : memref<10000x128xf32, #tpu.memory_space<hbm>>) target(%arg18 : memref<80x128xf32, #tpu.memory_space<vmem>>) offsets(%dma_start3A_19 : memref<80xi32, #tpu.memory_space<vmem>>) semaphore(%arg23 : memref<!tpu.dma_semaphore, #tpu.memory_space<semaphore_mem>>)
    %dma_start3A_23 = arith.constant 1 : i32
    %dma_start3A_24 = arith.constant 0 : i32
    %dma_start3A_25 = tpu.memref_slice %arg11[%dma_start3A_23, %dma_start3A_24] : memref<75x80xi32, #tpu.memory_space<vmem>> -> memref<1x80xi32, #tpu.memory_space<vmem>>
    %dma_start3A_26 = tpu.memref_squeeze %dma_start3A_25 : memref<1x80xi32, #tpu.memory_space<vmem>> -> memref<80xi32, #tpu.memory_space<vmem>>
    %dma_start3A_27 = arith.constant 0 : i32
    %dma_start3A_28 = arith.constant 0 : i32
    %dma_start3A_29 = tpu.memref_slice %arg3[%dma_start3A_27, %dma_start3A_28] : memref<10000x128xf32, #tpu.memory_space<hbm>> -> memref<10000x128xf32, #tpu.memory_space<hbm>>
    tpu.enqueue_indirect_dma source(%dma_start3A_29 : memref<10000x128xf32, #tpu.memory_space<hbm>>) target(%arg19 : memref<80x128xf32, #tpu.memory_space<vmem>>) offsets(%dma_start3A_26 : memref<80xi32, #tpu.memory_space<vmem>>) semaphore(%arg24 : memref<!tpu.dma_semaphore, #tpu.memory_space<semaphore_mem>>)
    %scan3A = arith.constant 0 : i32
    %scan3A_30 = arith.constant 0 : i32
    %scan3A_31 = arith.constant 37 : i32
    %scan3A_32 = arith.addi %scan3A_30, %scan3A_31 : i32
    %scan3A_33 = arith.constant 1 : i32
    scf.for %scan3A_172 = %scan3A_30 to %scan3A_32 step %scan3A_33  : i32 {
      %mul3A_173 = arith.constant 2 : i32
      %mul3A_174 = arith.muli %scan3A_172, %mul3A_173 : i32
      %add3A_175 = arith.constant 0 : i32
      %add3A_176 = arith.addi %mul3A_174, %add3A_175 : i32
      %get3A_177 = arith.index_cast %add3A_176 : i32 to index
      %get3A_178 = arith.constant 0 : index
      %get3A_179 = tpu.vector_load %arg11[%get3A_177, %get3A_178] {strides = array<i32>} : memref<75x80xi32, #tpu.memory_space<vmem>>, vector<16xi32>,
      %get3A_180 = arith.index_cast %add3A_176 : i32 to index
      %get3A_181 = arith.constant 0 : index
      %get3A_182 = tpu.vector_load %arg12[%get3A_180, %get3A_181] {strides = array<i32>} : memref<75x80xi32, #tpu.memory_space<vmem>>, vector<16xi32>,
      %gather3A_183 = tpu.vector_load_idx %arg13[%get3A_182] : memref<10000xf32, #tpu.memory_space<vmem>>[vector<16xi32>], vector<16xf32>,
      %gather3A_184 = tpu.vector_load_idx %arg13[%get3A_179] : memref<10000xf32, #tpu.memory_space<vmem>>[vector<16xi32>], vector<16xf32>,
      %sub3A_185 = arith.subf %gather3A_183, %gather3A_184 : vector<16xf32>
      %gather3A_186 = tpu.vector_load_idx %arg14[%get3A_182] : memref<10000xf32, #tpu.memory_space<vmem>>[vector<16xi32>], vector<16xf32>,
      %gather3A_187 = tpu.vector_load_idx %arg14[%get3A_179] : memref<10000xf32, #tpu.memory_space<vmem>>[vector<16xi32>], vector<16xf32>,
      %sub3A_188 = arith.subf %gather3A_186, %gather3A_187 : vector<16xf32>
      %gather3A_189 = tpu.vector_load_idx %arg15[%get3A_182] : memref<10000xf32, #tpu.memory_space<vmem>>[vector<16xi32>], vector<16xf32>,
      %gather3A_190 = tpu.vector_load_idx %arg15[%get3A_179] : memref<10000xf32, #tpu.memory_space<vmem>>[vector<16xi32>], vector<16xf32>,
      %sub3A_191 = arith.subf %gather3A_189, %gather3A_190 : vector<16xf32>
      %mul3A_192 = arith.mulf %sub3A_185, %sub3A_185 : vector<16xf32>
      %mul3A_193 = arith.mulf %sub3A_188, %sub3A_188 : vector<16xf32>
      %add3A_194 = arith.addf %mul3A_192, %mul3A_193 : vector<16xf32>
      %mul3A_195 = arith.mulf %sub3A_191, %sub3A_191 : vector<16xf32>
      %add3A_196 = arith.addf %add3A_194, %mul3A_195 : vector<16xf32>
      %mul3A_197 = arith.constant 80 : i32
      %mul3A_198 = arith.muli %add3A_176, %mul3A_197 : i32
      %add3A_199 = arith.constant 0 : i32
      %add3A_200 = arith.addi %mul3A_198, %add3A_199 : i32
      %swap3A_201 = arith.index_cast %add3A_200 : i32 to index
      %swap3A_202 = tpu.vector_load %arg20[%swap3A_201] {strides = array<i32>} : memref<6000xf32, #tpu.memory_space<vmem>>, vector<16xf32>,
      tpu.vector_store %arg20[%swap3A_201], %add3A_196 {strides = array<i32>} : memref<6000xf32, #tpu.memory_space<vmem>>, vector<16xf32>,
      %get3A_203 = arith.index_cast %add3A_176 : i32 to index
      %get3A_204 = arith.constant 16 : index
      %get3A_205 = tpu.vector_load %arg11[%get3A_203, %get3A_204] {strides = array<i32>} : memref<75x80xi32, #tpu.memory_space<vmem>>, vector<16xi32>,
      %get3A_206 = arith.index_cast %add3A_176 : i32 to index
      %get3A_207 = arith.constant 16 : index
      %get3A_208 = tpu.vector_load %arg12[%get3A_206, %get3A_207] {strides = array<i32>} : memref<75x80xi32, #tpu.memory_space<vmem>>, vector<16xi32>,
      %gather3A_209 = tpu.vector_load_idx %arg13[%get3A_208] : memref<10000xf32, #tpu.memory_space<vmem>>[vector<16xi32>], vector<16xf32>,
      %gather3A_210 = tpu.vector_load_idx %arg13[%get3A_205] : memref<10000xf32, #tpu.memory_space<vmem>>[vector<16xi32>], vector<16xf32>,
      %sub3A_211 = arith.subf %gather3A_209, %gather3A_210 : vector<16xf32>
      %gather3A_212 = tpu.vector_load_idx %arg14[%get3A_208] : memref<10000xf32, #tpu.memory_space<vmem>>[vector<16xi32>], vector<16xf32>,
      %gather3A_213 = tpu.vector_load_idx %arg14[%get3A_205] : memref<10000xf32, #tpu.memory_space<vmem>>[vector<16xi32>], vector<16xf32>,
      %sub3A_214 = arith.subf %gather3A_212, %gather3A_213 : vector<16xf32>
      %gather3A_215 = tpu.vector_load_idx %arg15[%get3A_208] : memref<10000xf32, #tpu.memory_space<vmem>>[vector<16xi32>], vector<16xf32>,
      %gather3A_216 = tpu.vector_load_idx %arg15[%get3A_205] : memref<10000xf32, #tpu.memory_space<vmem>>[vector<16xi32>], vector<16xf32>,
      %sub3A_217 = arith.subf %gather3A_215, %gather3A_216 : vector<16xf32>
      %mul3A_218 = arith.mulf %sub3A_211, %sub3A_211 : vector<16xf32>
      %mul3A_219 = arith.mulf %sub3A_214, %sub3A_214 : vector<16xf32>
      %add3A_220 = arith.addf %mul3A_218, %mul3A_219 : vector<16xf32>
      %mul3A_221 = arith.mulf %sub3A_217, %sub3A_217 : vector<16xf32>
      %add3A_222 = arith.addf %add3A_220, %mul3A_221 : vector<16xf32>
      %mul3A_223 = arith.constant 80 : i32
      %mul3A_224 = arith.muli %add3A_176, %mul3A_223 : i32
      %add3A_225 = arith.constant 16 : i32
      %add3A_226 = arith.addi %mul3A_224, %add3A_225 : i32
      %swap3A_227 = arith.index_cast %add3A_226 : i32 to index
      %swap3A_228 = tpu.vector_load %arg20[%swap3A_227] {strides = array<i32>} : memref<6000xf32, #tpu.memory_space<vmem>>, vector<16xf32>,
      tpu.vector_store %arg20[%swap3A_227], %add3A_222 {strides = array<i32>} : memref<6000xf32, #tpu.memory_space<vmem>>, vector<16xf32>,
      %get3A_229 = arith.index_cast %add3A_176 : i32 to index
      %get3A_230 = arith.constant 32 : index
      %get3A_231 = tpu.vector_load %arg11[%get3A_229, %get3A_230] {strides = array<i32>} : memref<75x80xi32, #tpu.memory_space<vmem>>, vector<16xi32>,
      %get3A_232 = arith.index_cast %add3A_176 : i32 to index
      %get3A_233 = arith.constant 32 : index
      %get3A_234 = tpu.vector_load %arg12[%get3A_232, %get3A_233] {strides = array<i32>} : memref<75x80xi32, #tpu.memory_space<vmem>>, vector<16xi32>,
      %gather3A_235 = tpu.vector_load_idx %arg13[%get3A_234] : memref<10000xf32, #tpu.memory_space<vmem>>[vector<16xi32>], vector<16xf32>,
      %gather3A_236 = tpu.vector_load_idx %arg13[%get3A_231] : memref<10000xf32, #tpu.memory_space<vmem>>[vector<16xi32>], vector<16xf32>,
      %sub3A_237 = arith.subf %gather3A_235, %gather3A_236 : vector<16xf32>
      %gather3A_238 = tpu.vector_load_idx %arg14[%get3A_234] : memref<10000xf32, #tpu.memory_space<vmem>>[vector<16xi32>], vector<16xf32>,
      %gather3A_239 = tpu.vector_load_idx %arg14[%get3A_231] : memref<10000xf32, #tpu.memory_space<vmem>>[vector<16xi32>], vector<16xf32>,
      %sub3A_240 = arith.subf %gather3A_238, %gather3A_239 : vector<16xf32>
      %gather3A_241 = tpu.vector_load_idx %arg15[%get3A_234] : memref<10000xf32, #tpu.memory_space<vmem>>[vector<16xi32>], vector<16xf32>,
      %gather3A_242 = tpu.vector_load_idx %arg15[%get3A_231] : memref<10000xf32, #tpu.memory_space<vmem>>[vector<16xi32>], vector<16xf32>,
      %sub3A_243 = arith.subf %gather3A_241, %gather3A_242 : vector<16xf32>
      %mul3A_244 = arith.mulf %sub3A_237, %sub3A_237 : vector<16xf32>
      %mul3A_245 = arith.mulf %sub3A_240, %sub3A_240 : vector<16xf32>
      %add3A_246 = arith.addf %mul3A_244, %mul3A_245 : vector<16xf32>
      %mul3A_247 = arith.mulf %sub3A_243, %sub3A_243 : vector<16xf32>
      %add3A_248 = arith.addf %add3A_246, %mul3A_247 : vector<16xf32>
      %mul3A_249 = arith.constant 80 : i32
      %mul3A_250 = arith.muli %add3A_176, %mul3A_249 : i32
      %add3A_251 = arith.constant 32 : i32
      %add3A_252 = arith.addi %mul3A_250, %add3A_251 : i32
      %swap3A_253 = arith.index_cast %add3A_252 : i32 to index
      %swap3A_254 = tpu.vector_load %arg20[%swap3A_253] {strides = array<i32>} : memref<6000xf32, #tpu.memory_space<vmem>>, vector<16xf32>,
      tpu.vector_store %arg20[%swap3A_253], %add3A_248 {strides = array<i32>} : memref<6000xf32, #tpu.memory_space<vmem>>, vector<16xf32>,
      %get3A_255 = arith.index_cast %add3A_176 : i32 to index
      %get3A_256 = arith.constant 48 : index
      %get3A_257 = tpu.vector_load %arg11[%get3A_255, %get3A_256] {strides = array<i32>} : memref<75x80xi32, #tpu.memory_space<vmem>>, vector<16xi32>,
      %get3A_258 = arith.index_cast %add3A_176 : i32 to index
      %get3A_259 = arith.constant 48 : index
      %get3A_260 = tpu.vector_load %arg12[%get3A_258, %get3A_259] {strides = array<i32>} : memref<75x80xi32, #tpu.memory_space<vmem>>, vector<16xi32>,
      %gather3A_261 = tpu.vector_load_idx %arg13[%get3A_260] : memref<10000xf32, #tpu.memory_space<vmem>>[vector<16xi32>], vector<16xf32>,
      %gather3A_262 = tpu.vector_load_idx %arg13[%get3A_257] : memref<10000xf32, #tpu.memory_space<vmem>>[vector<16xi32>], vector<16xf32>,
      %sub3A_263 = arith.subf %gather3A_261, %gather3A_262 : vector<16xf32>
      %gather3A_264 = tpu.vector_load_idx %arg14[%get3A_260] : memref<10000xf32, #tpu.memory_space<vmem>>[vector<16xi32>], vector<16xf32>,
      %gather3A_265 = tpu.vector_load_idx %arg14[%get3A_257] : memref<10000xf32, #tpu.memory_space<vmem>>[vector<16xi32>], vector<16xf32>,
      %sub3A_266 = arith.subf %gather3A_264, %gather3A_265 : vector<16xf32>
      %gather3A_267 = tpu.vector_load_idx %arg15[%get3A_260] : memref<10000xf32, #tpu.memory_space<vmem>>[vector<16xi32>], vector<16xf32>,
      %gather3A_268 = tpu.vector_load_idx %arg15[%get3A_257] : memref<10000xf32, #tpu.memory_space<vmem>>[vector<16xi32>], vector<16xf32>,
      %sub3A_269 = arith.subf %gather3A_267, %gather3A_268 : vector<16xf32>
      %mul3A_270 = arith.mulf %sub3A_263, %sub3A_263 : vector<16xf32>
      %mul3A_271 = arith.mulf %sub3A_266, %sub3A_266 : vector<16xf32>
      %add3A_272 = arith.addf %mul3A_270, %mul3A_271 : vector<16xf32>
      %mul3A_273 = arith.mulf %sub3A_269, %sub3A_269 : vector<16xf32>
      %add3A_274 = arith.addf %add3A_272, %mul3A_273 : vector<16xf32>
      %mul3A_275 = arith.constant 80 : i32
      %mul3A_276 = arith.muli %add3A_176, %mul3A_275 : i32
      %add3A_277 = arith.constant 48 : i32
      %add3A_278 = arith.addi %mul3A_276, %add3A_277 : i32
      %swap3A_279 = arith.index_cast %add3A_278 : i32 to index
      %swap3A_280 = tpu.vector_load %arg20[%swap3A_279] {strides = array<i32>} : memref<6000xf32, #tpu.memory_space<vmem>>, vector<16xf32>,
      tpu.vector_store %arg20[%swap3A_279], %add3A_274 {strides = array<i32>} : memref<6000xf32, #tpu.memory_space<vmem>>, vector<16xf32>,
      %get3A_281 = arith.index_cast %add3A_176 : i32 to index
      %get3A_282 = arith.constant 64 : index
      %get3A_283 = tpu.vector_load %arg11[%get3A_281, %get3A_282] {strides = array<i32>} : memref<75x80xi32, #tpu.memory_space<vmem>>, vector<16xi32>,
      %get3A_284 = arith.index_cast %add3A_176 : i32 to index
      %get3A_285 = arith.constant 64 : index
      %get3A_286 = tpu.vector_load %arg12[%get3A_284, %get3A_285] {strides = array<i32>} : memref<75x80xi32, #tpu.memory_space<vmem>>, vector<16xi32>,
      %gather3A_287 = tpu.vector_load_idx %arg13[%get3A_286] : memref<10000xf32, #tpu.memory_space<vmem>>[vector<16xi32>], vector<16xf32>,
      %gather3A_288 = tpu.vector_load_idx %arg13[%get3A_283] : memref<10000xf32, #tpu.memory_space<vmem>>[vector<16xi32>], vector<16xf32>,
      %sub3A_289 = arith.subf %gather3A_287, %gather3A_288 : vector<16xf32>
      %gather3A_290 = tpu.vector_load_idx %arg14[%get3A_286] : memref<10000xf32, #tpu.memory_space<vmem>>[vector<16xi32>], vector<16xf32>,
      %gather3A_291 = tpu.vector_load_idx %arg14[%get3A_283] : memref<10000xf32, #tpu.memory_space<vmem>>[vector<16xi32>], vector<16xf32>,
      %sub3A_292 = arith.subf %gather3A_290, %gather3A_291 : vector<16xf32>
      %gather3A_293 = tpu.vector_load_idx %arg15[%get3A_286] : memref<10000xf32, #tpu.memory_space<vmem>>[vector<16xi32>], vector<16xf32>,
      %gather3A_294 = tpu.vector_load_idx %arg15[%get3A_283] : memref<10000xf32, #tpu.memory_space<vmem>>[vector<16xi32>], vector<16xf32>,
      %sub3A_295 = arith.subf %gather3A_293, %gather3A_294 : vector<16xf32>
      %mul3A_296 = arith.mulf %sub3A_289, %sub3A_289 : vector<16xf32>
      %mul3A_297 = arith.mulf %sub3A_292, %sub3A_292 : vector<16xf32>
      %add3A_298 = arith.addf %mul3A_296, %mul3A_297 : vector<16xf32>
      %mul3A_299 = arith.mulf %sub3A_295, %sub3A_295 : vector<16xf32>
      %add3A_300 = arith.addf %add3A_298, %mul3A_299 : vector<16xf32>
      %mul3A_301 = arith.constant 80 : i32
      %mul3A_302 = arith.muli %add3A_176, %mul3A_301 : i32
      %add3A_303 = arith.constant 64 : i32
      %add3A_304 = arith.addi %mul3A_302, %add3A_303 : i32
      %swap3A_305 = arith.index_cast %add3A_304 : i32 to index
      %swap3A_306 = tpu.vector_load %arg20[%swap3A_305] {strides = array<i32>} : memref<6000xf32, #tpu.memory_space<vmem>>, vector<16xf32>,
      tpu.vector_store %arg20[%swap3A_305], %add3A_300 {strides = array<i32>} : memref<6000xf32, #tpu.memory_space<vmem>>, vector<16xf32>,
      %dma_wait3A_307 = arith.constant 0 : i32
      %dma_wait3A_308 = tpu.memref_slice %arg12[%add3A_176, %dma_wait3A_307] : memref<75x80xi32, #tpu.memory_space<vmem>> -> memref<1x80xi32, #tpu.memory_space<vmem>>
      %dma_wait3A_309 = tpu.memref_squeeze %dma_wait3A_308 : memref<1x80xi32, #tpu.memory_space<vmem>> -> memref<80xi32, #tpu.memory_space<vmem>>
      %dma_wait3A_310 = arith.constant 0 : i32
      %dma_wait3A_311 = arith.constant 0 : i32
      %dma_wait3A_312 = tpu.memref_slice %arg2[%dma_wait3A_310, %dma_wait3A_311] : memref<10000x128xf32, #tpu.memory_space<hbm>> -> memref<10000x128xf32, #tpu.memory_space<hbm>>
      tpu.wait_indirect_dma semaphore(%arg21 : memref<!tpu.dma_semaphore, #tpu.memory_space<semaphore_mem>>) src(%dma_wait3A_312 : memref<10000x128xf32, #tpu.memory_space<hbm>>) dst(%arg16 : memref<80x128xf32, #tpu.memory_space<vmem>>)
      %dma_wait3A_313 = arith.constant 0 : i32
      %dma_wait3A_314 = tpu.memref_slice %arg11[%add3A_176, %dma_wait3A_313] : memref<75x80xi32, #tpu.memory_space<vmem>> -> memref<1x80xi32, #tpu.memory_space<vmem>>
      %dma_wait3A_315 = tpu.memref_squeeze %dma_wait3A_314 : memref<1x80xi32, #tpu.memory_space<vmem>> -> memref<80xi32, #tpu.memory_space<vmem>>
      %dma_wait3A_316 = arith.constant 0 : i32
      %dma_wait3A_317 = arith.constant 0 : i32
      %dma_wait3A_318 = tpu.memref_slice %arg3[%dma_wait3A_316, %dma_wait3A_317] : memref<10000x128xf32, #tpu.memory_space<hbm>> -> memref<10000x128xf32, #tpu.memory_space<hbm>>
      tpu.wait_indirect_dma semaphore(%arg22 : memref<!tpu.dma_semaphore, #tpu.memory_space<semaphore_mem>>) src(%dma_wait3A_318 : memref<10000x128xf32, #tpu.memory_space<hbm>>) dst(%arg17 : memref<80x128xf32, #tpu.memory_space<vmem>>)
      %scan3A_319 = arith.constant 0 : i32
      %scan3A_320 = arith.constant 0 : i32
      %scan3A_321 = arith.constant 80 : i32
      %scan3A_322 = arith.addi %scan3A_320, %scan3A_321 : i32
      %scan3A_323 = arith.constant 1 : i32
      scf.for %scan3A_492 = %scan3A_320 to %scan3A_322 step %scan3A_323  : i32 {
        %get3A_493 = arith.index_cast %scan3A_492 : i32 to index
        %get3A_494 = arith.constant 0 : index
        %get3A_495 = tpu.vector_load %arg16[%get3A_493, %get3A_494] {strides = array<i32>} : memref<80x128xf32, #tpu.memory_space<vmem>>, vector<16xf32>,
        %get3A_496 = arith.index_cast %scan3A_492 : i32 to index
        %get3A_497 = arith.constant 0 : index
        %get3A_498 = tpu.vector_load %arg17[%get3A_496, %get3A_497] {strides = array<i32>} : memref<80x128xf32, #tpu.memory_space<vmem>>, vector<16xf32>,
        %add3A_499 = arith.addf %get3A_495, %get3A_498 : vector<16xf32>
        %swap3A_500 = arith.index_cast %scan3A_492 : i32 to index
        %swap3A_501 = arith.constant 0 : index
        %swap3A_502 = tpu.vector_load %arg16[%swap3A_500, %swap3A_501] {strides = array<i32>} : memref<80x128xf32, #tpu.memory_space<vmem>>, vector<16xf32>,
        tpu.vector_store %arg16[%swap3A_500, %swap3A_501], %add3A_499 {strides = array<i32>} : memref<80x128xf32, #tpu.memory_space<vmem>>, vector<16xf32>,
        %get3A_503 = arith.index_cast %scan3A_492 : i32 to index
        %get3A_504 = arith.constant 16 : index
        %get3A_505 = tpu.vector_load %arg16[%get3A_503, %get3A_504] {strides = array<i32>} : memref<80x128xf32, #tpu.memory_space<vmem>>, vector<16xf32>,
        %get3A_506 = arith.index_cast %scan3A_492 : i32 to index
        %get3A_507 = arith.constant 16 : index
        %get3A_508 = tpu.vector_load %arg17[%get3A_506, %get3A_507] {strides = array<i32>} : memref<80x128xf32, #tpu.memory_space<vmem>>, vector<16xf32>,
        %add3A_509 = arith.addf %get3A_505, %get3A_508 : vector<16xf32>
        %swap3A_510 = arith.index_cast %scan3A_492 : i32 to index
        %swap3A_511 = arith.constant 16 : index
        %swap3A_512 = tpu.vector_load %arg16[%swap3A_510, %swap3A_511] {strides = array<i32>} : memref<80x128xf32, #tpu.memory_space<vmem>>, vector<16xf32>,
        tpu.vector_store %arg16[%swap3A_510, %swap3A_511], %add3A_509 {strides = array<i32>} : memref<80x128xf32, #tpu.memory_space<vmem>>, vector<16xf32>,
        %get3A_513 = arith.index_cast %scan3A_492 : i32 to index
        %get3A_514 = arith.constant 32 : index
        %get3A_515 = tpu.vector_load %arg16[%get3A_513, %get3A_514] {strides = array<i32>} : memref<80x128xf32, #tpu.memory_space<vmem>>, vector<16xf32>,
        %get3A_516 = arith.index_cast %scan3A_492 : i32 to index
        %get3A_517 = arith.constant 32 : index
        %get3A_518 = tpu.vector_load %arg17[%get3A_516, %get3A_517] {strides = array<i32>} : memref<80x128xf32, #tpu.memory_space<vmem>>, vector<16xf32>,
        %add3A_519 = arith.addf %get3A_515, %get3A_518 : vector<16xf32>
        %swap3A_520 = arith.index_cast %scan3A_492 : i32 to index
        %swap3A_521 = arith.constant 32 : index
        %swap3A_522 = tpu.vector_load %arg16[%swap3A_520, %swap3A_521] {strides = array<i32>} : memref<80x128xf32, #tpu.memory_space<vmem>>, vector<16xf32>,
        tpu.vector_store %arg16[%swap3A_520, %swap3A_521], %add3A_519 {strides = array<i32>} : memref<80x128xf32, #tpu.memory_space<vmem>>, vector<16xf32>,
        %get3A_523 = arith.index_cast %scan3A_492 : i32 to index
        %get3A_524 = arith.constant 48 : index
        %get3A_525 = tpu.vector_load %arg16[%get3A_523, %get3A_524] {strides = array<i32>} : memref<80x128xf32, #tpu.memory_space<vmem>>, vector<16xf32>,
        %get3A_526 = arith.index_cast %scan3A_492 : i32 to index
        %get3A_527 = arith.constant 48 : index
        %get3A_528 = tpu.vector_load %arg17[%get3A_526, %get3A_527] {strides = array<i32>} : memref<80x128xf32, #tpu.memory_space<vmem>>, vector<16xf32>,
        %add3A_529 = arith.addf %get3A_525, %get3A_528 : vector<16xf32>
        %swap3A_530 = arith.index_cast %scan3A_492 : i32 to index
        %swap3A_531 = arith.constant 48 : index
        %swap3A_532 = tpu.vector_load %arg16[%swap3A_530, %swap3A_531] {strides = array<i32>} : memref<80x128xf32, #tpu.memory_space<vmem>>, vector<16xf32>,
        tpu.vector_store %arg16[%swap3A_530, %swap3A_531], %add3A_529 {strides = array<i32>} : memref<80x128xf32, #tpu.memory_space<vmem>>, vector<16xf32>,
        %get3A_533 = arith.index_cast %scan3A_492 : i32 to index
        %get3A_534 = arith.constant 64 : index
        %get3A_535 = tpu.vector_load %arg16[%get3A_533, %get3A_534] {strides = array<i32>} : memref<80x128xf32, #tpu.memory_space<vmem>>, vector<16xf32>,
        %get3A_536 = arith.index_cast %scan3A_492 : i32 to index
        %get3A_537 = arith.constant 64 : index
        %get3A_538 = tpu.vector_load %arg17[%get3A_536, %get3A_537] {strides = array<i32>} : memref<80x128xf32, #tpu.memory_space<vmem>>, vector<16xf32>,
        %add3A_539 = arith.addf %get3A_535, %get3A_538 : vector<16xf32>
        %swap3A_540 = arith.index_cast %scan3A_492 : i32 to index
        %swap3A_541 = arith.constant 64 : index
        %swap3A_542 = tpu.vector_load %arg16[%swap3A_540, %swap3A_541] {strides = array<i32>} : memref<80x128xf32, #tpu.memory_space<vmem>>, vector<16xf32>,
        tpu.vector_store %arg16[%swap3A_540, %swap3A_541], %add3A_539 {strides = array<i32>} : memref<80x128xf32, #tpu.memory_space<vmem>>, vector<16xf32>,
        %get3A_543 = arith.index_cast %scan3A_492 : i32 to index
        %get3A_544 = arith.constant 80 : index
        %get3A_545 = tpu.vector_load %arg16[%get3A_543, %get3A_544] {strides = array<i32>} : memref<80x128xf32, #tpu.memory_space<vmem>>, vector<16xf32>,
        %get3A_546 = arith.index_cast %scan3A_492 : i32 to index
        %get3A_547 = arith.constant 80 : index
        %get3A_548 = tpu.vector_load %arg17[%get3A_546, %get3A_547] {strides = array<i32>} : memref<80x128xf32, #tpu.memory_space<vmem>>, vector<16xf32>,
        %add3A_549 = arith.addf %get3A_545, %get3A_548 : vector<16xf32>
        %swap3A_550 = arith.index_cast %scan3A_492 : i32 to index
        %swap3A_551 = arith.constant 80 : index
        %swap3A_552 = tpu.vector_load %arg16[%swap3A_550, %swap3A_551] {strides = array<i32>} : memref<80x128xf32, #tpu.memory_space<vmem>>, vector<16xf32>,
        tpu.vector_store %arg16[%swap3A_550, %swap3A_551], %add3A_549 {strides = array<i32>} : memref<80x128xf32, #tpu.memory_space<vmem>>, vector<16xf32>,
        %get3A_553 = arith.index_cast %scan3A_492 : i32 to index
        %get3A_554 = arith.constant 96 : index
        %get3A_555 = tpu.vector_load %arg16[%get3A_553, %get3A_554] {strides = array<i32>} : memref<80x128xf32, #tpu.memory_space<vmem>>, vector<16xf32>,
        %get3A_556 = arith.index_cast %scan3A_492 : i32 to index
        %get3A_557 = arith.constant 96 : index
        %get3A_558 = tpu.vector_load %arg17[%get3A_556, %get3A_557] {strides = array<i32>} : memref<80x128xf32, #tpu.memory_space<vmem>>, vector<16xf32>,
        %add3A_559 = arith.addf %get3A_555, %get3A_558 : vector<16xf32>
        %swap3A_560 = arith.index_cast %scan3A_492 : i32 to index
        %swap3A_561 = arith.constant 96 : index
        %swap3A_562 = tpu.vector_load %arg16[%swap3A_560, %swap3A_561] {strides = array<i32>} : memref<80x128xf32, #tpu.memory_space<vmem>>, vector<16xf32>,
        tpu.vector_store %arg16[%swap3A_560, %swap3A_561], %add3A_559 {strides = array<i32>} : memref<80x128xf32, #tpu.memory_space<vmem>>, vector<16xf32>,
        %get3A_563 = arith.index_cast %scan3A_492 : i32 to index
        %get3A_564 = arith.constant 112 : index
        %get3A_565 = tpu.vector_load %arg16[%get3A_563, %get3A_564] {strides = array<i32>} : memref<80x128xf32, #tpu.memory_space<vmem>>, vector<16xf32>,
        %get3A_566 = arith.index_cast %scan3A_492 : i32 to index
        %get3A_567 = arith.constant 112 : index
        %get3A_568 = tpu.vector_load %arg17[%get3A_566, %get3A_567] {strides = array<i32>} : memref<80x128xf32, #tpu.memory_space<vmem>>, vector<16xf32>,
        %add3A_569 = arith.addf %get3A_565, %get3A_568 : vector<16xf32>
        %swap3A_570 = arith.index_cast %scan3A_492 : i32 to index
        %swap3A_571 = arith.constant 112 : index
        %swap3A_572 = tpu.vector_load %arg16[%swap3A_570, %swap3A_571] {strides = array<i32>} : memref<80x128xf32, #tpu.memory_space<vmem>>, vector<16xf32>,
        tpu.vector_store %arg16[%swap3A_570, %swap3A_571], %add3A_569 {strides = array<i32>} : memref<80x128xf32, #tpu.memory_space<vmem>>, vector<16xf32>,
      }
      %scan3A_324 = arith.constant 80 : i32
      %mul3A_325 = arith.constant 80 : i32
      %mul3A_326 = arith.muli %add3A_176, %mul3A_325 : i32
      %add3A_327 = arith.addi %mul3A_2, %mul3A_326 : i32
      "tpu.region"() ({
        %run_scoped3A = tpu.sem_alloc : memref<!tpu.dma_semaphore, #tpu.memory_space<semaphore_mem>>
        %dma_start3A_492 = arith.constant 0 : i32
        %dma_start3A_493 = tpu.memref_slice %arg9[%add3A_327, %dma_start3A_492] : memref<192000x128xf32, #tpu.memory_space<hbm>> -> memref<80x128xf32, #tpu.memory_space<hbm>>
        %dma_start3A_494 = arith.constant 0 : i32
        %dma_start3A_495 = tpu.memref_slice %arg9[%add3A_327, %dma_start3A_494] : memref<192000x128xf32, #tpu.memory_space<hbm>> -> memref<80x128xf32, #tpu.memory_space<hbm>>
        tpu.enqueue_dma source(%arg16 : memref<80x128xf32, #tpu.memory_space<vmem>>) target(%dma_start3A_495 : memref<80x128xf32, #tpu.memory_space<hbm>>) target_semaphore(%run_scoped3A : memref<!tpu.dma_semaphore, #tpu.memory_space<semaphore_mem>>)
        %dma_wait3A_496 = arith.constant 0 : i32
        %dma_wait3A_497 = tpu.memref_slice %arg9[%add3A_327, %dma_wait3A_496] : memref<192000x128xf32, #tpu.memory_space<hbm>> -> memref<80x128xf32, #tpu.memory_space<hbm>>
        %dma_wait3A_498 = arith.constant 0 : i32
        %dma_wait3A_499 = tpu.memref_slice %arg9[%add3A_327, %dma_wait3A_498] : memref<192000x128xf32, #tpu.memory_space<hbm>> -> memref<80x128xf32, #tpu.memory_space<hbm>>
        tpu.wait_dma2 semaphore(%run_scoped3A : memref<!tpu.dma_semaphore, #tpu.memory_space<semaphore_mem>>) src(%arg16 : memref<80x128xf32, #tpu.memory_space<vmem>>) dst(%dma_wait3A_499 : memref<80x128xf32, #tpu.memory_space<hbm>>)
        tpu.yield
      }) : () -> ()
      %add3A_328 = arith.constant 2 : i32
      %add3A_329 = arith.addi %add3A_176, %add3A_328 : i32
      %lt3A = arith.constant 75 : i32
      %lt3A_330 = arith.cmpi slt, %add3A_329, %lt3A : i32
      %convert_element_type3A = arith.extui %lt3A_330 : i1 to i32
      %cond3A = arith.constant 0 : i32
      %cond3A_331 = arith.cmpi ne, %convert_element_type3A, %cond3A : i32
      scf.if %cond3A_331 {
        %add3A_492 = arith.constant 2 : i32
        %add3A_493 = arith.addi %add3A_176, %add3A_492 : i32
        %dma_start3A_494 = arith.constant 0 : i32
        %dma_start3A_495 = tpu.memref_slice %arg12[%add3A_493, %dma_start3A_494] : memref<75x80xi32, #tpu.memory_space<vmem>> -> memref<1x80xi32, #tpu.memory_space<vmem>>
        %dma_start3A_496 = tpu.memref_squeeze %dma_start3A_495 : memref<1x80xi32, #tpu.memory_space<vmem>> -> memref<80xi32, #tpu.memory_space<vmem>>
        %dma_start3A_497 = arith.constant 0 : i32
        %dma_start3A_498 = arith.constant 0 : i32
        %dma_start3A_499 = tpu.memref_slice %arg2[%dma_start3A_497, %dma_start3A_498] : memref<10000x128xf32, #tpu.memory_space<hbm>> -> memref<10000x128xf32, #tpu.memory_space<hbm>>
        tpu.enqueue_indirect_dma source(%dma_start3A_499 : memref<10000x128xf32, #tpu.memory_space<hbm>>) target(%arg16 : memref<80x128xf32, #tpu.memory_space<vmem>>) offsets(%dma_start3A_496 : memref<80xi32, #tpu.memory_space<vmem>>) semaphore(%arg21 : memref<!tpu.dma_semaphore, #tpu.memory_space<semaphore_mem>>)
        %dma_start3A_500 = arith.constant 0 : i32
        %dma_start3A_501 = tpu.memref_slice %arg11[%add3A_493, %dma_start3A_500] : memref<75x80xi32, #tpu.memory_space<vmem>> -> memref<1x80xi32, #tpu.memory_space<vmem>>
        %dma_start3A_502 = tpu.memref_squeeze %dma_start3A_501 : memref<1x80xi32, #tpu.memory_space<vmem>> -> memref<80xi32, #tpu.memory_space<vmem>>
        %dma_start3A_503 = arith.constant 0 : i32
        %dma_start3A_504 = arith.constant 0 : i32
        %dma_start3A_505 = tpu.memref_slice %arg3[%dma_start3A_503, %dma_start3A_504] : memref<10000x128xf32, #tpu.memory_space<hbm>> -> memref<10000x128xf32, #tpu.memory_space<hbm>>
        tpu.enqueue_indirect_dma source(%dma_start3A_505 : memref<10000x128xf32, #tpu.memory_space<hbm>>) target(%arg17 : memref<80x128xf32, #tpu.memory_space<vmem>>) offsets(%dma_start3A_502 : memref<80xi32, #tpu.memory_space<vmem>>) semaphore(%arg22 : memref<!tpu.dma_semaphore, #tpu.memory_space<semaphore_mem>>)
      } else {
      }
      %add3A_332 = arith.constant 1 : i32
      %add3A_333 = arith.addi %mul3A_174, %add3A_332 : i32
      %get3A_334 = arith.index_cast %add3A_333 : i32 to index
      %get3A_335 = arith.constant 0 : index
      %get3A_336 = tpu.vector_load %arg11[%get3A_334, %get3A_335] {strides = array<i32>} : memref<75x80xi32, #tpu.memory_space<vmem>>, vector<16xi32>,
      %get3A_337 = arith.index_cast %add3A_333 : i32 to index
      %get3A_338 = arith.constant 0 : index
      %get3A_339 = tpu.vector_load %arg12[%get3A_337, %get3A_338] {strides = array<i32>} : memref<75x80xi32, #tpu.memory_space<vmem>>, vector<16xi32>,
      %gather3A_340 = tpu.vector_load_idx %arg13[%get3A_339] : memref<10000xf32, #tpu.memory_space<vmem>>[vector<16xi32>], vector<16xf32>,
      %gather3A_341 = tpu.vector_load_idx %arg13[%get3A_336] : memref<10000xf32, #tpu.memory_space<vmem>>[vector<16xi32>], vector<16xf32>,
      %sub3A_342 = arith.subf %gather3A_340, %gather3A_341 : vector<16xf32>
      %gather3A_343 = tpu.vector_load_idx %arg14[%get3A_339] : memref<10000xf32, #tpu.memory_space<vmem>>[vector<16xi32>], vector<16xf32>,
      %gather3A_344 = tpu.vector_load_idx %arg14[%get3A_336] : memref<10000xf32, #tpu.memory_space<vmem>>[vector<16xi32>], vector<16xf32>,
      %sub3A_345 = arith.subf %gather3A_343, %gather3A_344 : vector<16xf32>
      %gather3A_346 = tpu.vector_load_idx %arg15[%get3A_339] : memref<10000xf32, #tpu.memory_space<vmem>>[vector<16xi32>], vector<16xf32>,
      %gather3A_347 = tpu.vector_load_idx %arg15[%get3A_336] : memref<10000xf32, #tpu.memory_space<vmem>>[vector<16xi32>], vector<16xf32>,
      %sub3A_348 = arith.subf %gather3A_346, %gather3A_347 : vector<16xf32>
      %mul3A_349 = arith.mulf %sub3A_342, %sub3A_342 : vector<16xf32>
      %mul3A_350 = arith.mulf %sub3A_345, %sub3A_345 : vector<16xf32>
      %add3A_351 = arith.addf %mul3A_349, %mul3A_350 : vector<16xf32>
      %mul3A_352 = arith.mulf %sub3A_348, %sub3A_348 : vector<16xf32>
      %add3A_353 = arith.addf %add3A_351, %mul3A_352 : vector<16xf32>
      %mul3A_354 = arith.constant 80 : i32
      %mul3A_355 = arith.muli %add3A_333, %mul3A_354 : i32
      %add3A_356 = arith.constant 0 : i32
      %add3A_357 = arith.addi %mul3A_355, %add3A_356 : i32
      %swap3A_358 = arith.index_cast %add3A_357 : i32 to index
      %swap3A_359 = tpu.vector_load %arg20[%swap3A_358] {strides = array<i32>} : memref<6000xf32, #tpu.memory_space<vmem>>, vector<16xf32>,
      tpu.vector_store %arg20[%swap3A_358], %add3A_353 {strides = array<i32>} : memref<6000xf32, #tpu.memory_space<vmem>>, vector<16xf32>,
      %get3A_360 = arith.index_cast %add3A_333 : i32 to index
      %get3A_361 = arith.constant 16 : index
      %get3A_362 = tpu.vector_load %arg11[%get3A_360, %get3A_361] {strides = array<i32>} : memref<75x80xi32, #tpu.memory_space<vmem>>, vector<16xi32>,
      %get3A_363 = arith.index_cast %add3A_333 : i32 to index
      %get3A_364 = arith.constant 16 : index
      %get3A_365 = tpu.vector_load %arg12[%get3A_363, %get3A_364] {strides = array<i32>} : memref<75x80xi32, #tpu.memory_space<vmem>>, vector<16xi32>,
      %gather3A_366 = tpu.vector_load_idx %arg13[%get3A_365] : memref<10000xf32, #tpu.memory_space<vmem>>[vector<16xi32>], vector<16xf32>,
      %gather3A_367 = tpu.vector_load_idx %arg13[%get3A_362] : memref<10000xf32, #tpu.memory_space<vmem>>[vector<16xi32>], vector<16xf32>,
      %sub3A_368 = arith.subf %gather3A_366, %gather3A_367 : vector<16xf32>
      %gather3A_369 = tpu.vector_load_idx %arg14[%get3A_365] : memref<10000xf32, #tpu.memory_space<vmem>>[vector<16xi32>], vector<16xf32>,
      %gather3A_370 = tpu.vector_load_idx %arg14[%get3A_362] : memref<10000xf32, #tpu.memory_space<vmem>>[vector<16xi32>], vector<16xf32>,
      %sub3A_371 = arith.subf %gather3A_369, %gather3A_370 : vector<16xf32>
      %gather3A_372 = tpu.vector_load_idx %arg15[%get3A_365] : memref<10000xf32, #tpu.memory_space<vmem>>[vector<16xi32>], vector<16xf32>,
      %gather3A_373 = tpu.vector_load_idx %arg15[%get3A_362] : memref<10000xf32, #tpu.memory_space<vmem>>[vector<16xi32>], vector<16xf32>,
      %sub3A_374 = arith.subf %gather3A_372, %gather3A_373 : vector<16xf32>
      %mul3A_375 = arith.mulf %sub3A_368, %sub3A_368 : vector<16xf32>
      %mul3A_376 = arith.mulf %sub3A_371, %sub3A_371 : vector<16xf32>
      %add3A_377 = arith.addf %mul3A_375, %mul3A_376 : vector<16xf32>
      %mul3A_378 = arith.mulf %sub3A_374, %sub3A_374 : vector<16xf32>
      %add3A_379 = arith.addf %add3A_377, %mul3A_378 : vector<16xf32>
      %mul3A_380 = arith.constant 80 : i32
      %mul3A_381 = arith.muli %add3A_333, %mul3A_380 : i32
      %add3A_382 = arith.constant 16 : i32
      %add3A_383 = arith.addi %mul3A_381, %add3A_382 : i32
      %swap3A_384 = arith.index_cast %add3A_383 : i32 to index
      %swap3A_385 = tpu.vector_load %arg20[%swap3A_384] {strides = array<i32>} : memref<6000xf32, #tpu.memory_space<vmem>>, vector<16xf32>,
      tpu.vector_store %arg20[%swap3A_384], %add3A_379 {strides = array<i32>} : memref<6000xf32, #tpu.memory_space<vmem>>, vector<16xf32>,
      %get3A_386 = arith.index_cast %add3A_333 : i32 to index
      %get3A_387 = arith.constant 32 : index
      %get3A_388 = tpu.vector_load %arg11[%get3A_386, %get3A_387] {strides = array<i32>} : memref<75x80xi32, #tpu.memory_space<vmem>>, vector<16xi32>,
      %get3A_389 = arith.index_cast %add3A_333 : i32 to index
      %get3A_390 = arith.constant 32 : index
      %get3A_391 = tpu.vector_load %arg12[%get3A_389, %get3A_390] {strides = array<i32>} : memref<75x80xi32, #tpu.memory_space<vmem>>, vector<16xi32>,
      %gather3A_392 = tpu.vector_load_idx %arg13[%get3A_391] : memref<10000xf32, #tpu.memory_space<vmem>>[vector<16xi32>], vector<16xf32>,
      %gather3A_393 = tpu.vector_load_idx %arg13[%get3A_388] : memref<10000xf32, #tpu.memory_space<vmem>>[vector<16xi32>], vector<16xf32>,
      %sub3A_394 = arith.subf %gather3A_392, %gather3A_393 : vector<16xf32>
      %gather3A_395 = tpu.vector_load_idx %arg14[%get3A_391] : memref<10000xf32, #tpu.memory_space<vmem>>[vector<16xi32>], vector<16xf32>,
      %gather3A_396 = tpu.vector_load_idx %arg14[%get3A_388] : memref<10000xf32, #tpu.memory_space<vmem>>[vector<16xi32>], vector<16xf32>,
      %sub3A_397 = arith.subf %gather3A_395, %gather3A_396 : vector<16xf32>
      %gather3A_398 = tpu.vector_load_idx %arg15[%get3A_391] : memref<10000xf32, #tpu.memory_space<vmem>>[vector<16xi32>], vector<16xf32>,
      %gather3A_399 = tpu.vector_load_idx %arg15[%get3A_388] : memref<10000xf32, #tpu.memory_space<vmem>>[vector<16xi32>], vector<16xf32>,
      %sub3A_400 = arith.subf %gather3A_398, %gather3A_399 : vector<16xf32>
      %mul3A_401 = arith.mulf %sub3A_394, %sub3A_394 : vector<16xf32>
      %mul3A_402 = arith.mulf %sub3A_397, %sub3A_397 : vector<16xf32>
      %add3A_403 = arith.addf %mul3A_401, %mul3A_402 : vector<16xf32>
      %mul3A_404 = arith.mulf %sub3A_400, %sub3A_400 : vector<16xf32>
      %add3A_405 = arith.addf %add3A_403, %mul3A_404 : vector<16xf32>
      %mul3A_406 = arith.constant 80 : i32
      %mul3A_407 = arith.muli %add3A_333, %mul3A_406 : i32
      %add3A_408 = arith.constant 32 : i32
      %add3A_409 = arith.addi %mul3A_407, %add3A_408 : i32
      %swap3A_410 = arith.index_cast %add3A_409 : i32 to index
      %swap3A_411 = tpu.vector_load %arg20[%swap3A_410] {strides = array<i32>} : memref<6000xf32, #tpu.memory_space<vmem>>, vector<16xf32>,
      tpu.vector_store %arg20[%swap3A_410], %add3A_405 {strides = array<i32>} : memref<6000xf32, #tpu.memory_space<vmem>>, vector<16xf32>,
      %get3A_412 = arith.index_cast %add3A_333 : i32 to index
      %get3A_413 = arith.constant 48 : index
      %get3A_414 = tpu.vector_load %arg11[%get3A_412, %get3A_413] {strides = array<i32>} : memref<75x80xi32, #tpu.memory_space<vmem>>, vector<16xi32>,
      %get3A_415 = arith.index_cast %add3A_333 : i32 to index
      %get3A_416 = arith.constant 48 : index
      %get3A_417 = tpu.vector_load %arg12[%get3A_415, %get3A_416] {strides = array<i32>} : memref<75x80xi32, #tpu.memory_space<vmem>>, vector<16xi32>,
      %gather3A_418 = tpu.vector_load_idx %arg13[%get3A_417] : memref<10000xf32, #tpu.memory_space<vmem>>[vector<16xi32>], vector<16xf32>,
      %gather3A_419 = tpu.vector_load_idx %arg13[%get3A_414] : memref<10000xf32, #tpu.memory_space<vmem>>[vector<16xi32>], vector<16xf32>,
      %sub3A_420 = arith.subf %gather3A_418, %gather3A_419 : vector<16xf32>
      %gather3A_421 = tpu.vector_load_idx %arg14[%get3A_417] : memref<10000xf32, #tpu.memory_space<vmem>>[vector<16xi32>], vector<16xf32>,
      %gather3A_422 = tpu.vector_load_idx %arg14[%get3A_414] : memref<10000xf32, #tpu.memory_space<vmem>>[vector<16xi32>], vector<16xf32>,
      %sub3A_423 = arith.subf %gather3A_421, %gather3A_422 : vector<16xf32>
      %gather3A_424 = tpu.vector_load_idx %arg15[%get3A_417] : memref<10000xf32, #tpu.memory_space<vmem>>[vector<16xi32>], vector<16xf32>,
      %gather3A_425 = tpu.vector_load_idx %arg15[%get3A_414] : memref<10000xf32, #tpu.memory_space<vmem>>[vector<16xi32>], vector<16xf32>,
      %sub3A_426 = arith.subf %gather3A_424, %gather3A_425 : vector<16xf32>
      %mul3A_427 = arith.mulf %sub3A_420, %sub3A_420 : vector<16xf32>
      %mul3A_428 = arith.mulf %sub3A_423, %sub3A_423 : vector<16xf32>
      %add3A_429 = arith.addf %mul3A_427, %mul3A_428 : vector<16xf32>
      %mul3A_430 = arith.mulf %sub3A_426, %sub3A_426 : vector<16xf32>
      %add3A_431 = arith.addf %add3A_429, %mul3A_430 : vector<16xf32>
      %mul3A_432 = arith.constant 80 : i32
      %mul3A_433 = arith.muli %add3A_333, %mul3A_432 : i32
      %add3A_434 = arith.constant 48 : i32
      %add3A_435 = arith.addi %mul3A_433, %add3A_434 : i32
      %swap3A_436 = arith.index_cast %add3A_435 : i32 to index
      %swap3A_437 = tpu.vector_load %arg20[%swap3A_436] {strides = array<i32>} : memref<6000xf32, #tpu.memory_space<vmem>>, vector<16xf32>,
      tpu.vector_store %arg20[%swap3A_436], %add3A_431 {strides = array<i32>} : memref<6000xf32, #tpu.memory_space<vmem>>, vector<16xf32>,
      %get3A_438 = arith.index_cast %add3A_333 : i32 to index
      %get3A_439 = arith.constant 64 : index
      %get3A_440 = tpu.vector_load %arg11[%get3A_438, %get3A_439] {strides = array<i32>} : memref<75x80xi32, #tpu.memory_space<vmem>>, vector<16xi32>,
      %get3A_441 = arith.index_cast %add3A_333 : i32 to index
      %get3A_442 = arith.constant 64 : index
      %get3A_443 = tpu.vector_load %arg12[%get3A_441, %get3A_442] {strides = array<i32>} : memref<75x80xi32, #tpu.memory_space<vmem>>, vector<16xi32>,
      %gather3A_444 = tpu.vector_load_idx %arg13[%get3A_443] : memref<10000xf32, #tpu.memory_space<vmem>>[vector<16xi32>], vector<16xf32>,
      %gather3A_445 = tpu.vector_load_idx %arg13[%get3A_440] : memref<10000xf32, #tpu.memory_space<vmem>>[vector<16xi32>], vector<16xf32>,
      %sub3A_446 = arith.subf %gather3A_444, %gather3A_445 : vector<16xf32>
      %gather3A_447 = tpu.vector_load_idx %arg14[%get3A_443] : memref<10000xf32, #tpu.memory_space<vmem>>[vector<16xi32>], vector<16xf32>,
      %gather3A_448 = tpu.vector_load_idx %arg14[%get3A_440] : memref<10000xf32, #tpu.memory_space<vmem>>[vector<16xi32>], vector<16xf32>,
      %sub3A_449 = arith.subf %gather3A_447, %gather3A_448 : vector<16xf32>
      %gather3A_450 = tpu.vector_load_idx %arg15[%get3A_443] : memref<10000xf32, #tpu.memory_space<vmem>>[vector<16xi32>], vector<16xf32>,
      %gather3A_451 = tpu.vector_load_idx %arg15[%get3A_440] : memref<10000xf32, #tpu.memory_space<vmem>>[vector<16xi32>], vector<16xf32>,
      %sub3A_452 = arith.subf %gather3A_450, %gather3A_451 : vector<16xf32>
      %mul3A_453 = arith.mulf %sub3A_446, %sub3A_446 : vector<16xf32>
      %mul3A_454 = arith.mulf %sub3A_449, %sub3A_449 : vector<16xf32>
      %add3A_455 = arith.addf %mul3A_453, %mul3A_454 : vector<16xf32>
      %mul3A_456 = arith.mulf %sub3A_452, %sub3A_452 : vector<16xf32>
      %add3A_457 = arith.addf %add3A_455, %mul3A_456 : vector<16xf32>
      %mul3A_458 = arith.constant 80 : i32
      %mul3A_459 = arith.muli %add3A_333, %mul3A_458 : i32
      %add3A_460 = arith.constant 64 : i32
      %add3A_461 = arith.addi %mul3A_459, %add3A_460 : i32
      %swap3A_462 = arith.index_cast %add3A_461 : i32 to index
      %swap3A_463 = tpu.vector_load %arg20[%swap3A_462] {strides = array<i32>} : memref<6000xf32, #tpu.memory_space<vmem>>, vector<16xf32>,
      tpu.vector_store %arg20[%swap3A_462], %add3A_457 {strides = array<i32>} : memref<6000xf32, #tpu.memory_space<vmem>>, vector<16xf32>,
      %dma_wait3A_464 = arith.constant 0 : i32
      %dma_wait3A_465 = tpu.memref_slice %arg12[%add3A_333, %dma_wait3A_464] : memref<75x80xi32, #tpu.memory_space<vmem>> -> memref<1x80xi32, #tpu.memory_space<vmem>>
      %dma_wait3A_466 = tpu.memref_squeeze %dma_wait3A_465 : memref<1x80xi32, #tpu.memory_space<vmem>> -> memref<80xi32, #tpu.memory_space<vmem>>
      %dma_wait3A_467 = arith.constant 0 : i32
      %dma_wait3A_468 = arith.constant 0 : i32
      %dma_wait3A_469 = tpu.memref_slice %arg2[%dma_wait3A_467, %dma_wait3A_468] : memref<10000x128xf32, #tpu.memory_space<hbm>> -> memref<10000x128xf32, #tpu.memory_space<hbm>>
      tpu.wait_indirect_dma semaphore(%arg23 : memref<!tpu.dma_semaphore, #tpu.memory_space<semaphore_mem>>) src(%dma_wait3A_469 : memref<10000x128xf32, #tpu.memory_space<hbm>>) dst(%arg18 : memref<80x128xf32, #tpu.memory_space<vmem>>)
      %dma_wait3A_470 = arith.constant 0 : i32
      %dma_wait3A_471 = tpu.memref_slice %arg11[%add3A_333, %dma_wait3A_470] : memref<75x80xi32, #tpu.memory_space<vmem>> -> memref<1x80xi32, #tpu.memory_space<vmem>>
      %dma_wait3A_472 = tpu.memref_squeeze %dma_wait3A_471 : memref<1x80xi32, #tpu.memory_space<vmem>> -> memref<80xi32, #tpu.memory_space<vmem>>
      %dma_wait3A_473 = arith.constant 0 : i32
      %dma_wait3A_474 = arith.constant 0 : i32
      %dma_wait3A_475 = tpu.memref_slice %arg3[%dma_wait3A_473, %dma_wait3A_474] : memref<10000x128xf32, #tpu.memory_space<hbm>> -> memref<10000x128xf32, #tpu.memory_space<hbm>>
      tpu.wait_indirect_dma semaphore(%arg24 : memref<!tpu.dma_semaphore, #tpu.memory_space<semaphore_mem>>) src(%dma_wait3A_475 : memref<10000x128xf32, #tpu.memory_space<hbm>>) dst(%arg19 : memref<80x128xf32, #tpu.memory_space<vmem>>)
      %scan3A_476 = arith.constant 0 : i32
      %scan3A_477 = arith.constant 0 : i32
      %scan3A_478 = arith.constant 80 : i32
      %scan3A_479 = arith.addi %scan3A_477, %scan3A_478 : i32
      %scan3A_480 = arith.constant 1 : i32
      scf.for %scan3A_492 = %scan3A_477 to %scan3A_479 step %scan3A_480  : i32 {
        %get3A_493 = arith.index_cast %scan3A_492 : i32 to index
        %get3A_494 = arith.constant 0 : index
        %get3A_495 = tpu.vector_load %arg18[%get3A_493, %get3A_494] {strides = array<i32>} : memref<80x128xf32, #tpu.memory_space<vmem>>, vector<16xf32>,
        %get3A_496 = arith.index_cast %scan3A_492 : i32 to index
        %get3A_497 = arith.constant 0 : index
        %get3A_498 = tpu.vector_load %arg19[%get3A_496, %get3A_497] {strides = array<i32>} : memref<80x128xf32, #tpu.memory_space<vmem>>, vector<16xf32>,
        %add3A_499 = arith.addf %get3A_495, %get3A_498 : vector<16xf32>
        %swap3A_500 = arith.index_cast %scan3A_492 : i32 to index
        %swap3A_501 = arith.constant 0 : index
        %swap3A_502 = tpu.vector_load %arg18[%swap3A_500, %swap3A_501] {strides = array<i32>} : memref<80x128xf32, #tpu.memory_space<vmem>>, vector<16xf32>,
        tpu.vector_store %arg18[%swap3A_500, %swap3A_501], %add3A_499 {strides = array<i32>} : memref<80x128xf32, #tpu.memory_space<vmem>>, vector<16xf32>,
        %get3A_503 = arith.index_cast %scan3A_492 : i32 to index
        %get3A_504 = arith.constant 16 : index
        %get3A_505 = tpu.vector_load %arg18[%get3A_503, %get3A_504] {strides = array<i32>} : memref<80x128xf32, #tpu.memory_space<vmem>>, vector<16xf32>,
        %get3A_506 = arith.index_cast %scan3A_492 : i32 to index
        %get3A_507 = arith.constant 16 : index
        %get3A_508 = tpu.vector_load %arg19[%get3A_506, %get3A_507] {strides = array<i32>} : memref<80x128xf32, #tpu.memory_space<vmem>>, vector<16xf32>,
        %add3A_509 = arith.addf %get3A_505, %get3A_508 : vector<16xf32>
        %swap3A_510 = arith.index_cast %scan3A_492 : i32 to index
        %swap3A_511 = arith.constant 16 : index
        %swap3A_512 = tpu.vector_load %arg18[%swap3A_510, %swap3A_511] {strides = array<i32>} : memref<80x128xf32, #tpu.memory_space<vmem>>, vector<16xf32>,
        tpu.vector_store %arg18[%swap3A_510, %swap3A_511], %add3A_509 {strides = array<i32>} : memref<80x128xf32, #tpu.memory_space<vmem>>, vector<16xf32>,
        %get3A_513 = arith.index_cast %scan3A_492 : i32 to index
        %get3A_514 = arith.constant 32 : index
        %get3A_515 = tpu.vector_load %arg18[%get3A_513, %get3A_514] {strides = array<i32>} : memref<80x128xf32, #tpu.memory_space<vmem>>, vector<16xf32>,
        %get3A_516 = arith.index_cast %scan3A_492 : i32 to index
        %get3A_517 = arith.constant 32 : index
        %get3A_518 = tpu.vector_load %arg19[%get3A_516, %get3A_517] {strides = array<i32>} : memref<80x128xf32, #tpu.memory_space<vmem>>, vector<16xf32>,
        %add3A_519 = arith.addf %get3A_515, %get3A_518 : vector<16xf32>
        %swap3A_520 = arith.index_cast %scan3A_492 : i32 to index
        %swap3A_521 = arith.constant 32 : index
        %swap3A_522 = tpu.vector_load %arg18[%swap3A_520, %swap3A_521] {strides = array<i32>} : memref<80x128xf32, #tpu.memory_space<vmem>>, vector<16xf32>,
        tpu.vector_store %arg18[%swap3A_520, %swap3A_521], %add3A_519 {strides = array<i32>} : memref<80x128xf32, #tpu.memory_space<vmem>>, vector<16xf32>,
        %get3A_523 = arith.index_cast %scan3A_492 : i32 to index
        %get3A_524 = arith.constant 48 : index
        %get3A_525 = tpu.vector_load %arg18[%get3A_523, %get3A_524] {strides = array<i32>} : memref<80x128xf32, #tpu.memory_space<vmem>>, vector<16xf32>,
        %get3A_526 = arith.index_cast %scan3A_492 : i32 to index
        %get3A_527 = arith.constant 48 : index
        %get3A_528 = tpu.vector_load %arg19[%get3A_526, %get3A_527] {strides = array<i32>} : memref<80x128xf32, #tpu.memory_space<vmem>>, vector<16xf32>,
        %add3A_529 = arith.addf %get3A_525, %get3A_528 : vector<16xf32>
        %swap3A_530 = arith.index_cast %scan3A_492 : i32 to index
        %swap3A_531 = arith.constant 48 : index
        %swap3A_532 = tpu.vector_load %arg18[%swap3A_530, %swap3A_531] {strides = array<i32>} : memref<80x128xf32, #tpu.memory_space<vmem>>, vector<16xf32>,
        tpu.vector_store %arg18[%swap3A_530, %swap3A_531], %add3A_529 {strides = array<i32>} : memref<80x128xf32, #tpu.memory_space<vmem>>, vector<16xf32>,
        %get3A_533 = arith.index_cast %scan3A_492 : i32 to index
        %get3A_534 = arith.constant 64 : index
        %get3A_535 = tpu.vector_load %arg18[%get3A_533, %get3A_534] {strides = array<i32>} : memref<80x128xf32, #tpu.memory_space<vmem>>, vector<16xf32>,
        %get3A_536 = arith.index_cast %scan3A_492 : i32 to index
        %get3A_537 = arith.constant 64 : index
        %get3A_538 = tpu.vector_load %arg19[%get3A_536, %get3A_537] {strides = array<i32>} : memref<80x128xf32, #tpu.memory_space<vmem>>, vector<16xf32>,
        %add3A_539 = arith.addf %get3A_535, %get3A_538 : vector<16xf32>
        %swap3A_540 = arith.index_cast %scan3A_492 : i32 to index
        %swap3A_541 = arith.constant 64 : index
        %swap3A_542 = tpu.vector_load %arg18[%swap3A_540, %swap3A_541] {strides = array<i32>} : memref<80x128xf32, #tpu.memory_space<vmem>>, vector<16xf32>,
        tpu.vector_store %arg18[%swap3A_540, %swap3A_541], %add3A_539 {strides = array<i32>} : memref<80x128xf32, #tpu.memory_space<vmem>>, vector<16xf32>,
        %get3A_543 = arith.index_cast %scan3A_492 : i32 to index
        %get3A_544 = arith.constant 80 : index
        %get3A_545 = tpu.vector_load %arg18[%get3A_543, %get3A_544] {strides = array<i32>} : memref<80x128xf32, #tpu.memory_space<vmem>>, vector<16xf32>,
        %get3A_546 = arith.index_cast %scan3A_492 : i32 to index
        %get3A_547 = arith.constant 80 : index
        %get3A_548 = tpu.vector_load %arg19[%get3A_546, %get3A_547] {strides = array<i32>} : memref<80x128xf32, #tpu.memory_space<vmem>>, vector<16xf32>,
        %add3A_549 = arith.addf %get3A_545, %get3A_548 : vector<16xf32>
        %swap3A_550 = arith.index_cast %scan3A_492 : i32 to index
        %swap3A_551 = arith.constant 80 : index
        %swap3A_552 = tpu.vector_load %arg18[%swap3A_550, %swap3A_551] {strides = array<i32>} : memref<80x128xf32, #tpu.memory_space<vmem>>, vector<16xf32>,
        tpu.vector_store %arg18[%swap3A_550, %swap3A_551], %add3A_549 {strides = array<i32>} : memref<80x128xf32, #tpu.memory_space<vmem>>, vector<16xf32>,
        %get3A_553 = arith.index_cast %scan3A_492 : i32 to index
        %get3A_554 = arith.constant 96 : index
        %get3A_555 = tpu.vector_load %arg18[%get3A_553, %get3A_554] {strides = array<i32>} : memref<80x128xf32, #tpu.memory_space<vmem>>, vector<16xf32>,
        %get3A_556 = arith.index_cast %scan3A_492 : i32 to index
        %get3A_557 = arith.constant 96 : index
        %get3A_558 = tpu.vector_load %arg19[%get3A_556, %get3A_557] {strides = array<i32>} : memref<80x128xf32, #tpu.memory_space<vmem>>, vector<16xf32>,
        %add3A_559 = arith.addf %get3A_555, %get3A_558 : vector<16xf32>
        %swap3A_560 = arith.index_cast %scan3A_492 : i32 to index
        %swap3A_561 = arith.constant 96 : index
        %swap3A_562 = tpu.vector_load %arg18[%swap3A_560, %swap3A_561] {strides = array<i32>} : memref<80x128xf32, #tpu.memory_space<vmem>>, vector<16xf32>,
        tpu.vector_store %arg18[%swap3A_560, %swap3A_561], %add3A_559 {strides = array<i32>} : memref<80x128xf32, #tpu.memory_space<vmem>>, vector<16xf32>,
        %get3A_563 = arith.index_cast %scan3A_492 : i32 to index
        %get3A_564 = arith.constant 112 : index
        %get3A_565 = tpu.vector_load %arg18[%get3A_563, %get3A_564] {strides = array<i32>} : memref<80x128xf32, #tpu.memory_space<vmem>>, vector<16xf32>,
        %get3A_566 = arith.index_cast %scan3A_492 : i32 to index
        %get3A_567 = arith.constant 112 : index
        %get3A_568 = tpu.vector_load %arg19[%get3A_566, %get3A_567] {strides = array<i32>} : memref<80x128xf32, #tpu.memory_space<vmem>>, vector<16xf32>,
        %add3A_569 = arith.addf %get3A_565, %get3A_568 : vector<16xf32>
        %swap3A_570 = arith.index_cast %scan3A_492 : i32 to index
        %swap3A_571 = arith.constant 112 : index
        %swap3A_572 = tpu.vector_load %arg18[%swap3A_570, %swap3A_571] {strides = array<i32>} : memref<80x128xf32, #tpu.memory_space<vmem>>, vector<16xf32>,
        tpu.vector_store %arg18[%swap3A_570, %swap3A_571], %add3A_569 {strides = array<i32>} : memref<80x128xf32, #tpu.memory_space<vmem>>, vector<16xf32>,
      }
      %scan3A_481 = arith.constant 80 : i32
      %mul3A_482 = arith.constant 80 : i32
      %mul3A_483 = arith.muli %add3A_333, %mul3A_482 : i32
      %add3A_484 = arith.addi %mul3A_2, %mul3A_483 : i32
      "tpu.region"() ({
        %run_scoped3A = tpu.sem_alloc : memref<!tpu.dma_semaphore, #tpu.memory_space<semaphore_mem>>
        %dma_start3A_492 = arith.constant 0 : i32
        %dma_start3A_493 = tpu.memref_slice %arg9[%add3A_484, %dma_start3A_492] : memref<192000x128xf32, #tpu.memory_space<hbm>> -> memref<80x128xf32, #tpu.memory_space<hbm>>
        %dma_start3A_494 = arith.constant 0 : i32
        %dma_start3A_495 = tpu.memref_slice %arg9[%add3A_484, %dma_start3A_494] : memref<192000x128xf32, #tpu.memory_space<hbm>> -> memref<80x128xf32, #tpu.memory_space<hbm>>
        tpu.enqueue_dma source(%arg18 : memref<80x128xf32, #tpu.memory_space<vmem>>) target(%dma_start3A_495 : memref<80x128xf32, #tpu.memory_space<hbm>>) target_semaphore(%run_scoped3A : memref<!tpu.dma_semaphore, #tpu.memory_space<semaphore_mem>>)
        %dma_wait3A_496 = arith.constant 0 : i32
        %dma_wait3A_497 = tpu.memref_slice %arg9[%add3A_484, %dma_wait3A_496] : memref<192000x128xf32, #tpu.memory_space<hbm>> -> memref<80x128xf32, #tpu.memory_space<hbm>>
        %dma_wait3A_498 = arith.constant 0 : i32
        %dma_wait3A_499 = tpu.memref_slice %arg9[%add3A_484, %dma_wait3A_498] : memref<192000x128xf32, #tpu.memory_space<hbm>> -> memref<80x128xf32, #tpu.memory_space<hbm>>
        tpu.wait_dma2 semaphore(%run_scoped3A : memref<!tpu.dma_semaphore, #tpu.memory_space<semaphore_mem>>) src(%arg18 : memref<80x128xf32, #tpu.memory_space<vmem>>) dst(%dma_wait3A_499 : memref<80x128xf32, #tpu.memory_space<hbm>>)
        tpu.yield
      }) : () -> ()
      %add3A_485 = arith.constant 2 : i32
      %add3A_486 = arith.addi %add3A_333, %add3A_485 : i32
      %lt3A_487 = arith.constant 75 : i32
      %lt3A_488 = arith.cmpi slt, %add3A_486, %lt3A_487 : i32
      %convert_element_type3A_489 = arith.extui %lt3A_488 : i1 to i32
      %cond3A_490 = arith.constant 0 : i32
      %cond3A_491 = arith.cmpi ne, %convert_element_type3A_489, %cond3A_490 : i32
      scf.if %cond3A_491 {
        %add3A_492 = arith.constant 2 : i32
        %add3A_493 = arith.addi %add3A_333, %add3A_492 : i32
        %dma_start3A_494 = arith.constant 0 : i32
        %dma_start3A_495 = tpu.memref_slice %arg12[%add3A_493, %dma_start3A_494] : memref<75x80xi32, #tpu.memory_space<vmem>> -> memref<1x80xi32, #tpu.memory_space<vmem>>
        %dma_start3A_496 = tpu.memref_squeeze %dma_start3A_495 : memref<1x80xi32, #tpu.memory_space<vmem>> -> memref<80xi32, #tpu.memory_space<vmem>>
        %dma_start3A_497 = arith.constant 0 : i32
        %dma_start3A_498 = arith.constant 0 : i32
        %dma_start3A_499 = tpu.memref_slice %arg2[%dma_start3A_497, %dma_start3A_498] : memref<10000x128xf32, #tpu.memory_space<hbm>> -> memref<10000x128xf32, #tpu.memory_space<hbm>>
        tpu.enqueue_indirect_dma source(%dma_start3A_499 : memref<10000x128xf32, #tpu.memory_space<hbm>>) target(%arg18 : memref<80x128xf32, #tpu.memory_space<vmem>>) offsets(%dma_start3A_496 : memref<80xi32, #tpu.memory_space<vmem>>) semaphore(%arg23 : memref<!tpu.dma_semaphore, #tpu.memory_space<semaphore_mem>>)
        %dma_start3A_500 = arith.constant 0 : i32
        %dma_start3A_501 = tpu.memref_slice %arg11[%add3A_493, %dma_start3A_500] : memref<75x80xi32, #tpu.memory_space<vmem>> -> memref<1x80xi32, #tpu.memory_space<vmem>>
        %dma_start3A_502 = tpu.memref_squeeze %dma_start3A_501 : memref<1x80xi32, #tpu.memory_space<vmem>> -> memref<80xi32, #tpu.memory_space<vmem>>
        %dma_start3A_503 = arith.constant 0 : i32
        %dma_start3A_504 = arith.constant 0 : i32
        %dma_start3A_505 = tpu.memref_slice %arg3[%dma_start3A_503, %dma_start3A_504] : memref<10000x128xf32, #tpu.memory_space<hbm>> -> memref<10000x128xf32, #tpu.memory_space<hbm>>
        tpu.enqueue_indirect_dma source(%dma_start3A_505 : memref<10000x128xf32, #tpu.memory_space<hbm>>) target(%arg19 : memref<80x128xf32, #tpu.memory_space<vmem>>) offsets(%dma_start3A_502 : memref<80xi32, #tpu.memory_space<vmem>>) semaphore(%arg24 : memref<!tpu.dma_semaphore, #tpu.memory_space<semaphore_mem>>)
      } else {
      }
    }
    %scan3A_34 = arith.constant 37 : i32
    %get3A = arith.constant 74 : i32
    %get3A_35 = arith.index_cast %get3A : i32 to index
    %get3A_36 = arith.constant 0 : index
    %get3A_37 = tpu.vector_load %arg11[%get3A_35, %get3A_36] {strides = array<i32>} : memref<75x80xi32, #tpu.memory_space<vmem>>, vector<16xi32>,
    %get3A_38 = arith.constant 74 : i32
    %get3A_39 = arith.index_cast %get3A_38 : i32 to index
    %get3A_40 = arith.constant 0 : index
    %get3A_41 = tpu.vector_load %arg12[%get3A_39, %get3A_40] {strides = array<i32>} : memref<75x80xi32, #tpu.memory_space<vmem>>, vector<16xi32>,
    %gather3A = tpu.vector_load_idx %arg13[%get3A_41] : memref<10000xf32, #tpu.memory_space<vmem>>[vector<16xi32>], vector<16xf32>,
    %gather3A_42 = tpu.vector_load_idx %arg13[%get3A_37] : memref<10000xf32, #tpu.memory_space<vmem>>[vector<16xi32>], vector<16xf32>,
    %sub3A = arith.subf %gather3A, %gather3A_42 : vector<16xf32>
    %gather3A_43 = tpu.vector_load_idx %arg14[%get3A_41] : memref<10000xf32, #tpu.memory_space<vmem>>[vector<16xi32>], vector<16xf32>,
    %gather3A_44 = tpu.vector_load_idx %arg14[%get3A_37] : memref<10000xf32, #tpu.memory_space<vmem>>[vector<16xi32>], vector<16xf32>,
    %sub3A_45 = arith.subf %gather3A_43, %gather3A_44 : vector<16xf32>
    %gather3A_46 = tpu.vector_load_idx %arg15[%get3A_41] : memref<10000xf32, #tpu.memory_space<vmem>>[vector<16xi32>], vector<16xf32>,
    %gather3A_47 = tpu.vector_load_idx %arg15[%get3A_37] : memref<10000xf32, #tpu.memory_space<vmem>>[vector<16xi32>], vector<16xf32>,
    %sub3A_48 = arith.subf %gather3A_46, %gather3A_47 : vector<16xf32>
    %mul3A_49 = arith.mulf %sub3A, %sub3A : vector<16xf32>
    %mul3A_50 = arith.mulf %sub3A_45, %sub3A_45 : vector<16xf32>
    %add3A_51 = arith.addf %mul3A_49, %mul3A_50 : vector<16xf32>
    %mul3A_52 = arith.mulf %sub3A_48, %sub3A_48 : vector<16xf32>
    %add3A_53 = arith.addf %add3A_51, %mul3A_52 : vector<16xf32>
    %swap3A = arith.constant 5920 : index
    %swap3A_54 = tpu.vector_load %arg20[%swap3A] {strides = array<i32>} : memref<6000xf32, #tpu.memory_space<vmem>>, vector<16xf32>,
    tpu.vector_store %arg20[%swap3A], %add3A_53 {strides = array<i32>} : memref<6000xf32, #tpu.memory_space<vmem>>, vector<16xf32>,
    %get3A_55 = arith.constant 74 : i32
    %get3A_56 = arith.index_cast %get3A_55 : i32 to index
    %get3A_57 = arith.constant 16 : index
    %get3A_58 = tpu.vector_load %arg11[%get3A_56, %get3A_57] {strides = array<i32>} : memref<75x80xi32, #tpu.memory_space<vmem>>, vector<16xi32>,
    %get3A_59 = arith.constant 74 : i32
    %get3A_60 = arith.index_cast %get3A_59 : i32 to index
    %get3A_61 = arith.constant 16 : index
    %get3A_62 = tpu.vector_load %arg12[%get3A_60, %get3A_61] {strides = array<i32>} : memref<75x80xi32, #tpu.memory_space<vmem>>, vector<16xi32>,
    %gather3A_63 = tpu.vector_load_idx %arg13[%get3A_62] : memref<10000xf32, #tpu.memory_space<vmem>>[vector<16xi32>], vector<16xf32>,
    %gather3A_64 = tpu.vector_load_idx %arg13[%get3A_58] : memref<10000xf32, #tpu.memory_space<vmem>>[vector<16xi32>], vector<16xf32>,
    %sub3A_65 = arith.subf %gather3A_63, %gather3A_64 : vector<16xf32>
    %gather3A_66 = tpu.vector_load_idx %arg14[%get3A_62] : memref<10000xf32, #tpu.memory_space<vmem>>[vector<16xi32>], vector<16xf32>,
    %gather3A_67 = tpu.vector_load_idx %arg14[%get3A_58] : memref<10000xf32, #tpu.memory_space<vmem>>[vector<16xi32>], vector<16xf32>,
    %sub3A_68 = arith.subf %gather3A_66, %gather3A_67 : vector<16xf32>
    %gather3A_69 = tpu.vector_load_idx %arg15[%get3A_62] : memref<10000xf32, #tpu.memory_space<vmem>>[vector<16xi32>], vector<16xf32>,
    %gather3A_70 = tpu.vector_load_idx %arg15[%get3A_58] : memref<10000xf32, #tpu.memory_space<vmem>>[vector<16xi32>], vector<16xf32>,
    %sub3A_71 = arith.subf %gather3A_69, %gather3A_70 : vector<16xf32>
    %mul3A_72 = arith.mulf %sub3A_65, %sub3A_65 : vector<16xf32>
    %mul3A_73 = arith.mulf %sub3A_68, %sub3A_68 : vector<16xf32>
    %add3A_74 = arith.addf %mul3A_72, %mul3A_73 : vector<16xf32>
    %mul3A_75 = arith.mulf %sub3A_71, %sub3A_71 : vector<16xf32>
    %add3A_76 = arith.addf %add3A_74, %mul3A_75 : vector<16xf32>
    %swap3A_77 = arith.constant 5936 : index
    %swap3A_78 = tpu.vector_load %arg20[%swap3A_77] {strides = array<i32>} : memref<6000xf32, #tpu.memory_space<vmem>>, vector<16xf32>,
    tpu.vector_store %arg20[%swap3A_77], %add3A_76 {strides = array<i32>} : memref<6000xf32, #tpu.memory_space<vmem>>, vector<16xf32>,
    %get3A_79 = arith.constant 74 : i32
    %get3A_80 = arith.index_cast %get3A_79 : i32 to index
    %get3A_81 = arith.constant 32 : index
    %get3A_82 = tpu.vector_load %arg11[%get3A_80, %get3A_81] {strides = array<i32>} : memref<75x80xi32, #tpu.memory_space<vmem>>, vector<16xi32>,
    %get3A_83 = arith.constant 74 : i32
    %get3A_84 = arith.index_cast %get3A_83 : i32 to index
    %get3A_85 = arith.constant 32 : index
    %get3A_86 = tpu.vector_load %arg12[%get3A_84, %get3A_85] {strides = array<i32>} : memref<75x80xi32, #tpu.memory_space<vmem>>, vector<16xi32>,
    %gather3A_87 = tpu.vector_load_idx %arg13[%get3A_86] : memref<10000xf32, #tpu.memory_space<vmem>>[vector<16xi32>], vector<16xf32>,
    %gather3A_88 = tpu.vector_load_idx %arg13[%get3A_82] : memref<10000xf32, #tpu.memory_space<vmem>>[vector<16xi32>], vector<16xf32>,
    %sub3A_89 = arith.subf %gather3A_87, %gather3A_88 : vector<16xf32>
    %gather3A_90 = tpu.vector_load_idx %arg14[%get3A_86] : memref<10000xf32, #tpu.memory_space<vmem>>[vector<16xi32>], vector<16xf32>,
    %gather3A_91 = tpu.vector_load_idx %arg14[%get3A_82] : memref<10000xf32, #tpu.memory_space<vmem>>[vector<16xi32>], vector<16xf32>,
    %sub3A_92 = arith.subf %gather3A_90, %gather3A_91 : vector<16xf32>
    %gather3A_93 = tpu.vector_load_idx %arg15[%get3A_86] : memref<10000xf32, #tpu.memory_space<vmem>>[vector<16xi32>], vector<16xf32>,
    %gather3A_94 = tpu.vector_load_idx %arg15[%get3A_82] : memref<10000xf32, #tpu.memory_space<vmem>>[vector<16xi32>], vector<16xf32>,
    %sub3A_95 = arith.subf %gather3A_93, %gather3A_94 : vector<16xf32>
    %mul3A_96 = arith.mulf %sub3A_89, %sub3A_89 : vector<16xf32>
    %mul3A_97 = arith.mulf %sub3A_92, %sub3A_92 : vector<16xf32>
    %add3A_98 = arith.addf %mul3A_96, %mul3A_97 : vector<16xf32>
    %mul3A_99 = arith.mulf %sub3A_95, %sub3A_95 : vector<16xf32>
    %add3A_100 = arith.addf %add3A_98, %mul3A_99 : vector<16xf32>
    %swap3A_101 = arith.constant 5952 : index
    %swap3A_102 = tpu.vector_load %arg20[%swap3A_101] {strides = array<i32>} : memref<6000xf32, #tpu.memory_space<vmem>>, vector<16xf32>,
    tpu.vector_store %arg20[%swap3A_101], %add3A_100 {strides = array<i32>} : memref<6000xf32, #tpu.memory_space<vmem>>, vector<16xf32>,
    %get3A_103 = arith.constant 74 : i32
    %get3A_104 = arith.index_cast %get3A_103 : i32 to index
    %get3A_105 = arith.constant 48 : index
    %get3A_106 = tpu.vector_load %arg11[%get3A_104, %get3A_105] {strides = array<i32>} : memref<75x80xi32, #tpu.memory_space<vmem>>, vector<16xi32>,
    %get3A_107 = arith.constant 74 : i32
    %get3A_108 = arith.index_cast %get3A_107 : i32 to index
    %get3A_109 = arith.constant 48 : index
    %get3A_110 = tpu.vector_load %arg12[%get3A_108, %get3A_109] {strides = array<i32>} : memref<75x80xi32, #tpu.memory_space<vmem>>, vector<16xi32>,
    %gather3A_111 = tpu.vector_load_idx %arg13[%get3A_110] : memref<10000xf32, #tpu.memory_space<vmem>>[vector<16xi32>], vector<16xf32>,
    %gather3A_112 = tpu.vector_load_idx %arg13[%get3A_106] : memref<10000xf32, #tpu.memory_space<vmem>>[vector<16xi32>], vector<16xf32>,
    %sub3A_113 = arith.subf %gather3A_111, %gather3A_112 : vector<16xf32>
    %gather3A_114 = tpu.vector_load_idx %arg14[%get3A_110] : memref<10000xf32, #tpu.memory_space<vmem>>[vector<16xi32>], vector<16xf32>,
    %gather3A_115 = tpu.vector_load_idx %arg14[%get3A_106] : memref<10000xf32, #tpu.memory_space<vmem>>[vector<16xi32>], vector<16xf32>,
    %sub3A_116 = arith.subf %gather3A_114, %gather3A_115 : vector<16xf32>
    %gather3A_117 = tpu.vector_load_idx %arg15[%get3A_110] : memref<10000xf32, #tpu.memory_space<vmem>>[vector<16xi32>], vector<16xf32>,
    %gather3A_118 = tpu.vector_load_idx %arg15[%get3A_106] : memref<10000xf32, #tpu.memory_space<vmem>>[vector<16xi32>], vector<16xf32>,
    %sub3A_119 = arith.subf %gather3A_117, %gather3A_118 : vector<16xf32>
    %mul3A_120 = arith.mulf %sub3A_113, %sub3A_113 : vector<16xf32>
    %mul3A_121 = arith.mulf %sub3A_116, %sub3A_116 : vector<16xf32>
    %add3A_122 = arith.addf %mul3A_120, %mul3A_121 : vector<16xf32>
    %mul3A_123 = arith.mulf %sub3A_119, %sub3A_119 : vector<16xf32>
    %add3A_124 = arith.addf %add3A_122, %mul3A_123 : vector<16xf32>
    %swap3A_125 = arith.constant 5968 : index
    %swap3A_126 = tpu.vector_load %arg20[%swap3A_125] {strides = array<i32>} : memref<6000xf32, #tpu.memory_space<vmem>>, vector<16xf32>,
    tpu.vector_store %arg20[%swap3A_125], %add3A_124 {strides = array<i32>} : memref<6000xf32, #tpu.memory_space<vmem>>, vector<16xf32>,
    %get3A_127 = arith.constant 74 : i32
    %get3A_128 = arith.index_cast %get3A_127 : i32 to index
    %get3A_129 = arith.constant 64 : index
    %get3A_130 = tpu.vector_load %arg11[%get3A_128, %get3A_129] {strides = array<i32>} : memref<75x80xi32, #tpu.memory_space<vmem>>, vector<16xi32>,
    %get3A_131 = arith.constant 74 : i32
    %get3A_132 = arith.index_cast %get3A_131 : i32 to index
    %get3A_133 = arith.constant 64 : index
    %get3A_134 = tpu.vector_load %arg12[%get3A_132, %get3A_133] {strides = array<i32>} : memref<75x80xi32, #tpu.memory_space<vmem>>, vector<16xi32>,
    %gather3A_135 = tpu.vector_load_idx %arg13[%get3A_134] : memref<10000xf32, #tpu.memory_space<vmem>>[vector<16xi32>], vector<16xf32>,
    %gather3A_136 = tpu.vector_load_idx %arg13[%get3A_130] : memref<10000xf32, #tpu.memory_space<vmem>>[vector<16xi32>], vector<16xf32>,
    %sub3A_137 = arith.subf %gather3A_135, %gather3A_136 : vector<16xf32>
    %gather3A_138 = tpu.vector_load_idx %arg14[%get3A_134] : memref<10000xf32, #tpu.memory_space<vmem>>[vector<16xi32>], vector<16xf32>,
    %gather3A_139 = tpu.vector_load_idx %arg14[%get3A_130] : memref<10000xf32, #tpu.memory_space<vmem>>[vector<16xi32>], vector<16xf32>,
    %sub3A_140 = arith.subf %gather3A_138, %gather3A_139 : vector<16xf32>
    %gather3A_141 = tpu.vector_load_idx %arg15[%get3A_134] : memref<10000xf32, #tpu.memory_space<vmem>>[vector<16xi32>], vector<16xf32>,
    %gather3A_142 = tpu.vector_load_idx %arg15[%get3A_130] : memref<10000xf32, #tpu.memory_space<vmem>>[vector<16xi32>], vector<16xf32>,
    %sub3A_143 = arith.subf %gather3A_141, %gather3A_142 : vector<16xf32>
    %mul3A_144 = arith.mulf %sub3A_137, %sub3A_137 : vector<16xf32>
    %mul3A_145 = arith.mulf %sub3A_140, %sub3A_140 : vector<16xf32>
    %add3A_146 = arith.addf %mul3A_144, %mul3A_145 : vector<16xf32>
    %mul3A_147 = arith.mulf %sub3A_143, %sub3A_143 : vector<16xf32>
    %add3A_148 = arith.addf %add3A_146, %mul3A_147 : vector<16xf32>
    %swap3A_149 = arith.constant 5984 : index
    %swap3A_150 = tpu.vector_load %arg20[%swap3A_149] {strides = array<i32>} : memref<6000xf32, #tpu.memory_space<vmem>>, vector<16xf32>,
    tpu.vector_store %arg20[%swap3A_149], %add3A_148 {strides = array<i32>} : memref<6000xf32, #tpu.memory_space<vmem>>, vector<16xf32>,
    %dma_wait3A = arith.constant 74 : i32
    %dma_wait3A_151 = arith.constant 0 : i32
    %dma_wait3A_152 = tpu.memref_slice %arg12[%dma_wait3A, %dma_wait3A_151] : memref<75x80xi32, #tpu.memory_space<vmem>> -> memref<1x80xi32, #tpu.memory_space<vmem>>
    %dma_wait3A_153 = tpu.memref_squeeze %dma_wait3A_152 : memref<1x80xi32, #tpu.memory_space<vmem>> -> memref<80xi32, #tpu.memory_space<vmem>>
    %dma_wait3A_154 = arith.constant 0 : i32
    %dma_wait3A_155 = arith.constant 0 : i32
    %dma_wait3A_156 = tpu.memref_slice %arg2[%dma_wait3A_154, %dma_wait3A_155] : memref<10000x128xf32, #tpu.memory_space<hbm>> -> memref<10000x128xf32, #tpu.memory_space<hbm>>
    tpu.wait_indirect_dma semaphore(%arg21 : memref<!tpu.dma_semaphore, #tpu.memory_space<semaphore_mem>>) src(%dma_wait3A_156 : memref<10000x128xf32, #tpu.memory_space<hbm>>) dst(%arg16 : memref<80x128xf32, #tpu.memory_space<vmem>>)
    %dma_wait3A_157 = arith.constant 74 : i32
    %dma_wait3A_158 = arith.constant 0 : i32
    %dma_wait3A_159 = tpu.memref_slice %arg11[%dma_wait3A_157, %dma_wait3A_158] : memref<75x80xi32, #tpu.memory_space<vmem>> -> memref<1x80xi32, #tpu.memory_space<vmem>>
    %dma_wait3A_160 = tpu.memref_squeeze %dma_wait3A_159 : memref<1x80xi32, #tpu.memory_space<vmem>> -> memref<80xi32, #tpu.memory_space<vmem>>
    %dma_wait3A_161 = arith.constant 0 : i32
    %dma_wait3A_162 = arith.constant 0 : i32
    %dma_wait3A_163 = tpu.memref_slice %arg3[%dma_wait3A_161, %dma_wait3A_162] : memref<10000x128xf32, #tpu.memory_space<hbm>> -> memref<10000x128xf32, #tpu.memory_space<hbm>>
    tpu.wait_indirect_dma semaphore(%arg22 : memref<!tpu.dma_semaphore, #tpu.memory_space<semaphore_mem>>) src(%dma_wait3A_163 : memref<10000x128xf32, #tpu.memory_space<hbm>>) dst(%arg17 : memref<80x128xf32, #tpu.memory_space<vmem>>)
    %scan3A_164 = arith.constant 0 : i32
    %scan3A_165 = arith.constant 0 : i32
    %scan3A_166 = arith.constant 80 : i32
    %scan3A_167 = arith.addi %scan3A_165, %scan3A_166 : i32
    %scan3A_168 = arith.constant 1 : i32
    scf.for %scan3A_172 = %scan3A_165 to %scan3A_167 step %scan3A_168  : i32 {
      %get3A_173 = arith.index_cast %scan3A_172 : i32 to index
      %get3A_174 = arith.constant 0 : index
      %get3A_175 = tpu.vector_load %arg16[%get3A_173, %get3A_174] {strides = array<i32>} : memref<80x128xf32, #tpu.memory_space<vmem>>, vector<16xf32>,
      %get3A_176 = arith.index_cast %scan3A_172 : i32 to index
      %get3A_177 = arith.constant 0 : index
      %get3A_178 = tpu.vector_load %arg17[%get3A_176, %get3A_177] {strides = array<i32>} : memref<80x128xf32, #tpu.memory_space<vmem>>, vector<16xf32>,
      %add3A_179 = arith.addf %get3A_175, %get3A_178 : vector<16xf32>
      %swap3A_180 = arith.index_cast %scan3A_172 : i32 to index
      %swap3A_181 = arith.constant 0 : index
      %swap3A_182 = tpu.vector_load %arg16[%swap3A_180, %swap3A_181] {strides = array<i32>} : memref<80x128xf32, #tpu.memory_space<vmem>>, vector<16xf32>,
      tpu.vector_store %arg16[%swap3A_180, %swap3A_181], %add3A_179 {strides = array<i32>} : memref<80x128xf32, #tpu.memory_space<vmem>>, vector<16xf32>,
      %get3A_183 = arith.index_cast %scan3A_172 : i32 to index
      %get3A_184 = arith.constant 16 : index
      %get3A_185 = tpu.vector_load %arg16[%get3A_183, %get3A_184] {strides = array<i32>} : memref<80x128xf32, #tpu.memory_space<vmem>>, vector<16xf32>,
      %get3A_186 = arith.index_cast %scan3A_172 : i32 to index
      %get3A_187 = arith.constant 16 : index
      %get3A_188 = tpu.vector_load %arg17[%get3A_186, %get3A_187] {strides = array<i32>} : memref<80x128xf32, #tpu.memory_space<vmem>>, vector<16xf32>,
      %add3A_189 = arith.addf %get3A_185, %get3A_188 : vector<16xf32>
      %swap3A_190 = arith.index_cast %scan3A_172 : i32 to index
      %swap3A_191 = arith.constant 16 : index
      %swap3A_192 = tpu.vector_load %arg16[%swap3A_190, %swap3A_191] {strides = array<i32>} : memref<80x128xf32, #tpu.memory_space<vmem>>, vector<16xf32>,
      tpu.vector_store %arg16[%swap3A_190, %swap3A_191], %add3A_189 {strides = array<i32>} : memref<80x128xf32, #tpu.memory_space<vmem>>, vector<16xf32>,
      %get3A_193 = arith.index_cast %scan3A_172 : i32 to index
      %get3A_194 = arith.constant 32 : index
      %get3A_195 = tpu.vector_load %arg16[%get3A_193, %get3A_194] {strides = array<i32>} : memref<80x128xf32, #tpu.memory_space<vmem>>, vector<16xf32>,
      %get3A_196 = arith.index_cast %scan3A_172 : i32 to index
      %get3A_197 = arith.constant 32 : index
      %get3A_198 = tpu.vector_load %arg17[%get3A_196, %get3A_197] {strides = array<i32>} : memref<80x128xf32, #tpu.memory_space<vmem>>, vector<16xf32>,
      %add3A_199 = arith.addf %get3A_195, %get3A_198 : vector<16xf32>
      %swap3A_200 = arith.index_cast %scan3A_172 : i32 to index
      %swap3A_201 = arith.constant 32 : index
      %swap3A_202 = tpu.vector_load %arg16[%swap3A_200, %swap3A_201] {strides = array<i32>} : memref<80x128xf32, #tpu.memory_space<vmem>>, vector<16xf32>,
      tpu.vector_store %arg16[%swap3A_200, %swap3A_201], %add3A_199 {strides = array<i32>} : memref<80x128xf32, #tpu.memory_space<vmem>>, vector<16xf32>,
      %get3A_203 = arith.index_cast %scan3A_172 : i32 to index
      %get3A_204 = arith.constant 48 : index
      %get3A_205 = tpu.vector_load %arg16[%get3A_203, %get3A_204] {strides = array<i32>} : memref<80x128xf32, #tpu.memory_space<vmem>>, vector<16xf32>,
      %get3A_206 = arith.index_cast %scan3A_172 : i32 to index
      %get3A_207 = arith.constant 48 : index
      %get3A_208 = tpu.vector_load %arg17[%get3A_206, %get3A_207] {strides = array<i32>} : memref<80x128xf32, #tpu.memory_space<vmem>>, vector<16xf32>,
      %add3A_209 = arith.addf %get3A_205, %get3A_208 : vector<16xf32>
      %swap3A_210 = arith.index_cast %scan3A_172 : i32 to index
      %swap3A_211 = arith.constant 48 : index
      %swap3A_212 = tpu.vector_load %arg16[%swap3A_210, %swap3A_211] {strides = array<i32>} : memref<80x128xf32, #tpu.memory_space<vmem>>, vector<16xf32>,
      tpu.vector_store %arg16[%swap3A_210, %swap3A_211], %add3A_209 {strides = array<i32>} : memref<80x128xf32, #tpu.memory_space<vmem>>, vector<16xf32>,
      %get3A_213 = arith.index_cast %scan3A_172 : i32 to index
      %get3A_214 = arith.constant 64 : index
      %get3A_215 = tpu.vector_load %arg16[%get3A_213, %get3A_214] {strides = array<i32>} : memref<80x128xf32, #tpu.memory_space<vmem>>, vector<16xf32>,
      %get3A_216 = arith.index_cast %scan3A_172 : i32 to index
      %get3A_217 = arith.constant 64 : index
      %get3A_218 = tpu.vector_load %arg17[%get3A_216, %get3A_217] {strides = array<i32>} : memref<80x128xf32, #tpu.memory_space<vmem>>, vector<16xf32>,
      %add3A_219 = arith.addf %get3A_215, %get3A_218 : vector<16xf32>
      %swap3A_220 = arith.index_cast %scan3A_172 : i32 to index
      %swap3A_221 = arith.constant 64 : index
      %swap3A_222 = tpu.vector_load %arg16[%swap3A_220, %swap3A_221] {strides = array<i32>} : memref<80x128xf32, #tpu.memory_space<vmem>>, vector<16xf32>,
      tpu.vector_store %arg16[%swap3A_220, %swap3A_221], %add3A_219 {strides = array<i32>} : memref<80x128xf32, #tpu.memory_space<vmem>>, vector<16xf32>,
      %get3A_223 = arith.index_cast %scan3A_172 : i32 to index
      %get3A_224 = arith.constant 80 : index
      %get3A_225 = tpu.vector_load %arg16[%get3A_223, %get3A_224] {strides = array<i32>} : memref<80x128xf32, #tpu.memory_space<vmem>>, vector<16xf32>,
      %get3A_226 = arith.index_cast %scan3A_172 : i32 to index
      %get3A_227 = arith.constant 80 : index
      %get3A_228 = tpu.vector_load %arg17[%get3A_226, %get3A_227] {strides = array<i32>} : memref<80x128xf32, #tpu.memory_space<vmem>>, vector<16xf32>,
      %add3A_229 = arith.addf %get3A_225, %get3A_228 : vector<16xf32>
      %swap3A_230 = arith.index_cast %scan3A_172 : i32 to index
      %swap3A_231 = arith.constant 80 : index
      %swap3A_232 = tpu.vector_load %arg16[%swap3A_230, %swap3A_231] {strides = array<i32>} : memref<80x128xf32, #tpu.memory_space<vmem>>, vector<16xf32>,
      tpu.vector_store %arg16[%swap3A_230, %swap3A_231], %add3A_229 {strides = array<i32>} : memref<80x128xf32, #tpu.memory_space<vmem>>, vector<16xf32>,
      %get3A_233 = arith.index_cast %scan3A_172 : i32 to index
      %get3A_234 = arith.constant 96 : index
      %get3A_235 = tpu.vector_load %arg16[%get3A_233, %get3A_234] {strides = array<i32>} : memref<80x128xf32, #tpu.memory_space<vmem>>, vector<16xf32>,
      %get3A_236 = arith.index_cast %scan3A_172 : i32 to index
      %get3A_237 = arith.constant 96 : index
      %get3A_238 = tpu.vector_load %arg17[%get3A_236, %get3A_237] {strides = array<i32>} : memref<80x128xf32, #tpu.memory_space<vmem>>, vector<16xf32>,
      %add3A_239 = arith.addf %get3A_235, %get3A_238 : vector<16xf32>
      %swap3A_240 = arith.index_cast %scan3A_172 : i32 to index
      %swap3A_241 = arith.constant 96 : index
      %swap3A_242 = tpu.vector_load %arg16[%swap3A_240, %swap3A_241] {strides = array<i32>} : memref<80x128xf32, #tpu.memory_space<vmem>>, vector<16xf32>,
      tpu.vector_store %arg16[%swap3A_240, %swap3A_241], %add3A_239 {strides = array<i32>} : memref<80x128xf32, #tpu.memory_space<vmem>>, vector<16xf32>,
      %get3A_243 = arith.index_cast %scan3A_172 : i32 to index
      %get3A_244 = arith.constant 112 : index
      %get3A_245 = tpu.vector_load %arg16[%get3A_243, %get3A_244] {strides = array<i32>} : memref<80x128xf32, #tpu.memory_space<vmem>>, vector<16xf32>,
      %get3A_246 = arith.index_cast %scan3A_172 : i32 to index
      %get3A_247 = arith.constant 112 : index
      %get3A_248 = tpu.vector_load %arg17[%get3A_246, %get3A_247] {strides = array<i32>} : memref<80x128xf32, #tpu.memory_space<vmem>>, vector<16xf32>,
      %add3A_249 = arith.addf %get3A_245, %get3A_248 : vector<16xf32>
      %swap3A_250 = arith.index_cast %scan3A_172 : i32 to index
      %swap3A_251 = arith.constant 112 : index
      %swap3A_252 = tpu.vector_load %arg16[%swap3A_250, %swap3A_251] {strides = array<i32>} : memref<80x128xf32, #tpu.memory_space<vmem>>, vector<16xf32>,
      tpu.vector_store %arg16[%swap3A_250, %swap3A_251], %add3A_249 {strides = array<i32>} : memref<80x128xf32, #tpu.memory_space<vmem>>, vector<16xf32>,
    }
    %scan3A_169 = arith.constant 80 : i32
    %add3A_170 = arith.constant 5920 : i32
    %add3A_171 = arith.addi %mul3A_2, %add3A_170 : i32
    "tpu.region"() ({
      %run_scoped3A = tpu.sem_alloc : memref<!tpu.dma_semaphore, #tpu.memory_space<semaphore_mem>>
      %dma_start3A_172 = arith.constant 0 : i32
      %dma_start3A_173 = tpu.memref_slice %arg9[%add3A_171, %dma_start3A_172] : memref<192000x128xf32, #tpu.memory_space<hbm>> -> memref<80x128xf32, #tpu.memory_space<hbm>>
      %dma_start3A_174 = arith.constant 0 : i32
      %dma_start3A_175 = tpu.memref_slice %arg9[%add3A_171, %dma_start3A_174] : memref<192000x128xf32, #tpu.memory_space<hbm>> -> memref<80x128xf32, #tpu.memory_space<hbm>>
      tpu.enqueue_dma source(%arg16 : memref<80x128xf32, #tpu.memory_space<vmem>>) target(%dma_start3A_175 : memref<80x128xf32, #tpu.memory_space<hbm>>) target_semaphore(%run_scoped3A : memref<!tpu.dma_semaphore, #tpu.memory_space<semaphore_mem>>)
      %dma_wait3A_176 = arith.constant 0 : i32
      %dma_wait3A_177 = tpu.memref_slice %arg9[%add3A_171, %dma_wait3A_176] : memref<192000x128xf32, #tpu.memory_space<hbm>> -> memref<80x128xf32, #tpu.memory_space<hbm>>
      %dma_wait3A_178 = arith.constant 0 : i32
      %dma_wait3A_179 = tpu.memref_slice %arg9[%add3A_171, %dma_wait3A_178] : memref<192000x128xf32, #tpu.memory_space<hbm>> -> memref<80x128xf32, #tpu.memory_space<hbm>>
      tpu.wait_dma2 semaphore(%run_scoped3A : memref<!tpu.dma_semaphore, #tpu.memory_space<semaphore_mem>>) src(%arg16 : memref<80x128xf32, #tpu.memory_space<vmem>>) dst(%dma_wait3A_179 : memref<80x128xf32, #tpu.memory_space<hbm>>)
      tpu.yield
    }) : () -> ()
    "tpu.region"() ({
      %run_scoped3A = tpu.sem_alloc : memref<!tpu.dma_semaphore, #tpu.memory_space<semaphore_mem>>
      %dma_start3A_172 = tpu.memref_slice %arg10[%mul3A_2] : memref<192000xf32, #tpu.memory_space<hbm>> -> memref<6000xf32, #tpu.memory_space<hbm>>
      %dma_start3A_173 = tpu.memref_slice %arg10[%mul3A_2] : memref<192000xf32, #tpu.memory_space<hbm>> -> memref<6000xf32, #tpu.memory_space<hbm>>
      tpu.enqueue_dma source(%arg20 : memref<6000xf32, #tpu.memory_space<vmem>>) target(%dma_start3A_173 : memref<6000xf32, #tpu.memory_space<hbm>>) target_semaphore(%run_scoped3A : memref<!tpu.dma_semaphore, #tpu.memory_space<semaphore_mem>>)
      %dma_wait3A_174 = tpu.memref_slice %arg10[%mul3A_2] : memref<192000xf32, #tpu.memory_space<hbm>> -> memref<6000xf32, #tpu.memory_space<hbm>>
      %dma_wait3A_175 = tpu.memref_slice %arg10[%mul3A_2] : memref<192000xf32, #tpu.memory_space<hbm>> -> memref<6000xf32, #tpu.memory_space<hbm>>
      tpu.wait_dma2 semaphore(%run_scoped3A : memref<!tpu.dma_semaphore, #tpu.memory_space<semaphore_mem>>) src(%arg20 : memref<6000xf32, #tpu.memory_space<vmem>>) dst(%dma_wait3A_175 : memref<6000xf32, #tpu.memory_space<hbm>>)
      tpu.yield
    }) : () -> ()
    return
  }
}

#map = affine_map<(d0, d1) -> (0, 0)>
#map1 = affine_map<(d0, d1) -> (0)>
#map2 = affine_map<(d0, d1) -> (0, 0, 0)>
module attributes {stable_mosaic.version = 14 : i64} {
  func.func @body(%arg0: i32, %arg1: i32, %arg2: memref<10000x128xf32, #tpu.memory_space<hbm>>, %arg3: memref<10000x128xf32, #tpu.memory_space<hbm>>, %arg4: memref<10000xf32, #tpu.memory_space<hbm>>, %arg5: memref<10000xf32, #tpu.memory_space<hbm>>, %arg6: memref<10000xf32, #tpu.memory_space<hbm>>, %arg7: memref<32x50x80xi32, #tpu.memory_space<hbm>>, %arg8: memref<32x50x80xi32, #tpu.memory_space<hbm>>, %arg9: memref<128000x128xf32, #tpu.memory_space<hbm>>, %arg10: memref<128000xf32, #tpu.memory_space<hbm>>, %arg11: memref<50x80xi32, #tpu.memory_space<vmem>>, %arg12: memref<50x80xi32, #tpu.memory_space<vmem>>, %arg13: memref<10000xf32, #tpu.memory_space<vmem>>, %arg14: memref<10000xf32, #tpu.memory_space<vmem>>, %arg15: memref<10000xf32, #tpu.memory_space<vmem>>, %arg16: memref<80x128xf32, #tpu.memory_space<vmem>>, %arg17: memref<80x128xf32, #tpu.memory_space<vmem>>, %arg18: memref<80x128xf32, #tpu.memory_space<vmem>>, %arg19: memref<80x128xf32, #tpu.memory_space<vmem>>, %arg20: memref<4000xf32, #tpu.memory_space<vmem>>, %arg21: memref<!tpu.dma_semaphore, #tpu.memory_space<semaphore_mem>>, %arg22: memref<!tpu.dma_semaphore, #tpu.memory_space<semaphore_mem>>, %arg23: memref<!tpu.dma_semaphore, #tpu.memory_space<semaphore_mem>>, %arg24: memref<!tpu.dma_semaphore, #tpu.memory_space<semaphore_mem>>) attributes {dimension_semantics = [#tpu.dimension_semantics<core_parallel>, #tpu.dimension_semantics<subcore_parallel>], iteration_bounds = array<i64: 2, 16>, scalar_prefetch = 0 : i64, scratch_operands = 14 : i64, tpu.core_type = #tpu.core_type<sc_vector_subcore>, window_params = [{transform_indices = #map}, {transform_indices = #map}, {transform_indices = #map1}, {transform_indices = #map1}, {transform_indices = #map1}, {transform_indices = #map2}, {transform_indices = #map2}, {transform_indices = #map}, {transform_indices = #map1}]} {
    %mul3A = arith.constant 2 : i32
    %mul3A_0 = arith.muli %arg1, %mul3A : i32
    %add3A = arith.addi %mul3A_0, %arg0 : i32
    %mul3A_1 = arith.constant 4000 : i32
    %mul3A_2 = arith.muli %add3A, %mul3A_1 : i32
    "tpu.region"() ({
      %run_scoped3A = tpu.sem_alloc : memref<!tpu.dma_semaphore, #tpu.memory_space<semaphore_mem>>
      %dma_start3A_314 = arith.constant 0 : i32
      %dma_start3A_315 = arith.constant 0 : i32
      %dma_start3A_316 = tpu.memref_slice %arg7[%add3A, %dma_start3A_314, %dma_start3A_315] : memref<32x50x80xi32, #tpu.memory_space<hbm>> -> memref<1x50x80xi32, #tpu.memory_space<hbm>>
      %dma_start3A_317 = tpu.memref_squeeze %dma_start3A_316 : memref<1x50x80xi32, #tpu.memory_space<hbm>> -> memref<50x80xi32, #tpu.memory_space<hbm>>
      %dma_start3A_318 = arith.constant 0 : i32
      %dma_start3A_319 = arith.constant 0 : i32
      %dma_start3A_320 = tpu.memref_slice %arg7[%add3A, %dma_start3A_318, %dma_start3A_319] : memref<32x50x80xi32, #tpu.memory_space<hbm>> -> memref<1x50x80xi32, #tpu.memory_space<hbm>>
      %dma_start3A_321 = tpu.memref_squeeze %dma_start3A_320 : memref<1x50x80xi32, #tpu.memory_space<hbm>> -> memref<50x80xi32, #tpu.memory_space<hbm>>
      tpu.enqueue_dma source(%dma_start3A_321 : memref<50x80xi32, #tpu.memory_space<hbm>>) target(%arg11 : memref<50x80xi32, #tpu.memory_space<vmem>>) target_semaphore(%run_scoped3A : memref<!tpu.dma_semaphore, #tpu.memory_space<semaphore_mem>>)
      %dma_wait3A_322 = arith.constant 0 : i32
      %dma_wait3A_323 = arith.constant 0 : i32
      %dma_wait3A_324 = tpu.memref_slice %arg7[%add3A, %dma_wait3A_322, %dma_wait3A_323] : memref<32x50x80xi32, #tpu.memory_space<hbm>> -> memref<1x50x80xi32, #tpu.memory_space<hbm>>
      %dma_wait3A_325 = tpu.memref_squeeze %dma_wait3A_324 : memref<1x50x80xi32, #tpu.memory_space<hbm>> -> memref<50x80xi32, #tpu.memory_space<hbm>>
      %dma_wait3A_326 = arith.constant 0 : i32
      %dma_wait3A_327 = arith.constant 0 : i32
      %dma_wait3A_328 = tpu.memref_slice %arg7[%add3A, %dma_wait3A_326, %dma_wait3A_327] : memref<32x50x80xi32, #tpu.memory_space<hbm>> -> memref<1x50x80xi32, #tpu.memory_space<hbm>>
      %dma_wait3A_329 = tpu.memref_squeeze %dma_wait3A_328 : memref<1x50x80xi32, #tpu.memory_space<hbm>> -> memref<50x80xi32, #tpu.memory_space<hbm>>
      tpu.wait_dma2 semaphore(%run_scoped3A : memref<!tpu.dma_semaphore, #tpu.memory_space<semaphore_mem>>) src(%dma_wait3A_329 : memref<50x80xi32, #tpu.memory_space<hbm>>) dst(%arg11 : memref<50x80xi32, #tpu.memory_space<vmem>>)
      tpu.yield
    }) : () -> ()
    "tpu.region"() ({
      %run_scoped3A = tpu.sem_alloc : memref<!tpu.dma_semaphore, #tpu.memory_space<semaphore_mem>>
      %dma_start3A_314 = arith.constant 0 : i32
      %dma_start3A_315 = arith.constant 0 : i32
      %dma_start3A_316 = tpu.memref_slice %arg8[%add3A, %dma_start3A_314, %dma_start3A_315] : memref<32x50x80xi32, #tpu.memory_space<hbm>> -> memref<1x50x80xi32, #tpu.memory_space<hbm>>
      %dma_start3A_317 = tpu.memref_squeeze %dma_start3A_316 : memref<1x50x80xi32, #tpu.memory_space<hbm>> -> memref<50x80xi32, #tpu.memory_space<hbm>>
      %dma_start3A_318 = arith.constant 0 : i32
      %dma_start3A_319 = arith.constant 0 : i32
      %dma_start3A_320 = tpu.memref_slice %arg8[%add3A, %dma_start3A_318, %dma_start3A_319] : memref<32x50x80xi32, #tpu.memory_space<hbm>> -> memref<1x50x80xi32, #tpu.memory_space<hbm>>
      %dma_start3A_321 = tpu.memref_squeeze %dma_start3A_320 : memref<1x50x80xi32, #tpu.memory_space<hbm>> -> memref<50x80xi32, #tpu.memory_space<hbm>>
      tpu.enqueue_dma source(%dma_start3A_321 : memref<50x80xi32, #tpu.memory_space<hbm>>) target(%arg12 : memref<50x80xi32, #tpu.memory_space<vmem>>) target_semaphore(%run_scoped3A : memref<!tpu.dma_semaphore, #tpu.memory_space<semaphore_mem>>)
      %dma_wait3A_322 = arith.constant 0 : i32
      %dma_wait3A_323 = arith.constant 0 : i32
      %dma_wait3A_324 = tpu.memref_slice %arg8[%add3A, %dma_wait3A_322, %dma_wait3A_323] : memref<32x50x80xi32, #tpu.memory_space<hbm>> -> memref<1x50x80xi32, #tpu.memory_space<hbm>>
      %dma_wait3A_325 = tpu.memref_squeeze %dma_wait3A_324 : memref<1x50x80xi32, #tpu.memory_space<hbm>> -> memref<50x80xi32, #tpu.memory_space<hbm>>
      %dma_wait3A_326 = arith.constant 0 : i32
      %dma_wait3A_327 = arith.constant 0 : i32
      %dma_wait3A_328 = tpu.memref_slice %arg8[%add3A, %dma_wait3A_326, %dma_wait3A_327] : memref<32x50x80xi32, #tpu.memory_space<hbm>> -> memref<1x50x80xi32, #tpu.memory_space<hbm>>
      %dma_wait3A_329 = tpu.memref_squeeze %dma_wait3A_328 : memref<1x50x80xi32, #tpu.memory_space<hbm>> -> memref<50x80xi32, #tpu.memory_space<hbm>>
      tpu.wait_dma2 semaphore(%run_scoped3A : memref<!tpu.dma_semaphore, #tpu.memory_space<semaphore_mem>>) src(%dma_wait3A_329 : memref<50x80xi32, #tpu.memory_space<hbm>>) dst(%arg12 : memref<50x80xi32, #tpu.memory_space<vmem>>)
      tpu.yield
    }) : () -> ()
    "tpu.region"() ({
      %run_scoped3A = tpu.sem_alloc : memref<!tpu.dma_semaphore, #tpu.memory_space<semaphore_mem>>
      tpu.enqueue_dma source(%arg4 : memref<10000xf32, #tpu.memory_space<hbm>>) target(%arg13 : memref<10000xf32, #tpu.memory_space<vmem>>) target_semaphore(%run_scoped3A : memref<!tpu.dma_semaphore, #tpu.memory_space<semaphore_mem>>)
      tpu.wait_dma2 semaphore(%run_scoped3A : memref<!tpu.dma_semaphore, #tpu.memory_space<semaphore_mem>>) src(%arg4 : memref<10000xf32, #tpu.memory_space<hbm>>) dst(%arg13 : memref<10000xf32, #tpu.memory_space<vmem>>)
      tpu.yield
    }) : () -> ()
    "tpu.region"() ({
      %run_scoped3A = tpu.sem_alloc : memref<!tpu.dma_semaphore, #tpu.memory_space<semaphore_mem>>
      tpu.enqueue_dma source(%arg5 : memref<10000xf32, #tpu.memory_space<hbm>>) target(%arg14 : memref<10000xf32, #tpu.memory_space<vmem>>) target_semaphore(%run_scoped3A : memref<!tpu.dma_semaphore, #tpu.memory_space<semaphore_mem>>)
      tpu.wait_dma2 semaphore(%run_scoped3A : memref<!tpu.dma_semaphore, #tpu.memory_space<semaphore_mem>>) src(%arg5 : memref<10000xf32, #tpu.memory_space<hbm>>) dst(%arg14 : memref<10000xf32, #tpu.memory_space<vmem>>)
      tpu.yield
    }) : () -> ()
    "tpu.region"() ({
      %run_scoped3A = tpu.sem_alloc : memref<!tpu.dma_semaphore, #tpu.memory_space<semaphore_mem>>
      tpu.enqueue_dma source(%arg6 : memref<10000xf32, #tpu.memory_space<hbm>>) target(%arg15 : memref<10000xf32, #tpu.memory_space<vmem>>) target_semaphore(%run_scoped3A : memref<!tpu.dma_semaphore, #tpu.memory_space<semaphore_mem>>)
      tpu.wait_dma2 semaphore(%run_scoped3A : memref<!tpu.dma_semaphore, #tpu.memory_space<semaphore_mem>>) src(%arg6 : memref<10000xf32, #tpu.memory_space<hbm>>) dst(%arg15 : memref<10000xf32, #tpu.memory_space<vmem>>)
      tpu.yield
    }) : () -> ()
    %dma_start3A = arith.constant 0 : i32
    %dma_start3A_3 = arith.constant 0 : i32
    %dma_start3A_4 = tpu.memref_slice %arg12[%dma_start3A, %dma_start3A_3] : memref<50x80xi32, #tpu.memory_space<vmem>> -> memref<1x80xi32, #tpu.memory_space<vmem>>
    %dma_start3A_5 = tpu.memref_squeeze %dma_start3A_4 : memref<1x80xi32, #tpu.memory_space<vmem>> -> memref<80xi32, #tpu.memory_space<vmem>>
    %dma_start3A_6 = arith.constant 0 : i32
    %dma_start3A_7 = arith.constant 0 : i32
    %dma_start3A_8 = tpu.memref_slice %arg2[%dma_start3A_6, %dma_start3A_7] : memref<10000x128xf32, #tpu.memory_space<hbm>> -> memref<10000x128xf32, #tpu.memory_space<hbm>>
    tpu.enqueue_indirect_dma source(%dma_start3A_8 : memref<10000x128xf32, #tpu.memory_space<hbm>>) target(%arg16 : memref<80x128xf32, #tpu.memory_space<vmem>>) offsets(%dma_start3A_5 : memref<80xi32, #tpu.memory_space<vmem>>) semaphore(%arg21 : memref<!tpu.dma_semaphore, #tpu.memory_space<semaphore_mem>>)
    %dma_start3A_9 = arith.constant 0 : i32
    %dma_start3A_10 = arith.constant 0 : i32
    %dma_start3A_11 = tpu.memref_slice %arg11[%dma_start3A_9, %dma_start3A_10] : memref<50x80xi32, #tpu.memory_space<vmem>> -> memref<1x80xi32, #tpu.memory_space<vmem>>
    %dma_start3A_12 = tpu.memref_squeeze %dma_start3A_11 : memref<1x80xi32, #tpu.memory_space<vmem>> -> memref<80xi32, #tpu.memory_space<vmem>>
    %dma_start3A_13 = arith.constant 0 : i32
    %dma_start3A_14 = arith.constant 0 : i32
    %dma_start3A_15 = tpu.memref_slice %arg3[%dma_start3A_13, %dma_start3A_14] : memref<10000x128xf32, #tpu.memory_space<hbm>> -> memref<10000x128xf32, #tpu.memory_space<hbm>>
    tpu.enqueue_indirect_dma source(%dma_start3A_15 : memref<10000x128xf32, #tpu.memory_space<hbm>>) target(%arg17 : memref<80x128xf32, #tpu.memory_space<vmem>>) offsets(%dma_start3A_12 : memref<80xi32, #tpu.memory_space<vmem>>) semaphore(%arg22 : memref<!tpu.dma_semaphore, #tpu.memory_space<semaphore_mem>>)
    %dma_start3A_16 = arith.constant 1 : i32
    %dma_start3A_17 = arith.constant 0 : i32
    %dma_start3A_18 = tpu.memref_slice %arg12[%dma_start3A_16, %dma_start3A_17] : memref<50x80xi32, #tpu.memory_space<vmem>> -> memref<1x80xi32, #tpu.memory_space<vmem>>
    %dma_start3A_19 = tpu.memref_squeeze %dma_start3A_18 : memref<1x80xi32, #tpu.memory_space<vmem>> -> memref<80xi32, #tpu.memory_space<vmem>>
    %dma_start3A_20 = arith.constant 0 : i32
    %dma_start3A_21 = arith.constant 0 : i32
    %dma_start3A_22 = tpu.memref_slice %arg2[%dma_start3A_20, %dma_start3A_21] : memref<10000x128xf32, #tpu.memory_space<hbm>> -> memref<10000x128xf32, #tpu.memory_space<hbm>>
    tpu.enqueue_indirect_dma source(%dma_start3A_22 : memref<10000x128xf32, #tpu.memory_space<hbm>>) target(%arg18 : memref<80x128xf32, #tpu.memory_space<vmem>>) offsets(%dma_start3A_19 : memref<80xi32, #tpu.memory_space<vmem>>) semaphore(%arg23 : memref<!tpu.dma_semaphore, #tpu.memory_space<semaphore_mem>>)
    %dma_start3A_23 = arith.constant 1 : i32
    %dma_start3A_24 = arith.constant 0 : i32
    %dma_start3A_25 = tpu.memref_slice %arg11[%dma_start3A_23, %dma_start3A_24] : memref<50x80xi32, #tpu.memory_space<vmem>> -> memref<1x80xi32, #tpu.memory_space<vmem>>
    %dma_start3A_26 = tpu.memref_squeeze %dma_start3A_25 : memref<1x80xi32, #tpu.memory_space<vmem>> -> memref<80xi32, #tpu.memory_space<vmem>>
    %dma_start3A_27 = arith.constant 0 : i32
    %dma_start3A_28 = arith.constant 0 : i32
    %dma_start3A_29 = tpu.memref_slice %arg3[%dma_start3A_27, %dma_start3A_28] : memref<10000x128xf32, #tpu.memory_space<hbm>> -> memref<10000x128xf32, #tpu.memory_space<hbm>>
    tpu.enqueue_indirect_dma source(%dma_start3A_29 : memref<10000x128xf32, #tpu.memory_space<hbm>>) target(%arg19 : memref<80x128xf32, #tpu.memory_space<vmem>>) offsets(%dma_start3A_26 : memref<80xi32, #tpu.memory_space<vmem>>) semaphore(%arg24 : memref<!tpu.dma_semaphore, #tpu.memory_space<semaphore_mem>>)
    %scan3A = arith.constant 0 : i32
    %scan3A_30 = arith.constant 0 : i32
    %scan3A_31 = arith.constant 24 : i32
    %scan3A_32 = arith.addi %scan3A_30, %scan3A_31 : i32
    %scan3A_33 = arith.constant 1 : i32
    scf.for %scan3A_314 = %scan3A_30 to %scan3A_32 step %scan3A_33  : i32 {
      %mul3A_315 = arith.constant 2 : i32
      %mul3A_316 = arith.muli %scan3A_314, %mul3A_315 : i32
      %add3A_317 = arith.constant 0 : i32
      %add3A_318 = arith.addi %mul3A_316, %add3A_317 : i32
      %get3A_319 = arith.index_cast %add3A_318 : i32 to index
      %get3A_320 = arith.constant 0 : index
      %get3A_321 = tpu.vector_load %arg11[%get3A_319, %get3A_320] {strides = array<i32>} : memref<50x80xi32, #tpu.memory_space<vmem>>, vector<16xi32>,
      %get3A_322 = arith.index_cast %add3A_318 : i32 to index
      %get3A_323 = arith.constant 0 : index
      %get3A_324 = tpu.vector_load %arg12[%get3A_322, %get3A_323] {strides = array<i32>} : memref<50x80xi32, #tpu.memory_space<vmem>>, vector<16xi32>,
      %gather3A_325 = tpu.vector_load_idx %arg13[%get3A_324] : memref<10000xf32, #tpu.memory_space<vmem>>[vector<16xi32>], vector<16xf32>,
      %gather3A_326 = tpu.vector_load_idx %arg13[%get3A_321] : memref<10000xf32, #tpu.memory_space<vmem>>[vector<16xi32>], vector<16xf32>,
      %sub3A_327 = arith.subf %gather3A_325, %gather3A_326 : vector<16xf32>
      %gather3A_328 = tpu.vector_load_idx %arg14[%get3A_324] : memref<10000xf32, #tpu.memory_space<vmem>>[vector<16xi32>], vector<16xf32>,
      %gather3A_329 = tpu.vector_load_idx %arg14[%get3A_321] : memref<10000xf32, #tpu.memory_space<vmem>>[vector<16xi32>], vector<16xf32>,
      %sub3A_330 = arith.subf %gather3A_328, %gather3A_329 : vector<16xf32>
      %gather3A_331 = tpu.vector_load_idx %arg15[%get3A_324] : memref<10000xf32, #tpu.memory_space<vmem>>[vector<16xi32>], vector<16xf32>,
      %gather3A_332 = tpu.vector_load_idx %arg15[%get3A_321] : memref<10000xf32, #tpu.memory_space<vmem>>[vector<16xi32>], vector<16xf32>,
      %sub3A_333 = arith.subf %gather3A_331, %gather3A_332 : vector<16xf32>
      %mul3A_334 = arith.mulf %sub3A_327, %sub3A_327 : vector<16xf32>
      %mul3A_335 = arith.mulf %sub3A_330, %sub3A_330 : vector<16xf32>
      %add3A_336 = arith.addf %mul3A_334, %mul3A_335 : vector<16xf32>
      %mul3A_337 = arith.mulf %sub3A_333, %sub3A_333 : vector<16xf32>
      %add3A_338 = arith.addf %add3A_336, %mul3A_337 : vector<16xf32>
      %mul3A_339 = arith.constant 80 : i32
      %mul3A_340 = arith.muli %add3A_318, %mul3A_339 : i32
      %add3A_341 = arith.constant 0 : i32
      %add3A_342 = arith.addi %mul3A_340, %add3A_341 : i32
      %swap3A_343 = arith.index_cast %add3A_342 : i32 to index
      %swap3A_344 = tpu.vector_load %arg20[%swap3A_343] {strides = array<i32>} : memref<4000xf32, #tpu.memory_space<vmem>>, vector<16xf32>,
      tpu.vector_store %arg20[%swap3A_343], %add3A_338 {strides = array<i32>} : memref<4000xf32, #tpu.memory_space<vmem>>, vector<16xf32>,
      %get3A_345 = arith.index_cast %add3A_318 : i32 to index
      %get3A_346 = arith.constant 16 : index
      %get3A_347 = tpu.vector_load %arg11[%get3A_345, %get3A_346] {strides = array<i32>} : memref<50x80xi32, #tpu.memory_space<vmem>>, vector<16xi32>,
      %get3A_348 = arith.index_cast %add3A_318 : i32 to index
      %get3A_349 = arith.constant 16 : index
      %get3A_350 = tpu.vector_load %arg12[%get3A_348, %get3A_349] {strides = array<i32>} : memref<50x80xi32, #tpu.memory_space<vmem>>, vector<16xi32>,
      %gather3A_351 = tpu.vector_load_idx %arg13[%get3A_350] : memref<10000xf32, #tpu.memory_space<vmem>>[vector<16xi32>], vector<16xf32>,
      %gather3A_352 = tpu.vector_load_idx %arg13[%get3A_347] : memref<10000xf32, #tpu.memory_space<vmem>>[vector<16xi32>], vector<16xf32>,
      %sub3A_353 = arith.subf %gather3A_351, %gather3A_352 : vector<16xf32>
      %gather3A_354 = tpu.vector_load_idx %arg14[%get3A_350] : memref<10000xf32, #tpu.memory_space<vmem>>[vector<16xi32>], vector<16xf32>,
      %gather3A_355 = tpu.vector_load_idx %arg14[%get3A_347] : memref<10000xf32, #tpu.memory_space<vmem>>[vector<16xi32>], vector<16xf32>,
      %sub3A_356 = arith.subf %gather3A_354, %gather3A_355 : vector<16xf32>
      %gather3A_357 = tpu.vector_load_idx %arg15[%get3A_350] : memref<10000xf32, #tpu.memory_space<vmem>>[vector<16xi32>], vector<16xf32>,
      %gather3A_358 = tpu.vector_load_idx %arg15[%get3A_347] : memref<10000xf32, #tpu.memory_space<vmem>>[vector<16xi32>], vector<16xf32>,
      %sub3A_359 = arith.subf %gather3A_357, %gather3A_358 : vector<16xf32>
      %mul3A_360 = arith.mulf %sub3A_353, %sub3A_353 : vector<16xf32>
      %mul3A_361 = arith.mulf %sub3A_356, %sub3A_356 : vector<16xf32>
      %add3A_362 = arith.addf %mul3A_360, %mul3A_361 : vector<16xf32>
      %mul3A_363 = arith.mulf %sub3A_359, %sub3A_359 : vector<16xf32>
      %add3A_364 = arith.addf %add3A_362, %mul3A_363 : vector<16xf32>
      %mul3A_365 = arith.constant 80 : i32
      %mul3A_366 = arith.muli %add3A_318, %mul3A_365 : i32
      %add3A_367 = arith.constant 16 : i32
      %add3A_368 = arith.addi %mul3A_366, %add3A_367 : i32
      %swap3A_369 = arith.index_cast %add3A_368 : i32 to index
      %swap3A_370 = tpu.vector_load %arg20[%swap3A_369] {strides = array<i32>} : memref<4000xf32, #tpu.memory_space<vmem>>, vector<16xf32>,
      tpu.vector_store %arg20[%swap3A_369], %add3A_364 {strides = array<i32>} : memref<4000xf32, #tpu.memory_space<vmem>>, vector<16xf32>,
      %get3A_371 = arith.index_cast %add3A_318 : i32 to index
      %get3A_372 = arith.constant 32 : index
      %get3A_373 = tpu.vector_load %arg11[%get3A_371, %get3A_372] {strides = array<i32>} : memref<50x80xi32, #tpu.memory_space<vmem>>, vector<16xi32>,
      %get3A_374 = arith.index_cast %add3A_318 : i32 to index
      %get3A_375 = arith.constant 32 : index
      %get3A_376 = tpu.vector_load %arg12[%get3A_374, %get3A_375] {strides = array<i32>} : memref<50x80xi32, #tpu.memory_space<vmem>>, vector<16xi32>,
      %gather3A_377 = tpu.vector_load_idx %arg13[%get3A_376] : memref<10000xf32, #tpu.memory_space<vmem>>[vector<16xi32>], vector<16xf32>,
      %gather3A_378 = tpu.vector_load_idx %arg13[%get3A_373] : memref<10000xf32, #tpu.memory_space<vmem>>[vector<16xi32>], vector<16xf32>,
      %sub3A_379 = arith.subf %gather3A_377, %gather3A_378 : vector<16xf32>
      %gather3A_380 = tpu.vector_load_idx %arg14[%get3A_376] : memref<10000xf32, #tpu.memory_space<vmem>>[vector<16xi32>], vector<16xf32>,
      %gather3A_381 = tpu.vector_load_idx %arg14[%get3A_373] : memref<10000xf32, #tpu.memory_space<vmem>>[vector<16xi32>], vector<16xf32>,
      %sub3A_382 = arith.subf %gather3A_380, %gather3A_381 : vector<16xf32>
      %gather3A_383 = tpu.vector_load_idx %arg15[%get3A_376] : memref<10000xf32, #tpu.memory_space<vmem>>[vector<16xi32>], vector<16xf32>,
      %gather3A_384 = tpu.vector_load_idx %arg15[%get3A_373] : memref<10000xf32, #tpu.memory_space<vmem>>[vector<16xi32>], vector<16xf32>,
      %sub3A_385 = arith.subf %gather3A_383, %gather3A_384 : vector<16xf32>
      %mul3A_386 = arith.mulf %sub3A_379, %sub3A_379 : vector<16xf32>
      %mul3A_387 = arith.mulf %sub3A_382, %sub3A_382 : vector<16xf32>
      %add3A_388 = arith.addf %mul3A_386, %mul3A_387 : vector<16xf32>
      %mul3A_389 = arith.mulf %sub3A_385, %sub3A_385 : vector<16xf32>
      %add3A_390 = arith.addf %add3A_388, %mul3A_389 : vector<16xf32>
      %mul3A_391 = arith.constant 80 : i32
      %mul3A_392 = arith.muli %add3A_318, %mul3A_391 : i32
      %add3A_393 = arith.constant 32 : i32
      %add3A_394 = arith.addi %mul3A_392, %add3A_393 : i32
      %swap3A_395 = arith.index_cast %add3A_394 : i32 to index
      %swap3A_396 = tpu.vector_load %arg20[%swap3A_395] {strides = array<i32>} : memref<4000xf32, #tpu.memory_space<vmem>>, vector<16xf32>,
      tpu.vector_store %arg20[%swap3A_395], %add3A_390 {strides = array<i32>} : memref<4000xf32, #tpu.memory_space<vmem>>, vector<16xf32>,
      %get3A_397 = arith.index_cast %add3A_318 : i32 to index
      %get3A_398 = arith.constant 48 : index
      %get3A_399 = tpu.vector_load %arg11[%get3A_397, %get3A_398] {strides = array<i32>} : memref<50x80xi32, #tpu.memory_space<vmem>>, vector<16xi32>,
      %get3A_400 = arith.index_cast %add3A_318 : i32 to index
      %get3A_401 = arith.constant 48 : index
      %get3A_402 = tpu.vector_load %arg12[%get3A_400, %get3A_401] {strides = array<i32>} : memref<50x80xi32, #tpu.memory_space<vmem>>, vector<16xi32>,
      %gather3A_403 = tpu.vector_load_idx %arg13[%get3A_402] : memref<10000xf32, #tpu.memory_space<vmem>>[vector<16xi32>], vector<16xf32>,
      %gather3A_404 = tpu.vector_load_idx %arg13[%get3A_399] : memref<10000xf32, #tpu.memory_space<vmem>>[vector<16xi32>], vector<16xf32>,
      %sub3A_405 = arith.subf %gather3A_403, %gather3A_404 : vector<16xf32>
      %gather3A_406 = tpu.vector_load_idx %arg14[%get3A_402] : memref<10000xf32, #tpu.memory_space<vmem>>[vector<16xi32>], vector<16xf32>,
      %gather3A_407 = tpu.vector_load_idx %arg14[%get3A_399] : memref<10000xf32, #tpu.memory_space<vmem>>[vector<16xi32>], vector<16xf32>,
      %sub3A_408 = arith.subf %gather3A_406, %gather3A_407 : vector<16xf32>
      %gather3A_409 = tpu.vector_load_idx %arg15[%get3A_402] : memref<10000xf32, #tpu.memory_space<vmem>>[vector<16xi32>], vector<16xf32>,
      %gather3A_410 = tpu.vector_load_idx %arg15[%get3A_399] : memref<10000xf32, #tpu.memory_space<vmem>>[vector<16xi32>], vector<16xf32>,
      %sub3A_411 = arith.subf %gather3A_409, %gather3A_410 : vector<16xf32>
      %mul3A_412 = arith.mulf %sub3A_405, %sub3A_405 : vector<16xf32>
      %mul3A_413 = arith.mulf %sub3A_408, %sub3A_408 : vector<16xf32>
      %add3A_414 = arith.addf %mul3A_412, %mul3A_413 : vector<16xf32>
      %mul3A_415 = arith.mulf %sub3A_411, %sub3A_411 : vector<16xf32>
      %add3A_416 = arith.addf %add3A_414, %mul3A_415 : vector<16xf32>
      %mul3A_417 = arith.constant 80 : i32
      %mul3A_418 = arith.muli %add3A_318, %mul3A_417 : i32
      %add3A_419 = arith.constant 48 : i32
      %add3A_420 = arith.addi %mul3A_418, %add3A_419 : i32
      %swap3A_421 = arith.index_cast %add3A_420 : i32 to index
      %swap3A_422 = tpu.vector_load %arg20[%swap3A_421] {strides = array<i32>} : memref<4000xf32, #tpu.memory_space<vmem>>, vector<16xf32>,
      tpu.vector_store %arg20[%swap3A_421], %add3A_416 {strides = array<i32>} : memref<4000xf32, #tpu.memory_space<vmem>>, vector<16xf32>,
      %get3A_423 = arith.index_cast %add3A_318 : i32 to index
      %get3A_424 = arith.constant 64 : index
      %get3A_425 = tpu.vector_load %arg11[%get3A_423, %get3A_424] {strides = array<i32>} : memref<50x80xi32, #tpu.memory_space<vmem>>, vector<16xi32>,
      %get3A_426 = arith.index_cast %add3A_318 : i32 to index
      %get3A_427 = arith.constant 64 : index
      %get3A_428 = tpu.vector_load %arg12[%get3A_426, %get3A_427] {strides = array<i32>} : memref<50x80xi32, #tpu.memory_space<vmem>>, vector<16xi32>,
      %gather3A_429 = tpu.vector_load_idx %arg13[%get3A_428] : memref<10000xf32, #tpu.memory_space<vmem>>[vector<16xi32>], vector<16xf32>,
      %gather3A_430 = tpu.vector_load_idx %arg13[%get3A_425] : memref<10000xf32, #tpu.memory_space<vmem>>[vector<16xi32>], vector<16xf32>,
      %sub3A_431 = arith.subf %gather3A_429, %gather3A_430 : vector<16xf32>
      %gather3A_432 = tpu.vector_load_idx %arg14[%get3A_428] : memref<10000xf32, #tpu.memory_space<vmem>>[vector<16xi32>], vector<16xf32>,
      %gather3A_433 = tpu.vector_load_idx %arg14[%get3A_425] : memref<10000xf32, #tpu.memory_space<vmem>>[vector<16xi32>], vector<16xf32>,
      %sub3A_434 = arith.subf %gather3A_432, %gather3A_433 : vector<16xf32>
      %gather3A_435 = tpu.vector_load_idx %arg15[%get3A_428] : memref<10000xf32, #tpu.memory_space<vmem>>[vector<16xi32>], vector<16xf32>,
      %gather3A_436 = tpu.vector_load_idx %arg15[%get3A_425] : memref<10000xf32, #tpu.memory_space<vmem>>[vector<16xi32>], vector<16xf32>,
      %sub3A_437 = arith.subf %gather3A_435, %gather3A_436 : vector<16xf32>
      %mul3A_438 = arith.mulf %sub3A_431, %sub3A_431 : vector<16xf32>
      %mul3A_439 = arith.mulf %sub3A_434, %sub3A_434 : vector<16xf32>
      %add3A_440 = arith.addf %mul3A_438, %mul3A_439 : vector<16xf32>
      %mul3A_441 = arith.mulf %sub3A_437, %sub3A_437 : vector<16xf32>
      %add3A_442 = arith.addf %add3A_440, %mul3A_441 : vector<16xf32>
      %mul3A_443 = arith.constant 80 : i32
      %mul3A_444 = arith.muli %add3A_318, %mul3A_443 : i32
      %add3A_445 = arith.constant 64 : i32
      %add3A_446 = arith.addi %mul3A_444, %add3A_445 : i32
      %swap3A_447 = arith.index_cast %add3A_446 : i32 to index
      %swap3A_448 = tpu.vector_load %arg20[%swap3A_447] {strides = array<i32>} : memref<4000xf32, #tpu.memory_space<vmem>>, vector<16xf32>,
      tpu.vector_store %arg20[%swap3A_447], %add3A_442 {strides = array<i32>} : memref<4000xf32, #tpu.memory_space<vmem>>, vector<16xf32>,
      %dma_wait3A_449 = arith.constant 0 : i32
      %dma_wait3A_450 = tpu.memref_slice %arg12[%add3A_318, %dma_wait3A_449] : memref<50x80xi32, #tpu.memory_space<vmem>> -> memref<1x80xi32, #tpu.memory_space<vmem>>
      %dma_wait3A_451 = tpu.memref_squeeze %dma_wait3A_450 : memref<1x80xi32, #tpu.memory_space<vmem>> -> memref<80xi32, #tpu.memory_space<vmem>>
      %dma_wait3A_452 = arith.constant 0 : i32
      %dma_wait3A_453 = arith.constant 0 : i32
      %dma_wait3A_454 = tpu.memref_slice %arg2[%dma_wait3A_452, %dma_wait3A_453] : memref<10000x128xf32, #tpu.memory_space<hbm>> -> memref<10000x128xf32, #tpu.memory_space<hbm>>
      tpu.wait_indirect_dma semaphore(%arg21 : memref<!tpu.dma_semaphore, #tpu.memory_space<semaphore_mem>>) src(%dma_wait3A_454 : memref<10000x128xf32, #tpu.memory_space<hbm>>) dst(%arg16 : memref<80x128xf32, #tpu.memory_space<vmem>>)
      %dma_wait3A_455 = arith.constant 0 : i32
      %dma_wait3A_456 = tpu.memref_slice %arg11[%add3A_318, %dma_wait3A_455] : memref<50x80xi32, #tpu.memory_space<vmem>> -> memref<1x80xi32, #tpu.memory_space<vmem>>
      %dma_wait3A_457 = tpu.memref_squeeze %dma_wait3A_456 : memref<1x80xi32, #tpu.memory_space<vmem>> -> memref<80xi32, #tpu.memory_space<vmem>>
      %dma_wait3A_458 = arith.constant 0 : i32
      %dma_wait3A_459 = arith.constant 0 : i32
      %dma_wait3A_460 = tpu.memref_slice %arg3[%dma_wait3A_458, %dma_wait3A_459] : memref<10000x128xf32, #tpu.memory_space<hbm>> -> memref<10000x128xf32, #tpu.memory_space<hbm>>
      tpu.wait_indirect_dma semaphore(%arg22 : memref<!tpu.dma_semaphore, #tpu.memory_space<semaphore_mem>>) src(%dma_wait3A_460 : memref<10000x128xf32, #tpu.memory_space<hbm>>) dst(%arg17 : memref<80x128xf32, #tpu.memory_space<vmem>>)
      %scan3A_461 = arith.constant 0 : i32
      %scan3A_462 = arith.constant 0 : i32
      %scan3A_463 = arith.constant 80 : i32
      %scan3A_464 = arith.addi %scan3A_462, %scan3A_463 : i32
      %scan3A_465 = arith.constant 1 : i32
      scf.for %scan3A_634 = %scan3A_462 to %scan3A_464 step %scan3A_465  : i32 {
        %get3A_635 = arith.index_cast %scan3A_634 : i32 to index
        %get3A_636 = arith.constant 0 : index
        %get3A_637 = tpu.vector_load %arg16[%get3A_635, %get3A_636] {strides = array<i32>} : memref<80x128xf32, #tpu.memory_space<vmem>>, vector<16xf32>,
        %get3A_638 = arith.index_cast %scan3A_634 : i32 to index
        %get3A_639 = arith.constant 0 : index
        %get3A_640 = tpu.vector_load %arg17[%get3A_638, %get3A_639] {strides = array<i32>} : memref<80x128xf32, #tpu.memory_space<vmem>>, vector<16xf32>,
        %add3A_641 = arith.addf %get3A_637, %get3A_640 : vector<16xf32>
        %swap3A_642 = arith.index_cast %scan3A_634 : i32 to index
        %swap3A_643 = arith.constant 0 : index
        %swap3A_644 = tpu.vector_load %arg16[%swap3A_642, %swap3A_643] {strides = array<i32>} : memref<80x128xf32, #tpu.memory_space<vmem>>, vector<16xf32>,
        tpu.vector_store %arg16[%swap3A_642, %swap3A_643], %add3A_641 {strides = array<i32>} : memref<80x128xf32, #tpu.memory_space<vmem>>, vector<16xf32>,
        %get3A_645 = arith.index_cast %scan3A_634 : i32 to index
        %get3A_646 = arith.constant 16 : index
        %get3A_647 = tpu.vector_load %arg16[%get3A_645, %get3A_646] {strides = array<i32>} : memref<80x128xf32, #tpu.memory_space<vmem>>, vector<16xf32>,
        %get3A_648 = arith.index_cast %scan3A_634 : i32 to index
        %get3A_649 = arith.constant 16 : index
        %get3A_650 = tpu.vector_load %arg17[%get3A_648, %get3A_649] {strides = array<i32>} : memref<80x128xf32, #tpu.memory_space<vmem>>, vector<16xf32>,
        %add3A_651 = arith.addf %get3A_647, %get3A_650 : vector<16xf32>
        %swap3A_652 = arith.index_cast %scan3A_634 : i32 to index
        %swap3A_653 = arith.constant 16 : index
        %swap3A_654 = tpu.vector_load %arg16[%swap3A_652, %swap3A_653] {strides = array<i32>} : memref<80x128xf32, #tpu.memory_space<vmem>>, vector<16xf32>,
        tpu.vector_store %arg16[%swap3A_652, %swap3A_653], %add3A_651 {strides = array<i32>} : memref<80x128xf32, #tpu.memory_space<vmem>>, vector<16xf32>,
        %get3A_655 = arith.index_cast %scan3A_634 : i32 to index
        %get3A_656 = arith.constant 32 : index
        %get3A_657 = tpu.vector_load %arg16[%get3A_655, %get3A_656] {strides = array<i32>} : memref<80x128xf32, #tpu.memory_space<vmem>>, vector<16xf32>,
        %get3A_658 = arith.index_cast %scan3A_634 : i32 to index
        %get3A_659 = arith.constant 32 : index
        %get3A_660 = tpu.vector_load %arg17[%get3A_658, %get3A_659] {strides = array<i32>} : memref<80x128xf32, #tpu.memory_space<vmem>>, vector<16xf32>,
        %add3A_661 = arith.addf %get3A_657, %get3A_660 : vector<16xf32>
        %swap3A_662 = arith.index_cast %scan3A_634 : i32 to index
        %swap3A_663 = arith.constant 32 : index
        %swap3A_664 = tpu.vector_load %arg16[%swap3A_662, %swap3A_663] {strides = array<i32>} : memref<80x128xf32, #tpu.memory_space<vmem>>, vector<16xf32>,
        tpu.vector_store %arg16[%swap3A_662, %swap3A_663], %add3A_661 {strides = array<i32>} : memref<80x128xf32, #tpu.memory_space<vmem>>, vector<16xf32>,
        %get3A_665 = arith.index_cast %scan3A_634 : i32 to index
        %get3A_666 = arith.constant 48 : index
        %get3A_667 = tpu.vector_load %arg16[%get3A_665, %get3A_666] {strides = array<i32>} : memref<80x128xf32, #tpu.memory_space<vmem>>, vector<16xf32>,
        %get3A_668 = arith.index_cast %scan3A_634 : i32 to index
        %get3A_669 = arith.constant 48 : index
        %get3A_670 = tpu.vector_load %arg17[%get3A_668, %get3A_669] {strides = array<i32>} : memref<80x128xf32, #tpu.memory_space<vmem>>, vector<16xf32>,
        %add3A_671 = arith.addf %get3A_667, %get3A_670 : vector<16xf32>
        %swap3A_672 = arith.index_cast %scan3A_634 : i32 to index
        %swap3A_673 = arith.constant 48 : index
        %swap3A_674 = tpu.vector_load %arg16[%swap3A_672, %swap3A_673] {strides = array<i32>} : memref<80x128xf32, #tpu.memory_space<vmem>>, vector<16xf32>,
        tpu.vector_store %arg16[%swap3A_672, %swap3A_673], %add3A_671 {strides = array<i32>} : memref<80x128xf32, #tpu.memory_space<vmem>>, vector<16xf32>,
        %get3A_675 = arith.index_cast %scan3A_634 : i32 to index
        %get3A_676 = arith.constant 64 : index
        %get3A_677 = tpu.vector_load %arg16[%get3A_675, %get3A_676] {strides = array<i32>} : memref<80x128xf32, #tpu.memory_space<vmem>>, vector<16xf32>,
        %get3A_678 = arith.index_cast %scan3A_634 : i32 to index
        %get3A_679 = arith.constant 64 : index
        %get3A_680 = tpu.vector_load %arg17[%get3A_678, %get3A_679] {strides = array<i32>} : memref<80x128xf32, #tpu.memory_space<vmem>>, vector<16xf32>,
        %add3A_681 = arith.addf %get3A_677, %get3A_680 : vector<16xf32>
        %swap3A_682 = arith.index_cast %scan3A_634 : i32 to index
        %swap3A_683 = arith.constant 64 : index
        %swap3A_684 = tpu.vector_load %arg16[%swap3A_682, %swap3A_683] {strides = array<i32>} : memref<80x128xf32, #tpu.memory_space<vmem>>, vector<16xf32>,
        tpu.vector_store %arg16[%swap3A_682, %swap3A_683], %add3A_681 {strides = array<i32>} : memref<80x128xf32, #tpu.memory_space<vmem>>, vector<16xf32>,
        %get3A_685 = arith.index_cast %scan3A_634 : i32 to index
        %get3A_686 = arith.constant 80 : index
        %get3A_687 = tpu.vector_load %arg16[%get3A_685, %get3A_686] {strides = array<i32>} : memref<80x128xf32, #tpu.memory_space<vmem>>, vector<16xf32>,
        %get3A_688 = arith.index_cast %scan3A_634 : i32 to index
        %get3A_689 = arith.constant 80 : index
        %get3A_690 = tpu.vector_load %arg17[%get3A_688, %get3A_689] {strides = array<i32>} : memref<80x128xf32, #tpu.memory_space<vmem>>, vector<16xf32>,
        %add3A_691 = arith.addf %get3A_687, %get3A_690 : vector<16xf32>
        %swap3A_692 = arith.index_cast %scan3A_634 : i32 to index
        %swap3A_693 = arith.constant 80 : index
        %swap3A_694 = tpu.vector_load %arg16[%swap3A_692, %swap3A_693] {strides = array<i32>} : memref<80x128xf32, #tpu.memory_space<vmem>>, vector<16xf32>,
        tpu.vector_store %arg16[%swap3A_692, %swap3A_693], %add3A_691 {strides = array<i32>} : memref<80x128xf32, #tpu.memory_space<vmem>>, vector<16xf32>,
        %get3A_695 = arith.index_cast %scan3A_634 : i32 to index
        %get3A_696 = arith.constant 96 : index
        %get3A_697 = tpu.vector_load %arg16[%get3A_695, %get3A_696] {strides = array<i32>} : memref<80x128xf32, #tpu.memory_space<vmem>>, vector<16xf32>,
        %get3A_698 = arith.index_cast %scan3A_634 : i32 to index
        %get3A_699 = arith.constant 96 : index
        %get3A_700 = tpu.vector_load %arg17[%get3A_698, %get3A_699] {strides = array<i32>} : memref<80x128xf32, #tpu.memory_space<vmem>>, vector<16xf32>,
        %add3A_701 = arith.addf %get3A_697, %get3A_700 : vector<16xf32>
        %swap3A_702 = arith.index_cast %scan3A_634 : i32 to index
        %swap3A_703 = arith.constant 96 : index
        %swap3A_704 = tpu.vector_load %arg16[%swap3A_702, %swap3A_703] {strides = array<i32>} : memref<80x128xf32, #tpu.memory_space<vmem>>, vector<16xf32>,
        tpu.vector_store %arg16[%swap3A_702, %swap3A_703], %add3A_701 {strides = array<i32>} : memref<80x128xf32, #tpu.memory_space<vmem>>, vector<16xf32>,
        %get3A_705 = arith.index_cast %scan3A_634 : i32 to index
        %get3A_706 = arith.constant 112 : index
        %get3A_707 = tpu.vector_load %arg16[%get3A_705, %get3A_706] {strides = array<i32>} : memref<80x128xf32, #tpu.memory_space<vmem>>, vector<16xf32>,
        %get3A_708 = arith.index_cast %scan3A_634 : i32 to index
        %get3A_709 = arith.constant 112 : index
        %get3A_710 = tpu.vector_load %arg17[%get3A_708, %get3A_709] {strides = array<i32>} : memref<80x128xf32, #tpu.memory_space<vmem>>, vector<16xf32>,
        %add3A_711 = arith.addf %get3A_707, %get3A_710 : vector<16xf32>
        %swap3A_712 = arith.index_cast %scan3A_634 : i32 to index
        %swap3A_713 = arith.constant 112 : index
        %swap3A_714 = tpu.vector_load %arg16[%swap3A_712, %swap3A_713] {strides = array<i32>} : memref<80x128xf32, #tpu.memory_space<vmem>>, vector<16xf32>,
        tpu.vector_store %arg16[%swap3A_712, %swap3A_713], %add3A_711 {strides = array<i32>} : memref<80x128xf32, #tpu.memory_space<vmem>>, vector<16xf32>,
      }
      %scan3A_466 = arith.constant 80 : i32
      %mul3A_467 = arith.constant 80 : i32
      %mul3A_468 = arith.muli %add3A_318, %mul3A_467 : i32
      %add3A_469 = arith.addi %mul3A_2, %mul3A_468 : i32
      "tpu.region"() ({
        %run_scoped3A = tpu.sem_alloc : memref<!tpu.dma_semaphore, #tpu.memory_space<semaphore_mem>>
        %dma_start3A_634 = arith.constant 0 : i32
        %dma_start3A_635 = tpu.memref_slice %arg9[%add3A_469, %dma_start3A_634] : memref<128000x128xf32, #tpu.memory_space<hbm>> -> memref<80x128xf32, #tpu.memory_space<hbm>>
        %dma_start3A_636 = arith.constant 0 : i32
        %dma_start3A_637 = tpu.memref_slice %arg9[%add3A_469, %dma_start3A_636] : memref<128000x128xf32, #tpu.memory_space<hbm>> -> memref<80x128xf32, #tpu.memory_space<hbm>>
        tpu.enqueue_dma source(%arg16 : memref<80x128xf32, #tpu.memory_space<vmem>>) target(%dma_start3A_637 : memref<80x128xf32, #tpu.memory_space<hbm>>) target_semaphore(%run_scoped3A : memref<!tpu.dma_semaphore, #tpu.memory_space<semaphore_mem>>)
        %dma_wait3A_638 = arith.constant 0 : i32
        %dma_wait3A_639 = tpu.memref_slice %arg9[%add3A_469, %dma_wait3A_638] : memref<128000x128xf32, #tpu.memory_space<hbm>> -> memref<80x128xf32, #tpu.memory_space<hbm>>
        %dma_wait3A_640 = arith.constant 0 : i32
        %dma_wait3A_641 = tpu.memref_slice %arg9[%add3A_469, %dma_wait3A_640] : memref<128000x128xf32, #tpu.memory_space<hbm>> -> memref<80x128xf32, #tpu.memory_space<hbm>>
        tpu.wait_dma2 semaphore(%run_scoped3A : memref<!tpu.dma_semaphore, #tpu.memory_space<semaphore_mem>>) src(%arg16 : memref<80x128xf32, #tpu.memory_space<vmem>>) dst(%dma_wait3A_641 : memref<80x128xf32, #tpu.memory_space<hbm>>)
        tpu.yield
      }) : () -> ()
      %add3A_470 = arith.constant 2 : i32
      %add3A_471 = arith.addi %add3A_318, %add3A_470 : i32
      %lt3A = arith.constant 50 : i32
      %lt3A_472 = arith.cmpi slt, %add3A_471, %lt3A : i32
      %convert_element_type3A = arith.extui %lt3A_472 : i1 to i32
      %cond3A = arith.constant 0 : i32
      %cond3A_473 = arith.cmpi ne, %convert_element_type3A, %cond3A : i32
      scf.if %cond3A_473 {
        %add3A_634 = arith.constant 2 : i32
        %add3A_635 = arith.addi %add3A_318, %add3A_634 : i32
        %dma_start3A_636 = arith.constant 0 : i32
        %dma_start3A_637 = tpu.memref_slice %arg12[%add3A_635, %dma_start3A_636] : memref<50x80xi32, #tpu.memory_space<vmem>> -> memref<1x80xi32, #tpu.memory_space<vmem>>
        %dma_start3A_638 = tpu.memref_squeeze %dma_start3A_637 : memref<1x80xi32, #tpu.memory_space<vmem>> -> memref<80xi32, #tpu.memory_space<vmem>>
        %dma_start3A_639 = arith.constant 0 : i32
        %dma_start3A_640 = arith.constant 0 : i32
        %dma_start3A_641 = tpu.memref_slice %arg2[%dma_start3A_639, %dma_start3A_640] : memref<10000x128xf32, #tpu.memory_space<hbm>> -> memref<10000x128xf32, #tpu.memory_space<hbm>>
        tpu.enqueue_indirect_dma source(%dma_start3A_641 : memref<10000x128xf32, #tpu.memory_space<hbm>>) target(%arg16 : memref<80x128xf32, #tpu.memory_space<vmem>>) offsets(%dma_start3A_638 : memref<80xi32, #tpu.memory_space<vmem>>) semaphore(%arg21 : memref<!tpu.dma_semaphore, #tpu.memory_space<semaphore_mem>>)
        %dma_start3A_642 = arith.constant 0 : i32
        %dma_start3A_643 = tpu.memref_slice %arg11[%add3A_635, %dma_start3A_642] : memref<50x80xi32, #tpu.memory_space<vmem>> -> memref<1x80xi32, #tpu.memory_space<vmem>>
        %dma_start3A_644 = tpu.memref_squeeze %dma_start3A_643 : memref<1x80xi32, #tpu.memory_space<vmem>> -> memref<80xi32, #tpu.memory_space<vmem>>
        %dma_start3A_645 = arith.constant 0 : i32
        %dma_start3A_646 = arith.constant 0 : i32
        %dma_start3A_647 = tpu.memref_slice %arg3[%dma_start3A_645, %dma_start3A_646] : memref<10000x128xf32, #tpu.memory_space<hbm>> -> memref<10000x128xf32, #tpu.memory_space<hbm>>
        tpu.enqueue_indirect_dma source(%dma_start3A_647 : memref<10000x128xf32, #tpu.memory_space<hbm>>) target(%arg17 : memref<80x128xf32, #tpu.memory_space<vmem>>) offsets(%dma_start3A_644 : memref<80xi32, #tpu.memory_space<vmem>>) semaphore(%arg22 : memref<!tpu.dma_semaphore, #tpu.memory_space<semaphore_mem>>)
      } else {
      }
      %add3A_474 = arith.constant 1 : i32
      %add3A_475 = arith.addi %mul3A_316, %add3A_474 : i32
      %get3A_476 = arith.index_cast %add3A_475 : i32 to index
      %get3A_477 = arith.constant 0 : index
      %get3A_478 = tpu.vector_load %arg11[%get3A_476, %get3A_477] {strides = array<i32>} : memref<50x80xi32, #tpu.memory_space<vmem>>, vector<16xi32>,
      %get3A_479 = arith.index_cast %add3A_475 : i32 to index
      %get3A_480 = arith.constant 0 : index
      %get3A_481 = tpu.vector_load %arg12[%get3A_479, %get3A_480] {strides = array<i32>} : memref<50x80xi32, #tpu.memory_space<vmem>>, vector<16xi32>,
      %gather3A_482 = tpu.vector_load_idx %arg13[%get3A_481] : memref<10000xf32, #tpu.memory_space<vmem>>[vector<16xi32>], vector<16xf32>,
      %gather3A_483 = tpu.vector_load_idx %arg13[%get3A_478] : memref<10000xf32, #tpu.memory_space<vmem>>[vector<16xi32>], vector<16xf32>,
      %sub3A_484 = arith.subf %gather3A_482, %gather3A_483 : vector<16xf32>
      %gather3A_485 = tpu.vector_load_idx %arg14[%get3A_481] : memref<10000xf32, #tpu.memory_space<vmem>>[vector<16xi32>], vector<16xf32>,
      %gather3A_486 = tpu.vector_load_idx %arg14[%get3A_478] : memref<10000xf32, #tpu.memory_space<vmem>>[vector<16xi32>], vector<16xf32>,
      %sub3A_487 = arith.subf %gather3A_485, %gather3A_486 : vector<16xf32>
      %gather3A_488 = tpu.vector_load_idx %arg15[%get3A_481] : memref<10000xf32, #tpu.memory_space<vmem>>[vector<16xi32>], vector<16xf32>,
      %gather3A_489 = tpu.vector_load_idx %arg15[%get3A_478] : memref<10000xf32, #tpu.memory_space<vmem>>[vector<16xi32>], vector<16xf32>,
      %sub3A_490 = arith.subf %gather3A_488, %gather3A_489 : vector<16xf32>
      %mul3A_491 = arith.mulf %sub3A_484, %sub3A_484 : vector<16xf32>
      %mul3A_492 = arith.mulf %sub3A_487, %sub3A_487 : vector<16xf32>
      %add3A_493 = arith.addf %mul3A_491, %mul3A_492 : vector<16xf32>
      %mul3A_494 = arith.mulf %sub3A_490, %sub3A_490 : vector<16xf32>
      %add3A_495 = arith.addf %add3A_493, %mul3A_494 : vector<16xf32>
      %mul3A_496 = arith.constant 80 : i32
      %mul3A_497 = arith.muli %add3A_475, %mul3A_496 : i32
      %add3A_498 = arith.constant 0 : i32
      %add3A_499 = arith.addi %mul3A_497, %add3A_498 : i32
      %swap3A_500 = arith.index_cast %add3A_499 : i32 to index
      %swap3A_501 = tpu.vector_load %arg20[%swap3A_500] {strides = array<i32>} : memref<4000xf32, #tpu.memory_space<vmem>>, vector<16xf32>,
      tpu.vector_store %arg20[%swap3A_500], %add3A_495 {strides = array<i32>} : memref<4000xf32, #tpu.memory_space<vmem>>, vector<16xf32>,
      %get3A_502 = arith.index_cast %add3A_475 : i32 to index
      %get3A_503 = arith.constant 16 : index
      %get3A_504 = tpu.vector_load %arg11[%get3A_502, %get3A_503] {strides = array<i32>} : memref<50x80xi32, #tpu.memory_space<vmem>>, vector<16xi32>,
      %get3A_505 = arith.index_cast %add3A_475 : i32 to index
      %get3A_506 = arith.constant 16 : index
      %get3A_507 = tpu.vector_load %arg12[%get3A_505, %get3A_506] {strides = array<i32>} : memref<50x80xi32, #tpu.memory_space<vmem>>, vector<16xi32>,
      %gather3A_508 = tpu.vector_load_idx %arg13[%get3A_507] : memref<10000xf32, #tpu.memory_space<vmem>>[vector<16xi32>], vector<16xf32>,
      %gather3A_509 = tpu.vector_load_idx %arg13[%get3A_504] : memref<10000xf32, #tpu.memory_space<vmem>>[vector<16xi32>], vector<16xf32>,
      %sub3A_510 = arith.subf %gather3A_508, %gather3A_509 : vector<16xf32>
      %gather3A_511 = tpu.vector_load_idx %arg14[%get3A_507] : memref<10000xf32, #tpu.memory_space<vmem>>[vector<16xi32>], vector<16xf32>,
      %gather3A_512 = tpu.vector_load_idx %arg14[%get3A_504] : memref<10000xf32, #tpu.memory_space<vmem>>[vector<16xi32>], vector<16xf32>,
      %sub3A_513 = arith.subf %gather3A_511, %gather3A_512 : vector<16xf32>
      %gather3A_514 = tpu.vector_load_idx %arg15[%get3A_507] : memref<10000xf32, #tpu.memory_space<vmem>>[vector<16xi32>], vector<16xf32>,
      %gather3A_515 = tpu.vector_load_idx %arg15[%get3A_504] : memref<10000xf32, #tpu.memory_space<vmem>>[vector<16xi32>], vector<16xf32>,
      %sub3A_516 = arith.subf %gather3A_514, %gather3A_515 : vector<16xf32>
      %mul3A_517 = arith.mulf %sub3A_510, %sub3A_510 : vector<16xf32>
      %mul3A_518 = arith.mulf %sub3A_513, %sub3A_513 : vector<16xf32>
      %add3A_519 = arith.addf %mul3A_517, %mul3A_518 : vector<16xf32>
      %mul3A_520 = arith.mulf %sub3A_516, %sub3A_516 : vector<16xf32>
      %add3A_521 = arith.addf %add3A_519, %mul3A_520 : vector<16xf32>
      %mul3A_522 = arith.constant 80 : i32
      %mul3A_523 = arith.muli %add3A_475, %mul3A_522 : i32
      %add3A_524 = arith.constant 16 : i32
      %add3A_525 = arith.addi %mul3A_523, %add3A_524 : i32
      %swap3A_526 = arith.index_cast %add3A_525 : i32 to index
      %swap3A_527 = tpu.vector_load %arg20[%swap3A_526] {strides = array<i32>} : memref<4000xf32, #tpu.memory_space<vmem>>, vector<16xf32>,
      tpu.vector_store %arg20[%swap3A_526], %add3A_521 {strides = array<i32>} : memref<4000xf32, #tpu.memory_space<vmem>>, vector<16xf32>,
      %get3A_528 = arith.index_cast %add3A_475 : i32 to index
      %get3A_529 = arith.constant 32 : index
      %get3A_530 = tpu.vector_load %arg11[%get3A_528, %get3A_529] {strides = array<i32>} : memref<50x80xi32, #tpu.memory_space<vmem>>, vector<16xi32>,
      %get3A_531 = arith.index_cast %add3A_475 : i32 to index
      %get3A_532 = arith.constant 32 : index
      %get3A_533 = tpu.vector_load %arg12[%get3A_531, %get3A_532] {strides = array<i32>} : memref<50x80xi32, #tpu.memory_space<vmem>>, vector<16xi32>,
      %gather3A_534 = tpu.vector_load_idx %arg13[%get3A_533] : memref<10000xf32, #tpu.memory_space<vmem>>[vector<16xi32>], vector<16xf32>,
      %gather3A_535 = tpu.vector_load_idx %arg13[%get3A_530] : memref<10000xf32, #tpu.memory_space<vmem>>[vector<16xi32>], vector<16xf32>,
      %sub3A_536 = arith.subf %gather3A_534, %gather3A_535 : vector<16xf32>
      %gather3A_537 = tpu.vector_load_idx %arg14[%get3A_533] : memref<10000xf32, #tpu.memory_space<vmem>>[vector<16xi32>], vector<16xf32>,
      %gather3A_538 = tpu.vector_load_idx %arg14[%get3A_530] : memref<10000xf32, #tpu.memory_space<vmem>>[vector<16xi32>], vector<16xf32>,
      %sub3A_539 = arith.subf %gather3A_537, %gather3A_538 : vector<16xf32>
      %gather3A_540 = tpu.vector_load_idx %arg15[%get3A_533] : memref<10000xf32, #tpu.memory_space<vmem>>[vector<16xi32>], vector<16xf32>,
      %gather3A_541 = tpu.vector_load_idx %arg15[%get3A_530] : memref<10000xf32, #tpu.memory_space<vmem>>[vector<16xi32>], vector<16xf32>,
      %sub3A_542 = arith.subf %gather3A_540, %gather3A_541 : vector<16xf32>
      %mul3A_543 = arith.mulf %sub3A_536, %sub3A_536 : vector<16xf32>
      %mul3A_544 = arith.mulf %sub3A_539, %sub3A_539 : vector<16xf32>
      %add3A_545 = arith.addf %mul3A_543, %mul3A_544 : vector<16xf32>
      %mul3A_546 = arith.mulf %sub3A_542, %sub3A_542 : vector<16xf32>
      %add3A_547 = arith.addf %add3A_545, %mul3A_546 : vector<16xf32>
      %mul3A_548 = arith.constant 80 : i32
      %mul3A_549 = arith.muli %add3A_475, %mul3A_548 : i32
      %add3A_550 = arith.constant 32 : i32
      %add3A_551 = arith.addi %mul3A_549, %add3A_550 : i32
      %swap3A_552 = arith.index_cast %add3A_551 : i32 to index
      %swap3A_553 = tpu.vector_load %arg20[%swap3A_552] {strides = array<i32>} : memref<4000xf32, #tpu.memory_space<vmem>>, vector<16xf32>,
      tpu.vector_store %arg20[%swap3A_552], %add3A_547 {strides = array<i32>} : memref<4000xf32, #tpu.memory_space<vmem>>, vector<16xf32>,
      %get3A_554 = arith.index_cast %add3A_475 : i32 to index
      %get3A_555 = arith.constant 48 : index
      %get3A_556 = tpu.vector_load %arg11[%get3A_554, %get3A_555] {strides = array<i32>} : memref<50x80xi32, #tpu.memory_space<vmem>>, vector<16xi32>,
      %get3A_557 = arith.index_cast %add3A_475 : i32 to index
      %get3A_558 = arith.constant 48 : index
      %get3A_559 = tpu.vector_load %arg12[%get3A_557, %get3A_558] {strides = array<i32>} : memref<50x80xi32, #tpu.memory_space<vmem>>, vector<16xi32>,
      %gather3A_560 = tpu.vector_load_idx %arg13[%get3A_559] : memref<10000xf32, #tpu.memory_space<vmem>>[vector<16xi32>], vector<16xf32>,
      %gather3A_561 = tpu.vector_load_idx %arg13[%get3A_556] : memref<10000xf32, #tpu.memory_space<vmem>>[vector<16xi32>], vector<16xf32>,
      %sub3A_562 = arith.subf %gather3A_560, %gather3A_561 : vector<16xf32>
      %gather3A_563 = tpu.vector_load_idx %arg14[%get3A_559] : memref<10000xf32, #tpu.memory_space<vmem>>[vector<16xi32>], vector<16xf32>,
      %gather3A_564 = tpu.vector_load_idx %arg14[%get3A_556] : memref<10000xf32, #tpu.memory_space<vmem>>[vector<16xi32>], vector<16xf32>,
      %sub3A_565 = arith.subf %gather3A_563, %gather3A_564 : vector<16xf32>
      %gather3A_566 = tpu.vector_load_idx %arg15[%get3A_559] : memref<10000xf32, #tpu.memory_space<vmem>>[vector<16xi32>], vector<16xf32>,
      %gather3A_567 = tpu.vector_load_idx %arg15[%get3A_556] : memref<10000xf32, #tpu.memory_space<vmem>>[vector<16xi32>], vector<16xf32>,
      %sub3A_568 = arith.subf %gather3A_566, %gather3A_567 : vector<16xf32>
      %mul3A_569 = arith.mulf %sub3A_562, %sub3A_562 : vector<16xf32>
      %mul3A_570 = arith.mulf %sub3A_565, %sub3A_565 : vector<16xf32>
      %add3A_571 = arith.addf %mul3A_569, %mul3A_570 : vector<16xf32>
      %mul3A_572 = arith.mulf %sub3A_568, %sub3A_568 : vector<16xf32>
      %add3A_573 = arith.addf %add3A_571, %mul3A_572 : vector<16xf32>
      %mul3A_574 = arith.constant 80 : i32
      %mul3A_575 = arith.muli %add3A_475, %mul3A_574 : i32
      %add3A_576 = arith.constant 48 : i32
      %add3A_577 = arith.addi %mul3A_575, %add3A_576 : i32
      %swap3A_578 = arith.index_cast %add3A_577 : i32 to index
      %swap3A_579 = tpu.vector_load %arg20[%swap3A_578] {strides = array<i32>} : memref<4000xf32, #tpu.memory_space<vmem>>, vector<16xf32>,
      tpu.vector_store %arg20[%swap3A_578], %add3A_573 {strides = array<i32>} : memref<4000xf32, #tpu.memory_space<vmem>>, vector<16xf32>,
      %get3A_580 = arith.index_cast %add3A_475 : i32 to index
      %get3A_581 = arith.constant 64 : index
      %get3A_582 = tpu.vector_load %arg11[%get3A_580, %get3A_581] {strides = array<i32>} : memref<50x80xi32, #tpu.memory_space<vmem>>, vector<16xi32>,
      %get3A_583 = arith.index_cast %add3A_475 : i32 to index
      %get3A_584 = arith.constant 64 : index
      %get3A_585 = tpu.vector_load %arg12[%get3A_583, %get3A_584] {strides = array<i32>} : memref<50x80xi32, #tpu.memory_space<vmem>>, vector<16xi32>,
      %gather3A_586 = tpu.vector_load_idx %arg13[%get3A_585] : memref<10000xf32, #tpu.memory_space<vmem>>[vector<16xi32>], vector<16xf32>,
      %gather3A_587 = tpu.vector_load_idx %arg13[%get3A_582] : memref<10000xf32, #tpu.memory_space<vmem>>[vector<16xi32>], vector<16xf32>,
      %sub3A_588 = arith.subf %gather3A_586, %gather3A_587 : vector<16xf32>
      %gather3A_589 = tpu.vector_load_idx %arg14[%get3A_585] : memref<10000xf32, #tpu.memory_space<vmem>>[vector<16xi32>], vector<16xf32>,
      %gather3A_590 = tpu.vector_load_idx %arg14[%get3A_582] : memref<10000xf32, #tpu.memory_space<vmem>>[vector<16xi32>], vector<16xf32>,
      %sub3A_591 = arith.subf %gather3A_589, %gather3A_590 : vector<16xf32>
      %gather3A_592 = tpu.vector_load_idx %arg15[%get3A_585] : memref<10000xf32, #tpu.memory_space<vmem>>[vector<16xi32>], vector<16xf32>,
      %gather3A_593 = tpu.vector_load_idx %arg15[%get3A_582] : memref<10000xf32, #tpu.memory_space<vmem>>[vector<16xi32>], vector<16xf32>,
      %sub3A_594 = arith.subf %gather3A_592, %gather3A_593 : vector<16xf32>
      %mul3A_595 = arith.mulf %sub3A_588, %sub3A_588 : vector<16xf32>
      %mul3A_596 = arith.mulf %sub3A_591, %sub3A_591 : vector<16xf32>
      %add3A_597 = arith.addf %mul3A_595, %mul3A_596 : vector<16xf32>
      %mul3A_598 = arith.mulf %sub3A_594, %sub3A_594 : vector<16xf32>
      %add3A_599 = arith.addf %add3A_597, %mul3A_598 : vector<16xf32>
      %mul3A_600 = arith.constant 80 : i32
      %mul3A_601 = arith.muli %add3A_475, %mul3A_600 : i32
      %add3A_602 = arith.constant 64 : i32
      %add3A_603 = arith.addi %mul3A_601, %add3A_602 : i32
      %swap3A_604 = arith.index_cast %add3A_603 : i32 to index
      %swap3A_605 = tpu.vector_load %arg20[%swap3A_604] {strides = array<i32>} : memref<4000xf32, #tpu.memory_space<vmem>>, vector<16xf32>,
      tpu.vector_store %arg20[%swap3A_604], %add3A_599 {strides = array<i32>} : memref<4000xf32, #tpu.memory_space<vmem>>, vector<16xf32>,
      %dma_wait3A_606 = arith.constant 0 : i32
      %dma_wait3A_607 = tpu.memref_slice %arg12[%add3A_475, %dma_wait3A_606] : memref<50x80xi32, #tpu.memory_space<vmem>> -> memref<1x80xi32, #tpu.memory_space<vmem>>
      %dma_wait3A_608 = tpu.memref_squeeze %dma_wait3A_607 : memref<1x80xi32, #tpu.memory_space<vmem>> -> memref<80xi32, #tpu.memory_space<vmem>>
      %dma_wait3A_609 = arith.constant 0 : i32
      %dma_wait3A_610 = arith.constant 0 : i32
      %dma_wait3A_611 = tpu.memref_slice %arg2[%dma_wait3A_609, %dma_wait3A_610] : memref<10000x128xf32, #tpu.memory_space<hbm>> -> memref<10000x128xf32, #tpu.memory_space<hbm>>
      tpu.wait_indirect_dma semaphore(%arg23 : memref<!tpu.dma_semaphore, #tpu.memory_space<semaphore_mem>>) src(%dma_wait3A_611 : memref<10000x128xf32, #tpu.memory_space<hbm>>) dst(%arg18 : memref<80x128xf32, #tpu.memory_space<vmem>>)
      %dma_wait3A_612 = arith.constant 0 : i32
      %dma_wait3A_613 = tpu.memref_slice %arg11[%add3A_475, %dma_wait3A_612] : memref<50x80xi32, #tpu.memory_space<vmem>> -> memref<1x80xi32, #tpu.memory_space<vmem>>
      %dma_wait3A_614 = tpu.memref_squeeze %dma_wait3A_613 : memref<1x80xi32, #tpu.memory_space<vmem>> -> memref<80xi32, #tpu.memory_space<vmem>>
      %dma_wait3A_615 = arith.constant 0 : i32
      %dma_wait3A_616 = arith.constant 0 : i32
      %dma_wait3A_617 = tpu.memref_slice %arg3[%dma_wait3A_615, %dma_wait3A_616] : memref<10000x128xf32, #tpu.memory_space<hbm>> -> memref<10000x128xf32, #tpu.memory_space<hbm>>
      tpu.wait_indirect_dma semaphore(%arg24 : memref<!tpu.dma_semaphore, #tpu.memory_space<semaphore_mem>>) src(%dma_wait3A_617 : memref<10000x128xf32, #tpu.memory_space<hbm>>) dst(%arg19 : memref<80x128xf32, #tpu.memory_space<vmem>>)
      %scan3A_618 = arith.constant 0 : i32
      %scan3A_619 = arith.constant 0 : i32
      %scan3A_620 = arith.constant 80 : i32
      %scan3A_621 = arith.addi %scan3A_619, %scan3A_620 : i32
      %scan3A_622 = arith.constant 1 : i32
      scf.for %scan3A_634 = %scan3A_619 to %scan3A_621 step %scan3A_622  : i32 {
        %get3A_635 = arith.index_cast %scan3A_634 : i32 to index
        %get3A_636 = arith.constant 0 : index
        %get3A_637 = tpu.vector_load %arg18[%get3A_635, %get3A_636] {strides = array<i32>} : memref<80x128xf32, #tpu.memory_space<vmem>>, vector<16xf32>,
        %get3A_638 = arith.index_cast %scan3A_634 : i32 to index
        %get3A_639 = arith.constant 0 : index
        %get3A_640 = tpu.vector_load %arg19[%get3A_638, %get3A_639] {strides = array<i32>} : memref<80x128xf32, #tpu.memory_space<vmem>>, vector<16xf32>,
        %add3A_641 = arith.addf %get3A_637, %get3A_640 : vector<16xf32>
        %swap3A_642 = arith.index_cast %scan3A_634 : i32 to index
        %swap3A_643 = arith.constant 0 : index
        %swap3A_644 = tpu.vector_load %arg18[%swap3A_642, %swap3A_643] {strides = array<i32>} : memref<80x128xf32, #tpu.memory_space<vmem>>, vector<16xf32>,
        tpu.vector_store %arg18[%swap3A_642, %swap3A_643], %add3A_641 {strides = array<i32>} : memref<80x128xf32, #tpu.memory_space<vmem>>, vector<16xf32>,
        %get3A_645 = arith.index_cast %scan3A_634 : i32 to index
        %get3A_646 = arith.constant 16 : index
        %get3A_647 = tpu.vector_load %arg18[%get3A_645, %get3A_646] {strides = array<i32>} : memref<80x128xf32, #tpu.memory_space<vmem>>, vector<16xf32>,
        %get3A_648 = arith.index_cast %scan3A_634 : i32 to index
        %get3A_649 = arith.constant 16 : index
        %get3A_650 = tpu.vector_load %arg19[%get3A_648, %get3A_649] {strides = array<i32>} : memref<80x128xf32, #tpu.memory_space<vmem>>, vector<16xf32>,
        %add3A_651 = arith.addf %get3A_647, %get3A_650 : vector<16xf32>
        %swap3A_652 = arith.index_cast %scan3A_634 : i32 to index
        %swap3A_653 = arith.constant 16 : index
        %swap3A_654 = tpu.vector_load %arg18[%swap3A_652, %swap3A_653] {strides = array<i32>} : memref<80x128xf32, #tpu.memory_space<vmem>>, vector<16xf32>,
        tpu.vector_store %arg18[%swap3A_652, %swap3A_653], %add3A_651 {strides = array<i32>} : memref<80x128xf32, #tpu.memory_space<vmem>>, vector<16xf32>,
        %get3A_655 = arith.index_cast %scan3A_634 : i32 to index
        %get3A_656 = arith.constant 32 : index
        %get3A_657 = tpu.vector_load %arg18[%get3A_655, %get3A_656] {strides = array<i32>} : memref<80x128xf32, #tpu.memory_space<vmem>>, vector<16xf32>,
        %get3A_658 = arith.index_cast %scan3A_634 : i32 to index
        %get3A_659 = arith.constant 32 : index
        %get3A_660 = tpu.vector_load %arg19[%get3A_658, %get3A_659] {strides = array<i32>} : memref<80x128xf32, #tpu.memory_space<vmem>>, vector<16xf32>,
        %add3A_661 = arith.addf %get3A_657, %get3A_660 : vector<16xf32>
        %swap3A_662 = arith.index_cast %scan3A_634 : i32 to index
        %swap3A_663 = arith.constant 32 : index
        %swap3A_664 = tpu.vector_load %arg18[%swap3A_662, %swap3A_663] {strides = array<i32>} : memref<80x128xf32, #tpu.memory_space<vmem>>, vector<16xf32>,
        tpu.vector_store %arg18[%swap3A_662, %swap3A_663], %add3A_661 {strides = array<i32>} : memref<80x128xf32, #tpu.memory_space<vmem>>, vector<16xf32>,
        %get3A_665 = arith.index_cast %scan3A_634 : i32 to index
        %get3A_666 = arith.constant 48 : index
        %get3A_667 = tpu.vector_load %arg18[%get3A_665, %get3A_666] {strides = array<i32>} : memref<80x128xf32, #tpu.memory_space<vmem>>, vector<16xf32>,
        %get3A_668 = arith.index_cast %scan3A_634 : i32 to index
        %get3A_669 = arith.constant 48 : index
        %get3A_670 = tpu.vector_load %arg19[%get3A_668, %get3A_669] {strides = array<i32>} : memref<80x128xf32, #tpu.memory_space<vmem>>, vector<16xf32>,
        %add3A_671 = arith.addf %get3A_667, %get3A_670 : vector<16xf32>
        %swap3A_672 = arith.index_cast %scan3A_634 : i32 to index
        %swap3A_673 = arith.constant 48 : index
        %swap3A_674 = tpu.vector_load %arg18[%swap3A_672, %swap3A_673] {strides = array<i32>} : memref<80x128xf32, #tpu.memory_space<vmem>>, vector<16xf32>,
        tpu.vector_store %arg18[%swap3A_672, %swap3A_673], %add3A_671 {strides = array<i32>} : memref<80x128xf32, #tpu.memory_space<vmem>>, vector<16xf32>,
        %get3A_675 = arith.index_cast %scan3A_634 : i32 to index
        %get3A_676 = arith.constant 64 : index
        %get3A_677 = tpu.vector_load %arg18[%get3A_675, %get3A_676] {strides = array<i32>} : memref<80x128xf32, #tpu.memory_space<vmem>>, vector<16xf32>,
        %get3A_678 = arith.index_cast %scan3A_634 : i32 to index
        %get3A_679 = arith.constant 64 : index
        %get3A_680 = tpu.vector_load %arg19[%get3A_678, %get3A_679] {strides = array<i32>} : memref<80x128xf32, #tpu.memory_space<vmem>>, vector<16xf32>,
        %add3A_681 = arith.addf %get3A_677, %get3A_680 : vector<16xf32>
        %swap3A_682 = arith.index_cast %scan3A_634 : i32 to index
        %swap3A_683 = arith.constant 64 : index
        %swap3A_684 = tpu.vector_load %arg18[%swap3A_682, %swap3A_683] {strides = array<i32>} : memref<80x128xf32, #tpu.memory_space<vmem>>, vector<16xf32>,
        tpu.vector_store %arg18[%swap3A_682, %swap3A_683], %add3A_681 {strides = array<i32>} : memref<80x128xf32, #tpu.memory_space<vmem>>, vector<16xf32>,
        %get3A_685 = arith.index_cast %scan3A_634 : i32 to index
        %get3A_686 = arith.constant 80 : index
        %get3A_687 = tpu.vector_load %arg18[%get3A_685, %get3A_686] {strides = array<i32>} : memref<80x128xf32, #tpu.memory_space<vmem>>, vector<16xf32>,
        %get3A_688 = arith.index_cast %scan3A_634 : i32 to index
        %get3A_689 = arith.constant 80 : index
        %get3A_690 = tpu.vector_load %arg19[%get3A_688, %get3A_689] {strides = array<i32>} : memref<80x128xf32, #tpu.memory_space<vmem>>, vector<16xf32>,
        %add3A_691 = arith.addf %get3A_687, %get3A_690 : vector<16xf32>
        %swap3A_692 = arith.index_cast %scan3A_634 : i32 to index
        %swap3A_693 = arith.constant 80 : index
        %swap3A_694 = tpu.vector_load %arg18[%swap3A_692, %swap3A_693] {strides = array<i32>} : memref<80x128xf32, #tpu.memory_space<vmem>>, vector<16xf32>,
        tpu.vector_store %arg18[%swap3A_692, %swap3A_693], %add3A_691 {strides = array<i32>} : memref<80x128xf32, #tpu.memory_space<vmem>>, vector<16xf32>,
        %get3A_695 = arith.index_cast %scan3A_634 : i32 to index
        %get3A_696 = arith.constant 96 : index
        %get3A_697 = tpu.vector_load %arg18[%get3A_695, %get3A_696] {strides = array<i32>} : memref<80x128xf32, #tpu.memory_space<vmem>>, vector<16xf32>,
        %get3A_698 = arith.index_cast %scan3A_634 : i32 to index
        %get3A_699 = arith.constant 96 : index
        %get3A_700 = tpu.vector_load %arg19[%get3A_698, %get3A_699] {strides = array<i32>} : memref<80x128xf32, #tpu.memory_space<vmem>>, vector<16xf32>,
        %add3A_701 = arith.addf %get3A_697, %get3A_700 : vector<16xf32>
        %swap3A_702 = arith.index_cast %scan3A_634 : i32 to index
        %swap3A_703 = arith.constant 96 : index
        %swap3A_704 = tpu.vector_load %arg18[%swap3A_702, %swap3A_703] {strides = array<i32>} : memref<80x128xf32, #tpu.memory_space<vmem>>, vector<16xf32>,
        tpu.vector_store %arg18[%swap3A_702, %swap3A_703], %add3A_701 {strides = array<i32>} : memref<80x128xf32, #tpu.memory_space<vmem>>, vector<16xf32>,
        %get3A_705 = arith.index_cast %scan3A_634 : i32 to index
        %get3A_706 = arith.constant 112 : index
        %get3A_707 = tpu.vector_load %arg18[%get3A_705, %get3A_706] {strides = array<i32>} : memref<80x128xf32, #tpu.memory_space<vmem>>, vector<16xf32>,
        %get3A_708 = arith.index_cast %scan3A_634 : i32 to index
        %get3A_709 = arith.constant 112 : index
        %get3A_710 = tpu.vector_load %arg19[%get3A_708, %get3A_709] {strides = array<i32>} : memref<80x128xf32, #tpu.memory_space<vmem>>, vector<16xf32>,
        %add3A_711 = arith.addf %get3A_707, %get3A_710 : vector<16xf32>
        %swap3A_712 = arith.index_cast %scan3A_634 : i32 to index
        %swap3A_713 = arith.constant 112 : index
        %swap3A_714 = tpu.vector_load %arg18[%swap3A_712, %swap3A_713] {strides = array<i32>} : memref<80x128xf32, #tpu.memory_space<vmem>>, vector<16xf32>,
        tpu.vector_store %arg18[%swap3A_712, %swap3A_713], %add3A_711 {strides = array<i32>} : memref<80x128xf32, #tpu.memory_space<vmem>>, vector<16xf32>,
      }
      %scan3A_623 = arith.constant 80 : i32
      %mul3A_624 = arith.constant 80 : i32
      %mul3A_625 = arith.muli %add3A_475, %mul3A_624 : i32
      %add3A_626 = arith.addi %mul3A_2, %mul3A_625 : i32
      "tpu.region"() ({
        %run_scoped3A = tpu.sem_alloc : memref<!tpu.dma_semaphore, #tpu.memory_space<semaphore_mem>>
        %dma_start3A_634 = arith.constant 0 : i32
        %dma_start3A_635 = tpu.memref_slice %arg9[%add3A_626, %dma_start3A_634] : memref<128000x128xf32, #tpu.memory_space<hbm>> -> memref<80x128xf32, #tpu.memory_space<hbm>>
        %dma_start3A_636 = arith.constant 0 : i32
        %dma_start3A_637 = tpu.memref_slice %arg9[%add3A_626, %dma_start3A_636] : memref<128000x128xf32, #tpu.memory_space<hbm>> -> memref<80x128xf32, #tpu.memory_space<hbm>>
        tpu.enqueue_dma source(%arg18 : memref<80x128xf32, #tpu.memory_space<vmem>>) target(%dma_start3A_637 : memref<80x128xf32, #tpu.memory_space<hbm>>) target_semaphore(%run_scoped3A : memref<!tpu.dma_semaphore, #tpu.memory_space<semaphore_mem>>)
        %dma_wait3A_638 = arith.constant 0 : i32
        %dma_wait3A_639 = tpu.memref_slice %arg9[%add3A_626, %dma_wait3A_638] : memref<128000x128xf32, #tpu.memory_space<hbm>> -> memref<80x128xf32, #tpu.memory_space<hbm>>
        %dma_wait3A_640 = arith.constant 0 : i32
        %dma_wait3A_641 = tpu.memref_slice %arg9[%add3A_626, %dma_wait3A_640] : memref<128000x128xf32, #tpu.memory_space<hbm>> -> memref<80x128xf32, #tpu.memory_space<hbm>>
        tpu.wait_dma2 semaphore(%run_scoped3A : memref<!tpu.dma_semaphore, #tpu.memory_space<semaphore_mem>>) src(%arg18 : memref<80x128xf32, #tpu.memory_space<vmem>>) dst(%dma_wait3A_641 : memref<80x128xf32, #tpu.memory_space<hbm>>)
        tpu.yield
      }) : () -> ()
      %add3A_627 = arith.constant 2 : i32
      %add3A_628 = arith.addi %add3A_475, %add3A_627 : i32
      %lt3A_629 = arith.constant 50 : i32
      %lt3A_630 = arith.cmpi slt, %add3A_628, %lt3A_629 : i32
      %convert_element_type3A_631 = arith.extui %lt3A_630 : i1 to i32
      %cond3A_632 = arith.constant 0 : i32
      %cond3A_633 = arith.cmpi ne, %convert_element_type3A_631, %cond3A_632 : i32
      scf.if %cond3A_633 {
        %add3A_634 = arith.constant 2 : i32
        %add3A_635 = arith.addi %add3A_475, %add3A_634 : i32
        %dma_start3A_636 = arith.constant 0 : i32
        %dma_start3A_637 = tpu.memref_slice %arg12[%add3A_635, %dma_start3A_636] : memref<50x80xi32, #tpu.memory_space<vmem>> -> memref<1x80xi32, #tpu.memory_space<vmem>>
        %dma_start3A_638 = tpu.memref_squeeze %dma_start3A_637 : memref<1x80xi32, #tpu.memory_space<vmem>> -> memref<80xi32, #tpu.memory_space<vmem>>
        %dma_start3A_639 = arith.constant 0 : i32
        %dma_start3A_640 = arith.constant 0 : i32
        %dma_start3A_641 = tpu.memref_slice %arg2[%dma_start3A_639, %dma_start3A_640] : memref<10000x128xf32, #tpu.memory_space<hbm>> -> memref<10000x128xf32, #tpu.memory_space<hbm>>
        tpu.enqueue_indirect_dma source(%dma_start3A_641 : memref<10000x128xf32, #tpu.memory_space<hbm>>) target(%arg18 : memref<80x128xf32, #tpu.memory_space<vmem>>) offsets(%dma_start3A_638 : memref<80xi32, #tpu.memory_space<vmem>>) semaphore(%arg23 : memref<!tpu.dma_semaphore, #tpu.memory_space<semaphore_mem>>)
        %dma_start3A_642 = arith.constant 0 : i32
        %dma_start3A_643 = tpu.memref_slice %arg11[%add3A_635, %dma_start3A_642] : memref<50x80xi32, #tpu.memory_space<vmem>> -> memref<1x80xi32, #tpu.memory_space<vmem>>
        %dma_start3A_644 = tpu.memref_squeeze %dma_start3A_643 : memref<1x80xi32, #tpu.memory_space<vmem>> -> memref<80xi32, #tpu.memory_space<vmem>>
        %dma_start3A_645 = arith.constant 0 : i32
        %dma_start3A_646 = arith.constant 0 : i32
        %dma_start3A_647 = tpu.memref_slice %arg3[%dma_start3A_645, %dma_start3A_646] : memref<10000x128xf32, #tpu.memory_space<hbm>> -> memref<10000x128xf32, #tpu.memory_space<hbm>>
        tpu.enqueue_indirect_dma source(%dma_start3A_647 : memref<10000x128xf32, #tpu.memory_space<hbm>>) target(%arg19 : memref<80x128xf32, #tpu.memory_space<vmem>>) offsets(%dma_start3A_644 : memref<80xi32, #tpu.memory_space<vmem>>) semaphore(%arg24 : memref<!tpu.dma_semaphore, #tpu.memory_space<semaphore_mem>>)
      } else {
      }
    }
    %scan3A_34 = arith.constant 24 : i32
    %get3A = arith.constant 48 : i32
    %get3A_35 = arith.index_cast %get3A : i32 to index
    %get3A_36 = arith.constant 0 : index
    %get3A_37 = tpu.vector_load %arg11[%get3A_35, %get3A_36] {strides = array<i32>} : memref<50x80xi32, #tpu.memory_space<vmem>>, vector<16xi32>,
    %get3A_38 = arith.constant 48 : i32
    %get3A_39 = arith.index_cast %get3A_38 : i32 to index
    %get3A_40 = arith.constant 0 : index
    %get3A_41 = tpu.vector_load %arg12[%get3A_39, %get3A_40] {strides = array<i32>} : memref<50x80xi32, #tpu.memory_space<vmem>>, vector<16xi32>,
    %gather3A = tpu.vector_load_idx %arg13[%get3A_41] : memref<10000xf32, #tpu.memory_space<vmem>>[vector<16xi32>], vector<16xf32>,
    %gather3A_42 = tpu.vector_load_idx %arg13[%get3A_37] : memref<10000xf32, #tpu.memory_space<vmem>>[vector<16xi32>], vector<16xf32>,
    %sub3A = arith.subf %gather3A, %gather3A_42 : vector<16xf32>
    %gather3A_43 = tpu.vector_load_idx %arg14[%get3A_41] : memref<10000xf32, #tpu.memory_space<vmem>>[vector<16xi32>], vector<16xf32>,
    %gather3A_44 = tpu.vector_load_idx %arg14[%get3A_37] : memref<10000xf32, #tpu.memory_space<vmem>>[vector<16xi32>], vector<16xf32>,
    %sub3A_45 = arith.subf %gather3A_43, %gather3A_44 : vector<16xf32>
    %gather3A_46 = tpu.vector_load_idx %arg15[%get3A_41] : memref<10000xf32, #tpu.memory_space<vmem>>[vector<16xi32>], vector<16xf32>,
    %gather3A_47 = tpu.vector_load_idx %arg15[%get3A_37] : memref<10000xf32, #tpu.memory_space<vmem>>[vector<16xi32>], vector<16xf32>,
    %sub3A_48 = arith.subf %gather3A_46, %gather3A_47 : vector<16xf32>
    %mul3A_49 = arith.mulf %sub3A, %sub3A : vector<16xf32>
    %mul3A_50 = arith.mulf %sub3A_45, %sub3A_45 : vector<16xf32>
    %add3A_51 = arith.addf %mul3A_49, %mul3A_50 : vector<16xf32>
    %mul3A_52 = arith.mulf %sub3A_48, %sub3A_48 : vector<16xf32>
    %add3A_53 = arith.addf %add3A_51, %mul3A_52 : vector<16xf32>
    %swap3A = arith.constant 3840 : index
    %swap3A_54 = tpu.vector_load %arg20[%swap3A] {strides = array<i32>} : memref<4000xf32, #tpu.memory_space<vmem>>, vector<16xf32>,
    tpu.vector_store %arg20[%swap3A], %add3A_53 {strides = array<i32>} : memref<4000xf32, #tpu.memory_space<vmem>>, vector<16xf32>,
    %get3A_55 = arith.constant 48 : i32
    %get3A_56 = arith.index_cast %get3A_55 : i32 to index
    %get3A_57 = arith.constant 16 : index
    %get3A_58 = tpu.vector_load %arg11[%get3A_56, %get3A_57] {strides = array<i32>} : memref<50x80xi32, #tpu.memory_space<vmem>>, vector<16xi32>,
    %get3A_59 = arith.constant 48 : i32
    %get3A_60 = arith.index_cast %get3A_59 : i32 to index
    %get3A_61 = arith.constant 16 : index
    %get3A_62 = tpu.vector_load %arg12[%get3A_60, %get3A_61] {strides = array<i32>} : memref<50x80xi32, #tpu.memory_space<vmem>>, vector<16xi32>,
    %gather3A_63 = tpu.vector_load_idx %arg13[%get3A_62] : memref<10000xf32, #tpu.memory_space<vmem>>[vector<16xi32>], vector<16xf32>,
    %gather3A_64 = tpu.vector_load_idx %arg13[%get3A_58] : memref<10000xf32, #tpu.memory_space<vmem>>[vector<16xi32>], vector<16xf32>,
    %sub3A_65 = arith.subf %gather3A_63, %gather3A_64 : vector<16xf32>
    %gather3A_66 = tpu.vector_load_idx %arg14[%get3A_62] : memref<10000xf32, #tpu.memory_space<vmem>>[vector<16xi32>], vector<16xf32>,
    %gather3A_67 = tpu.vector_load_idx %arg14[%get3A_58] : memref<10000xf32, #tpu.memory_space<vmem>>[vector<16xi32>], vector<16xf32>,
    %sub3A_68 = arith.subf %gather3A_66, %gather3A_67 : vector<16xf32>
    %gather3A_69 = tpu.vector_load_idx %arg15[%get3A_62] : memref<10000xf32, #tpu.memory_space<vmem>>[vector<16xi32>], vector<16xf32>,
    %gather3A_70 = tpu.vector_load_idx %arg15[%get3A_58] : memref<10000xf32, #tpu.memory_space<vmem>>[vector<16xi32>], vector<16xf32>,
    %sub3A_71 = arith.subf %gather3A_69, %gather3A_70 : vector<16xf32>
    %mul3A_72 = arith.mulf %sub3A_65, %sub3A_65 : vector<16xf32>
    %mul3A_73 = arith.mulf %sub3A_68, %sub3A_68 : vector<16xf32>
    %add3A_74 = arith.addf %mul3A_72, %mul3A_73 : vector<16xf32>
    %mul3A_75 = arith.mulf %sub3A_71, %sub3A_71 : vector<16xf32>
    %add3A_76 = arith.addf %add3A_74, %mul3A_75 : vector<16xf32>
    %swap3A_77 = arith.constant 3856 : index
    %swap3A_78 = tpu.vector_load %arg20[%swap3A_77] {strides = array<i32>} : memref<4000xf32, #tpu.memory_space<vmem>>, vector<16xf32>,
    tpu.vector_store %arg20[%swap3A_77], %add3A_76 {strides = array<i32>} : memref<4000xf32, #tpu.memory_space<vmem>>, vector<16xf32>,
    %get3A_79 = arith.constant 48 : i32
    %get3A_80 = arith.index_cast %get3A_79 : i32 to index
    %get3A_81 = arith.constant 32 : index
    %get3A_82 = tpu.vector_load %arg11[%get3A_80, %get3A_81] {strides = array<i32>} : memref<50x80xi32, #tpu.memory_space<vmem>>, vector<16xi32>,
    %get3A_83 = arith.constant 48 : i32
    %get3A_84 = arith.index_cast %get3A_83 : i32 to index
    %get3A_85 = arith.constant 32 : index
    %get3A_86 = tpu.vector_load %arg12[%get3A_84, %get3A_85] {strides = array<i32>} : memref<50x80xi32, #tpu.memory_space<vmem>>, vector<16xi32>,
    %gather3A_87 = tpu.vector_load_idx %arg13[%get3A_86] : memref<10000xf32, #tpu.memory_space<vmem>>[vector<16xi32>], vector<16xf32>,
    %gather3A_88 = tpu.vector_load_idx %arg13[%get3A_82] : memref<10000xf32, #tpu.memory_space<vmem>>[vector<16xi32>], vector<16xf32>,
    %sub3A_89 = arith.subf %gather3A_87, %gather3A_88 : vector<16xf32>
    %gather3A_90 = tpu.vector_load_idx %arg14[%get3A_86] : memref<10000xf32, #tpu.memory_space<vmem>>[vector<16xi32>], vector<16xf32>,
    %gather3A_91 = tpu.vector_load_idx %arg14[%get3A_82] : memref<10000xf32, #tpu.memory_space<vmem>>[vector<16xi32>], vector<16xf32>,
    %sub3A_92 = arith.subf %gather3A_90, %gather3A_91 : vector<16xf32>
    %gather3A_93 = tpu.vector_load_idx %arg15[%get3A_86] : memref<10000xf32, #tpu.memory_space<vmem>>[vector<16xi32>], vector<16xf32>,
    %gather3A_94 = tpu.vector_load_idx %arg15[%get3A_82] : memref<10000xf32, #tpu.memory_space<vmem>>[vector<16xi32>], vector<16xf32>,
    %sub3A_95 = arith.subf %gather3A_93, %gather3A_94 : vector<16xf32>
    %mul3A_96 = arith.mulf %sub3A_89, %sub3A_89 : vector<16xf32>
    %mul3A_97 = arith.mulf %sub3A_92, %sub3A_92 : vector<16xf32>
    %add3A_98 = arith.addf %mul3A_96, %mul3A_97 : vector<16xf32>
    %mul3A_99 = arith.mulf %sub3A_95, %sub3A_95 : vector<16xf32>
    %add3A_100 = arith.addf %add3A_98, %mul3A_99 : vector<16xf32>
    %swap3A_101 = arith.constant 3872 : index
    %swap3A_102 = tpu.vector_load %arg20[%swap3A_101] {strides = array<i32>} : memref<4000xf32, #tpu.memory_space<vmem>>, vector<16xf32>,
    tpu.vector_store %arg20[%swap3A_101], %add3A_100 {strides = array<i32>} : memref<4000xf32, #tpu.memory_space<vmem>>, vector<16xf32>,
    %get3A_103 = arith.constant 48 : i32
    %get3A_104 = arith.index_cast %get3A_103 : i32 to index
    %get3A_105 = arith.constant 48 : index
    %get3A_106 = tpu.vector_load %arg11[%get3A_104, %get3A_105] {strides = array<i32>} : memref<50x80xi32, #tpu.memory_space<vmem>>, vector<16xi32>,
    %get3A_107 = arith.constant 48 : i32
    %get3A_108 = arith.index_cast %get3A_107 : i32 to index
    %get3A_109 = arith.constant 48 : index
    %get3A_110 = tpu.vector_load %arg12[%get3A_108, %get3A_109] {strides = array<i32>} : memref<50x80xi32, #tpu.memory_space<vmem>>, vector<16xi32>,
    %gather3A_111 = tpu.vector_load_idx %arg13[%get3A_110] : memref<10000xf32, #tpu.memory_space<vmem>>[vector<16xi32>], vector<16xf32>,
    %gather3A_112 = tpu.vector_load_idx %arg13[%get3A_106] : memref<10000xf32, #tpu.memory_space<vmem>>[vector<16xi32>], vector<16xf32>,
    %sub3A_113 = arith.subf %gather3A_111, %gather3A_112 : vector<16xf32>
    %gather3A_114 = tpu.vector_load_idx %arg14[%get3A_110] : memref<10000xf32, #tpu.memory_space<vmem>>[vector<16xi32>], vector<16xf32>,
    %gather3A_115 = tpu.vector_load_idx %arg14[%get3A_106] : memref<10000xf32, #tpu.memory_space<vmem>>[vector<16xi32>], vector<16xf32>,
    %sub3A_116 = arith.subf %gather3A_114, %gather3A_115 : vector<16xf32>
    %gather3A_117 = tpu.vector_load_idx %arg15[%get3A_110] : memref<10000xf32, #tpu.memory_space<vmem>>[vector<16xi32>], vector<16xf32>,
    %gather3A_118 = tpu.vector_load_idx %arg15[%get3A_106] : memref<10000xf32, #tpu.memory_space<vmem>>[vector<16xi32>], vector<16xf32>,
    %sub3A_119 = arith.subf %gather3A_117, %gather3A_118 : vector<16xf32>
    %mul3A_120 = arith.mulf %sub3A_113, %sub3A_113 : vector<16xf32>
    %mul3A_121 = arith.mulf %sub3A_116, %sub3A_116 : vector<16xf32>
    %add3A_122 = arith.addf %mul3A_120, %mul3A_121 : vector<16xf32>
    %mul3A_123 = arith.mulf %sub3A_119, %sub3A_119 : vector<16xf32>
    %add3A_124 = arith.addf %add3A_122, %mul3A_123 : vector<16xf32>
    %swap3A_125 = arith.constant 3888 : index
    %swap3A_126 = tpu.vector_load %arg20[%swap3A_125] {strides = array<i32>} : memref<4000xf32, #tpu.memory_space<vmem>>, vector<16xf32>,
    tpu.vector_store %arg20[%swap3A_125], %add3A_124 {strides = array<i32>} : memref<4000xf32, #tpu.memory_space<vmem>>, vector<16xf32>,
    %get3A_127 = arith.constant 48 : i32
    %get3A_128 = arith.index_cast %get3A_127 : i32 to index
    %get3A_129 = arith.constant 64 : index
    %get3A_130 = tpu.vector_load %arg11[%get3A_128, %get3A_129] {strides = array<i32>} : memref<50x80xi32, #tpu.memory_space<vmem>>, vector<16xi32>,
    %get3A_131 = arith.constant 48 : i32
    %get3A_132 = arith.index_cast %get3A_131 : i32 to index
    %get3A_133 = arith.constant 64 : index
    %get3A_134 = tpu.vector_load %arg12[%get3A_132, %get3A_133] {strides = array<i32>} : memref<50x80xi32, #tpu.memory_space<vmem>>, vector<16xi32>,
    %gather3A_135 = tpu.vector_load_idx %arg13[%get3A_134] : memref<10000xf32, #tpu.memory_space<vmem>>[vector<16xi32>], vector<16xf32>,
    %gather3A_136 = tpu.vector_load_idx %arg13[%get3A_130] : memref<10000xf32, #tpu.memory_space<vmem>>[vector<16xi32>], vector<16xf32>,
    %sub3A_137 = arith.subf %gather3A_135, %gather3A_136 : vector<16xf32>
    %gather3A_138 = tpu.vector_load_idx %arg14[%get3A_134] : memref<10000xf32, #tpu.memory_space<vmem>>[vector<16xi32>], vector<16xf32>,
    %gather3A_139 = tpu.vector_load_idx %arg14[%get3A_130] : memref<10000xf32, #tpu.memory_space<vmem>>[vector<16xi32>], vector<16xf32>,
    %sub3A_140 = arith.subf %gather3A_138, %gather3A_139 : vector<16xf32>
    %gather3A_141 = tpu.vector_load_idx %arg15[%get3A_134] : memref<10000xf32, #tpu.memory_space<vmem>>[vector<16xi32>], vector<16xf32>,
    %gather3A_142 = tpu.vector_load_idx %arg15[%get3A_130] : memref<10000xf32, #tpu.memory_space<vmem>>[vector<16xi32>], vector<16xf32>,
    %sub3A_143 = arith.subf %gather3A_141, %gather3A_142 : vector<16xf32>
    %mul3A_144 = arith.mulf %sub3A_137, %sub3A_137 : vector<16xf32>
    %mul3A_145 = arith.mulf %sub3A_140, %sub3A_140 : vector<16xf32>
    %add3A_146 = arith.addf %mul3A_144, %mul3A_145 : vector<16xf32>
    %mul3A_147 = arith.mulf %sub3A_143, %sub3A_143 : vector<16xf32>
    %add3A_148 = arith.addf %add3A_146, %mul3A_147 : vector<16xf32>
    %swap3A_149 = arith.constant 3904 : index
    %swap3A_150 = tpu.vector_load %arg20[%swap3A_149] {strides = array<i32>} : memref<4000xf32, #tpu.memory_space<vmem>>, vector<16xf32>,
    tpu.vector_store %arg20[%swap3A_149], %add3A_148 {strides = array<i32>} : memref<4000xf32, #tpu.memory_space<vmem>>, vector<16xf32>,
    %dma_wait3A = arith.constant 48 : i32
    %dma_wait3A_151 = arith.constant 0 : i32
    %dma_wait3A_152 = tpu.memref_slice %arg12[%dma_wait3A, %dma_wait3A_151] : memref<50x80xi32, #tpu.memory_space<vmem>> -> memref<1x80xi32, #tpu.memory_space<vmem>>
    %dma_wait3A_153 = tpu.memref_squeeze %dma_wait3A_152 : memref<1x80xi32, #tpu.memory_space<vmem>> -> memref<80xi32, #tpu.memory_space<vmem>>
    %dma_wait3A_154 = arith.constant 0 : i32
    %dma_wait3A_155 = arith.constant 0 : i32
    %dma_wait3A_156 = tpu.memref_slice %arg2[%dma_wait3A_154, %dma_wait3A_155] : memref<10000x128xf32, #tpu.memory_space<hbm>> -> memref<10000x128xf32, #tpu.memory_space<hbm>>
    tpu.wait_indirect_dma semaphore(%arg21 : memref<!tpu.dma_semaphore, #tpu.memory_space<semaphore_mem>>) src(%dma_wait3A_156 : memref<10000x128xf32, #tpu.memory_space<hbm>>) dst(%arg16 : memref<80x128xf32, #tpu.memory_space<vmem>>)
    %dma_wait3A_157 = arith.constant 48 : i32
    %dma_wait3A_158 = arith.constant 0 : i32
    %dma_wait3A_159 = tpu.memref_slice %arg11[%dma_wait3A_157, %dma_wait3A_158] : memref<50x80xi32, #tpu.memory_space<vmem>> -> memref<1x80xi32, #tpu.memory_space<vmem>>
    %dma_wait3A_160 = tpu.memref_squeeze %dma_wait3A_159 : memref<1x80xi32, #tpu.memory_space<vmem>> -> memref<80xi32, #tpu.memory_space<vmem>>
    %dma_wait3A_161 = arith.constant 0 : i32
    %dma_wait3A_162 = arith.constant 0 : i32
    %dma_wait3A_163 = tpu.memref_slice %arg3[%dma_wait3A_161, %dma_wait3A_162] : memref<10000x128xf32, #tpu.memory_space<hbm>> -> memref<10000x128xf32, #tpu.memory_space<hbm>>
    tpu.wait_indirect_dma semaphore(%arg22 : memref<!tpu.dma_semaphore, #tpu.memory_space<semaphore_mem>>) src(%dma_wait3A_163 : memref<10000x128xf32, #tpu.memory_space<hbm>>) dst(%arg17 : memref<80x128xf32, #tpu.memory_space<vmem>>)
    %scan3A_164 = arith.constant 0 : i32
    %scan3A_165 = arith.constant 0 : i32
    %scan3A_166 = arith.constant 80 : i32
    %scan3A_167 = arith.addi %scan3A_165, %scan3A_166 : i32
    %scan3A_168 = arith.constant 1 : i32
    scf.for %scan3A_314 = %scan3A_165 to %scan3A_167 step %scan3A_168  : i32 {
      %get3A_315 = arith.index_cast %scan3A_314 : i32 to index
      %get3A_316 = arith.constant 0 : index
      %get3A_317 = tpu.vector_load %arg16[%get3A_315, %get3A_316] {strides = array<i32>} : memref<80x128xf32, #tpu.memory_space<vmem>>, vector<16xf32>,
      %get3A_318 = arith.index_cast %scan3A_314 : i32 to index
      %get3A_319 = arith.constant 0 : index
      %get3A_320 = tpu.vector_load %arg17[%get3A_318, %get3A_319] {strides = array<i32>} : memref<80x128xf32, #tpu.memory_space<vmem>>, vector<16xf32>,
      %add3A_321 = arith.addf %get3A_317, %get3A_320 : vector<16xf32>
      %swap3A_322 = arith.index_cast %scan3A_314 : i32 to index
      %swap3A_323 = arith.constant 0 : index
      %swap3A_324 = tpu.vector_load %arg16[%swap3A_322, %swap3A_323] {strides = array<i32>} : memref<80x128xf32, #tpu.memory_space<vmem>>, vector<16xf32>,
      tpu.vector_store %arg16[%swap3A_322, %swap3A_323], %add3A_321 {strides = array<i32>} : memref<80x128xf32, #tpu.memory_space<vmem>>, vector<16xf32>,
      %get3A_325 = arith.index_cast %scan3A_314 : i32 to index
      %get3A_326 = arith.constant 16 : index
      %get3A_327 = tpu.vector_load %arg16[%get3A_325, %get3A_326] {strides = array<i32>} : memref<80x128xf32, #tpu.memory_space<vmem>>, vector<16xf32>,
      %get3A_328 = arith.index_cast %scan3A_314 : i32 to index
      %get3A_329 = arith.constant 16 : index
      %get3A_330 = tpu.vector_load %arg17[%get3A_328, %get3A_329] {strides = array<i32>} : memref<80x128xf32, #tpu.memory_space<vmem>>, vector<16xf32>,
      %add3A_331 = arith.addf %get3A_327, %get3A_330 : vector<16xf32>
      %swap3A_332 = arith.index_cast %scan3A_314 : i32 to index
      %swap3A_333 = arith.constant 16 : index
      %swap3A_334 = tpu.vector_load %arg16[%swap3A_332, %swap3A_333] {strides = array<i32>} : memref<80x128xf32, #tpu.memory_space<vmem>>, vector<16xf32>,
      tpu.vector_store %arg16[%swap3A_332, %swap3A_333], %add3A_331 {strides = array<i32>} : memref<80x128xf32, #tpu.memory_space<vmem>>, vector<16xf32>,
      %get3A_335 = arith.index_cast %scan3A_314 : i32 to index
      %get3A_336 = arith.constant 32 : index
      %get3A_337 = tpu.vector_load %arg16[%get3A_335, %get3A_336] {strides = array<i32>} : memref<80x128xf32, #tpu.memory_space<vmem>>, vector<16xf32>,
      %get3A_338 = arith.index_cast %scan3A_314 : i32 to index
      %get3A_339 = arith.constant 32 : index
      %get3A_340 = tpu.vector_load %arg17[%get3A_338, %get3A_339] {strides = array<i32>} : memref<80x128xf32, #tpu.memory_space<vmem>>, vector<16xf32>,
      %add3A_341 = arith.addf %get3A_337, %get3A_340 : vector<16xf32>
      %swap3A_342 = arith.index_cast %scan3A_314 : i32 to index
      %swap3A_343 = arith.constant 32 : index
      %swap3A_344 = tpu.vector_load %arg16[%swap3A_342, %swap3A_343] {strides = array<i32>} : memref<80x128xf32, #tpu.memory_space<vmem>>, vector<16xf32>,
      tpu.vector_store %arg16[%swap3A_342, %swap3A_343], %add3A_341 {strides = array<i32>} : memref<80x128xf32, #tpu.memory_space<vmem>>, vector<16xf32>,
      %get3A_345 = arith.index_cast %scan3A_314 : i32 to index
      %get3A_346 = arith.constant 48 : index
      %get3A_347 = tpu.vector_load %arg16[%get3A_345, %get3A_346] {strides = array<i32>} : memref<80x128xf32, #tpu.memory_space<vmem>>, vector<16xf32>,
      %get3A_348 = arith.index_cast %scan3A_314 : i32 to index
      %get3A_349 = arith.constant 48 : index
      %get3A_350 = tpu.vector_load %arg17[%get3A_348, %get3A_349] {strides = array<i32>} : memref<80x128xf32, #tpu.memory_space<vmem>>, vector<16xf32>,
      %add3A_351 = arith.addf %get3A_347, %get3A_350 : vector<16xf32>
      %swap3A_352 = arith.index_cast %scan3A_314 : i32 to index
      %swap3A_353 = arith.constant 48 : index
      %swap3A_354 = tpu.vector_load %arg16[%swap3A_352, %swap3A_353] {strides = array<i32>} : memref<80x128xf32, #tpu.memory_space<vmem>>, vector<16xf32>,
      tpu.vector_store %arg16[%swap3A_352, %swap3A_353], %add3A_351 {strides = array<i32>} : memref<80x128xf32, #tpu.memory_space<vmem>>, vector<16xf32>,
      %get3A_355 = arith.index_cast %scan3A_314 : i32 to index
      %get3A_356 = arith.constant 64 : index
      %get3A_357 = tpu.vector_load %arg16[%get3A_355, %get3A_356] {strides = array<i32>} : memref<80x128xf32, #tpu.memory_space<vmem>>, vector<16xf32>,
      %get3A_358 = arith.index_cast %scan3A_314 : i32 to index
      %get3A_359 = arith.constant 64 : index
      %get3A_360 = tpu.vector_load %arg17[%get3A_358, %get3A_359] {strides = array<i32>} : memref<80x128xf32, #tpu.memory_space<vmem>>, vector<16xf32>,
      %add3A_361 = arith.addf %get3A_357, %get3A_360 : vector<16xf32>
      %swap3A_362 = arith.index_cast %scan3A_314 : i32 to index
      %swap3A_363 = arith.constant 64 : index
      %swap3A_364 = tpu.vector_load %arg16[%swap3A_362, %swap3A_363] {strides = array<i32>} : memref<80x128xf32, #tpu.memory_space<vmem>>, vector<16xf32>,
      tpu.vector_store %arg16[%swap3A_362, %swap3A_363], %add3A_361 {strides = array<i32>} : memref<80x128xf32, #tpu.memory_space<vmem>>, vector<16xf32>,
      %get3A_365 = arith.index_cast %scan3A_314 : i32 to index
      %get3A_366 = arith.constant 80 : index
      %get3A_367 = tpu.vector_load %arg16[%get3A_365, %get3A_366] {strides = array<i32>} : memref<80x128xf32, #tpu.memory_space<vmem>>, vector<16xf32>,
      %get3A_368 = arith.index_cast %scan3A_314 : i32 to index
      %get3A_369 = arith.constant 80 : index
      %get3A_370 = tpu.vector_load %arg17[%get3A_368, %get3A_369] {strides = array<i32>} : memref<80x128xf32, #tpu.memory_space<vmem>>, vector<16xf32>,
      %add3A_371 = arith.addf %get3A_367, %get3A_370 : vector<16xf32>
      %swap3A_372 = arith.index_cast %scan3A_314 : i32 to index
      %swap3A_373 = arith.constant 80 : index
      %swap3A_374 = tpu.vector_load %arg16[%swap3A_372, %swap3A_373] {strides = array<i32>} : memref<80x128xf32, #tpu.memory_space<vmem>>, vector<16xf32>,
      tpu.vector_store %arg16[%swap3A_372, %swap3A_373], %add3A_371 {strides = array<i32>} : memref<80x128xf32, #tpu.memory_space<vmem>>, vector<16xf32>,
      %get3A_375 = arith.index_cast %scan3A_314 : i32 to index
      %get3A_376 = arith.constant 96 : index
      %get3A_377 = tpu.vector_load %arg16[%get3A_375, %get3A_376] {strides = array<i32>} : memref<80x128xf32, #tpu.memory_space<vmem>>, vector<16xf32>,
      %get3A_378 = arith.index_cast %scan3A_314 : i32 to index
      %get3A_379 = arith.constant 96 : index
      %get3A_380 = tpu.vector_load %arg17[%get3A_378, %get3A_379] {strides = array<i32>} : memref<80x128xf32, #tpu.memory_space<vmem>>, vector<16xf32>,
      %add3A_381 = arith.addf %get3A_377, %get3A_380 : vector<16xf32>
      %swap3A_382 = arith.index_cast %scan3A_314 : i32 to index
      %swap3A_383 = arith.constant 96 : index
      %swap3A_384 = tpu.vector_load %arg16[%swap3A_382, %swap3A_383] {strides = array<i32>} : memref<80x128xf32, #tpu.memory_space<vmem>>, vector<16xf32>,
      tpu.vector_store %arg16[%swap3A_382, %swap3A_383], %add3A_381 {strides = array<i32>} : memref<80x128xf32, #tpu.memory_space<vmem>>, vector<16xf32>,
      %get3A_385 = arith.index_cast %scan3A_314 : i32 to index
      %get3A_386 = arith.constant 112 : index
      %get3A_387 = tpu.vector_load %arg16[%get3A_385, %get3A_386] {strides = array<i32>} : memref<80x128xf32, #tpu.memory_space<vmem>>, vector<16xf32>,
      %get3A_388 = arith.index_cast %scan3A_314 : i32 to index
      %get3A_389 = arith.constant 112 : index
      %get3A_390 = tpu.vector_load %arg17[%get3A_388, %get3A_389] {strides = array<i32>} : memref<80x128xf32, #tpu.memory_space<vmem>>, vector<16xf32>,
      %add3A_391 = arith.addf %get3A_387, %get3A_390 : vector<16xf32>
      %swap3A_392 = arith.index_cast %scan3A_314 : i32 to index
      %swap3A_393 = arith.constant 112 : index
      %swap3A_394 = tpu.vector_load %arg16[%swap3A_392, %swap3A_393] {strides = array<i32>} : memref<80x128xf32, #tpu.memory_space<vmem>>, vector<16xf32>,
      tpu.vector_store %arg16[%swap3A_392, %swap3A_393], %add3A_391 {strides = array<i32>} : memref<80x128xf32, #tpu.memory_space<vmem>>, vector<16xf32>,
    }
    %scan3A_169 = arith.constant 80 : i32
    %add3A_170 = arith.constant 3840 : i32
    %add3A_171 = arith.addi %mul3A_2, %add3A_170 : i32
    "tpu.region"() ({
      %run_scoped3A = tpu.sem_alloc : memref<!tpu.dma_semaphore, #tpu.memory_space<semaphore_mem>>
      %dma_start3A_314 = arith.constant 0 : i32
      %dma_start3A_315 = tpu.memref_slice %arg9[%add3A_171, %dma_start3A_314] : memref<128000x128xf32, #tpu.memory_space<hbm>> -> memref<80x128xf32, #tpu.memory_space<hbm>>
      %dma_start3A_316 = arith.constant 0 : i32
      %dma_start3A_317 = tpu.memref_slice %arg9[%add3A_171, %dma_start3A_316] : memref<128000x128xf32, #tpu.memory_space<hbm>> -> memref<80x128xf32, #tpu.memory_space<hbm>>
      tpu.enqueue_dma source(%arg16 : memref<80x128xf32, #tpu.memory_space<vmem>>) target(%dma_start3A_317 : memref<80x128xf32, #tpu.memory_space<hbm>>) target_semaphore(%run_scoped3A : memref<!tpu.dma_semaphore, #tpu.memory_space<semaphore_mem>>)
      %dma_wait3A_318 = arith.constant 0 : i32
      %dma_wait3A_319 = tpu.memref_slice %arg9[%add3A_171, %dma_wait3A_318] : memref<128000x128xf32, #tpu.memory_space<hbm>> -> memref<80x128xf32, #tpu.memory_space<hbm>>
      %dma_wait3A_320 = arith.constant 0 : i32
      %dma_wait3A_321 = tpu.memref_slice %arg9[%add3A_171, %dma_wait3A_320] : memref<128000x128xf32, #tpu.memory_space<hbm>> -> memref<80x128xf32, #tpu.memory_space<hbm>>
      tpu.wait_dma2 semaphore(%run_scoped3A : memref<!tpu.dma_semaphore, #tpu.memory_space<semaphore_mem>>) src(%arg16 : memref<80x128xf32, #tpu.memory_space<vmem>>) dst(%dma_wait3A_321 : memref<80x128xf32, #tpu.memory_space<hbm>>)
      tpu.yield
    }) : () -> ()
    %get3A_172 = arith.constant 49 : i32
    %get3A_173 = arith.index_cast %get3A_172 : i32 to index
    %get3A_174 = arith.constant 0 : index
    %get3A_175 = tpu.vector_load %arg11[%get3A_173, %get3A_174] {strides = array<i32>} : memref<50x80xi32, #tpu.memory_space<vmem>>, vector<16xi32>,
    %get3A_176 = arith.constant 49 : i32
    %get3A_177 = arith.index_cast %get3A_176 : i32 to index
    %get3A_178 = arith.constant 0 : index
    %get3A_179 = tpu.vector_load %arg12[%get3A_177, %get3A_178] {strides = array<i32>} : memref<50x80xi32, #tpu.memory_space<vmem>>, vector<16xi32>,
    %gather3A_180 = tpu.vector_load_idx %arg13[%get3A_179] : memref<10000xf32, #tpu.memory_space<vmem>>[vector<16xi32>], vector<16xf32>,
    %gather3A_181 = tpu.vector_load_idx %arg13[%get3A_175] : memref<10000xf32, #tpu.memory_space<vmem>>[vector<16xi32>], vector<16xf32>,
    %sub3A_182 = arith.subf %gather3A_180, %gather3A_181 : vector<16xf32>
    %gather3A_183 = tpu.vector_load_idx %arg14[%get3A_179] : memref<10000xf32, #tpu.memory_space<vmem>>[vector<16xi32>], vector<16xf32>,
    %gather3A_184 = tpu.vector_load_idx %arg14[%get3A_175] : memref<10000xf32, #tpu.memory_space<vmem>>[vector<16xi32>], vector<16xf32>,
    %sub3A_185 = arith.subf %gather3A_183, %gather3A_184 : vector<16xf32>
    %gather3A_186 = tpu.vector_load_idx %arg15[%get3A_179] : memref<10000xf32, #tpu.memory_space<vmem>>[vector<16xi32>], vector<16xf32>,
    %gather3A_187 = tpu.vector_load_idx %arg15[%get3A_175] : memref<10000xf32, #tpu.memory_space<vmem>>[vector<16xi32>], vector<16xf32>,
    %sub3A_188 = arith.subf %gather3A_186, %gather3A_187 : vector<16xf32>
    %mul3A_189 = arith.mulf %sub3A_182, %sub3A_182 : vector<16xf32>
    %mul3A_190 = arith.mulf %sub3A_185, %sub3A_185 : vector<16xf32>
    %add3A_191 = arith.addf %mul3A_189, %mul3A_190 : vector<16xf32>
    %mul3A_192 = arith.mulf %sub3A_188, %sub3A_188 : vector<16xf32>
    %add3A_193 = arith.addf %add3A_191, %mul3A_192 : vector<16xf32>
    %swap3A_194 = arith.constant 3920 : index
    %swap3A_195 = tpu.vector_load %arg20[%swap3A_194] {strides = array<i32>} : memref<4000xf32, #tpu.memory_space<vmem>>, vector<16xf32>,
    tpu.vector_store %arg20[%swap3A_194], %add3A_193 {strides = array<i32>} : memref<4000xf32, #tpu.memory_space<vmem>>, vector<16xf32>,
    %get3A_196 = arith.constant 49 : i32
    %get3A_197 = arith.index_cast %get3A_196 : i32 to index
    %get3A_198 = arith.constant 16 : index
    %get3A_199 = tpu.vector_load %arg11[%get3A_197, %get3A_198] {strides = array<i32>} : memref<50x80xi32, #tpu.memory_space<vmem>>, vector<16xi32>,
    %get3A_200 = arith.constant 49 : i32
    %get3A_201 = arith.index_cast %get3A_200 : i32 to index
    %get3A_202 = arith.constant 16 : index
    %get3A_203 = tpu.vector_load %arg12[%get3A_201, %get3A_202] {strides = array<i32>} : memref<50x80xi32, #tpu.memory_space<vmem>>, vector<16xi32>,
    %gather3A_204 = tpu.vector_load_idx %arg13[%get3A_203] : memref<10000xf32, #tpu.memory_space<vmem>>[vector<16xi32>], vector<16xf32>,
    %gather3A_205 = tpu.vector_load_idx %arg13[%get3A_199] : memref<10000xf32, #tpu.memory_space<vmem>>[vector<16xi32>], vector<16xf32>,
    %sub3A_206 = arith.subf %gather3A_204, %gather3A_205 : vector<16xf32>
    %gather3A_207 = tpu.vector_load_idx %arg14[%get3A_203] : memref<10000xf32, #tpu.memory_space<vmem>>[vector<16xi32>], vector<16xf32>,
    %gather3A_208 = tpu.vector_load_idx %arg14[%get3A_199] : memref<10000xf32, #tpu.memory_space<vmem>>[vector<16xi32>], vector<16xf32>,
    %sub3A_209 = arith.subf %gather3A_207, %gather3A_208 : vector<16xf32>
    %gather3A_210 = tpu.vector_load_idx %arg15[%get3A_203] : memref<10000xf32, #tpu.memory_space<vmem>>[vector<16xi32>], vector<16xf32>,
    %gather3A_211 = tpu.vector_load_idx %arg15[%get3A_199] : memref<10000xf32, #tpu.memory_space<vmem>>[vector<16xi32>], vector<16xf32>,
    %sub3A_212 = arith.subf %gather3A_210, %gather3A_211 : vector<16xf32>
    %mul3A_213 = arith.mulf %sub3A_206, %sub3A_206 : vector<16xf32>
    %mul3A_214 = arith.mulf %sub3A_209, %sub3A_209 : vector<16xf32>
    %add3A_215 = arith.addf %mul3A_213, %mul3A_214 : vector<16xf32>
    %mul3A_216 = arith.mulf %sub3A_212, %sub3A_212 : vector<16xf32>
    %add3A_217 = arith.addf %add3A_215, %mul3A_216 : vector<16xf32>
    %swap3A_218 = arith.constant 3936 : index
    %swap3A_219 = tpu.vector_load %arg20[%swap3A_218] {strides = array<i32>} : memref<4000xf32, #tpu.memory_space<vmem>>, vector<16xf32>,
    tpu.vector_store %arg20[%swap3A_218], %add3A_217 {strides = array<i32>} : memref<4000xf32, #tpu.memory_space<vmem>>, vector<16xf32>,
    %get3A_220 = arith.constant 49 : i32
    %get3A_221 = arith.index_cast %get3A_220 : i32 to index
    %get3A_222 = arith.constant 32 : index
    %get3A_223 = tpu.vector_load %arg11[%get3A_221, %get3A_222] {strides = array<i32>} : memref<50x80xi32, #tpu.memory_space<vmem>>, vector<16xi32>,
    %get3A_224 = arith.constant 49 : i32
    %get3A_225 = arith.index_cast %get3A_224 : i32 to index
    %get3A_226 = arith.constant 32 : index
    %get3A_227 = tpu.vector_load %arg12[%get3A_225, %get3A_226] {strides = array<i32>} : memref<50x80xi32, #tpu.memory_space<vmem>>, vector<16xi32>,
    %gather3A_228 = tpu.vector_load_idx %arg13[%get3A_227] : memref<10000xf32, #tpu.memory_space<vmem>>[vector<16xi32>], vector<16xf32>,
    %gather3A_229 = tpu.vector_load_idx %arg13[%get3A_223] : memref<10000xf32, #tpu.memory_space<vmem>>[vector<16xi32>], vector<16xf32>,
    %sub3A_230 = arith.subf %gather3A_228, %gather3A_229 : vector<16xf32>
    %gather3A_231 = tpu.vector_load_idx %arg14[%get3A_227] : memref<10000xf32, #tpu.memory_space<vmem>>[vector<16xi32>], vector<16xf32>,
    %gather3A_232 = tpu.vector_load_idx %arg14[%get3A_223] : memref<10000xf32, #tpu.memory_space<vmem>>[vector<16xi32>], vector<16xf32>,
    %sub3A_233 = arith.subf %gather3A_231, %gather3A_232 : vector<16xf32>
    %gather3A_234 = tpu.vector_load_idx %arg15[%get3A_227] : memref<10000xf32, #tpu.memory_space<vmem>>[vector<16xi32>], vector<16xf32>,
    %gather3A_235 = tpu.vector_load_idx %arg15[%get3A_223] : memref<10000xf32, #tpu.memory_space<vmem>>[vector<16xi32>], vector<16xf32>,
    %sub3A_236 = arith.subf %gather3A_234, %gather3A_235 : vector<16xf32>
    %mul3A_237 = arith.mulf %sub3A_230, %sub3A_230 : vector<16xf32>
    %mul3A_238 = arith.mulf %sub3A_233, %sub3A_233 : vector<16xf32>
    %add3A_239 = arith.addf %mul3A_237, %mul3A_238 : vector<16xf32>
    %mul3A_240 = arith.mulf %sub3A_236, %sub3A_236 : vector<16xf32>
    %add3A_241 = arith.addf %add3A_239, %mul3A_240 : vector<16xf32>
    %swap3A_242 = arith.constant 3952 : index
    %swap3A_243 = tpu.vector_load %arg20[%swap3A_242] {strides = array<i32>} : memref<4000xf32, #tpu.memory_space<vmem>>, vector<16xf32>,
    tpu.vector_store %arg20[%swap3A_242], %add3A_241 {strides = array<i32>} : memref<4000xf32, #tpu.memory_space<vmem>>, vector<16xf32>,
    %get3A_244 = arith.constant 49 : i32
    %get3A_245 = arith.index_cast %get3A_244 : i32 to index
    %get3A_246 = arith.constant 48 : index
    %get3A_247 = tpu.vector_load %arg11[%get3A_245, %get3A_246] {strides = array<i32>} : memref<50x80xi32, #tpu.memory_space<vmem>>, vector<16xi32>,
    %get3A_248 = arith.constant 49 : i32
    %get3A_249 = arith.index_cast %get3A_248 : i32 to index
    %get3A_250 = arith.constant 48 : index
    %get3A_251 = tpu.vector_load %arg12[%get3A_249, %get3A_250] {strides = array<i32>} : memref<50x80xi32, #tpu.memory_space<vmem>>, vector<16xi32>,
    %gather3A_252 = tpu.vector_load_idx %arg13[%get3A_251] : memref<10000xf32, #tpu.memory_space<vmem>>[vector<16xi32>], vector<16xf32>,
    %gather3A_253 = tpu.vector_load_idx %arg13[%get3A_247] : memref<10000xf32, #tpu.memory_space<vmem>>[vector<16xi32>], vector<16xf32>,
    %sub3A_254 = arith.subf %gather3A_252, %gather3A_253 : vector<16xf32>
    %gather3A_255 = tpu.vector_load_idx %arg14[%get3A_251] : memref<10000xf32, #tpu.memory_space<vmem>>[vector<16xi32>], vector<16xf32>,
    %gather3A_256 = tpu.vector_load_idx %arg14[%get3A_247] : memref<10000xf32, #tpu.memory_space<vmem>>[vector<16xi32>], vector<16xf32>,
    %sub3A_257 = arith.subf %gather3A_255, %gather3A_256 : vector<16xf32>
    %gather3A_258 = tpu.vector_load_idx %arg15[%get3A_251] : memref<10000xf32, #tpu.memory_space<vmem>>[vector<16xi32>], vector<16xf32>,
    %gather3A_259 = tpu.vector_load_idx %arg15[%get3A_247] : memref<10000xf32, #tpu.memory_space<vmem>>[vector<16xi32>], vector<16xf32>,
    %sub3A_260 = arith.subf %gather3A_258, %gather3A_259 : vector<16xf32>
    %mul3A_261 = arith.mulf %sub3A_254, %sub3A_254 : vector<16xf32>
    %mul3A_262 = arith.mulf %sub3A_257, %sub3A_257 : vector<16xf32>
    %add3A_263 = arith.addf %mul3A_261, %mul3A_262 : vector<16xf32>
    %mul3A_264 = arith.mulf %sub3A_260, %sub3A_260 : vector<16xf32>
    %add3A_265 = arith.addf %add3A_263, %mul3A_264 : vector<16xf32>
    %swap3A_266 = arith.constant 3968 : index
    %swap3A_267 = tpu.vector_load %arg20[%swap3A_266] {strides = array<i32>} : memref<4000xf32, #tpu.memory_space<vmem>>, vector<16xf32>,
    tpu.vector_store %arg20[%swap3A_266], %add3A_265 {strides = array<i32>} : memref<4000xf32, #tpu.memory_space<vmem>>, vector<16xf32>,
    %get3A_268 = arith.constant 49 : i32
    %get3A_269 = arith.index_cast %get3A_268 : i32 to index
    %get3A_270 = arith.constant 64 : index
    %get3A_271 = tpu.vector_load %arg11[%get3A_269, %get3A_270] {strides = array<i32>} : memref<50x80xi32, #tpu.memory_space<vmem>>, vector<16xi32>,
    %get3A_272 = arith.constant 49 : i32
    %get3A_273 = arith.index_cast %get3A_272 : i32 to index
    %get3A_274 = arith.constant 64 : index
    %get3A_275 = tpu.vector_load %arg12[%get3A_273, %get3A_274] {strides = array<i32>} : memref<50x80xi32, #tpu.memory_space<vmem>>, vector<16xi32>,
    %gather3A_276 = tpu.vector_load_idx %arg13[%get3A_275] : memref<10000xf32, #tpu.memory_space<vmem>>[vector<16xi32>], vector<16xf32>,
    %gather3A_277 = tpu.vector_load_idx %arg13[%get3A_271] : memref<10000xf32, #tpu.memory_space<vmem>>[vector<16xi32>], vector<16xf32>,
    %sub3A_278 = arith.subf %gather3A_276, %gather3A_277 : vector<16xf32>
    %gather3A_279 = tpu.vector_load_idx %arg14[%get3A_275] : memref<10000xf32, #tpu.memory_space<vmem>>[vector<16xi32>], vector<16xf32>,
    %gather3A_280 = tpu.vector_load_idx %arg14[%get3A_271] : memref<10000xf32, #tpu.memory_space<vmem>>[vector<16xi32>], vector<16xf32>,
    %sub3A_281 = arith.subf %gather3A_279, %gather3A_280 : vector<16xf32>
    %gather3A_282 = tpu.vector_load_idx %arg15[%get3A_275] : memref<10000xf32, #tpu.memory_space<vmem>>[vector<16xi32>], vector<16xf32>,
    %gather3A_283 = tpu.vector_load_idx %arg15[%get3A_271] : memref<10000xf32, #tpu.memory_space<vmem>>[vector<16xi32>], vector<16xf32>,
    %sub3A_284 = arith.subf %gather3A_282, %gather3A_283 : vector<16xf32>
    %mul3A_285 = arith.mulf %sub3A_278, %sub3A_278 : vector<16xf32>
    %mul3A_286 = arith.mulf %sub3A_281, %sub3A_281 : vector<16xf32>
    %add3A_287 = arith.addf %mul3A_285, %mul3A_286 : vector<16xf32>
    %mul3A_288 = arith.mulf %sub3A_284, %sub3A_284 : vector<16xf32>
    %add3A_289 = arith.addf %add3A_287, %mul3A_288 : vector<16xf32>
    %swap3A_290 = arith.constant 3984 : index
    %swap3A_291 = tpu.vector_load %arg20[%swap3A_290] {strides = array<i32>} : memref<4000xf32, #tpu.memory_space<vmem>>, vector<16xf32>,
    tpu.vector_store %arg20[%swap3A_290], %add3A_289 {strides = array<i32>} : memref<4000xf32, #tpu.memory_space<vmem>>, vector<16xf32>,
    %dma_wait3A_292 = arith.constant 49 : i32
    %dma_wait3A_293 = arith.constant 0 : i32
    %dma_wait3A_294 = tpu.memref_slice %arg12[%dma_wait3A_292, %dma_wait3A_293] : memref<50x80xi32, #tpu.memory_space<vmem>> -> memref<1x80xi32, #tpu.memory_space<vmem>>
    %dma_wait3A_295 = tpu.memref_squeeze %dma_wait3A_294 : memref<1x80xi32, #tpu.memory_space<vmem>> -> memref<80xi32, #tpu.memory_space<vmem>>
    %dma_wait3A_296 = arith.constant 0 : i32
    %dma_wait3A_297 = arith.constant 0 : i32
    %dma_wait3A_298 = tpu.memref_slice %arg2[%dma_wait3A_296, %dma_wait3A_297] : memref<10000x128xf32, #tpu.memory_space<hbm>> -> memref<10000x128xf32, #tpu.memory_space<hbm>>
    tpu.wait_indirect_dma semaphore(%arg23 : memref<!tpu.dma_semaphore, #tpu.memory_space<semaphore_mem>>) src(%dma_wait3A_298 : memref<10000x128xf32, #tpu.memory_space<hbm>>) dst(%arg18 : memref<80x128xf32, #tpu.memory_space<vmem>>)
    %dma_wait3A_299 = arith.constant 49 : i32
    %dma_wait3A_300 = arith.constant 0 : i32
    %dma_wait3A_301 = tpu.memref_slice %arg11[%dma_wait3A_299, %dma_wait3A_300] : memref<50x80xi32, #tpu.memory_space<vmem>> -> memref<1x80xi32, #tpu.memory_space<vmem>>
    %dma_wait3A_302 = tpu.memref_squeeze %dma_wait3A_301 : memref<1x80xi32, #tpu.memory_space<vmem>> -> memref<80xi32, #tpu.memory_space<vmem>>
    %dma_wait3A_303 = arith.constant 0 : i32
    %dma_wait3A_304 = arith.constant 0 : i32
    %dma_wait3A_305 = tpu.memref_slice %arg3[%dma_wait3A_303, %dma_wait3A_304] : memref<10000x128xf32, #tpu.memory_space<hbm>> -> memref<10000x128xf32, #tpu.memory_space<hbm>>
    tpu.wait_indirect_dma semaphore(%arg24 : memref<!tpu.dma_semaphore, #tpu.memory_space<semaphore_mem>>) src(%dma_wait3A_305 : memref<10000x128xf32, #tpu.memory_space<hbm>>) dst(%arg19 : memref<80x128xf32, #tpu.memory_space<vmem>>)
    %scan3A_306 = arith.constant 0 : i32
    %scan3A_307 = arith.constant 0 : i32
    %scan3A_308 = arith.constant 80 : i32
    %scan3A_309 = arith.addi %scan3A_307, %scan3A_308 : i32
    %scan3A_310 = arith.constant 1 : i32
    scf.for %scan3A_314 = %scan3A_307 to %scan3A_309 step %scan3A_310  : i32 {
      %get3A_315 = arith.index_cast %scan3A_314 : i32 to index
      %get3A_316 = arith.constant 0 : index
      %get3A_317 = tpu.vector_load %arg18[%get3A_315, %get3A_316] {strides = array<i32>} : memref<80x128xf32, #tpu.memory_space<vmem>>, vector<16xf32>,
      %get3A_318 = arith.index_cast %scan3A_314 : i32 to index
      %get3A_319 = arith.constant 0 : index
      %get3A_320 = tpu.vector_load %arg19[%get3A_318, %get3A_319] {strides = array<i32>} : memref<80x128xf32, #tpu.memory_space<vmem>>, vector<16xf32>,
      %add3A_321 = arith.addf %get3A_317, %get3A_320 : vector<16xf32>
      %swap3A_322 = arith.index_cast %scan3A_314 : i32 to index
      %swap3A_323 = arith.constant 0 : index
      %swap3A_324 = tpu.vector_load %arg18[%swap3A_322, %swap3A_323] {strides = array<i32>} : memref<80x128xf32, #tpu.memory_space<vmem>>, vector<16xf32>,
      tpu.vector_store %arg18[%swap3A_322, %swap3A_323], %add3A_321 {strides = array<i32>} : memref<80x128xf32, #tpu.memory_space<vmem>>, vector<16xf32>,
      %get3A_325 = arith.index_cast %scan3A_314 : i32 to index
      %get3A_326 = arith.constant 16 : index
      %get3A_327 = tpu.vector_load %arg18[%get3A_325, %get3A_326] {strides = array<i32>} : memref<80x128xf32, #tpu.memory_space<vmem>>, vector<16xf32>,
      %get3A_328 = arith.index_cast %scan3A_314 : i32 to index
      %get3A_329 = arith.constant 16 : index
      %get3A_330 = tpu.vector_load %arg19[%get3A_328, %get3A_329] {strides = array<i32>} : memref<80x128xf32, #tpu.memory_space<vmem>>, vector<16xf32>,
      %add3A_331 = arith.addf %get3A_327, %get3A_330 : vector<16xf32>
      %swap3A_332 = arith.index_cast %scan3A_314 : i32 to index
      %swap3A_333 = arith.constant 16 : index
      %swap3A_334 = tpu.vector_load %arg18[%swap3A_332, %swap3A_333] {strides = array<i32>} : memref<80x128xf32, #tpu.memory_space<vmem>>, vector<16xf32>,
      tpu.vector_store %arg18[%swap3A_332, %swap3A_333], %add3A_331 {strides = array<i32>} : memref<80x128xf32, #tpu.memory_space<vmem>>, vector<16xf32>,
      %get3A_335 = arith.index_cast %scan3A_314 : i32 to index
      %get3A_336 = arith.constant 32 : index
      %get3A_337 = tpu.vector_load %arg18[%get3A_335, %get3A_336] {strides = array<i32>} : memref<80x128xf32, #tpu.memory_space<vmem>>, vector<16xf32>,
      %get3A_338 = arith.index_cast %scan3A_314 : i32 to index
      %get3A_339 = arith.constant 32 : index
      %get3A_340 = tpu.vector_load %arg19[%get3A_338, %get3A_339] {strides = array<i32>} : memref<80x128xf32, #tpu.memory_space<vmem>>, vector<16xf32>,
      %add3A_341 = arith.addf %get3A_337, %get3A_340 : vector<16xf32>
      %swap3A_342 = arith.index_cast %scan3A_314 : i32 to index
      %swap3A_343 = arith.constant 32 : index
      %swap3A_344 = tpu.vector_load %arg18[%swap3A_342, %swap3A_343] {strides = array<i32>} : memref<80x128xf32, #tpu.memory_space<vmem>>, vector<16xf32>,
      tpu.vector_store %arg18[%swap3A_342, %swap3A_343], %add3A_341 {strides = array<i32>} : memref<80x128xf32, #tpu.memory_space<vmem>>, vector<16xf32>,
      %get3A_345 = arith.index_cast %scan3A_314 : i32 to index
      %get3A_346 = arith.constant 48 : index
      %get3A_347 = tpu.vector_load %arg18[%get3A_345, %get3A_346] {strides = array<i32>} : memref<80x128xf32, #tpu.memory_space<vmem>>, vector<16xf32>,
      %get3A_348 = arith.index_cast %scan3A_314 : i32 to index
      %get3A_349 = arith.constant 48 : index
      %get3A_350 = tpu.vector_load %arg19[%get3A_348, %get3A_349] {strides = array<i32>} : memref<80x128xf32, #tpu.memory_space<vmem>>, vector<16xf32>,
      %add3A_351 = arith.addf %get3A_347, %get3A_350 : vector<16xf32>
      %swap3A_352 = arith.index_cast %scan3A_314 : i32 to index
      %swap3A_353 = arith.constant 48 : index
      %swap3A_354 = tpu.vector_load %arg18[%swap3A_352, %swap3A_353] {strides = array<i32>} : memref<80x128xf32, #tpu.memory_space<vmem>>, vector<16xf32>,
      tpu.vector_store %arg18[%swap3A_352, %swap3A_353], %add3A_351 {strides = array<i32>} : memref<80x128xf32, #tpu.memory_space<vmem>>, vector<16xf32>,
      %get3A_355 = arith.index_cast %scan3A_314 : i32 to index
      %get3A_356 = arith.constant 64 : index
      %get3A_357 = tpu.vector_load %arg18[%get3A_355, %get3A_356] {strides = array<i32>} : memref<80x128xf32, #tpu.memory_space<vmem>>, vector<16xf32>,
      %get3A_358 = arith.index_cast %scan3A_314 : i32 to index
      %get3A_359 = arith.constant 64 : index
      %get3A_360 = tpu.vector_load %arg19[%get3A_358, %get3A_359] {strides = array<i32>} : memref<80x128xf32, #tpu.memory_space<vmem>>, vector<16xf32>,
      %add3A_361 = arith.addf %get3A_357, %get3A_360 : vector<16xf32>
      %swap3A_362 = arith.index_cast %scan3A_314 : i32 to index
      %swap3A_363 = arith.constant 64 : index
      %swap3A_364 = tpu.vector_load %arg18[%swap3A_362, %swap3A_363] {strides = array<i32>} : memref<80x128xf32, #tpu.memory_space<vmem>>, vector<16xf32>,
      tpu.vector_store %arg18[%swap3A_362, %swap3A_363], %add3A_361 {strides = array<i32>} : memref<80x128xf32, #tpu.memory_space<vmem>>, vector<16xf32>,
      %get3A_365 = arith.index_cast %scan3A_314 : i32 to index
      %get3A_366 = arith.constant 80 : index
      %get3A_367 = tpu.vector_load %arg18[%get3A_365, %get3A_366] {strides = array<i32>} : memref<80x128xf32, #tpu.memory_space<vmem>>, vector<16xf32>,
      %get3A_368 = arith.index_cast %scan3A_314 : i32 to index
      %get3A_369 = arith.constant 80 : index
      %get3A_370 = tpu.vector_load %arg19[%get3A_368, %get3A_369] {strides = array<i32>} : memref<80x128xf32, #tpu.memory_space<vmem>>, vector<16xf32>,
      %add3A_371 = arith.addf %get3A_367, %get3A_370 : vector<16xf32>
      %swap3A_372 = arith.index_cast %scan3A_314 : i32 to index
      %swap3A_373 = arith.constant 80 : index
      %swap3A_374 = tpu.vector_load %arg18[%swap3A_372, %swap3A_373] {strides = array<i32>} : memref<80x128xf32, #tpu.memory_space<vmem>>, vector<16xf32>,
      tpu.vector_store %arg18[%swap3A_372, %swap3A_373], %add3A_371 {strides = array<i32>} : memref<80x128xf32, #tpu.memory_space<vmem>>, vector<16xf32>,
      %get3A_375 = arith.index_cast %scan3A_314 : i32 to index
      %get3A_376 = arith.constant 96 : index
      %get3A_377 = tpu.vector_load %arg18[%get3A_375, %get3A_376] {strides = array<i32>} : memref<80x128xf32, #tpu.memory_space<vmem>>, vector<16xf32>,
      %get3A_378 = arith.index_cast %scan3A_314 : i32 to index
      %get3A_379 = arith.constant 96 : index
      %get3A_380 = tpu.vector_load %arg19[%get3A_378, %get3A_379] {strides = array<i32>} : memref<80x128xf32, #tpu.memory_space<vmem>>, vector<16xf32>,
      %add3A_381 = arith.addf %get3A_377, %get3A_380 : vector<16xf32>
      %swap3A_382 = arith.index_cast %scan3A_314 : i32 to index
      %swap3A_383 = arith.constant 96 : index
      %swap3A_384 = tpu.vector_load %arg18[%swap3A_382, %swap3A_383] {strides = array<i32>} : memref<80x128xf32, #tpu.memory_space<vmem>>, vector<16xf32>,
      tpu.vector_store %arg18[%swap3A_382, %swap3A_383], %add3A_381 {strides = array<i32>} : memref<80x128xf32, #tpu.memory_space<vmem>>, vector<16xf32>,
      %get3A_385 = arith.index_cast %scan3A_314 : i32 to index
      %get3A_386 = arith.constant 112 : index
      %get3A_387 = tpu.vector_load %arg18[%get3A_385, %get3A_386] {strides = array<i32>} : memref<80x128xf32, #tpu.memory_space<vmem>>, vector<16xf32>,
      %get3A_388 = arith.index_cast %scan3A_314 : i32 to index
      %get3A_389 = arith.constant 112 : index
      %get3A_390 = tpu.vector_load %arg19[%get3A_388, %get3A_389] {strides = array<i32>} : memref<80x128xf32, #tpu.memory_space<vmem>>, vector<16xf32>,
      %add3A_391 = arith.addf %get3A_387, %get3A_390 : vector<16xf32>
      %swap3A_392 = arith.index_cast %scan3A_314 : i32 to index
      %swap3A_393 = arith.constant 112 : index
      %swap3A_394 = tpu.vector_load %arg18[%swap3A_392, %swap3A_393] {strides = array<i32>} : memref<80x128xf32, #tpu.memory_space<vmem>>, vector<16xf32>,
      tpu.vector_store %arg18[%swap3A_392, %swap3A_393], %add3A_391 {strides = array<i32>} : memref<80x128xf32, #tpu.memory_space<vmem>>, vector<16xf32>,
    }
    %scan3A_311 = arith.constant 80 : i32
    %add3A_312 = arith.constant 3920 : i32
    %add3A_313 = arith.addi %mul3A_2, %add3A_312 : i32
    "tpu.region"() ({
      %run_scoped3A = tpu.sem_alloc : memref<!tpu.dma_semaphore, #tpu.memory_space<semaphore_mem>>
      %dma_start3A_314 = arith.constant 0 : i32
      %dma_start3A_315 = tpu.memref_slice %arg9[%add3A_313, %dma_start3A_314] : memref<128000x128xf32, #tpu.memory_space<hbm>> -> memref<80x128xf32, #tpu.memory_space<hbm>>
      %dma_start3A_316 = arith.constant 0 : i32
      %dma_start3A_317 = tpu.memref_slice %arg9[%add3A_313, %dma_start3A_316] : memref<128000x128xf32, #tpu.memory_space<hbm>> -> memref<80x128xf32, #tpu.memory_space<hbm>>
      tpu.enqueue_dma source(%arg18 : memref<80x128xf32, #tpu.memory_space<vmem>>) target(%dma_start3A_317 : memref<80x128xf32, #tpu.memory_space<hbm>>) target_semaphore(%run_scoped3A : memref<!tpu.dma_semaphore, #tpu.memory_space<semaphore_mem>>)
      %dma_wait3A_318 = arith.constant 0 : i32
      %dma_wait3A_319 = tpu.memref_slice %arg9[%add3A_313, %dma_wait3A_318] : memref<128000x128xf32, #tpu.memory_space<hbm>> -> memref<80x128xf32, #tpu.memory_space<hbm>>
      %dma_wait3A_320 = arith.constant 0 : i32
      %dma_wait3A_321 = tpu.memref_slice %arg9[%add3A_313, %dma_wait3A_320] : memref<128000x128xf32, #tpu.memory_space<hbm>> -> memref<80x128xf32, #tpu.memory_space<hbm>>
      tpu.wait_dma2 semaphore(%run_scoped3A : memref<!tpu.dma_semaphore, #tpu.memory_space<semaphore_mem>>) src(%arg18 : memref<80x128xf32, #tpu.memory_space<vmem>>) dst(%dma_wait3A_321 : memref<80x128xf32, #tpu.memory_space<hbm>>)
      tpu.yield
    }) : () -> ()
    "tpu.region"() ({
      %run_scoped3A = tpu.sem_alloc : memref<!tpu.dma_semaphore, #tpu.memory_space<semaphore_mem>>
      %dma_start3A_314 = tpu.memref_slice %arg10[%mul3A_2] : memref<128000xf32, #tpu.memory_space<hbm>> -> memref<4000xf32, #tpu.memory_space<hbm>>
      %dma_start3A_315 = tpu.memref_slice %arg10[%mul3A_2] : memref<128000xf32, #tpu.memory_space<hbm>> -> memref<4000xf32, #tpu.memory_space<hbm>>
      tpu.enqueue_dma source(%arg20 : memref<4000xf32, #tpu.memory_space<vmem>>) target(%dma_start3A_315 : memref<4000xf32, #tpu.memory_space<hbm>>) target_semaphore(%run_scoped3A : memref<!tpu.dma_semaphore, #tpu.memory_space<semaphore_mem>>)
      %dma_wait3A_316 = tpu.memref_slice %arg10[%mul3A_2] : memref<128000xf32, #tpu.memory_space<hbm>> -> memref<4000xf32, #tpu.memory_space<hbm>>
      %dma_wait3A_317 = tpu.memref_slice %arg10[%mul3A_2] : memref<128000xf32, #tpu.memory_space<hbm>> -> memref<4000xf32, #tpu.memory_space<hbm>>
      tpu.wait_dma2 semaphore(%run_scoped3A : memref<!tpu.dma_semaphore, #tpu.memory_space<semaphore_mem>>) src(%arg20 : memref<4000xf32, #tpu.memory_space<vmem>>) dst(%dma_wait3A_317 : memref<4000xf32, #tpu.memory_space<hbm>>)
      tpu.yield
    }) : () -> ()
    return
  }
}

#map = affine_map<(d0, d1) -> (0, 0)>
#map1 = affine_map<(d0, d1) -> (0, 0, 0)>
module attributes {stable_mosaic.version = 14 : i64} {
  func.func @body(%arg0: i32, %arg1: i32, %arg2: memref<192000x128xf32, #tpu.memory_space<hbm>>, %arg3: memref<32x75x80xi32, #tpu.memory_space<hbm>>, %arg4: memref<2x10240x128xf32, #tpu.memory_space<hbm>>, %arg5: memref<75x80xi32, #tpu.memory_space<vmem>>, %arg6: memref<80x128xf32, #tpu.memory_space<vmem>>, %arg7: memref<80x128xf32, #tpu.memory_space<vmem>>, %arg8: memref<10240x128xf32, #tpu.memory_space<vmem_shared>>, %arg9: memref<!tpu.dma_semaphore, #tpu.memory_space<semaphore_mem>>, %arg10: memref<!tpu.dma_semaphore, #tpu.memory_space<semaphore_mem>>) attributes {dimension_semantics = [#tpu.dimension_semantics<core_parallel>, #tpu.dimension_semantics<subcore_parallel>], iteration_bounds = array<i64: 2, 16>, scalar_prefetch = 0 : i64, scratch_operands = 6 : i64, tpu.core_type = #tpu.core_type<sc_vector_subcore>, window_params = [{transform_indices = #map}, {transform_indices = #map1}, {transform_indices = #map1}]} {
    %mul3A = arith.constant 2 : i32
    %mul3A_0 = arith.muli %arg1, %mul3A : i32
    %add3A = arith.addi %mul3A_0, %arg0 : i32
    %mul3A_1 = arith.constant 6000 : i32
    %mul3A_2 = arith.muli %add3A, %mul3A_1 : i32
    %scan3A = arith.constant 0 : i32
    %scan3A_3 = arith.constant 0 : i32
    %scan3A_4 = arith.constant 80 : i32
    %scan3A_5 = arith.addi %scan3A_3, %scan3A_4 : i32
    %scan3A_6 = arith.constant 1 : i32
    scf.for %scan3A_67 = %scan3A_3 to %scan3A_5 step %scan3A_6  : i32 {
      %broadcast_in_dim3A = arith.constant 0.000000e+00 : f32
      %broadcast_in_dim3A_68 = vector.broadcast %broadcast_in_dim3A : f32 to vector<16xf32>
      %swap3A = arith.index_cast %scan3A_67 : i32 to index
      %swap3A_69 = arith.constant 0 : index
      %swap3A_70 = tpu.vector_load %arg6[%swap3A, %swap3A_69] {strides = array<i32>} : memref<80x128xf32, #tpu.memory_space<vmem>>, vector<16xf32>,
      tpu.vector_store %arg6[%swap3A, %swap3A_69], %broadcast_in_dim3A_68 {strides = array<i32>} : memref<80x128xf32, #tpu.memory_space<vmem>>, vector<16xf32>,
      %broadcast_in_dim3A_71 = arith.constant 0.000000e+00 : f32
      %broadcast_in_dim3A_72 = vector.broadcast %broadcast_in_dim3A_71 : f32 to vector<16xf32>
      %swap3A_73 = arith.index_cast %scan3A_67 : i32 to index
      %swap3A_74 = arith.constant 16 : index
      %swap3A_75 = tpu.vector_load %arg6[%swap3A_73, %swap3A_74] {strides = array<i32>} : memref<80x128xf32, #tpu.memory_space<vmem>>, vector<16xf32>,
      tpu.vector_store %arg6[%swap3A_73, %swap3A_74], %broadcast_in_dim3A_72 {strides = array<i32>} : memref<80x128xf32, #tpu.memory_space<vmem>>, vector<16xf32>,
      %broadcast_in_dim3A_76 = arith.constant 0.000000e+00 : f32
      %broadcast_in_dim3A_77 = vector.broadcast %broadcast_in_dim3A_76 : f32 to vector<16xf32>
      %swap3A_78 = arith.index_cast %scan3A_67 : i32 to index
      %swap3A_79 = arith.constant 32 : index
      %swap3A_80 = tpu.vector_load %arg6[%swap3A_78, %swap3A_79] {strides = array<i32>} : memref<80x128xf32, #tpu.memory_space<vmem>>, vector<16xf32>,
      tpu.vector_store %arg6[%swap3A_78, %swap3A_79], %broadcast_in_dim3A_77 {strides = array<i32>} : memref<80x128xf32, #tpu.memory_space<vmem>>, vector<16xf32>,
      %broadcast_in_dim3A_81 = arith.constant 0.000000e+00 : f32
      %broadcast_in_dim3A_82 = vector.broadcast %broadcast_in_dim3A_81 : f32 to vector<16xf32>
      %swap3A_83 = arith.index_cast %scan3A_67 : i32 to index
      %swap3A_84 = arith.constant 48 : index
      %swap3A_85 = tpu.vector_load %arg6[%swap3A_83, %swap3A_84] {strides = array<i32>} : memref<80x128xf32, #tpu.memory_space<vmem>>, vector<16xf32>,
      tpu.vector_store %arg6[%swap3A_83, %swap3A_84], %broadcast_in_dim3A_82 {strides = array<i32>} : memref<80x128xf32, #tpu.memory_space<vmem>>, vector<16xf32>,
      %broadcast_in_dim3A_86 = arith.constant 0.000000e+00 : f32
      %broadcast_in_dim3A_87 = vector.broadcast %broadcast_in_dim3A_86 : f32 to vector<16xf32>
      %swap3A_88 = arith.index_cast %scan3A_67 : i32 to index
      %swap3A_89 = arith.constant 64 : index
      %swap3A_90 = tpu.vector_load %arg6[%swap3A_88, %swap3A_89] {strides = array<i32>} : memref<80x128xf32, #tpu.memory_space<vmem>>, vector<16xf32>,
      tpu.vector_store %arg6[%swap3A_88, %swap3A_89], %broadcast_in_dim3A_87 {strides = array<i32>} : memref<80x128xf32, #tpu.memory_space<vmem>>, vector<16xf32>,
      %broadcast_in_dim3A_91 = arith.constant 0.000000e+00 : f32
      %broadcast_in_dim3A_92 = vector.broadcast %broadcast_in_dim3A_91 : f32 to vector<16xf32>
      %swap3A_93 = arith.index_cast %scan3A_67 : i32 to index
      %swap3A_94 = arith.constant 80 : index
      %swap3A_95 = tpu.vector_load %arg6[%swap3A_93, %swap3A_94] {strides = array<i32>} : memref<80x128xf32, #tpu.memory_space<vmem>>, vector<16xf32>,
      tpu.vector_store %arg6[%swap3A_93, %swap3A_94], %broadcast_in_dim3A_92 {strides = array<i32>} : memref<80x128xf32, #tpu.memory_space<vmem>>, vector<16xf32>,
      %broadcast_in_dim3A_96 = arith.constant 0.000000e+00 : f32
      %broadcast_in_dim3A_97 = vector.broadcast %broadcast_in_dim3A_96 : f32 to vector<16xf32>
      %swap3A_98 = arith.index_cast %scan3A_67 : i32 to index
      %swap3A_99 = arith.constant 96 : index
      %swap3A_100 = tpu.vector_load %arg6[%swap3A_98, %swap3A_99] {strides = array<i32>} : memref<80x128xf32, #tpu.memory_space<vmem>>, vector<16xf32>,
      tpu.vector_store %arg6[%swap3A_98, %swap3A_99], %broadcast_in_dim3A_97 {strides = array<i32>} : memref<80x128xf32, #tpu.memory_space<vmem>>, vector<16xf32>,
      %broadcast_in_dim3A_101 = arith.constant 0.000000e+00 : f32
      %broadcast_in_dim3A_102 = vector.broadcast %broadcast_in_dim3A_101 : f32 to vector<16xf32>
      %swap3A_103 = arith.index_cast %scan3A_67 : i32 to index
      %swap3A_104 = arith.constant 112 : index
      %swap3A_105 = tpu.vector_load %arg6[%swap3A_103, %swap3A_104] {strides = array<i32>} : memref<80x128xf32, #tpu.memory_space<vmem>>, vector<16xf32>,
      tpu.vector_store %arg6[%swap3A_103, %swap3A_104], %broadcast_in_dim3A_102 {strides = array<i32>} : memref<80x128xf32, #tpu.memory_space<vmem>>, vector<16xf32>,
    }
    %scan3A_7 = arith.constant 80 : i32
    %mul3A_8 = arith.constant 640 : i32
    %mul3A_9 = arith.muli %arg1, %mul3A_8 : i32
    %add3A_10 = arith.constant 0 : i32
    %add3A_11 = arith.addi %mul3A_9, %add3A_10 : i32
    "tpu.region"() ({
      %run_scoped3A_67 = tpu.sem_alloc : memref<!tpu.dma_semaphore, #tpu.memory_space<semaphore_mem>>
      %dma_start3A_68 = arith.constant 0 : i32
      %dma_start3A_69 = tpu.memref_slice %arg8[%add3A_11, %dma_start3A_68] : memref<10240x128xf32, #tpu.memory_space<vmem_shared>> -> memref<80x128xf32, #tpu.memory_space<vmem_shared>>
      %dma_start3A_70 = arith.constant 0 : i32
      %dma_start3A_71 = tpu.memref_slice %arg8[%add3A_11, %dma_start3A_70] : memref<10240x128xf32, #tpu.memory_space<vmem_shared>> -> memref<80x128xf32, #tpu.memory_space<vmem_shared>>
      tpu.enqueue_dma source(%arg6 : memref<80x128xf32, #tpu.memory_space<vmem>>) target(%dma_start3A_71 : memref<80x128xf32, #tpu.memory_space<vmem_shared>>) target_semaphore(%run_scoped3A_67 : memref<!tpu.dma_semaphore, #tpu.memory_space<semaphore_mem>>)
      %dma_wait3A_72 = arith.constant 0 : i32
      %dma_wait3A_73 = tpu.memref_slice %arg8[%add3A_11, %dma_wait3A_72] : memref<10240x128xf32, #tpu.memory_space<vmem_shared>> -> memref<80x128xf32, #tpu.memory_space<vmem_shared>>
      %dma_wait3A_74 = arith.constant 0 : i32
      %dma_wait3A_75 = tpu.memref_slice %arg8[%add3A_11, %dma_wait3A_74] : memref<10240x128xf32, #tpu.memory_space<vmem_shared>> -> memref<80x128xf32, #tpu.memory_space<vmem_shared>>
      tpu.wait_dma2 semaphore(%run_scoped3A_67 : memref<!tpu.dma_semaphore, #tpu.memory_space<semaphore_mem>>) src(%arg6 : memref<80x128xf32, #tpu.memory_space<vmem>>) dst(%dma_wait3A_75 : memref<80x128xf32, #tpu.memory_space<vmem_shared>>)
      tpu.yield
    }) : () -> ()
    %mul3A_12 = arith.constant 640 : i32
    %mul3A_13 = arith.muli %arg1, %mul3A_12 : i32
    %add3A_14 = arith.constant 80 : i32
    %add3A_15 = arith.addi %mul3A_13, %add3A_14 : i32
    "tpu.region"() ({
      %run_scoped3A_67 = tpu.sem_alloc : memref<!tpu.dma_semaphore, #tpu.memory_space<semaphore_mem>>
      %dma_start3A_68 = arith.constant 0 : i32
      %dma_start3A_69 = tpu.memref_slice %arg8[%add3A_15, %dma_start3A_68] : memref<10240x128xf32, #tpu.memory_space<vmem_shared>> -> memref<80x128xf32, #tpu.memory_space<vmem_shared>>
      %dma_start3A_70 = arith.constant 0 : i32
      %dma_start3A_71 = tpu.memref_slice %arg8[%add3A_15, %dma_start3A_70] : memref<10240x128xf32, #tpu.memory_space<vmem_shared>> -> memref<80x128xf32, #tpu.memory_space<vmem_shared>>
      tpu.enqueue_dma source(%arg6 : memref<80x128xf32, #tpu.memory_space<vmem>>) target(%dma_start3A_71 : memref<80x128xf32, #tpu.memory_space<vmem_shared>>) target_semaphore(%run_scoped3A_67 : memref<!tpu.dma_semaphore, #tpu.memory_space<semaphore_mem>>)
      %dma_wait3A_72 = arith.constant 0 : i32
      %dma_wait3A_73 = tpu.memref_slice %arg8[%add3A_15, %dma_wait3A_72] : memref<10240x128xf32, #tpu.memory_space<vmem_shared>> -> memref<80x128xf32, #tpu.memory_space<vmem_shared>>
      %dma_wait3A_74 = arith.constant 0 : i32
      %dma_wait3A_75 = tpu.memref_slice %arg8[%add3A_15, %dma_wait3A_74] : memref<10240x128xf32, #tpu.memory_space<vmem_shared>> -> memref<80x128xf32, #tpu.memory_space<vmem_shared>>
      tpu.wait_dma2 semaphore(%run_scoped3A_67 : memref<!tpu.dma_semaphore, #tpu.memory_space<semaphore_mem>>) src(%arg6 : memref<80x128xf32, #tpu.memory_space<vmem>>) dst(%dma_wait3A_75 : memref<80x128xf32, #tpu.memory_space<vmem_shared>>)
      tpu.yield
    }) : () -> ()
    %mul3A_16 = arith.constant 640 : i32
    %mul3A_17 = arith.muli %arg1, %mul3A_16 : i32
    %add3A_18 = arith.constant 160 : i32
    %add3A_19 = arith.addi %mul3A_17, %add3A_18 : i32
    "tpu.region"() ({
      %run_scoped3A_67 = tpu.sem_alloc : memref<!tpu.dma_semaphore, #tpu.memory_space<semaphore_mem>>
      %dma_start3A_68 = arith.constant 0 : i32
      %dma_start3A_69 = tpu.memref_slice %arg8[%add3A_19, %dma_start3A_68] : memref<10240x128xf32, #tpu.memory_space<vmem_shared>> -> memref<80x128xf32, #tpu.memory_space<vmem_shared>>
      %dma_start3A_70 = arith.constant 0 : i32
      %dma_start3A_71 = tpu.memref_slice %arg8[%add3A_19, %dma_start3A_70] : memref<10240x128xf32, #tpu.memory_space<vmem_shared>> -> memref<80x128xf32, #tpu.memory_space<vmem_shared>>
      tpu.enqueue_dma source(%arg6 : memref<80x128xf32, #tpu.memory_space<vmem>>) target(%dma_start3A_71 : memref<80x128xf32, #tpu.memory_space<vmem_shared>>) target_semaphore(%run_scoped3A_67 : memref<!tpu.dma_semaphore, #tpu.memory_space<semaphore_mem>>)
      %dma_wait3A_72 = arith.constant 0 : i32
      %dma_wait3A_73 = tpu.memref_slice %arg8[%add3A_19, %dma_wait3A_72] : memref<10240x128xf32, #tpu.memory_space<vmem_shared>> -> memref<80x128xf32, #tpu.memory_space<vmem_shared>>
      %dma_wait3A_74 = arith.constant 0 : i32
      %dma_wait3A_75 = tpu.memref_slice %arg8[%add3A_19, %dma_wait3A_74] : memref<10240x128xf32, #tpu.memory_space<vmem_shared>> -> memref<80x128xf32, #tpu.memory_space<vmem_shared>>
      tpu.wait_dma2 semaphore(%run_scoped3A_67 : memref<!tpu.dma_semaphore, #tpu.memory_space<semaphore_mem>>) src(%arg6 : memref<80x128xf32, #tpu.memory_space<vmem>>) dst(%dma_wait3A_75 : memref<80x128xf32, #tpu.memory_space<vmem_shared>>)
      tpu.yield
    }) : () -> ()
    %mul3A_20 = arith.constant 640 : i32
    %mul3A_21 = arith.muli %arg1, %mul3A_20 : i32
    %add3A_22 = arith.constant 240 : i32
    %add3A_23 = arith.addi %mul3A_21, %add3A_22 : i32
    "tpu.region"() ({
      %run_scoped3A_67 = tpu.sem_alloc : memref<!tpu.dma_semaphore, #tpu.memory_space<semaphore_mem>>
      %dma_start3A_68 = arith.constant 0 : i32
      %dma_start3A_69 = tpu.memref_slice %arg8[%add3A_23, %dma_start3A_68] : memref<10240x128xf32, #tpu.memory_space<vmem_shared>> -> memref<80x128xf32, #tpu.memory_space<vmem_shared>>
      %dma_start3A_70 = arith.constant 0 : i32
      %dma_start3A_71 = tpu.memref_slice %arg8[%add3A_23, %dma_start3A_70] : memref<10240x128xf32, #tpu.memory_space<vmem_shared>> -> memref<80x128xf32, #tpu.memory_space<vmem_shared>>
      tpu.enqueue_dma source(%arg6 : memref<80x128xf32, #tpu.memory_space<vmem>>) target(%dma_start3A_71 : memref<80x128xf32, #tpu.memory_space<vmem_shared>>) target_semaphore(%run_scoped3A_67 : memref<!tpu.dma_semaphore, #tpu.memory_space<semaphore_mem>>)
      %dma_wait3A_72 = arith.constant 0 : i32
      %dma_wait3A_73 = tpu.memref_slice %arg8[%add3A_23, %dma_wait3A_72] : memref<10240x128xf32, #tpu.memory_space<vmem_shared>> -> memref<80x128xf32, #tpu.memory_space<vmem_shared>>
      %dma_wait3A_74 = arith.constant 0 : i32
      %dma_wait3A_75 = tpu.memref_slice %arg8[%add3A_23, %dma_wait3A_74] : memref<10240x128xf32, #tpu.memory_space<vmem_shared>> -> memref<80x128xf32, #tpu.memory_space<vmem_shared>>
      tpu.wait_dma2 semaphore(%run_scoped3A_67 : memref<!tpu.dma_semaphore, #tpu.memory_space<semaphore_mem>>) src(%arg6 : memref<80x128xf32, #tpu.memory_space<vmem>>) dst(%dma_wait3A_75 : memref<80x128xf32, #tpu.memory_space<vmem_shared>>)
      tpu.yield
    }) : () -> ()
    %mul3A_24 = arith.constant 640 : i32
    %mul3A_25 = arith.muli %arg1, %mul3A_24 : i32
    %add3A_26 = arith.constant 320 : i32
    %add3A_27 = arith.addi %mul3A_25, %add3A_26 : i32
    "tpu.region"() ({
      %run_scoped3A_67 = tpu.sem_alloc : memref<!tpu.dma_semaphore, #tpu.memory_space<semaphore_mem>>
      %dma_start3A_68 = arith.constant 0 : i32
      %dma_start3A_69 = tpu.memref_slice %arg8[%add3A_27, %dma_start3A_68] : memref<10240x128xf32, #tpu.memory_space<vmem_shared>> -> memref<80x128xf32, #tpu.memory_space<vmem_shared>>
      %dma_start3A_70 = arith.constant 0 : i32
      %dma_start3A_71 = tpu.memref_slice %arg8[%add3A_27, %dma_start3A_70] : memref<10240x128xf32, #tpu.memory_space<vmem_shared>> -> memref<80x128xf32, #tpu.memory_space<vmem_shared>>
      tpu.enqueue_dma source(%arg6 : memref<80x128xf32, #tpu.memory_space<vmem>>) target(%dma_start3A_71 : memref<80x128xf32, #tpu.memory_space<vmem_shared>>) target_semaphore(%run_scoped3A_67 : memref<!tpu.dma_semaphore, #tpu.memory_space<semaphore_mem>>)
      %dma_wait3A_72 = arith.constant 0 : i32
      %dma_wait3A_73 = tpu.memref_slice %arg8[%add3A_27, %dma_wait3A_72] : memref<10240x128xf32, #tpu.memory_space<vmem_shared>> -> memref<80x128xf32, #tpu.memory_space<vmem_shared>>
      %dma_wait3A_74 = arith.constant 0 : i32
      %dma_wait3A_75 = tpu.memref_slice %arg8[%add3A_27, %dma_wait3A_74] : memref<10240x128xf32, #tpu.memory_space<vmem_shared>> -> memref<80x128xf32, #tpu.memory_space<vmem_shared>>
      tpu.wait_dma2 semaphore(%run_scoped3A_67 : memref<!tpu.dma_semaphore, #tpu.memory_space<semaphore_mem>>) src(%arg6 : memref<80x128xf32, #tpu.memory_space<vmem>>) dst(%dma_wait3A_75 : memref<80x128xf32, #tpu.memory_space<vmem_shared>>)
      tpu.yield
    }) : () -> ()
    %mul3A_28 = arith.constant 640 : i32
    %mul3A_29 = arith.muli %arg1, %mul3A_28 : i32
    %add3A_30 = arith.constant 400 : i32
    %add3A_31 = arith.addi %mul3A_29, %add3A_30 : i32
    "tpu.region"() ({
      %run_scoped3A_67 = tpu.sem_alloc : memref<!tpu.dma_semaphore, #tpu.memory_space<semaphore_mem>>
      %dma_start3A_68 = arith.constant 0 : i32
      %dma_start3A_69 = tpu.memref_slice %arg8[%add3A_31, %dma_start3A_68] : memref<10240x128xf32, #tpu.memory_space<vmem_shared>> -> memref<80x128xf32, #tpu.memory_space<vmem_shared>>
      %dma_start3A_70 = arith.constant 0 : i32
      %dma_start3A_71 = tpu.memref_slice %arg8[%add3A_31, %dma_start3A_70] : memref<10240x128xf32, #tpu.memory_space<vmem_shared>> -> memref<80x128xf32, #tpu.memory_space<vmem_shared>>
      tpu.enqueue_dma source(%arg6 : memref<80x128xf32, #tpu.memory_space<vmem>>) target(%dma_start3A_71 : memref<80x128xf32, #tpu.memory_space<vmem_shared>>) target_semaphore(%run_scoped3A_67 : memref<!tpu.dma_semaphore, #tpu.memory_space<semaphore_mem>>)
      %dma_wait3A_72 = arith.constant 0 : i32
      %dma_wait3A_73 = tpu.memref_slice %arg8[%add3A_31, %dma_wait3A_72] : memref<10240x128xf32, #tpu.memory_space<vmem_shared>> -> memref<80x128xf32, #tpu.memory_space<vmem_shared>>
      %dma_wait3A_74 = arith.constant 0 : i32
      %dma_wait3A_75 = tpu.memref_slice %arg8[%add3A_31, %dma_wait3A_74] : memref<10240x128xf32, #tpu.memory_space<vmem_shared>> -> memref<80x128xf32, #tpu.memory_space<vmem_shared>>
      tpu.wait_dma2 semaphore(%run_scoped3A_67 : memref<!tpu.dma_semaphore, #tpu.memory_space<semaphore_mem>>) src(%arg6 : memref<80x128xf32, #tpu.memory_space<vmem>>) dst(%dma_wait3A_75 : memref<80x128xf32, #tpu.memory_space<vmem_shared>>)
      tpu.yield
    }) : () -> ()
    %mul3A_32 = arith.constant 640 : i32
    %mul3A_33 = arith.muli %arg1, %mul3A_32 : i32
    %add3A_34 = arith.constant 480 : i32
    %add3A_35 = arith.addi %mul3A_33, %add3A_34 : i32
    "tpu.region"() ({
      %run_scoped3A_67 = tpu.sem_alloc : memref<!tpu.dma_semaphore, #tpu.memory_space<semaphore_mem>>
      %dma_start3A_68 = arith.constant 0 : i32
      %dma_start3A_69 = tpu.memref_slice %arg8[%add3A_35, %dma_start3A_68] : memref<10240x128xf32, #tpu.memory_space<vmem_shared>> -> memref<80x128xf32, #tpu.memory_space<vmem_shared>>
      %dma_start3A_70 = arith.constant 0 : i32
      %dma_start3A_71 = tpu.memref_slice %arg8[%add3A_35, %dma_start3A_70] : memref<10240x128xf32, #tpu.memory_space<vmem_shared>> -> memref<80x128xf32, #tpu.memory_space<vmem_shared>>
      tpu.enqueue_dma source(%arg6 : memref<80x128xf32, #tpu.memory_space<vmem>>) target(%dma_start3A_71 : memref<80x128xf32, #tpu.memory_space<vmem_shared>>) target_semaphore(%run_scoped3A_67 : memref<!tpu.dma_semaphore, #tpu.memory_space<semaphore_mem>>)
      %dma_wait3A_72 = arith.constant 0 : i32
      %dma_wait3A_73 = tpu.memref_slice %arg8[%add3A_35, %dma_wait3A_72] : memref<10240x128xf32, #tpu.memory_space<vmem_shared>> -> memref<80x128xf32, #tpu.memory_space<vmem_shared>>
      %dma_wait3A_74 = arith.constant 0 : i32
      %dma_wait3A_75 = tpu.memref_slice %arg8[%add3A_35, %dma_wait3A_74] : memref<10240x128xf32, #tpu.memory_space<vmem_shared>> -> memref<80x128xf32, #tpu.memory_space<vmem_shared>>
      tpu.wait_dma2 semaphore(%run_scoped3A_67 : memref<!tpu.dma_semaphore, #tpu.memory_space<semaphore_mem>>) src(%arg6 : memref<80x128xf32, #tpu.memory_space<vmem>>) dst(%dma_wait3A_75 : memref<80x128xf32, #tpu.memory_space<vmem_shared>>)
      tpu.yield
    }) : () -> ()
    %mul3A_36 = arith.constant 640 : i32
    %mul3A_37 = arith.muli %arg1, %mul3A_36 : i32
    %add3A_38 = arith.constant 560 : i32
    %add3A_39 = arith.addi %mul3A_37, %add3A_38 : i32
    "tpu.region"() ({
      %run_scoped3A_67 = tpu.sem_alloc : memref<!tpu.dma_semaphore, #tpu.memory_space<semaphore_mem>>
      %dma_start3A_68 = arith.constant 0 : i32
      %dma_start3A_69 = tpu.memref_slice %arg8[%add3A_39, %dma_start3A_68] : memref<10240x128xf32, #tpu.memory_space<vmem_shared>> -> memref<80x128xf32, #tpu.memory_space<vmem_shared>>
      %dma_start3A_70 = arith.constant 0 : i32
      %dma_start3A_71 = tpu.memref_slice %arg8[%add3A_39, %dma_start3A_70] : memref<10240x128xf32, #tpu.memory_space<vmem_shared>> -> memref<80x128xf32, #tpu.memory_space<vmem_shared>>
      tpu.enqueue_dma source(%arg6 : memref<80x128xf32, #tpu.memory_space<vmem>>) target(%dma_start3A_71 : memref<80x128xf32, #tpu.memory_space<vmem_shared>>) target_semaphore(%run_scoped3A_67 : memref<!tpu.dma_semaphore, #tpu.memory_space<semaphore_mem>>)
      %dma_wait3A_72 = arith.constant 0 : i32
      %dma_wait3A_73 = tpu.memref_slice %arg8[%add3A_39, %dma_wait3A_72] : memref<10240x128xf32, #tpu.memory_space<vmem_shared>> -> memref<80x128xf32, #tpu.memory_space<vmem_shared>>
      %dma_wait3A_74 = arith.constant 0 : i32
      %dma_wait3A_75 = tpu.memref_slice %arg8[%add3A_39, %dma_wait3A_74] : memref<10240x128xf32, #tpu.memory_space<vmem_shared>> -> memref<80x128xf32, #tpu.memory_space<vmem_shared>>
      tpu.wait_dma2 semaphore(%run_scoped3A_67 : memref<!tpu.dma_semaphore, #tpu.memory_space<semaphore_mem>>) src(%arg6 : memref<80x128xf32, #tpu.memory_space<vmem>>) dst(%dma_wait3A_75 : memref<80x128xf32, #tpu.memory_space<vmem_shared>>)
      tpu.yield
    }) : () -> ()
    %barrier3A = arith.constant 0 : index
    tpu.barrier barrier_id(%barrier3A)
    "tpu.region"() ({
      %run_scoped3A_67 = tpu.sem_alloc : memref<!tpu.dma_semaphore, #tpu.memory_space<semaphore_mem>>
      %dma_start3A_68 = arith.constant 0 : i32
      %dma_start3A_69 = arith.constant 0 : i32
      %dma_start3A_70 = tpu.memref_slice %arg3[%add3A, %dma_start3A_68, %dma_start3A_69] : memref<32x75x80xi32, #tpu.memory_space<hbm>> -> memref<1x75x80xi32, #tpu.memory_space<hbm>>
      %dma_start3A_71 = tpu.memref_squeeze %dma_start3A_70 : memref<1x75x80xi32, #tpu.memory_space<hbm>> -> memref<75x80xi32, #tpu.memory_space<hbm>>
      %dma_start3A_72 = arith.constant 0 : i32
      %dma_start3A_73 = arith.constant 0 : i32
      %dma_start3A_74 = tpu.memref_slice %arg3[%add3A, %dma_start3A_72, %dma_start3A_73] : memref<32x75x80xi32, #tpu.memory_space<hbm>> -> memref<1x75x80xi32, #tpu.memory_space<hbm>>
      %dma_start3A_75 = tpu.memref_squeeze %dma_start3A_74 : memref<1x75x80xi32, #tpu.memory_space<hbm>> -> memref<75x80xi32, #tpu.memory_space<hbm>>
      tpu.enqueue_dma source(%dma_start3A_75 : memref<75x80xi32, #tpu.memory_space<hbm>>) target(%arg5 : memref<75x80xi32, #tpu.memory_space<vmem>>) target_semaphore(%run_scoped3A_67 : memref<!tpu.dma_semaphore, #tpu.memory_space<semaphore_mem>>)
      %dma_wait3A_76 = arith.constant 0 : i32
      %dma_wait3A_77 = arith.constant 0 : i32
      %dma_wait3A_78 = tpu.memref_slice %arg3[%add3A, %dma_wait3A_76, %dma_wait3A_77] : memref<32x75x80xi32, #tpu.memory_space<hbm>> -> memref<1x75x80xi32, #tpu.memory_space<hbm>>
      %dma_wait3A_79 = tpu.memref_squeeze %dma_wait3A_78 : memref<1x75x80xi32, #tpu.memory_space<hbm>> -> memref<75x80xi32, #tpu.memory_space<hbm>>
      %dma_wait3A_80 = arith.constant 0 : i32
      %dma_wait3A_81 = arith.constant 0 : i32
      %dma_wait3A_82 = tpu.memref_slice %arg3[%add3A, %dma_wait3A_80, %dma_wait3A_81] : memref<32x75x80xi32, #tpu.memory_space<hbm>> -> memref<1x75x80xi32, #tpu.memory_space<hbm>>
      %dma_wait3A_83 = tpu.memref_squeeze %dma_wait3A_82 : memref<1x75x80xi32, #tpu.memory_space<hbm>> -> memref<75x80xi32, #tpu.memory_space<hbm>>
      tpu.wait_dma2 semaphore(%run_scoped3A_67 : memref<!tpu.dma_semaphore, #tpu.memory_space<semaphore_mem>>) src(%dma_wait3A_83 : memref<75x80xi32, #tpu.memory_space<hbm>>) dst(%arg5 : memref<75x80xi32, #tpu.memory_space<vmem>>)
      tpu.yield
    }) : () -> ()
    %add3A_40 = arith.constant 0 : i32
    %add3A_41 = arith.addi %mul3A_2, %add3A_40 : i32
    %dma_start3A = arith.constant 0 : i32
    %dma_start3A_42 = tpu.memref_slice %arg2[%add3A_41, %dma_start3A] : memref<192000x128xf32, #tpu.memory_space<hbm>> -> memref<80x128xf32, #tpu.memory_space<hbm>>
    %dma_start3A_43 = arith.constant 0 : i32
    %dma_start3A_44 = tpu.memref_slice %arg2[%add3A_41, %dma_start3A_43] : memref<192000x128xf32, #tpu.memory_space<hbm>> -> memref<80x128xf32, #tpu.memory_space<hbm>>
    tpu.enqueue_dma source(%dma_start3A_44 : memref<80x128xf32, #tpu.memory_space<hbm>>) target(%arg6 : memref<80x128xf32, #tpu.memory_space<vmem>>) target_semaphore(%arg9 : memref<!tpu.dma_semaphore, #tpu.memory_space<semaphore_mem>>)
    %add3A_45 = arith.constant 80 : i32
    %add3A_46 = arith.addi %mul3A_2, %add3A_45 : i32
    %dma_start3A_47 = arith.constant 0 : i32
    %dma_start3A_48 = tpu.memref_slice %arg2[%add3A_46, %dma_start3A_47] : memref<192000x128xf32, #tpu.memory_space<hbm>> -> memref<80x128xf32, #tpu.memory_space<hbm>>
    %dma_start3A_49 = arith.constant 0 : i32
    %dma_start3A_50 = tpu.memref_slice %arg2[%add3A_46, %dma_start3A_49] : memref<192000x128xf32, #tpu.memory_space<hbm>> -> memref<80x128xf32, #tpu.memory_space<hbm>>
    tpu.enqueue_dma source(%dma_start3A_50 : memref<80x128xf32, #tpu.memory_space<hbm>>) target(%arg7 : memref<80x128xf32, #tpu.memory_space<vmem>>) target_semaphore(%arg10 : memref<!tpu.dma_semaphore, #tpu.memory_space<semaphore_mem>>)
    %scan3A_51 = arith.constant 0 : i32
    %scan3A_52 = arith.constant 0 : i32
    %scan3A_53 = arith.constant 37 : i32
    %scan3A_54 = arith.addi %scan3A_52, %scan3A_53 : i32
    %scan3A_55 = arith.constant 1 : i32
    scf.for %scan3A_67 = %scan3A_52 to %scan3A_54 step %scan3A_55  : i32 {
      %mul3A_68 = arith.constant 2 : i32
      %mul3A_69 = arith.muli %scan3A_67, %mul3A_68 : i32
      %add3A_70 = arith.constant 0 : i32
      %add3A_71 = arith.addi %mul3A_69, %add3A_70 : i32
      %mul3A_72 = arith.constant 80 : i32
      %mul3A_73 = arith.muli %add3A_71, %mul3A_72 : i32
      %add3A_74 = arith.addi %mul3A_2, %mul3A_73 : i32
      %dma_wait3A_75 = arith.constant 0 : i32
      %dma_wait3A_76 = tpu.memref_slice %arg2[%add3A_74, %dma_wait3A_75] : memref<192000x128xf32, #tpu.memory_space<hbm>> -> memref<80x128xf32, #tpu.memory_space<hbm>>
      %dma_wait3A_77 = arith.constant 0 : i32
      %dma_wait3A_78 = tpu.memref_slice %arg2[%add3A_74, %dma_wait3A_77] : memref<192000x128xf32, #tpu.memory_space<hbm>> -> memref<80x128xf32, #tpu.memory_space<hbm>>
      tpu.wait_dma2 semaphore(%arg9 : memref<!tpu.dma_semaphore, #tpu.memory_space<semaphore_mem>>) src(%dma_wait3A_78 : memref<80x128xf32, #tpu.memory_space<hbm>>) dst(%arg6 : memref<80x128xf32, #tpu.memory_space<vmem>>)
      "tpu.region"() ({
        %run_scoped3A_99 = tpu.sem_alloc : memref<!tpu.dma_semaphore, #tpu.memory_space<semaphore_mem>>
        %dma_start3A_100 = arith.constant 0 : i32
        %dma_start3A_101 = tpu.memref_slice %arg5[%add3A_71, %dma_start3A_100] : memref<75x80xi32, #tpu.memory_space<vmem>> -> memref<1x80xi32, #tpu.memory_space<vmem>>
        %dma_start3A_102 = tpu.memref_squeeze %dma_start3A_101 : memref<1x80xi32, #tpu.memory_space<vmem>> -> memref<80xi32, #tpu.memory_space<vmem>>
        %dma_start3A_103 = arith.constant 0 : i32
        %dma_start3A_104 = arith.constant 0 : i32
        %dma_start3A_105 = tpu.memref_slice %arg8[%dma_start3A_103, %dma_start3A_104] : memref<10240x128xf32, #tpu.memory_space<vmem_shared>> -> memref<10240x128xf32, #tpu.memory_space<vmem_shared>>
        tpu.enqueue_indirect_dma source(%arg6 : memref<80x128xf32, #tpu.memory_space<vmem>>) target(%dma_start3A_105 : memref<10240x128xf32, #tpu.memory_space<vmem_shared>>) offsets(%dma_start3A_102 : memref<80xi32, #tpu.memory_space<vmem>>) semaphore(%run_scoped3A_99 : memref<!tpu.dma_semaphore, #tpu.memory_space<semaphore_mem>>) {add = true}
        %dma_wait3A_106 = arith.constant 0 : i32
        %dma_wait3A_107 = tpu.memref_slice %arg5[%add3A_71, %dma_wait3A_106] : memref<75x80xi32, #tpu.memory_space<vmem>> -> memref<1x80xi32, #tpu.memory_space<vmem>>
        %dma_wait3A_108 = tpu.memref_squeeze %dma_wait3A_107 : memref<1x80xi32, #tpu.memory_space<vmem>> -> memref<80xi32, #tpu.memory_space<vmem>>
        %dma_wait3A_109 = arith.constant 0 : i32
        %dma_wait3A_110 = arith.constant 0 : i32
        %dma_wait3A_111 = tpu.memref_slice %arg8[%dma_wait3A_109, %dma_wait3A_110] : memref<10240x128xf32, #tpu.memory_space<vmem_shared>> -> memref<10240x128xf32, #tpu.memory_space<vmem_shared>>
        tpu.wait_indirect_dma semaphore(%run_scoped3A_99 : memref<!tpu.dma_semaphore, #tpu.memory_space<semaphore_mem>>) src(%arg6 : memref<80x128xf32, #tpu.memory_space<vmem>>) dst(%dma_wait3A_111 : memref<10240x128xf32, #tpu.memory_space<vmem_shared>>)
        tpu.yield
      }) : () -> ()
      %add3A_79 = arith.constant 2 : i32
      %add3A_80 = arith.addi %add3A_71, %add3A_79 : i32
      %lt3A = arith.constant 75 : i32
      %lt3A_81 = arith.cmpi slt, %add3A_80, %lt3A : i32
      %convert_element_type3A = arith.extui %lt3A_81 : i1 to i32
      %cond3A = arith.constant 0 : i32
      %cond3A_82 = arith.cmpi ne, %convert_element_type3A, %cond3A : i32
      scf.if %cond3A_82 {
        %add3A_99 = arith.constant 2 : i32
        %add3A_100 = arith.addi %add3A_71, %add3A_99 : i32
        %mul3A_101 = arith.constant 80 : i32
        %mul3A_102 = arith.muli %add3A_100, %mul3A_101 : i32
        %add3A_103 = arith.addi %mul3A_2, %mul3A_102 : i32
        %dma_start3A_104 = arith.constant 0 : i32
        %dma_start3A_105 = tpu.memref_slice %arg2[%add3A_103, %dma_start3A_104] : memref<192000x128xf32, #tpu.memory_space<hbm>> -> memref<80x128xf32, #tpu.memory_space<hbm>>
        %dma_start3A_106 = arith.constant 0 : i32
        %dma_start3A_107 = tpu.memref_slice %arg2[%add3A_103, %dma_start3A_106] : memref<192000x128xf32, #tpu.memory_space<hbm>> -> memref<80x128xf32, #tpu.memory_space<hbm>>
        tpu.enqueue_dma source(%dma_start3A_107 : memref<80x128xf32, #tpu.memory_space<hbm>>) target(%arg6 : memref<80x128xf32, #tpu.memory_space<vmem>>) target_semaphore(%arg9 : memref<!tpu.dma_semaphore, #tpu.memory_space<semaphore_mem>>)
      } else {
      }
      %add3A_83 = arith.constant 1 : i32
      %add3A_84 = arith.addi %mul3A_69, %add3A_83 : i32
      %mul3A_85 = arith.constant 80 : i32
      %mul3A_86 = arith.muli %add3A_84, %mul3A_85 : i32
      %add3A_87 = arith.addi %mul3A_2, %mul3A_86 : i32
      %dma_wait3A_88 = arith.constant 0 : i32
      %dma_wait3A_89 = tpu.memref_slice %arg2[%add3A_87, %dma_wait3A_88] : memref<192000x128xf32, #tpu.memory_space<hbm>> -> memref<80x128xf32, #tpu.memory_space<hbm>>
      %dma_wait3A_90 = arith.constant 0 : i32
      %dma_wait3A_91 = tpu.memref_slice %arg2[%add3A_87, %dma_wait3A_90] : memref<192000x128xf32, #tpu.memory_space<hbm>> -> memref<80x128xf32, #tpu.memory_space<hbm>>
      tpu.wait_dma2 semaphore(%arg10 : memref<!tpu.dma_semaphore, #tpu.memory_space<semaphore_mem>>) src(%dma_wait3A_91 : memref<80x128xf32, #tpu.memory_space<hbm>>) dst(%arg7 : memref<80x128xf32, #tpu.memory_space<vmem>>)
      "tpu.region"() ({
        %run_scoped3A_99 = tpu.sem_alloc : memref<!tpu.dma_semaphore, #tpu.memory_space<semaphore_mem>>
        %dma_start3A_100 = arith.constant 0 : i32
        %dma_start3A_101 = tpu.memref_slice %arg5[%add3A_84, %dma_start3A_100] : memref<75x80xi32, #tpu.memory_space<vmem>> -> memref<1x80xi32, #tpu.memory_space<vmem>>
        %dma_start3A_102 = tpu.memref_squeeze %dma_start3A_101 : memref<1x80xi32, #tpu.memory_space<vmem>> -> memref<80xi32, #tpu.memory_space<vmem>>
        %dma_start3A_103 = arith.constant 0 : i32
        %dma_start3A_104 = arith.constant 0 : i32
        %dma_start3A_105 = tpu.memref_slice %arg8[%dma_start3A_103, %dma_start3A_104] : memref<10240x128xf32, #tpu.memory_space<vmem_shared>> -> memref<10240x128xf32, #tpu.memory_space<vmem_shared>>
        tpu.enqueue_indirect_dma source(%arg7 : memref<80x128xf32, #tpu.memory_space<vmem>>) target(%dma_start3A_105 : memref<10240x128xf32, #tpu.memory_space<vmem_shared>>) offsets(%dma_start3A_102 : memref<80xi32, #tpu.memory_space<vmem>>) semaphore(%run_scoped3A_99 : memref<!tpu.dma_semaphore, #tpu.memory_space<semaphore_mem>>) {add = true}
        %dma_wait3A_106 = arith.constant 0 : i32
        %dma_wait3A_107 = tpu.memref_slice %arg5[%add3A_84, %dma_wait3A_106] : memref<75x80xi32, #tpu.memory_space<vmem>> -> memref<1x80xi32, #tpu.memory_space<vmem>>
        %dma_wait3A_108 = tpu.memref_squeeze %dma_wait3A_107 : memref<1x80xi32, #tpu.memory_space<vmem>> -> memref<80xi32, #tpu.memory_space<vmem>>
        %dma_wait3A_109 = arith.constant 0 : i32
        %dma_wait3A_110 = arith.constant 0 : i32
        %dma_wait3A_111 = tpu.memref_slice %arg8[%dma_wait3A_109, %dma_wait3A_110] : memref<10240x128xf32, #tpu.memory_space<vmem_shared>> -> memref<10240x128xf32, #tpu.memory_space<vmem_shared>>
        tpu.wait_indirect_dma semaphore(%run_scoped3A_99 : memref<!tpu.dma_semaphore, #tpu.memory_space<semaphore_mem>>) src(%arg7 : memref<80x128xf32, #tpu.memory_space<vmem>>) dst(%dma_wait3A_111 : memref<10240x128xf32, #tpu.memory_space<vmem_shared>>)
        tpu.yield
      }) : () -> ()
      %add3A_92 = arith.constant 2 : i32
      %add3A_93 = arith.addi %add3A_84, %add3A_92 : i32
      %lt3A_94 = arith.constant 75 : i32
      %lt3A_95 = arith.cmpi slt, %add3A_93, %lt3A_94 : i32
      %convert_element_type3A_96 = arith.extui %lt3A_95 : i1 to i32
      %cond3A_97 = arith.constant 0 : i32
      %cond3A_98 = arith.cmpi ne, %convert_element_type3A_96, %cond3A_97 : i32
      scf.if %cond3A_98 {
        %add3A_99 = arith.constant 2 : i32
        %add3A_100 = arith.addi %add3A_84, %add3A_99 : i32
        %mul3A_101 = arith.constant 80 : i32
        %mul3A_102 = arith.muli %add3A_100, %mul3A_101 : i32
        %add3A_103 = arith.addi %mul3A_2, %mul3A_102 : i32
        %dma_start3A_104 = arith.constant 0 : i32
        %dma_start3A_105 = tpu.memref_slice %arg2[%add3A_103, %dma_start3A_104] : memref<192000x128xf32, #tpu.memory_space<hbm>> -> memref<80x128xf32, #tpu.memory_space<hbm>>
        %dma_start3A_106 = arith.constant 0 : i32
        %dma_start3A_107 = tpu.memref_slice %arg2[%add3A_103, %dma_start3A_106] : memref<192000x128xf32, #tpu.memory_space<hbm>> -> memref<80x128xf32, #tpu.memory_space<hbm>>
        tpu.enqueue_dma source(%dma_start3A_107 : memref<80x128xf32, #tpu.memory_space<hbm>>) target(%arg7 : memref<80x128xf32, #tpu.memory_space<vmem>>) target_semaphore(%arg10 : memref<!tpu.dma_semaphore, #tpu.memory_space<semaphore_mem>>)
      } else {
      }
    }
    %scan3A_56 = arith.constant 37 : i32
    %add3A_57 = arith.constant 5920 : i32
    %add3A_58 = arith.addi %mul3A_2, %add3A_57 : i32
    %dma_wait3A = arith.constant 0 : i32
    %dma_wait3A_59 = tpu.memref_slice %arg2[%add3A_58, %dma_wait3A] : memref<192000x128xf32, #tpu.memory_space<hbm>> -> memref<80x128xf32, #tpu.memory_space<hbm>>
    %dma_wait3A_60 = arith.constant 0 : i32
    %dma_wait3A_61 = tpu.memref_slice %arg2[%add3A_58, %dma_wait3A_60] : memref<192000x128xf32, #tpu.memory_space<hbm>> -> memref<80x128xf32, #tpu.memory_space<hbm>>
    tpu.wait_dma2 semaphore(%arg9 : memref<!tpu.dma_semaphore, #tpu.memory_space<semaphore_mem>>) src(%dma_wait3A_61 : memref<80x128xf32, #tpu.memory_space<hbm>>) dst(%arg6 : memref<80x128xf32, #tpu.memory_space<vmem>>)
    %run_scoped3A = arith.constant 74 : i32
    "tpu.region"() ({
      %run_scoped3A_67 = tpu.sem_alloc : memref<!tpu.dma_semaphore, #tpu.memory_space<semaphore_mem>>
      %dma_start3A_68 = arith.constant 0 : i32
      %dma_start3A_69 = tpu.memref_slice %arg5[%run_scoped3A, %dma_start3A_68] : memref<75x80xi32, #tpu.memory_space<vmem>> -> memref<1x80xi32, #tpu.memory_space<vmem>>
      %dma_start3A_70 = tpu.memref_squeeze %dma_start3A_69 : memref<1x80xi32, #tpu.memory_space<vmem>> -> memref<80xi32, #tpu.memory_space<vmem>>
      %dma_start3A_71 = arith.constant 0 : i32
      %dma_start3A_72 = arith.constant 0 : i32
      %dma_start3A_73 = tpu.memref_slice %arg8[%dma_start3A_71, %dma_start3A_72] : memref<10240x128xf32, #tpu.memory_space<vmem_shared>> -> memref<10240x128xf32, #tpu.memory_space<vmem_shared>>
      tpu.enqueue_indirect_dma source(%arg6 : memref<80x128xf32, #tpu.memory_space<vmem>>) target(%dma_start3A_73 : memref<10240x128xf32, #tpu.memory_space<vmem_shared>>) offsets(%dma_start3A_70 : memref<80xi32, #tpu.memory_space<vmem>>) semaphore(%run_scoped3A_67 : memref<!tpu.dma_semaphore, #tpu.memory_space<semaphore_mem>>) {add = true}
      %dma_wait3A_74 = arith.constant 0 : i32
      %dma_wait3A_75 = tpu.memref_slice %arg5[%run_scoped3A, %dma_wait3A_74] : memref<75x80xi32, #tpu.memory_space<vmem>> -> memref<1x80xi32, #tpu.memory_space<vmem>>
      %dma_wait3A_76 = tpu.memref_squeeze %dma_wait3A_75 : memref<1x80xi32, #tpu.memory_space<vmem>> -> memref<80xi32, #tpu.memory_space<vmem>>
      %dma_wait3A_77 = arith.constant 0 : i32
      %dma_wait3A_78 = arith.constant 0 : i32
      %dma_wait3A_79 = tpu.memref_slice %arg8[%dma_wait3A_77, %dma_wait3A_78] : memref<10240x128xf32, #tpu.memory_space<vmem_shared>> -> memref<10240x128xf32, #tpu.memory_space<vmem_shared>>
      tpu.wait_indirect_dma semaphore(%run_scoped3A_67 : memref<!tpu.dma_semaphore, #tpu.memory_space<semaphore_mem>>) src(%arg6 : memref<80x128xf32, #tpu.memory_space<vmem>>) dst(%dma_wait3A_79 : memref<10240x128xf32, #tpu.memory_space<vmem_shared>>)
      tpu.yield
    }) : () -> ()
    %barrier3A_62 = arith.constant 0 : index
    tpu.barrier barrier_id(%barrier3A_62)
    %mul3A_63 = arith.constant 640 : i32
    %mul3A_64 = arith.muli %arg1, %mul3A_63 : i32
    %mul3A_65 = arith.constant 640 : i32
    %mul3A_66 = arith.muli %arg1, %mul3A_65 : i32
    "tpu.region"() ({
      %run_scoped3A_67 = tpu.sem_alloc : memref<!tpu.dma_semaphore, #tpu.memory_space<semaphore_mem>>
      %dma_start3A_68 = arith.constant 0 : i32
      %dma_start3A_69 = arith.constant 0 : i32
      %dma_start3A_70 = tpu.memref_slice %arg4[%arg0, %dma_start3A_68, %dma_start3A_69] : memref<2x10240x128xf32, #tpu.memory_space<hbm>> -> memref<1x10240x128xf32, #tpu.memory_space<hbm>>
      %dma_start3A_71 = tpu.memref_squeeze %dma_start3A_70 : memref<1x10240x128xf32, #tpu.memory_space<hbm>> -> memref<10240x128xf32, #tpu.memory_space<hbm>>
      %dma_start3A_72 = arith.constant 0 : i32
      %dma_start3A_73 = tpu.memref_slice %dma_start3A_71[%mul3A_66, %dma_start3A_72] : memref<10240x128xf32, #tpu.memory_space<hbm>> -> memref<640x128xf32, #tpu.memory_space<hbm>>
      %dma_start3A_74 = arith.constant 0 : i32
      %dma_start3A_75 = tpu.memref_slice %arg8[%mul3A_64, %dma_start3A_74] : memref<10240x128xf32, #tpu.memory_space<vmem_shared>> -> memref<640x128xf32, #tpu.memory_space<vmem_shared>>
      tpu.enqueue_dma source(%dma_start3A_75 : memref<640x128xf32, #tpu.memory_space<vmem_shared>>) target(%dma_start3A_73 : memref<640x128xf32, #tpu.memory_space<hbm>>) target_semaphore(%run_scoped3A_67 : memref<!tpu.dma_semaphore, #tpu.memory_space<semaphore_mem>>)
      %dma_wait3A_76 = arith.constant 0 : i32
      %dma_wait3A_77 = arith.constant 0 : i32
      %dma_wait3A_78 = tpu.memref_slice %arg4[%arg0, %dma_wait3A_76, %dma_wait3A_77] : memref<2x10240x128xf32, #tpu.memory_space<hbm>> -> memref<1x10240x128xf32, #tpu.memory_space<hbm>>
      %dma_wait3A_79 = tpu.memref_squeeze %dma_wait3A_78 : memref<1x10240x128xf32, #tpu.memory_space<hbm>> -> memref<10240x128xf32, #tpu.memory_space<hbm>>
      %dma_wait3A_80 = arith.constant 0 : i32
      %dma_wait3A_81 = tpu.memref_slice %dma_wait3A_79[%mul3A_66, %dma_wait3A_80] : memref<10240x128xf32, #tpu.memory_space<hbm>> -> memref<640x128xf32, #tpu.memory_space<hbm>>
      %dma_wait3A_82 = arith.constant 0 : i32
      %dma_wait3A_83 = tpu.memref_slice %arg8[%mul3A_64, %dma_wait3A_82] : memref<10240x128xf32, #tpu.memory_space<vmem_shared>> -> memref<640x128xf32, #tpu.memory_space<vmem_shared>>
      tpu.wait_dma2 semaphore(%run_scoped3A_67 : memref<!tpu.dma_semaphore, #tpu.memory_space<semaphore_mem>>) src(%dma_wait3A_83 : memref<640x128xf32, #tpu.memory_space<vmem_shared>>) dst(%dma_wait3A_81 : memref<640x128xf32, #tpu.memory_space<hbm>>)
      tpu.yield
    }) : () -> ()
    return
  }
}

#map = affine_map<(d0, d1) -> (0, 0)>
#map1 = affine_map<(d0, d1) -> (0, 0, 0)>
module attributes {stable_mosaic.version = 14 : i64} {
  func.func @body(%arg0: i32, %arg1: i32, %arg2: memref<128000x128xf32, #tpu.memory_space<hbm>>, %arg3: memref<32x50x80xi32, #tpu.memory_space<hbm>>, %arg4: memref<2x10240x128xf32, #tpu.memory_space<hbm>>, %arg5: memref<50x80xi32, #tpu.memory_space<vmem>>, %arg6: memref<80x128xf32, #tpu.memory_space<vmem>>, %arg7: memref<80x128xf32, #tpu.memory_space<vmem>>, %arg8: memref<10240x128xf32, #tpu.memory_space<vmem_shared>>, %arg9: memref<!tpu.dma_semaphore, #tpu.memory_space<semaphore_mem>>, %arg10: memref<!tpu.dma_semaphore, #tpu.memory_space<semaphore_mem>>) attributes {dimension_semantics = [#tpu.dimension_semantics<core_parallel>, #tpu.dimension_semantics<subcore_parallel>], iteration_bounds = array<i64: 2, 16>, scalar_prefetch = 0 : i64, scratch_operands = 6 : i64, tpu.core_type = #tpu.core_type<sc_vector_subcore>, window_params = [{transform_indices = #map}, {transform_indices = #map1}, {transform_indices = #map1}]} {
    %mul3A = arith.constant 2 : i32
    %mul3A_0 = arith.muli %arg1, %mul3A : i32
    %add3A = arith.addi %mul3A_0, %arg0 : i32
    %mul3A_1 = arith.constant 4000 : i32
    %mul3A_2 = arith.muli %add3A, %mul3A_1 : i32
    %scan3A = arith.constant 0 : i32
    %scan3A_3 = arith.constant 0 : i32
    %scan3A_4 = arith.constant 80 : i32
    %scan3A_5 = arith.addi %scan3A_3, %scan3A_4 : i32
    %scan3A_6 = arith.constant 1 : i32
    scf.for %scan3A_74 = %scan3A_3 to %scan3A_5 step %scan3A_6  : i32 {
      %broadcast_in_dim3A = arith.constant 0.000000e+00 : f32
      %broadcast_in_dim3A_75 = vector.broadcast %broadcast_in_dim3A : f32 to vector<16xf32>
      %swap3A = arith.index_cast %scan3A_74 : i32 to index
      %swap3A_76 = arith.constant 0 : index
      %swap3A_77 = tpu.vector_load %arg6[%swap3A, %swap3A_76] {strides = array<i32>} : memref<80x128xf32, #tpu.memory_space<vmem>>, vector<16xf32>,
      tpu.vector_store %arg6[%swap3A, %swap3A_76], %broadcast_in_dim3A_75 {strides = array<i32>} : memref<80x128xf32, #tpu.memory_space<vmem>>, vector<16xf32>,
      %broadcast_in_dim3A_78 = arith.constant 0.000000e+00 : f32
      %broadcast_in_dim3A_79 = vector.broadcast %broadcast_in_dim3A_78 : f32 to vector<16xf32>
      %swap3A_80 = arith.index_cast %scan3A_74 : i32 to index
      %swap3A_81 = arith.constant 16 : index
      %swap3A_82 = tpu.vector_load %arg6[%swap3A_80, %swap3A_81] {strides = array<i32>} : memref<80x128xf32, #tpu.memory_space<vmem>>, vector<16xf32>,
      tpu.vector_store %arg6[%swap3A_80, %swap3A_81], %broadcast_in_dim3A_79 {strides = array<i32>} : memref<80x128xf32, #tpu.memory_space<vmem>>, vector<16xf32>,
      %broadcast_in_dim3A_83 = arith.constant 0.000000e+00 : f32
      %broadcast_in_dim3A_84 = vector.broadcast %broadcast_in_dim3A_83 : f32 to vector<16xf32>
      %swap3A_85 = arith.index_cast %scan3A_74 : i32 to index
      %swap3A_86 = arith.constant 32 : index
      %swap3A_87 = tpu.vector_load %arg6[%swap3A_85, %swap3A_86] {strides = array<i32>} : memref<80x128xf32, #tpu.memory_space<vmem>>, vector<16xf32>,
      tpu.vector_store %arg6[%swap3A_85, %swap3A_86], %broadcast_in_dim3A_84 {strides = array<i32>} : memref<80x128xf32, #tpu.memory_space<vmem>>, vector<16xf32>,
      %broadcast_in_dim3A_88 = arith.constant 0.000000e+00 : f32
      %broadcast_in_dim3A_89 = vector.broadcast %broadcast_in_dim3A_88 : f32 to vector<16xf32>
      %swap3A_90 = arith.index_cast %scan3A_74 : i32 to index
      %swap3A_91 = arith.constant 48 : index
      %swap3A_92 = tpu.vector_load %arg6[%swap3A_90, %swap3A_91] {strides = array<i32>} : memref<80x128xf32, #tpu.memory_space<vmem>>, vector<16xf32>,
      tpu.vector_store %arg6[%swap3A_90, %swap3A_91], %broadcast_in_dim3A_89 {strides = array<i32>} : memref<80x128xf32, #tpu.memory_space<vmem>>, vector<16xf32>,
      %broadcast_in_dim3A_93 = arith.constant 0.000000e+00 : f32
      %broadcast_in_dim3A_94 = vector.broadcast %broadcast_in_dim3A_93 : f32 to vector<16xf32>
      %swap3A_95 = arith.index_cast %scan3A_74 : i32 to index
      %swap3A_96 = arith.constant 64 : index
      %swap3A_97 = tpu.vector_load %arg6[%swap3A_95, %swap3A_96] {strides = array<i32>} : memref<80x128xf32, #tpu.memory_space<vmem>>, vector<16xf32>,
      tpu.vector_store %arg6[%swap3A_95, %swap3A_96], %broadcast_in_dim3A_94 {strides = array<i32>} : memref<80x128xf32, #tpu.memory_space<vmem>>, vector<16xf32>,
      %broadcast_in_dim3A_98 = arith.constant 0.000000e+00 : f32
      %broadcast_in_dim3A_99 = vector.broadcast %broadcast_in_dim3A_98 : f32 to vector<16xf32>
      %swap3A_100 = arith.index_cast %scan3A_74 : i32 to index
      %swap3A_101 = arith.constant 80 : index
      %swap3A_102 = tpu.vector_load %arg6[%swap3A_100, %swap3A_101] {strides = array<i32>} : memref<80x128xf32, #tpu.memory_space<vmem>>, vector<16xf32>,
      tpu.vector_store %arg6[%swap3A_100, %swap3A_101], %broadcast_in_dim3A_99 {strides = array<i32>} : memref<80x128xf32, #tpu.memory_space<vmem>>, vector<16xf32>,
      %broadcast_in_dim3A_103 = arith.constant 0.000000e+00 : f32
      %broadcast_in_dim3A_104 = vector.broadcast %broadcast_in_dim3A_103 : f32 to vector<16xf32>
      %swap3A_105 = arith.index_cast %scan3A_74 : i32 to index
      %swap3A_106 = arith.constant 96 : index
      %swap3A_107 = tpu.vector_load %arg6[%swap3A_105, %swap3A_106] {strides = array<i32>} : memref<80x128xf32, #tpu.memory_space<vmem>>, vector<16xf32>,
      tpu.vector_store %arg6[%swap3A_105, %swap3A_106], %broadcast_in_dim3A_104 {strides = array<i32>} : memref<80x128xf32, #tpu.memory_space<vmem>>, vector<16xf32>,
      %broadcast_in_dim3A_108 = arith.constant 0.000000e+00 : f32
      %broadcast_in_dim3A_109 = vector.broadcast %broadcast_in_dim3A_108 : f32 to vector<16xf32>
      %swap3A_110 = arith.index_cast %scan3A_74 : i32 to index
      %swap3A_111 = arith.constant 112 : index
      %swap3A_112 = tpu.vector_load %arg6[%swap3A_110, %swap3A_111] {strides = array<i32>} : memref<80x128xf32, #tpu.memory_space<vmem>>, vector<16xf32>,
      tpu.vector_store %arg6[%swap3A_110, %swap3A_111], %broadcast_in_dim3A_109 {strides = array<i32>} : memref<80x128xf32, #tpu.memory_space<vmem>>, vector<16xf32>,
    }
    %scan3A_7 = arith.constant 80 : i32
    %mul3A_8 = arith.constant 640 : i32
    %mul3A_9 = arith.muli %arg1, %mul3A_8 : i32
    %add3A_10 = arith.constant 0 : i32
    %add3A_11 = arith.addi %mul3A_9, %add3A_10 : i32
    "tpu.region"() ({
      %run_scoped3A_74 = tpu.sem_alloc : memref<!tpu.dma_semaphore, #tpu.memory_space<semaphore_mem>>
      %dma_start3A_75 = arith.constant 0 : i32
      %dma_start3A_76 = tpu.memref_slice %arg8[%add3A_11, %dma_start3A_75] : memref<10240x128xf32, #tpu.memory_space<vmem_shared>> -> memref<80x128xf32, #tpu.memory_space<vmem_shared>>
      %dma_start3A_77 = arith.constant 0 : i32
      %dma_start3A_78 = tpu.memref_slice %arg8[%add3A_11, %dma_start3A_77] : memref<10240x128xf32, #tpu.memory_space<vmem_shared>> -> memref<80x128xf32, #tpu.memory_space<vmem_shared>>
      tpu.enqueue_dma source(%arg6 : memref<80x128xf32, #tpu.memory_space<vmem>>) target(%dma_start3A_78 : memref<80x128xf32, #tpu.memory_space<vmem_shared>>) target_semaphore(%run_scoped3A_74 : memref<!tpu.dma_semaphore, #tpu.memory_space<semaphore_mem>>)
      %dma_wait3A_79 = arith.constant 0 : i32
      %dma_wait3A_80 = tpu.memref_slice %arg8[%add3A_11, %dma_wait3A_79] : memref<10240x128xf32, #tpu.memory_space<vmem_shared>> -> memref<80x128xf32, #tpu.memory_space<vmem_shared>>
      %dma_wait3A_81 = arith.constant 0 : i32
      %dma_wait3A_82 = tpu.memref_slice %arg8[%add3A_11, %dma_wait3A_81] : memref<10240x128xf32, #tpu.memory_space<vmem_shared>> -> memref<80x128xf32, #tpu.memory_space<vmem_shared>>
      tpu.wait_dma2 semaphore(%run_scoped3A_74 : memref<!tpu.dma_semaphore, #tpu.memory_space<semaphore_mem>>) src(%arg6 : memref<80x128xf32, #tpu.memory_space<vmem>>) dst(%dma_wait3A_82 : memref<80x128xf32, #tpu.memory_space<vmem_shared>>)
      tpu.yield
    }) : () -> ()
    %mul3A_12 = arith.constant 640 : i32
    %mul3A_13 = arith.muli %arg1, %mul3A_12 : i32
    %add3A_14 = arith.constant 80 : i32
    %add3A_15 = arith.addi %mul3A_13, %add3A_14 : i32
    "tpu.region"() ({
      %run_scoped3A_74 = tpu.sem_alloc : memref<!tpu.dma_semaphore, #tpu.memory_space<semaphore_mem>>
      %dma_start3A_75 = arith.constant 0 : i32
      %dma_start3A_76 = tpu.memref_slice %arg8[%add3A_15, %dma_start3A_75] : memref<10240x128xf32, #tpu.memory_space<vmem_shared>> -> memref<80x128xf32, #tpu.memory_space<vmem_shared>>
      %dma_start3A_77 = arith.constant 0 : i32
      %dma_start3A_78 = tpu.memref_slice %arg8[%add3A_15, %dma_start3A_77] : memref<10240x128xf32, #tpu.memory_space<vmem_shared>> -> memref<80x128xf32, #tpu.memory_space<vmem_shared>>
      tpu.enqueue_dma source(%arg6 : memref<80x128xf32, #tpu.memory_space<vmem>>) target(%dma_start3A_78 : memref<80x128xf32, #tpu.memory_space<vmem_shared>>) target_semaphore(%run_scoped3A_74 : memref<!tpu.dma_semaphore, #tpu.memory_space<semaphore_mem>>)
      %dma_wait3A_79 = arith.constant 0 : i32
      %dma_wait3A_80 = tpu.memref_slice %arg8[%add3A_15, %dma_wait3A_79] : memref<10240x128xf32, #tpu.memory_space<vmem_shared>> -> memref<80x128xf32, #tpu.memory_space<vmem_shared>>
      %dma_wait3A_81 = arith.constant 0 : i32
      %dma_wait3A_82 = tpu.memref_slice %arg8[%add3A_15, %dma_wait3A_81] : memref<10240x128xf32, #tpu.memory_space<vmem_shared>> -> memref<80x128xf32, #tpu.memory_space<vmem_shared>>
      tpu.wait_dma2 semaphore(%run_scoped3A_74 : memref<!tpu.dma_semaphore, #tpu.memory_space<semaphore_mem>>) src(%arg6 : memref<80x128xf32, #tpu.memory_space<vmem>>) dst(%dma_wait3A_82 : memref<80x128xf32, #tpu.memory_space<vmem_shared>>)
      tpu.yield
    }) : () -> ()
    %mul3A_16 = arith.constant 640 : i32
    %mul3A_17 = arith.muli %arg1, %mul3A_16 : i32
    %add3A_18 = arith.constant 160 : i32
    %add3A_19 = arith.addi %mul3A_17, %add3A_18 : i32
    "tpu.region"() ({
      %run_scoped3A_74 = tpu.sem_alloc : memref<!tpu.dma_semaphore, #tpu.memory_space<semaphore_mem>>
      %dma_start3A_75 = arith.constant 0 : i32
      %dma_start3A_76 = tpu.memref_slice %arg8[%add3A_19, %dma_start3A_75] : memref<10240x128xf32, #tpu.memory_space<vmem_shared>> -> memref<80x128xf32, #tpu.memory_space<vmem_shared>>
      %dma_start3A_77 = arith.constant 0 : i32
      %dma_start3A_78 = tpu.memref_slice %arg8[%add3A_19, %dma_start3A_77] : memref<10240x128xf32, #tpu.memory_space<vmem_shared>> -> memref<80x128xf32, #tpu.memory_space<vmem_shared>>
      tpu.enqueue_dma source(%arg6 : memref<80x128xf32, #tpu.memory_space<vmem>>) target(%dma_start3A_78 : memref<80x128xf32, #tpu.memory_space<vmem_shared>>) target_semaphore(%run_scoped3A_74 : memref<!tpu.dma_semaphore, #tpu.memory_space<semaphore_mem>>)
      %dma_wait3A_79 = arith.constant 0 : i32
      %dma_wait3A_80 = tpu.memref_slice %arg8[%add3A_19, %dma_wait3A_79] : memref<10240x128xf32, #tpu.memory_space<vmem_shared>> -> memref<80x128xf32, #tpu.memory_space<vmem_shared>>
      %dma_wait3A_81 = arith.constant 0 : i32
      %dma_wait3A_82 = tpu.memref_slice %arg8[%add3A_19, %dma_wait3A_81] : memref<10240x128xf32, #tpu.memory_space<vmem_shared>> -> memref<80x128xf32, #tpu.memory_space<vmem_shared>>
      tpu.wait_dma2 semaphore(%run_scoped3A_74 : memref<!tpu.dma_semaphore, #tpu.memory_space<semaphore_mem>>) src(%arg6 : memref<80x128xf32, #tpu.memory_space<vmem>>) dst(%dma_wait3A_82 : memref<80x128xf32, #tpu.memory_space<vmem_shared>>)
      tpu.yield
    }) : () -> ()
    %mul3A_20 = arith.constant 640 : i32
    %mul3A_21 = arith.muli %arg1, %mul3A_20 : i32
    %add3A_22 = arith.constant 240 : i32
    %add3A_23 = arith.addi %mul3A_21, %add3A_22 : i32
    "tpu.region"() ({
      %run_scoped3A_74 = tpu.sem_alloc : memref<!tpu.dma_semaphore, #tpu.memory_space<semaphore_mem>>
      %dma_start3A_75 = arith.constant 0 : i32
      %dma_start3A_76 = tpu.memref_slice %arg8[%add3A_23, %dma_start3A_75] : memref<10240x128xf32, #tpu.memory_space<vmem_shared>> -> memref<80x128xf32, #tpu.memory_space<vmem_shared>>
      %dma_start3A_77 = arith.constant 0 : i32
      %dma_start3A_78 = tpu.memref_slice %arg8[%add3A_23, %dma_start3A_77] : memref<10240x128xf32, #tpu.memory_space<vmem_shared>> -> memref<80x128xf32, #tpu.memory_space<vmem_shared>>
      tpu.enqueue_dma source(%arg6 : memref<80x128xf32, #tpu.memory_space<vmem>>) target(%dma_start3A_78 : memref<80x128xf32, #tpu.memory_space<vmem_shared>>) target_semaphore(%run_scoped3A_74 : memref<!tpu.dma_semaphore, #tpu.memory_space<semaphore_mem>>)
      %dma_wait3A_79 = arith.constant 0 : i32
      %dma_wait3A_80 = tpu.memref_slice %arg8[%add3A_23, %dma_wait3A_79] : memref<10240x128xf32, #tpu.memory_space<vmem_shared>> -> memref<80x128xf32, #tpu.memory_space<vmem_shared>>
      %dma_wait3A_81 = arith.constant 0 : i32
      %dma_wait3A_82 = tpu.memref_slice %arg8[%add3A_23, %dma_wait3A_81] : memref<10240x128xf32, #tpu.memory_space<vmem_shared>> -> memref<80x128xf32, #tpu.memory_space<vmem_shared>>
      tpu.wait_dma2 semaphore(%run_scoped3A_74 : memref<!tpu.dma_semaphore, #tpu.memory_space<semaphore_mem>>) src(%arg6 : memref<80x128xf32, #tpu.memory_space<vmem>>) dst(%dma_wait3A_82 : memref<80x128xf32, #tpu.memory_space<vmem_shared>>)
      tpu.yield
    }) : () -> ()
    %mul3A_24 = arith.constant 640 : i32
    %mul3A_25 = arith.muli %arg1, %mul3A_24 : i32
    %add3A_26 = arith.constant 320 : i32
    %add3A_27 = arith.addi %mul3A_25, %add3A_26 : i32
    "tpu.region"() ({
      %run_scoped3A_74 = tpu.sem_alloc : memref<!tpu.dma_semaphore, #tpu.memory_space<semaphore_mem>>
      %dma_start3A_75 = arith.constant 0 : i32
      %dma_start3A_76 = tpu.memref_slice %arg8[%add3A_27, %dma_start3A_75] : memref<10240x128xf32, #tpu.memory_space<vmem_shared>> -> memref<80x128xf32, #tpu.memory_space<vmem_shared>>
      %dma_start3A_77 = arith.constant 0 : i32
      %dma_start3A_78 = tpu.memref_slice %arg8[%add3A_27, %dma_start3A_77] : memref<10240x128xf32, #tpu.memory_space<vmem_shared>> -> memref<80x128xf32, #tpu.memory_space<vmem_shared>>
      tpu.enqueue_dma source(%arg6 : memref<80x128xf32, #tpu.memory_space<vmem>>) target(%dma_start3A_78 : memref<80x128xf32, #tpu.memory_space<vmem_shared>>) target_semaphore(%run_scoped3A_74 : memref<!tpu.dma_semaphore, #tpu.memory_space<semaphore_mem>>)
      %dma_wait3A_79 = arith.constant 0 : i32
      %dma_wait3A_80 = tpu.memref_slice %arg8[%add3A_27, %dma_wait3A_79] : memref<10240x128xf32, #tpu.memory_space<vmem_shared>> -> memref<80x128xf32, #tpu.memory_space<vmem_shared>>
      %dma_wait3A_81 = arith.constant 0 : i32
      %dma_wait3A_82 = tpu.memref_slice %arg8[%add3A_27, %dma_wait3A_81] : memref<10240x128xf32, #tpu.memory_space<vmem_shared>> -> memref<80x128xf32, #tpu.memory_space<vmem_shared>>
      tpu.wait_dma2 semaphore(%run_scoped3A_74 : memref<!tpu.dma_semaphore, #tpu.memory_space<semaphore_mem>>) src(%arg6 : memref<80x128xf32, #tpu.memory_space<vmem>>) dst(%dma_wait3A_82 : memref<80x128xf32, #tpu.memory_space<vmem_shared>>)
      tpu.yield
    }) : () -> ()
    %mul3A_28 = arith.constant 640 : i32
    %mul3A_29 = arith.muli %arg1, %mul3A_28 : i32
    %add3A_30 = arith.constant 400 : i32
    %add3A_31 = arith.addi %mul3A_29, %add3A_30 : i32
    "tpu.region"() ({
      %run_scoped3A_74 = tpu.sem_alloc : memref<!tpu.dma_semaphore, #tpu.memory_space<semaphore_mem>>
      %dma_start3A_75 = arith.constant 0 : i32
      %dma_start3A_76 = tpu.memref_slice %arg8[%add3A_31, %dma_start3A_75] : memref<10240x128xf32, #tpu.memory_space<vmem_shared>> -> memref<80x128xf32, #tpu.memory_space<vmem_shared>>
      %dma_start3A_77 = arith.constant 0 : i32
      %dma_start3A_78 = tpu.memref_slice %arg8[%add3A_31, %dma_start3A_77] : memref<10240x128xf32, #tpu.memory_space<vmem_shared>> -> memref<80x128xf32, #tpu.memory_space<vmem_shared>>
      tpu.enqueue_dma source(%arg6 : memref<80x128xf32, #tpu.memory_space<vmem>>) target(%dma_start3A_78 : memref<80x128xf32, #tpu.memory_space<vmem_shared>>) target_semaphore(%run_scoped3A_74 : memref<!tpu.dma_semaphore, #tpu.memory_space<semaphore_mem>>)
      %dma_wait3A_79 = arith.constant 0 : i32
      %dma_wait3A_80 = tpu.memref_slice %arg8[%add3A_31, %dma_wait3A_79] : memref<10240x128xf32, #tpu.memory_space<vmem_shared>> -> memref<80x128xf32, #tpu.memory_space<vmem_shared>>
      %dma_wait3A_81 = arith.constant 0 : i32
      %dma_wait3A_82 = tpu.memref_slice %arg8[%add3A_31, %dma_wait3A_81] : memref<10240x128xf32, #tpu.memory_space<vmem_shared>> -> memref<80x128xf32, #tpu.memory_space<vmem_shared>>
      tpu.wait_dma2 semaphore(%run_scoped3A_74 : memref<!tpu.dma_semaphore, #tpu.memory_space<semaphore_mem>>) src(%arg6 : memref<80x128xf32, #tpu.memory_space<vmem>>) dst(%dma_wait3A_82 : memref<80x128xf32, #tpu.memory_space<vmem_shared>>)
      tpu.yield
    }) : () -> ()
    %mul3A_32 = arith.constant 640 : i32
    %mul3A_33 = arith.muli %arg1, %mul3A_32 : i32
    %add3A_34 = arith.constant 480 : i32
    %add3A_35 = arith.addi %mul3A_33, %add3A_34 : i32
    "tpu.region"() ({
      %run_scoped3A_74 = tpu.sem_alloc : memref<!tpu.dma_semaphore, #tpu.memory_space<semaphore_mem>>
      %dma_start3A_75 = arith.constant 0 : i32
      %dma_start3A_76 = tpu.memref_slice %arg8[%add3A_35, %dma_start3A_75] : memref<10240x128xf32, #tpu.memory_space<vmem_shared>> -> memref<80x128xf32, #tpu.memory_space<vmem_shared>>
      %dma_start3A_77 = arith.constant 0 : i32
      %dma_start3A_78 = tpu.memref_slice %arg8[%add3A_35, %dma_start3A_77] : memref<10240x128xf32, #tpu.memory_space<vmem_shared>> -> memref<80x128xf32, #tpu.memory_space<vmem_shared>>
      tpu.enqueue_dma source(%arg6 : memref<80x128xf32, #tpu.memory_space<vmem>>) target(%dma_start3A_78 : memref<80x128xf32, #tpu.memory_space<vmem_shared>>) target_semaphore(%run_scoped3A_74 : memref<!tpu.dma_semaphore, #tpu.memory_space<semaphore_mem>>)
      %dma_wait3A_79 = arith.constant 0 : i32
      %dma_wait3A_80 = tpu.memref_slice %arg8[%add3A_35, %dma_wait3A_79] : memref<10240x128xf32, #tpu.memory_space<vmem_shared>> -> memref<80x128xf32, #tpu.memory_space<vmem_shared>>
      %dma_wait3A_81 = arith.constant 0 : i32
      %dma_wait3A_82 = tpu.memref_slice %arg8[%add3A_35, %dma_wait3A_81] : memref<10240x128xf32, #tpu.memory_space<vmem_shared>> -> memref<80x128xf32, #tpu.memory_space<vmem_shared>>
      tpu.wait_dma2 semaphore(%run_scoped3A_74 : memref<!tpu.dma_semaphore, #tpu.memory_space<semaphore_mem>>) src(%arg6 : memref<80x128xf32, #tpu.memory_space<vmem>>) dst(%dma_wait3A_82 : memref<80x128xf32, #tpu.memory_space<vmem_shared>>)
      tpu.yield
    }) : () -> ()
    %mul3A_36 = arith.constant 640 : i32
    %mul3A_37 = arith.muli %arg1, %mul3A_36 : i32
    %add3A_38 = arith.constant 560 : i32
    %add3A_39 = arith.addi %mul3A_37, %add3A_38 : i32
    "tpu.region"() ({
      %run_scoped3A_74 = tpu.sem_alloc : memref<!tpu.dma_semaphore, #tpu.memory_space<semaphore_mem>>
      %dma_start3A_75 = arith.constant 0 : i32
      %dma_start3A_76 = tpu.memref_slice %arg8[%add3A_39, %dma_start3A_75] : memref<10240x128xf32, #tpu.memory_space<vmem_shared>> -> memref<80x128xf32, #tpu.memory_space<vmem_shared>>
      %dma_start3A_77 = arith.constant 0 : i32
      %dma_start3A_78 = tpu.memref_slice %arg8[%add3A_39, %dma_start3A_77] : memref<10240x128xf32, #tpu.memory_space<vmem_shared>> -> memref<80x128xf32, #tpu.memory_space<vmem_shared>>
      tpu.enqueue_dma source(%arg6 : memref<80x128xf32, #tpu.memory_space<vmem>>) target(%dma_start3A_78 : memref<80x128xf32, #tpu.memory_space<vmem_shared>>) target_semaphore(%run_scoped3A_74 : memref<!tpu.dma_semaphore, #tpu.memory_space<semaphore_mem>>)
      %dma_wait3A_79 = arith.constant 0 : i32
      %dma_wait3A_80 = tpu.memref_slice %arg8[%add3A_39, %dma_wait3A_79] : memref<10240x128xf32, #tpu.memory_space<vmem_shared>> -> memref<80x128xf32, #tpu.memory_space<vmem_shared>>
      %dma_wait3A_81 = arith.constant 0 : i32
      %dma_wait3A_82 = tpu.memref_slice %arg8[%add3A_39, %dma_wait3A_81] : memref<10240x128xf32, #tpu.memory_space<vmem_shared>> -> memref<80x128xf32, #tpu.memory_space<vmem_shared>>
      tpu.wait_dma2 semaphore(%run_scoped3A_74 : memref<!tpu.dma_semaphore, #tpu.memory_space<semaphore_mem>>) src(%arg6 : memref<80x128xf32, #tpu.memory_space<vmem>>) dst(%dma_wait3A_82 : memref<80x128xf32, #tpu.memory_space<vmem_shared>>)
      tpu.yield
    }) : () -> ()
    %barrier3A = arith.constant 0 : index
    tpu.barrier barrier_id(%barrier3A)
    "tpu.region"() ({
      %run_scoped3A_74 = tpu.sem_alloc : memref<!tpu.dma_semaphore, #tpu.memory_space<semaphore_mem>>
      %dma_start3A_75 = arith.constant 0 : i32
      %dma_start3A_76 = arith.constant 0 : i32
      %dma_start3A_77 = tpu.memref_slice %arg3[%add3A, %dma_start3A_75, %dma_start3A_76] : memref<32x50x80xi32, #tpu.memory_space<hbm>> -> memref<1x50x80xi32, #tpu.memory_space<hbm>>
      %dma_start3A_78 = tpu.memref_squeeze %dma_start3A_77 : memref<1x50x80xi32, #tpu.memory_space<hbm>> -> memref<50x80xi32, #tpu.memory_space<hbm>>
      %dma_start3A_79 = arith.constant 0 : i32
      %dma_start3A_80 = arith.constant 0 : i32
      %dma_start3A_81 = tpu.memref_slice %arg3[%add3A, %dma_start3A_79, %dma_start3A_80] : memref<32x50x80xi32, #tpu.memory_space<hbm>> -> memref<1x50x80xi32, #tpu.memory_space<hbm>>
      %dma_start3A_82 = tpu.memref_squeeze %dma_start3A_81 : memref<1x50x80xi32, #tpu.memory_space<hbm>> -> memref<50x80xi32, #tpu.memory_space<hbm>>
      tpu.enqueue_dma source(%dma_start3A_82 : memref<50x80xi32, #tpu.memory_space<hbm>>) target(%arg5 : memref<50x80xi32, #tpu.memory_space<vmem>>) target_semaphore(%run_scoped3A_74 : memref<!tpu.dma_semaphore, #tpu.memory_space<semaphore_mem>>)
      %dma_wait3A_83 = arith.constant 0 : i32
      %dma_wait3A_84 = arith.constant 0 : i32
      %dma_wait3A_85 = tpu.memref_slice %arg3[%add3A, %dma_wait3A_83, %dma_wait3A_84] : memref<32x50x80xi32, #tpu.memory_space<hbm>> -> memref<1x50x80xi32, #tpu.memory_space<hbm>>
      %dma_wait3A_86 = tpu.memref_squeeze %dma_wait3A_85 : memref<1x50x80xi32, #tpu.memory_space<hbm>> -> memref<50x80xi32, #tpu.memory_space<hbm>>
      %dma_wait3A_87 = arith.constant 0 : i32
      %dma_wait3A_88 = arith.constant 0 : i32
      %dma_wait3A_89 = tpu.memref_slice %arg3[%add3A, %dma_wait3A_87, %dma_wait3A_88] : memref<32x50x80xi32, #tpu.memory_space<hbm>> -> memref<1x50x80xi32, #tpu.memory_space<hbm>>
      %dma_wait3A_90 = tpu.memref_squeeze %dma_wait3A_89 : memref<1x50x80xi32, #tpu.memory_space<hbm>> -> memref<50x80xi32, #tpu.memory_space<hbm>>
      tpu.wait_dma2 semaphore(%run_scoped3A_74 : memref<!tpu.dma_semaphore, #tpu.memory_space<semaphore_mem>>) src(%dma_wait3A_90 : memref<50x80xi32, #tpu.memory_space<hbm>>) dst(%arg5 : memref<50x80xi32, #tpu.memory_space<vmem>>)
      tpu.yield
    }) : () -> ()
    %add3A_40 = arith.constant 0 : i32
    %add3A_41 = arith.addi %mul3A_2, %add3A_40 : i32
    %dma_start3A = arith.constant 0 : i32
    %dma_start3A_42 = tpu.memref_slice %arg2[%add3A_41, %dma_start3A] : memref<128000x128xf32, #tpu.memory_space<hbm>> -> memref<80x128xf32, #tpu.memory_space<hbm>>
    %dma_start3A_43 = arith.constant 0 : i32
    %dma_start3A_44 = tpu.memref_slice %arg2[%add3A_41, %dma_start3A_43] : memref<128000x128xf32, #tpu.memory_space<hbm>> -> memref<80x128xf32, #tpu.memory_space<hbm>>
    tpu.enqueue_dma source(%dma_start3A_44 : memref<80x128xf32, #tpu.memory_space<hbm>>) target(%arg6 : memref<80x128xf32, #tpu.memory_space<vmem>>) target_semaphore(%arg9 : memref<!tpu.dma_semaphore, #tpu.memory_space<semaphore_mem>>)
    %add3A_45 = arith.constant 80 : i32
    %add3A_46 = arith.addi %mul3A_2, %add3A_45 : i32
    %dma_start3A_47 = arith.constant 0 : i32
    %dma_start3A_48 = tpu.memref_slice %arg2[%add3A_46, %dma_start3A_47] : memref<128000x128xf32, #tpu.memory_space<hbm>> -> memref<80x128xf32, #tpu.memory_space<hbm>>
    %dma_start3A_49 = arith.constant 0 : i32
    %dma_start3A_50 = tpu.memref_slice %arg2[%add3A_46, %dma_start3A_49] : memref<128000x128xf32, #tpu.memory_space<hbm>> -> memref<80x128xf32, #tpu.memory_space<hbm>>
    tpu.enqueue_dma source(%dma_start3A_50 : memref<80x128xf32, #tpu.memory_space<hbm>>) target(%arg7 : memref<80x128xf32, #tpu.memory_space<vmem>>) target_semaphore(%arg10 : memref<!tpu.dma_semaphore, #tpu.memory_space<semaphore_mem>>)
    %scan3A_51 = arith.constant 0 : i32
    %scan3A_52 = arith.constant 0 : i32
    %scan3A_53 = arith.constant 24 : i32
    %scan3A_54 = arith.addi %scan3A_52, %scan3A_53 : i32
    %scan3A_55 = arith.constant 1 : i32
    scf.for %scan3A_74 = %scan3A_52 to %scan3A_54 step %scan3A_55  : i32 {
      %mul3A_75 = arith.constant 2 : i32
      %mul3A_76 = arith.muli %scan3A_74, %mul3A_75 : i32
      %add3A_77 = arith.constant 0 : i32
      %add3A_78 = arith.addi %mul3A_76, %add3A_77 : i32
      %mul3A_79 = arith.constant 80 : i32
      %mul3A_80 = arith.muli %add3A_78, %mul3A_79 : i32
      %add3A_81 = arith.addi %mul3A_2, %mul3A_80 : i32
      %dma_wait3A_82 = arith.constant 0 : i32
      %dma_wait3A_83 = tpu.memref_slice %arg2[%add3A_81, %dma_wait3A_82] : memref<128000x128xf32, #tpu.memory_space<hbm>> -> memref<80x128xf32, #tpu.memory_space<hbm>>
      %dma_wait3A_84 = arith.constant 0 : i32
      %dma_wait3A_85 = tpu.memref_slice %arg2[%add3A_81, %dma_wait3A_84] : memref<128000x128xf32, #tpu.memory_space<hbm>> -> memref<80x128xf32, #tpu.memory_space<hbm>>
      tpu.wait_dma2 semaphore(%arg9 : memref<!tpu.dma_semaphore, #tpu.memory_space<semaphore_mem>>) src(%dma_wait3A_85 : memref<80x128xf32, #tpu.memory_space<hbm>>) dst(%arg6 : memref<80x128xf32, #tpu.memory_space<vmem>>)
      "tpu.region"() ({
        %run_scoped3A_106 = tpu.sem_alloc : memref<!tpu.dma_semaphore, #tpu.memory_space<semaphore_mem>>
        %dma_start3A_107 = arith.constant 0 : i32
        %dma_start3A_108 = tpu.memref_slice %arg5[%add3A_78, %dma_start3A_107] : memref<50x80xi32, #tpu.memory_space<vmem>> -> memref<1x80xi32, #tpu.memory_space<vmem>>
        %dma_start3A_109 = tpu.memref_squeeze %dma_start3A_108 : memref<1x80xi32, #tpu.memory_space<vmem>> -> memref<80xi32, #tpu.memory_space<vmem>>
        %dma_start3A_110 = arith.constant 0 : i32
        %dma_start3A_111 = arith.constant 0 : i32
        %dma_start3A_112 = tpu.memref_slice %arg8[%dma_start3A_110, %dma_start3A_111] : memref<10240x128xf32, #tpu.memory_space<vmem_shared>> -> memref<10240x128xf32, #tpu.memory_space<vmem_shared>>
        tpu.enqueue_indirect_dma source(%arg6 : memref<80x128xf32, #tpu.memory_space<vmem>>) target(%dma_start3A_112 : memref<10240x128xf32, #tpu.memory_space<vmem_shared>>) offsets(%dma_start3A_109 : memref<80xi32, #tpu.memory_space<vmem>>) semaphore(%run_scoped3A_106 : memref<!tpu.dma_semaphore, #tpu.memory_space<semaphore_mem>>) {add = true}
        %dma_wait3A_113 = arith.constant 0 : i32
        %dma_wait3A_114 = tpu.memref_slice %arg5[%add3A_78, %dma_wait3A_113] : memref<50x80xi32, #tpu.memory_space<vmem>> -> memref<1x80xi32, #tpu.memory_space<vmem>>
        %dma_wait3A_115 = tpu.memref_squeeze %dma_wait3A_114 : memref<1x80xi32, #tpu.memory_space<vmem>> -> memref<80xi32, #tpu.memory_space<vmem>>
        %dma_wait3A_116 = arith.constant 0 : i32
        %dma_wait3A_117 = arith.constant 0 : i32
        %dma_wait3A_118 = tpu.memref_slice %arg8[%dma_wait3A_116, %dma_wait3A_117] : memref<10240x128xf32, #tpu.memory_space<vmem_shared>> -> memref<10240x128xf32, #tpu.memory_space<vmem_shared>>
        tpu.wait_indirect_dma semaphore(%run_scoped3A_106 : memref<!tpu.dma_semaphore, #tpu.memory_space<semaphore_mem>>) src(%arg6 : memref<80x128xf32, #tpu.memory_space<vmem>>) dst(%dma_wait3A_118 : memref<10240x128xf32, #tpu.memory_space<vmem_shared>>)
        tpu.yield
      }) : () -> ()
      %add3A_86 = arith.constant 2 : i32
      %add3A_87 = arith.addi %add3A_78, %add3A_86 : i32
      %lt3A = arith.constant 50 : i32
      %lt3A_88 = arith.cmpi slt, %add3A_87, %lt3A : i32
      %convert_element_type3A = arith.extui %lt3A_88 : i1 to i32
      %cond3A = arith.constant 0 : i32
      %cond3A_89 = arith.cmpi ne, %convert_element_type3A, %cond3A : i32
      scf.if %cond3A_89 {
        %add3A_106 = arith.constant 2 : i32
        %add3A_107 = arith.addi %add3A_78, %add3A_106 : i32
        %mul3A_108 = arith.constant 80 : i32
        %mul3A_109 = arith.muli %add3A_107, %mul3A_108 : i32
        %add3A_110 = arith.addi %mul3A_2, %mul3A_109 : i32
        %dma_start3A_111 = arith.constant 0 : i32
        %dma_start3A_112 = tpu.memref_slice %arg2[%add3A_110, %dma_start3A_111] : memref<128000x128xf32, #tpu.memory_space<hbm>> -> memref<80x128xf32, #tpu.memory_space<hbm>>
        %dma_start3A_113 = arith.constant 0 : i32
        %dma_start3A_114 = tpu.memref_slice %arg2[%add3A_110, %dma_start3A_113] : memref<128000x128xf32, #tpu.memory_space<hbm>> -> memref<80x128xf32, #tpu.memory_space<hbm>>
        tpu.enqueue_dma source(%dma_start3A_114 : memref<80x128xf32, #tpu.memory_space<hbm>>) target(%arg6 : memref<80x128xf32, #tpu.memory_space<vmem>>) target_semaphore(%arg9 : memref<!tpu.dma_semaphore, #tpu.memory_space<semaphore_mem>>)
      } else {
      }
      %add3A_90 = arith.constant 1 : i32
      %add3A_91 = arith.addi %mul3A_76, %add3A_90 : i32
      %mul3A_92 = arith.constant 80 : i32
      %mul3A_93 = arith.muli %add3A_91, %mul3A_92 : i32
      %add3A_94 = arith.addi %mul3A_2, %mul3A_93 : i32
      %dma_wait3A_95 = arith.constant 0 : i32
      %dma_wait3A_96 = tpu.memref_slice %arg2[%add3A_94, %dma_wait3A_95] : memref<128000x128xf32, #tpu.memory_space<hbm>> -> memref<80x128xf32, #tpu.memory_space<hbm>>
      %dma_wait3A_97 = arith.constant 0 : i32
      %dma_wait3A_98 = tpu.memref_slice %arg2[%add3A_94, %dma_wait3A_97] : memref<128000x128xf32, #tpu.memory_space<hbm>> -> memref<80x128xf32, #tpu.memory_space<hbm>>
      tpu.wait_dma2 semaphore(%arg10 : memref<!tpu.dma_semaphore, #tpu.memory_space<semaphore_mem>>) src(%dma_wait3A_98 : memref<80x128xf32, #tpu.memory_space<hbm>>) dst(%arg7 : memref<80x128xf32, #tpu.memory_space<vmem>>)
      "tpu.region"() ({
        %run_scoped3A_106 = tpu.sem_alloc : memref<!tpu.dma_semaphore, #tpu.memory_space<semaphore_mem>>
        %dma_start3A_107 = arith.constant 0 : i32
        %dma_start3A_108 = tpu.memref_slice %arg5[%add3A_91, %dma_start3A_107] : memref<50x80xi32, #tpu.memory_space<vmem>> -> memref<1x80xi32, #tpu.memory_space<vmem>>
        %dma_start3A_109 = tpu.memref_squeeze %dma_start3A_108 : memref<1x80xi32, #tpu.memory_space<vmem>> -> memref<80xi32, #tpu.memory_space<vmem>>
        %dma_start3A_110 = arith.constant 0 : i32
        %dma_start3A_111 = arith.constant 0 : i32
        %dma_start3A_112 = tpu.memref_slice %arg8[%dma_start3A_110, %dma_start3A_111] : memref<10240x128xf32, #tpu.memory_space<vmem_shared>> -> memref<10240x128xf32, #tpu.memory_space<vmem_shared>>
        tpu.enqueue_indirect_dma source(%arg7 : memref<80x128xf32, #tpu.memory_space<vmem>>) target(%dma_start3A_112 : memref<10240x128xf32, #tpu.memory_space<vmem_shared>>) offsets(%dma_start3A_109 : memref<80xi32, #tpu.memory_space<vmem>>) semaphore(%run_scoped3A_106 : memref<!tpu.dma_semaphore, #tpu.memory_space<semaphore_mem>>) {add = true}
        %dma_wait3A_113 = arith.constant 0 : i32
        %dma_wait3A_114 = tpu.memref_slice %arg5[%add3A_91, %dma_wait3A_113] : memref<50x80xi32, #tpu.memory_space<vmem>> -> memref<1x80xi32, #tpu.memory_space<vmem>>
        %dma_wait3A_115 = tpu.memref_squeeze %dma_wait3A_114 : memref<1x80xi32, #tpu.memory_space<vmem>> -> memref<80xi32, #tpu.memory_space<vmem>>
        %dma_wait3A_116 = arith.constant 0 : i32
        %dma_wait3A_117 = arith.constant 0 : i32
        %dma_wait3A_118 = tpu.memref_slice %arg8[%dma_wait3A_116, %dma_wait3A_117] : memref<10240x128xf32, #tpu.memory_space<vmem_shared>> -> memref<10240x128xf32, #tpu.memory_space<vmem_shared>>
        tpu.wait_indirect_dma semaphore(%run_scoped3A_106 : memref<!tpu.dma_semaphore, #tpu.memory_space<semaphore_mem>>) src(%arg7 : memref<80x128xf32, #tpu.memory_space<vmem>>) dst(%dma_wait3A_118 : memref<10240x128xf32, #tpu.memory_space<vmem_shared>>)
        tpu.yield
      }) : () -> ()
      %add3A_99 = arith.constant 2 : i32
      %add3A_100 = arith.addi %add3A_91, %add3A_99 : i32
      %lt3A_101 = arith.constant 50 : i32
      %lt3A_102 = arith.cmpi slt, %add3A_100, %lt3A_101 : i32
      %convert_element_type3A_103 = arith.extui %lt3A_102 : i1 to i32
      %cond3A_104 = arith.constant 0 : i32
      %cond3A_105 = arith.cmpi ne, %convert_element_type3A_103, %cond3A_104 : i32
      scf.if %cond3A_105 {
        %add3A_106 = arith.constant 2 : i32
        %add3A_107 = arith.addi %add3A_91, %add3A_106 : i32
        %mul3A_108 = arith.constant 80 : i32
        %mul3A_109 = arith.muli %add3A_107, %mul3A_108 : i32
        %add3A_110 = arith.addi %mul3A_2, %mul3A_109 : i32
        %dma_start3A_111 = arith.constant 0 : i32
        %dma_start3A_112 = tpu.memref_slice %arg2[%add3A_110, %dma_start3A_111] : memref<128000x128xf32, #tpu.memory_space<hbm>> -> memref<80x128xf32, #tpu.memory_space<hbm>>
        %dma_start3A_113 = arith.constant 0 : i32
        %dma_start3A_114 = tpu.memref_slice %arg2[%add3A_110, %dma_start3A_113] : memref<128000x128xf32, #tpu.memory_space<hbm>> -> memref<80x128xf32, #tpu.memory_space<hbm>>
        tpu.enqueue_dma source(%dma_start3A_114 : memref<80x128xf32, #tpu.memory_space<hbm>>) target(%arg7 : memref<80x128xf32, #tpu.memory_space<vmem>>) target_semaphore(%arg10 : memref<!tpu.dma_semaphore, #tpu.memory_space<semaphore_mem>>)
      } else {
      }
    }
    %scan3A_56 = arith.constant 24 : i32
    %add3A_57 = arith.constant 3840 : i32
    %add3A_58 = arith.addi %mul3A_2, %add3A_57 : i32
    %dma_wait3A = arith.constant 0 : i32
    %dma_wait3A_59 = tpu.memref_slice %arg2[%add3A_58, %dma_wait3A] : memref<128000x128xf32, #tpu.memory_space<hbm>> -> memref<80x128xf32, #tpu.memory_space<hbm>>
    %dma_wait3A_60 = arith.constant 0 : i32
    %dma_wait3A_61 = tpu.memref_slice %arg2[%add3A_58, %dma_wait3A_60] : memref<128000x128xf32, #tpu.memory_space<hbm>> -> memref<80x128xf32, #tpu.memory_space<hbm>>
    tpu.wait_dma2 semaphore(%arg9 : memref<!tpu.dma_semaphore, #tpu.memory_space<semaphore_mem>>) src(%dma_wait3A_61 : memref<80x128xf32, #tpu.memory_space<hbm>>) dst(%arg6 : memref<80x128xf32, #tpu.memory_space<vmem>>)
    %run_scoped3A = arith.constant 48 : i32
    "tpu.region"() ({
      %run_scoped3A_74 = tpu.sem_alloc : memref<!tpu.dma_semaphore, #tpu.memory_space<semaphore_mem>>
      %dma_start3A_75 = arith.constant 0 : i32
      %dma_start3A_76 = tpu.memref_slice %arg5[%run_scoped3A, %dma_start3A_75] : memref<50x80xi32, #tpu.memory_space<vmem>> -> memref<1x80xi32, #tpu.memory_space<vmem>>
      %dma_start3A_77 = tpu.memref_squeeze %dma_start3A_76 : memref<1x80xi32, #tpu.memory_space<vmem>> -> memref<80xi32, #tpu.memory_space<vmem>>
      %dma_start3A_78 = arith.constant 0 : i32
      %dma_start3A_79 = arith.constant 0 : i32
      %dma_start3A_80 = tpu.memref_slice %arg8[%dma_start3A_78, %dma_start3A_79] : memref<10240x128xf32, #tpu.memory_space<vmem_shared>> -> memref<10240x128xf32, #tpu.memory_space<vmem_shared>>
      tpu.enqueue_indirect_dma source(%arg6 : memref<80x128xf32, #tpu.memory_space<vmem>>) target(%dma_start3A_80 : memref<10240x128xf32, #tpu.memory_space<vmem_shared>>) offsets(%dma_start3A_77 : memref<80xi32, #tpu.memory_space<vmem>>) semaphore(%run_scoped3A_74 : memref<!tpu.dma_semaphore, #tpu.memory_space<semaphore_mem>>) {add = true}
      %dma_wait3A_81 = arith.constant 0 : i32
      %dma_wait3A_82 = tpu.memref_slice %arg5[%run_scoped3A, %dma_wait3A_81] : memref<50x80xi32, #tpu.memory_space<vmem>> -> memref<1x80xi32, #tpu.memory_space<vmem>>
      %dma_wait3A_83 = tpu.memref_squeeze %dma_wait3A_82 : memref<1x80xi32, #tpu.memory_space<vmem>> -> memref<80xi32, #tpu.memory_space<vmem>>
      %dma_wait3A_84 = arith.constant 0 : i32
      %dma_wait3A_85 = arith.constant 0 : i32
      %dma_wait3A_86 = tpu.memref_slice %arg8[%dma_wait3A_84, %dma_wait3A_85] : memref<10240x128xf32, #tpu.memory_space<vmem_shared>> -> memref<10240x128xf32, #tpu.memory_space<vmem_shared>>
      tpu.wait_indirect_dma semaphore(%run_scoped3A_74 : memref<!tpu.dma_semaphore, #tpu.memory_space<semaphore_mem>>) src(%arg6 : memref<80x128xf32, #tpu.memory_space<vmem>>) dst(%dma_wait3A_86 : memref<10240x128xf32, #tpu.memory_space<vmem_shared>>)
      tpu.yield
    }) : () -> ()
    %add3A_62 = arith.constant 3920 : i32
    %add3A_63 = arith.addi %mul3A_2, %add3A_62 : i32
    %dma_wait3A_64 = arith.constant 0 : i32
    %dma_wait3A_65 = tpu.memref_slice %arg2[%add3A_63, %dma_wait3A_64] : memref<128000x128xf32, #tpu.memory_space<hbm>> -> memref<80x128xf32, #tpu.memory_space<hbm>>
    %dma_wait3A_66 = arith.constant 0 : i32
    %dma_wait3A_67 = tpu.memref_slice %arg2[%add3A_63, %dma_wait3A_66] : memref<128000x128xf32, #tpu.memory_space<hbm>> -> memref<80x128xf32, #tpu.memory_space<hbm>>
    tpu.wait_dma2 semaphore(%arg10 : memref<!tpu.dma_semaphore, #tpu.memory_space<semaphore_mem>>) src(%dma_wait3A_67 : memref<80x128xf32, #tpu.memory_space<hbm>>) dst(%arg7 : memref<80x128xf32, #tpu.memory_space<vmem>>)
    %run_scoped3A_68 = arith.constant 49 : i32
    "tpu.region"() ({
      %run_scoped3A_74 = tpu.sem_alloc : memref<!tpu.dma_semaphore, #tpu.memory_space<semaphore_mem>>
      %dma_start3A_75 = arith.constant 0 : i32
      %dma_start3A_76 = tpu.memref_slice %arg5[%run_scoped3A_68, %dma_start3A_75] : memref<50x80xi32, #tpu.memory_space<vmem>> -> memref<1x80xi32, #tpu.memory_space<vmem>>
      %dma_start3A_77 = tpu.memref_squeeze %dma_start3A_76 : memref<1x80xi32, #tpu.memory_space<vmem>> -> memref<80xi32, #tpu.memory_space<vmem>>
      %dma_start3A_78 = arith.constant 0 : i32
      %dma_start3A_79 = arith.constant 0 : i32
      %dma_start3A_80 = tpu.memref_slice %arg8[%dma_start3A_78, %dma_start3A_79] : memref<10240x128xf32, #tpu.memory_space<vmem_shared>> -> memref<10240x128xf32, #tpu.memory_space<vmem_shared>>
      tpu.enqueue_indirect_dma source(%arg7 : memref<80x128xf32, #tpu.memory_space<vmem>>) target(%dma_start3A_80 : memref<10240x128xf32, #tpu.memory_space<vmem_shared>>) offsets(%dma_start3A_77 : memref<80xi32, #tpu.memory_space<vmem>>) semaphore(%run_scoped3A_74 : memref<!tpu.dma_semaphore, #tpu.memory_space<semaphore_mem>>) {add = true}
      %dma_wait3A_81 = arith.constant 0 : i32
      %dma_wait3A_82 = tpu.memref_slice %arg5[%run_scoped3A_68, %dma_wait3A_81] : memref<50x80xi32, #tpu.memory_space<vmem>> -> memref<1x80xi32, #tpu.memory_space<vmem>>
      %dma_wait3A_83 = tpu.memref_squeeze %dma_wait3A_82 : memref<1x80xi32, #tpu.memory_space<vmem>> -> memref<80xi32, #tpu.memory_space<vmem>>
      %dma_wait3A_84 = arith.constant 0 : i32
      %dma_wait3A_85 = arith.constant 0 : i32
      %dma_wait3A_86 = tpu.memref_slice %arg8[%dma_wait3A_84, %dma_wait3A_85] : memref<10240x128xf32, #tpu.memory_space<vmem_shared>> -> memref<10240x128xf32, #tpu.memory_space<vmem_shared>>
      tpu.wait_indirect_dma semaphore(%run_scoped3A_74 : memref<!tpu.dma_semaphore, #tpu.memory_space<semaphore_mem>>) src(%arg7 : memref<80x128xf32, #tpu.memory_space<vmem>>) dst(%dma_wait3A_86 : memref<10240x128xf32, #tpu.memory_space<vmem_shared>>)
      tpu.yield
    }) : () -> ()
    %barrier3A_69 = arith.constant 0 : index
    tpu.barrier barrier_id(%barrier3A_69)
    %mul3A_70 = arith.constant 640 : i32
    %mul3A_71 = arith.muli %arg1, %mul3A_70 : i32
    %mul3A_72 = arith.constant 640 : i32
    %mul3A_73 = arith.muli %arg1, %mul3A_72 : i32
    "tpu.region"() ({
      %run_scoped3A_74 = tpu.sem_alloc : memref<!tpu.dma_semaphore, #tpu.memory_space<semaphore_mem>>
      %dma_start3A_75 = arith.constant 0 : i32
      %dma_start3A_76 = arith.constant 0 : i32
      %dma_start3A_77 = tpu.memref_slice %arg4[%arg0, %dma_start3A_75, %dma_start3A_76] : memref<2x10240x128xf32, #tpu.memory_space<hbm>> -> memref<1x10240x128xf32, #tpu.memory_space<hbm>>
      %dma_start3A_78 = tpu.memref_squeeze %dma_start3A_77 : memref<1x10240x128xf32, #tpu.memory_space<hbm>> -> memref<10240x128xf32, #tpu.memory_space<hbm>>
      %dma_start3A_79 = arith.constant 0 : i32
      %dma_start3A_80 = tpu.memref_slice %dma_start3A_78[%mul3A_73, %dma_start3A_79] : memref<10240x128xf32, #tpu.memory_space<hbm>> -> memref<640x128xf32, #tpu.memory_space<hbm>>
      %dma_start3A_81 = arith.constant 0 : i32
      %dma_start3A_82 = tpu.memref_slice %arg8[%mul3A_71, %dma_start3A_81] : memref<10240x128xf32, #tpu.memory_space<vmem_shared>> -> memref<640x128xf32, #tpu.memory_space<vmem_shared>>
      tpu.enqueue_dma source(%dma_start3A_82 : memref<640x128xf32, #tpu.memory_space<vmem_shared>>) target(%dma_start3A_80 : memref<640x128xf32, #tpu.memory_space<hbm>>) target_semaphore(%run_scoped3A_74 : memref<!tpu.dma_semaphore, #tpu.memory_space<semaphore_mem>>)
      %dma_wait3A_83 = arith.constant 0 : i32
      %dma_wait3A_84 = arith.constant 0 : i32
      %dma_wait3A_85 = tpu.memref_slice %arg4[%arg0, %dma_wait3A_83, %dma_wait3A_84] : memref<2x10240x128xf32, #tpu.memory_space<hbm>> -> memref<1x10240x128xf32, #tpu.memory_space<hbm>>
      %dma_wait3A_86 = tpu.memref_squeeze %dma_wait3A_85 : memref<1x10240x128xf32, #tpu.memory_space<hbm>> -> memref<10240x128xf32, #tpu.memory_space<hbm>>
      %dma_wait3A_87 = arith.constant 0 : i32
      %dma_wait3A_88 = tpu.memref_slice %dma_wait3A_86[%mul3A_73, %dma_wait3A_87] : memref<10240x128xf32, #tpu.memory_space<hbm>> -> memref<640x128xf32, #tpu.memory_space<hbm>>
      %dma_wait3A_89 = arith.constant 0 : i32
      %dma_wait3A_90 = tpu.memref_slice %arg8[%mul3A_71, %dma_wait3A_89] : memref<10240x128xf32, #tpu.memory_space<vmem_shared>> -> memref<640x128xf32, #tpu.memory_space<vmem_shared>>
      tpu.wait_dma2 semaphore(%run_scoped3A_74 : memref<!tpu.dma_semaphore, #tpu.memory_space<semaphore_mem>>) src(%dma_wait3A_90 : memref<640x128xf32, #tpu.memory_space<vmem_shared>>) dst(%dma_wait3A_88 : memref<640x128xf32, #tpu.memory_space<hbm>>)
      tpu.yield
    }) : () -> ()
    return
  }
}

module attributes {stable_mosaic.version = 14 : i64} {
  func.func @_pre_body(%arg0: i32, %arg1: memref<2000x128xf32, #tpu.memory_space<vmem>>, %arg2: memref<128x128xf32, #tpu.memory_space<vmem>>, %arg3: memref<128x128xf32, #tpu.memory_space<vmem>>, %arg4: memref<2000x128xf32, #tpu.memory_space<vmem>>, %arg5: memref<2000x128xf32, #tpu.memory_space<vmem>>) attributes {dimension_semantics = [#tpu.dimension_semantics<arbitrary>], iteration_bounds = array<i64: 5>, scalar_prefetch = 0 : i64, scratch_operands = 0 : i64, tpu.core_type = #tpu.core_type<tc>, window_params = [{transform_indices = @transform_0, window_bounds = array<i64: 2000, 128>}, {pipeline_mode = #tpu.pipeline_mode<synchronous>, transform_indices = @transform_1, window_bounds = array<i64: 128, 128>}, {pipeline_mode = #tpu.pipeline_mode<synchronous>, transform_indices = @transform_2, window_bounds = array<i64: 128, 128>}, {transform_indices = @transform_3, window_bounds = array<i64: 2000, 128>}, {transform_indices = @transform_4, window_bounds = array<i64: 2000, 128>}]} {
    %get3A = arith.constant 0 : index
    %get3A_0 = arith.constant 0 : index
    %get3A_1 = vector.load %arg1[%get3A, %get3A_0] : memref<2000x128xf32, #tpu.memory_space<vmem>>, vector<2000x128xf32>
    %get3A_2 = arith.constant 0 : index
    %get3A_3 = arith.constant 0 : index
    %get3A_4 = vector.load %arg2[%get3A_2, %get3A_3] : memref<128x128xf32, #tpu.memory_space<vmem>>, vector<128x128xf32>
    %dot_general3A = arith.constant dense<0.000000e+00> : vector<2000x128xf32>
    %dot_general3A_5 = tpu.matmul %get3A_1, %get3A_4, %dot_general3A {dimension_numbers = #tpu.dot_dimension_numbers<[1], [0], [0], [1], [0, 0, 1, 1], [], []>, transpose_lhs_hint = false} : vector<2000x128xf32>, vector<128x128xf32>, vector<2000x128xf32> -> vector<2000x128xf32>
    %swap3A = arith.constant 0 : index
    %swap3A_6 = arith.constant 0 : index
    %swap3A_7 = vector.load %arg4[%swap3A, %swap3A_6] : memref<2000x128xf32, #tpu.memory_space<vmem>>, vector<2000x128xf32>
    tpu.vector_store %arg4[%swap3A, %swap3A_6], %dot_general3A_5 {strides = array<i32>} : memref<2000x128xf32, #tpu.memory_space<vmem>>, vector<2000x128xf32>,
    %get3A_8 = arith.constant 0 : index
    %get3A_9 = arith.constant 0 : index
    %get3A_10 = vector.load %arg3[%get3A_8, %get3A_9] : memref<128x128xf32, #tpu.memory_space<vmem>>, vector<128x128xf32>
    %dot_general3A_11 = arith.constant dense<0.000000e+00> : vector<2000x128xf32>
    %dot_general3A_12 = tpu.matmul %get3A_1, %get3A_10, %dot_general3A_11 {dimension_numbers = #tpu.dot_dimension_numbers<[1], [0], [0], [1], [0, 0, 1, 1], [], []>, transpose_lhs_hint = false} : vector<2000x128xf32>, vector<128x128xf32>, vector<2000x128xf32> -> vector<2000x128xf32>
    %swap3A_13 = arith.constant 0 : index
    %swap3A_14 = arith.constant 0 : index
    %swap3A_15 = vector.load %arg5[%swap3A_13, %swap3A_14] : memref<2000x128xf32, #tpu.memory_space<vmem>>, vector<2000x128xf32>
    tpu.vector_store %arg5[%swap3A_13, %swap3A_14], %dot_general3A_12 {strides = array<i32>} : memref<2000x128xf32, #tpu.memory_space<vmem>>, vector<2000x128xf32>,
    return
  }
  func.func @transform_0(%arg0: i32) -> (i32, i32) {
    %c0_i32 = arith.constant 0 : i32
    %c0_i32_0 = arith.constant 0 : i32
    return %arg0, %c0_i32 : i32, i32
  }
  func.func @transform_1(%arg0: i32) -> (i32, i32) {
    %c0_i32 = arith.constant 0 : i32
    %c0_i32_0 = arith.constant 0 : i32
    %c0_i32_1 = arith.constant 0 : i32
    return %c0_i32, %c0_i32_0 : i32, i32
  }
  func.func @transform_2(%arg0: i32) -> (i32, i32) {
    %c0_i32 = arith.constant 0 : i32
    %c0_i32_0 = arith.constant 0 : i32
    %c0_i32_1 = arith.constant 0 : i32
    return %c0_i32, %c0_i32_0 : i32, i32
  }
  func.func @transform_3(%arg0: i32) -> (i32, i32) {
    %c0_i32 = arith.constant 0 : i32
    %c0_i32_0 = arith.constant 0 : i32
    return %arg0, %c0_i32 : i32, i32
  }
  func.func @transform_4(%arg0: i32) -> (i32, i32) {
    %c0_i32 = arith.constant 0 : i32
    %c0_i32_0 = arith.constant 0 : i32
    return %arg0, %c0_i32 : i32, i32
  }
}

module attributes {stable_mosaic.version = 14 : i64} {
  func.func @_edge_body(%arg0: i32, %arg1: memref<2000x128xf32, #tpu.memory_space<vmem>>, %arg2: memref<2000x1xf32, #tpu.memory_space<vmem>>, %arg3: memref<2000x16xbf16, #tpu.memory_space<vmem>>, %arg4: memref<1x128xf32, #tpu.memory_space<vmem>>, %arg5: memref<1x128xf32, #tpu.memory_space<vmem>>, %arg6: memref<16x128xbf16, #tpu.memory_space<vmem>>, %arg7: memref<128x128xbf16, #tpu.memory_space<vmem>>, %arg8: memref<1x128xf32, #tpu.memory_space<vmem>>, %arg9: memref<2000x128xf32, #tpu.memory_space<vmem>>) attributes {dimension_semantics = [#tpu.dimension_semantics<arbitrary>], iteration_bounds = array<i64: 96>, scalar_prefetch = 0 : i64, scratch_operands = 0 : i64, tpu.core_type = #tpu.core_type<tc>, window_params = [{transform_indices = @transform_0, window_bounds = array<i64: 2000, 128>}, {transform_indices = @transform_1, window_bounds = array<i64: 2000, 1>}, {transform_indices = @transform_2, window_bounds = array<i64: 2000, 16>}, {pipeline_mode = #tpu.pipeline_mode<synchronous>, transform_indices = @transform_3, window_bounds = array<i64: 1, 128>}, {pipeline_mode = #tpu.pipeline_mode<synchronous>, transform_indices = @transform_4, window_bounds = array<i64: 1, 128>}, {pipeline_mode = #tpu.pipeline_mode<synchronous>, transform_indices = @transform_5, window_bounds = array<i64: 16, 128>}, {pipeline_mode = #tpu.pipeline_mode<synchronous>, transform_indices = @transform_6, window_bounds = array<i64: 128, 128>}, {pipeline_mode = #tpu.pipeline_mode<synchronous>, transform_indices = @transform_7, window_bounds = array<i64: 1, 128>}, {transform_indices = @transform_8, window_bounds = array<i64: 2000, 128>}]} {
    %get3A = arith.constant 0 : index
    %get3A_0 = arith.constant 0 : index
    %get3A_1 = vector.load %arg2[%get3A, %get3A_0] : memref<2000x1xf32, #tpu.memory_space<vmem>>, vector<2000x1xf32>
    %add3A = arith.constant 9.99999996E-13 : f32
    %add3A_2 = vector.broadcast %add3A : f32 to vector<2000x1xf32>
    %add3A_3 = arith.addf %get3A_1, %add3A_2 : vector<2000x1xf32>
    %sqrt3A = math.sqrt %add3A_3 : vector<2000x1xf32>
    %jit3A = arith.constant 9.99999974E-5 : f32
    %jit3A_4 = arith.constant 1.000000e+02 : f32
    %max3A = vector.broadcast %jit3A : f32 to vector<2000x1xf32>
    %max3A_5 = arith.maximumf %max3A, %sqrt3A : vector<2000x1xf32>
    %min3A = vector.broadcast %jit3A_4 : f32 to vector<2000x1xf32>
    %min3A_6 = arith.minimumf %min3A, %max3A_5 : vector<2000x1xf32>
    %get3A_7 = arith.constant 0 : index
    %get3A_8 = arith.constant 0 : index
    %get3A_9 = vector.load %arg1[%get3A_7, %get3A_8] : memref<2000x128xf32, #tpu.memory_space<vmem>>, vector<2000x128xf32>
    %get3A_10 = arith.constant 0 : index
    %get3A_11 = arith.constant 0 : index
    %get3A_12 = vector.load %arg4[%get3A_10, %get3A_11] : memref<1x128xf32, #tpu.memory_space<vmem>>, vector<1x128xf32>
    %mul3A = vector.broadcast %min3A_6 : vector<2000x1xf32> to vector<2000x128xf32>
    %mul3A_13 = vector.broadcast %get3A_12 : vector<1x128xf32> to vector<2000x128xf32>
    %mul3A_14 = arith.mulf %mul3A, %mul3A_13 : vector<2000x128xf32>
    %add3A_15 = arith.addf %get3A_9, %mul3A_14 : vector<2000x128xf32>
    %get3A_16 = arith.constant 0 : index
    %get3A_17 = arith.constant 0 : index
    %get3A_18 = vector.load %arg3[%get3A_16, %get3A_17] : memref<2000x16xbf16, #tpu.memory_space<vmem>>, vector<2000x16xbf16>
    %get3A_19 = arith.constant 0 : index
    %get3A_20 = arith.constant 0 : index
    %get3A_21 = vector.load %arg6[%get3A_19, %get3A_20] : memref<16x128xbf16, #tpu.memory_space<vmem>>, vector<16x128xbf16>
    %dot_general3A = arith.constant dense<0.000000e+00> : vector<2000x128xf32>
    %dot_general3A_22 = tpu.matmul %get3A_18, %get3A_21, %dot_general3A {dimension_numbers = #tpu.dot_dimension_numbers<[1], [0], [0], [1], [0, 0, 1, 1], [], []>, transpose_lhs_hint = false} : vector<2000x16xbf16>, vector<16x128xbf16>, vector<2000x128xf32> -> vector<2000x128xf32>
    %add3A_23 = arith.addf %add3A_15, %dot_general3A_22 : vector<2000x128xf32>
    %get3A_24 = arith.constant 0 : index
    %get3A_25 = arith.constant 0 : index
    %get3A_26 = vector.load %arg5[%get3A_24, %get3A_25] : memref<1x128xf32, #tpu.memory_space<vmem>>, vector<1x128xf32>
    %add3A_27 = vector.broadcast %get3A_26 : vector<1x128xf32> to vector<2000x128xf32>
    %add3A_28 = arith.addf %add3A_23, %add3A_27 : vector<2000x128xf32>
    %logistic3A = arith.negf %add3A_28 : vector<2000x128xf32>
    %logistic3A_29 = math.exp %logistic3A : vector<2000x128xf32>
    %logistic3A_30 = arith.constant 1.000000e+00 : f32
    %logistic3A_31 = vector.broadcast %logistic3A_30 : f32 to vector<2000x128xf32>
    %logistic3A_32 = arith.addf %logistic3A_31, %logistic3A_29 : vector<2000x128xf32>
    %logistic3A_33 = arith.divf %logistic3A_31, %logistic3A_32 : vector<2000x128xf32>
    %mul3A_34 = arith.mulf %add3A_28, %logistic3A_33 : vector<2000x128xf32>
    %convert_element_type3A = arith.truncf %mul3A_34 : vector<2000x128xf32> to vector<2000x128xbf16>
    %get3A_35 = arith.constant 0 : index
    %get3A_36 = arith.constant 0 : index
    %get3A_37 = vector.load %arg7[%get3A_35, %get3A_36] : memref<128x128xbf16, #tpu.memory_space<vmem>>, vector<128x128xbf16>
    %dot_general3A_38 = arith.constant dense<0.000000e+00> : vector<2000x128xf32>
    %dot_general3A_39 = tpu.matmul %convert_element_type3A, %get3A_37, %dot_general3A_38 {dimension_numbers = #tpu.dot_dimension_numbers<[1], [0], [0], [1], [0, 0, 1, 1], [], []>, transpose_lhs_hint = false} : vector<2000x128xbf16>, vector<128x128xbf16>, vector<2000x128xf32> -> vector<2000x128xf32>
    %get3A_40 = arith.constant 0 : index
    %get3A_41 = arith.constant 0 : index
    %get3A_42 = vector.load %arg8[%get3A_40, %get3A_41] : memref<1x128xf32, #tpu.memory_space<vmem>>, vector<1x128xf32>
    %add3A_43 = vector.broadcast %get3A_42 : vector<1x128xf32> to vector<2000x128xf32>
    %add3A_44 = arith.addf %dot_general3A_39, %add3A_43 : vector<2000x128xf32>
    %logistic3A_45 = arith.negf %add3A_44 : vector<2000x128xf32>
    %logistic3A_46 = math.exp %logistic3A_45 : vector<2000x128xf32>
    %logistic3A_47 = arith.constant 1.000000e+00 : f32
    %logistic3A_48 = vector.broadcast %logistic3A_47 : f32 to vector<2000x128xf32>
    %logistic3A_49 = arith.addf %logistic3A_48, %logistic3A_46 : vector<2000x128xf32>
    %logistic3A_50 = arith.divf %logistic3A_48, %logistic3A_49 : vector<2000x128xf32>
    %mul3A_51 = arith.mulf %add3A_44, %logistic3A_50 : vector<2000x128xf32>
    %swap3A = arith.constant 0 : index
    %swap3A_52 = arith.constant 0 : index
    %swap3A_53 = vector.load %arg9[%swap3A, %swap3A_52] : memref<2000x128xf32, #tpu.memory_space<vmem>>, vector<2000x128xf32>
    tpu.vector_store %arg9[%swap3A, %swap3A_52], %mul3A_51 {strides = array<i32>} : memref<2000x128xf32, #tpu.memory_space<vmem>>, vector<2000x128xf32>,
    return
  }
  func.func @transform_0(%arg0: i32) -> (i32, i32) {
    %c0_i32 = arith.constant 0 : i32
    %c0_i32_0 = arith.constant 0 : i32
    return %arg0, %c0_i32 : i32, i32
  }
  func.func @transform_1(%arg0: i32) -> (i32, i32) {
    %c0_i32 = arith.constant 0 : i32
    %c0_i32_0 = arith.constant 0 : i32
    return %arg0, %c0_i32 : i32, i32
  }
  func.func @transform_2(%arg0: i32) -> (i32, i32) {
    %c0_i32 = arith.constant 0 : i32
    %c0_i32_0 = arith.constant 0 : i32
    return %arg0, %c0_i32 : i32, i32
  }
  func.func @transform_3(%arg0: i32) -> (i32, i32) {
    %c0_i32 = arith.constant 0 : i32
    %c0_i32_0 = arith.constant 0 : i32
    %c0_i32_1 = arith.constant 0 : i32
    return %c0_i32, %c0_i32_0 : i32, i32
  }
  func.func @transform_4(%arg0: i32) -> (i32, i32) {
    %c0_i32 = arith.constant 0 : i32
    %c0_i32_0 = arith.constant 0 : i32
    %c0_i32_1 = arith.constant 0 : i32
    return %c0_i32, %c0_i32_0 : i32, i32
  }
  func.func @transform_5(%arg0: i32) -> (i32, i32) {
    %c0_i32 = arith.constant 0 : i32
    %c0_i32_0 = arith.constant 0 : i32
    %c0_i32_1 = arith.constant 0 : i32
    return %c0_i32, %c0_i32_0 : i32, i32
  }
  func.func @transform_6(%arg0: i32) -> (i32, i32) {
    %c0_i32 = arith.constant 0 : i32
    %c0_i32_0 = arith.constant 0 : i32
    %c0_i32_1 = arith.constant 0 : i32
    return %c0_i32, %c0_i32_0 : i32, i32
  }
  func.func @transform_7(%arg0: i32) -> (i32, i32) {
    %c0_i32 = arith.constant 0 : i32
    %c0_i32_0 = arith.constant 0 : i32
    %c0_i32_1 = arith.constant 0 : i32
    return %c0_i32, %c0_i32_0 : i32, i32
  }
  func.func @transform_8(%arg0: i32) -> (i32, i32) {
    %c0_i32 = arith.constant 0 : i32
    %c0_i32_0 = arith.constant 0 : i32
    return %arg0, %c0_i32 : i32, i32
  }
}

module attributes {stable_mosaic.version = 14 : i64} {
  func.func @_edge_body(%arg0: i32, %arg1: memref<2000x128xf32, #tpu.memory_space<vmem>>, %arg2: memref<2000x1xf32, #tpu.memory_space<vmem>>, %arg3: memref<2000x16xbf16, #tpu.memory_space<vmem>>, %arg4: memref<1x128xf32, #tpu.memory_space<vmem>>, %arg5: memref<1x128xf32, #tpu.memory_space<vmem>>, %arg6: memref<16x128xbf16, #tpu.memory_space<vmem>>, %arg7: memref<128x128xbf16, #tpu.memory_space<vmem>>, %arg8: memref<1x128xf32, #tpu.memory_space<vmem>>, %arg9: memref<2000x128xf32, #tpu.memory_space<vmem>>) attributes {dimension_semantics = [#tpu.dimension_semantics<arbitrary>], iteration_bounds = array<i64: 64>, scalar_prefetch = 0 : i64, scratch_operands = 0 : i64, tpu.core_type = #tpu.core_type<tc>, window_params = [{transform_indices = @transform_0, window_bounds = array<i64: 2000, 128>}, {transform_indices = @transform_1, window_bounds = array<i64: 2000, 1>}, {transform_indices = @transform_2, window_bounds = array<i64: 2000, 16>}, {pipeline_mode = #tpu.pipeline_mode<synchronous>, transform_indices = @transform_3, window_bounds = array<i64: 1, 128>}, {pipeline_mode = #tpu.pipeline_mode<synchronous>, transform_indices = @transform_4, window_bounds = array<i64: 1, 128>}, {pipeline_mode = #tpu.pipeline_mode<synchronous>, transform_indices = @transform_5, window_bounds = array<i64: 16, 128>}, {pipeline_mode = #tpu.pipeline_mode<synchronous>, transform_indices = @transform_6, window_bounds = array<i64: 128, 128>}, {pipeline_mode = #tpu.pipeline_mode<synchronous>, transform_indices = @transform_7, window_bounds = array<i64: 1, 128>}, {transform_indices = @transform_8, window_bounds = array<i64: 2000, 128>}]} {
    %get3A = arith.constant 0 : index
    %get3A_0 = arith.constant 0 : index
    %get3A_1 = vector.load %arg2[%get3A, %get3A_0] : memref<2000x1xf32, #tpu.memory_space<vmem>>, vector<2000x1xf32>
    %add3A = arith.constant 9.99999996E-13 : f32
    %add3A_2 = vector.broadcast %add3A : f32 to vector<2000x1xf32>
    %add3A_3 = arith.addf %get3A_1, %add3A_2 : vector<2000x1xf32>
    %sqrt3A = math.sqrt %add3A_3 : vector<2000x1xf32>
    %jit3A = arith.constant 9.99999974E-5 : f32
    %jit3A_4 = arith.constant 1.000000e+02 : f32
    %max3A = vector.broadcast %jit3A : f32 to vector<2000x1xf32>
    %max3A_5 = arith.maximumf %max3A, %sqrt3A : vector<2000x1xf32>
    %min3A = vector.broadcast %jit3A_4 : f32 to vector<2000x1xf32>
    %min3A_6 = arith.minimumf %min3A, %max3A_5 : vector<2000x1xf32>
    %get3A_7 = arith.constant 0 : index
    %get3A_8 = arith.constant 0 : index
    %get3A_9 = vector.load %arg1[%get3A_7, %get3A_8] : memref<2000x128xf32, #tpu.memory_space<vmem>>, vector<2000x128xf32>
    %get3A_10 = arith.constant 0 : index
    %get3A_11 = arith.constant 0 : index
    %get3A_12 = vector.load %arg4[%get3A_10, %get3A_11] : memref<1x128xf32, #tpu.memory_space<vmem>>, vector<1x128xf32>
    %mul3A = vector.broadcast %min3A_6 : vector<2000x1xf32> to vector<2000x128xf32>
    %mul3A_13 = vector.broadcast %get3A_12 : vector<1x128xf32> to vector<2000x128xf32>
    %mul3A_14 = arith.mulf %mul3A, %mul3A_13 : vector<2000x128xf32>
    %add3A_15 = arith.addf %get3A_9, %mul3A_14 : vector<2000x128xf32>
    %get3A_16 = arith.constant 0 : index
    %get3A_17 = arith.constant 0 : index
    %get3A_18 = vector.load %arg3[%get3A_16, %get3A_17] : memref<2000x16xbf16, #tpu.memory_space<vmem>>, vector<2000x16xbf16>
    %get3A_19 = arith.constant 0 : index
    %get3A_20 = arith.constant 0 : index
    %get3A_21 = vector.load %arg6[%get3A_19, %get3A_20] : memref<16x128xbf16, #tpu.memory_space<vmem>>, vector<16x128xbf16>
    %dot_general3A = arith.constant dense<0.000000e+00> : vector<2000x128xf32>
    %dot_general3A_22 = tpu.matmul %get3A_18, %get3A_21, %dot_general3A {dimension_numbers = #tpu.dot_dimension_numbers<[1], [0], [0], [1], [0, 0, 1, 1], [], []>, transpose_lhs_hint = false} : vector<2000x16xbf16>, vector<16x128xbf16>, vector<2000x128xf32> -> vector<2000x128xf32>
    %add3A_23 = arith.addf %add3A_15, %dot_general3A_22 : vector<2000x128xf32>
    %get3A_24 = arith.constant 0 : index
    %get3A_25 = arith.constant 0 : index
    %get3A_26 = vector.load %arg5[%get3A_24, %get3A_25] : memref<1x128xf32, #tpu.memory_space<vmem>>, vector<1x128xf32>
    %add3A_27 = vector.broadcast %get3A_26 : vector<1x128xf32> to vector<2000x128xf32>
    %add3A_28 = arith.addf %add3A_23, %add3A_27 : vector<2000x128xf32>
    %logistic3A = arith.negf %add3A_28 : vector<2000x128xf32>
    %logistic3A_29 = math.exp %logistic3A : vector<2000x128xf32>
    %logistic3A_30 = arith.constant 1.000000e+00 : f32
    %logistic3A_31 = vector.broadcast %logistic3A_30 : f32 to vector<2000x128xf32>
    %logistic3A_32 = arith.addf %logistic3A_31, %logistic3A_29 : vector<2000x128xf32>
    %logistic3A_33 = arith.divf %logistic3A_31, %logistic3A_32 : vector<2000x128xf32>
    %mul3A_34 = arith.mulf %add3A_28, %logistic3A_33 : vector<2000x128xf32>
    %convert_element_type3A = arith.truncf %mul3A_34 : vector<2000x128xf32> to vector<2000x128xbf16>
    %get3A_35 = arith.constant 0 : index
    %get3A_36 = arith.constant 0 : index
    %get3A_37 = vector.load %arg7[%get3A_35, %get3A_36] : memref<128x128xbf16, #tpu.memory_space<vmem>>, vector<128x128xbf16>
    %dot_general3A_38 = arith.constant dense<0.000000e+00> : vector<2000x128xf32>
    %dot_general3A_39 = tpu.matmul %convert_element_type3A, %get3A_37, %dot_general3A_38 {dimension_numbers = #tpu.dot_dimension_numbers<[1], [0], [0], [1], [0, 0, 1, 1], [], []>, transpose_lhs_hint = false} : vector<2000x128xbf16>, vector<128x128xbf16>, vector<2000x128xf32> -> vector<2000x128xf32>
    %get3A_40 = arith.constant 0 : index
    %get3A_41 = arith.constant 0 : index
    %get3A_42 = vector.load %arg8[%get3A_40, %get3A_41] : memref<1x128xf32, #tpu.memory_space<vmem>>, vector<1x128xf32>
    %add3A_43 = vector.broadcast %get3A_42 : vector<1x128xf32> to vector<2000x128xf32>
    %add3A_44 = arith.addf %dot_general3A_39, %add3A_43 : vector<2000x128xf32>
    %logistic3A_45 = arith.negf %add3A_44 : vector<2000x128xf32>
    %logistic3A_46 = math.exp %logistic3A_45 : vector<2000x128xf32>
    %logistic3A_47 = arith.constant 1.000000e+00 : f32
    %logistic3A_48 = vector.broadcast %logistic3A_47 : f32 to vector<2000x128xf32>
    %logistic3A_49 = arith.addf %logistic3A_48, %logistic3A_46 : vector<2000x128xf32>
    %logistic3A_50 = arith.divf %logistic3A_48, %logistic3A_49 : vector<2000x128xf32>
    %mul3A_51 = arith.mulf %add3A_44, %logistic3A_50 : vector<2000x128xf32>
    %swap3A = arith.constant 0 : index
    %swap3A_52 = arith.constant 0 : index
    %swap3A_53 = vector.load %arg9[%swap3A, %swap3A_52] : memref<2000x128xf32, #tpu.memory_space<vmem>>, vector<2000x128xf32>
    tpu.vector_store %arg9[%swap3A, %swap3A_52], %mul3A_51 {strides = array<i32>} : memref<2000x128xf32, #tpu.memory_space<vmem>>, vector<2000x128xf32>,
    return
  }
  func.func @transform_0(%arg0: i32) -> (i32, i32) {
    %c0_i32 = arith.constant 0 : i32
    %c0_i32_0 = arith.constant 0 : i32
    return %arg0, %c0_i32 : i32, i32
  }
  func.func @transform_1(%arg0: i32) -> (i32, i32) {
    %c0_i32 = arith.constant 0 : i32
    %c0_i32_0 = arith.constant 0 : i32
    return %arg0, %c0_i32 : i32, i32
  }
  func.func @transform_2(%arg0: i32) -> (i32, i32) {
    %c0_i32 = arith.constant 0 : i32
    %c0_i32_0 = arith.constant 0 : i32
    return %arg0, %c0_i32 : i32, i32
  }
  func.func @transform_3(%arg0: i32) -> (i32, i32) {
    %c0_i32 = arith.constant 0 : i32
    %c0_i32_0 = arith.constant 0 : i32
    %c0_i32_1 = arith.constant 0 : i32
    return %c0_i32, %c0_i32_0 : i32, i32
  }
  func.func @transform_4(%arg0: i32) -> (i32, i32) {
    %c0_i32 = arith.constant 0 : i32
    %c0_i32_0 = arith.constant 0 : i32
    %c0_i32_1 = arith.constant 0 : i32
    return %c0_i32, %c0_i32_0 : i32, i32
  }
  func.func @transform_5(%arg0: i32) -> (i32, i32) {
    %c0_i32 = arith.constant 0 : i32
    %c0_i32_0 = arith.constant 0 : i32
    %c0_i32_1 = arith.constant 0 : i32
    return %c0_i32, %c0_i32_0 : i32, i32
  }
  func.func @transform_6(%arg0: i32) -> (i32, i32) {
    %c0_i32 = arith.constant 0 : i32
    %c0_i32_0 = arith.constant 0 : i32
    %c0_i32_1 = arith.constant 0 : i32
    return %c0_i32, %c0_i32_0 : i32, i32
  }
  func.func @transform_7(%arg0: i32) -> (i32, i32) {
    %c0_i32 = arith.constant 0 : i32
    %c0_i32_0 = arith.constant 0 : i32
    %c0_i32_1 = arith.constant 0 : i32
    return %c0_i32, %c0_i32_0 : i32, i32
  }
  func.func @transform_8(%arg0: i32) -> (i32, i32) {
    %c0_i32 = arith.constant 0 : i32
    %c0_i32_0 = arith.constant 0 : i32
    return %arg0, %c0_i32 : i32, i32
  }
}

module attributes {stable_mosaic.version = 14 : i64} {
  func.func @_node_body(%arg0: i32, %arg1: memref<2000x128xf32, #tpu.memory_space<vmem>>, %arg2: memref<2x2000x128xf32, #tpu.memory_space<vmem>>, %arg3: memref<2x2000x128xf32, #tpu.memory_space<vmem>>, %arg4: memref<128x128xf32, #tpu.memory_space<vmem>>, %arg5: memref<128x128xf32, #tpu.memory_space<vmem>>, %arg6: memref<1x128xf32, #tpu.memory_space<vmem>>, %arg7: memref<128x128xf32, #tpu.memory_space<vmem>>, %arg8: memref<1x128xf32, #tpu.memory_space<vmem>>, %arg9: memref<128x128xf32, #tpu.memory_space<vmem>>, %arg10: memref<1x128xf32, #tpu.memory_space<vmem>>, %arg11: memref<128x128xf32, #tpu.memory_space<vmem>>, %arg12: memref<1x128xf32, #tpu.memory_space<vmem>>, %arg13: memref<128x4xf32, #tpu.memory_space<vmem>>, %arg14: memref<2000x128xf32, #tpu.memory_space<vmem>>, %arg15: memref<2000x128xf32, #tpu.memory_space<vmem>>, %arg16: memref<2000x4xf32, #tpu.memory_space<vmem>>) attributes {dimension_semantics = [#tpu.dimension_semantics<arbitrary>], iteration_bounds = array<i64: 5>, scalar_prefetch = 0 : i64, scratch_operands = 0 : i64, tpu.core_type = #tpu.core_type<tc>, window_params = [{transform_indices = @transform_0, window_bounds = array<i64: 2000, 128>}, {transform_indices = @transform_1, window_bounds = array<i64: 2, 2000, 128>}, {transform_indices = @transform_2, window_bounds = array<i64: 2, 2000, 128>}, {pipeline_mode = #tpu.pipeline_mode<synchronous>, transform_indices = @transform_3, window_bounds = array<i64: 128, 128>}, {pipeline_mode = #tpu.pipeline_mode<synchronous>, transform_indices = @transform_4, window_bounds = array<i64: 128, 128>}, {pipeline_mode = #tpu.pipeline_mode<synchronous>, transform_indices = @transform_5, window_bounds = array<i64: 1, 128>}, {pipeline_mode = #tpu.pipeline_mode<synchronous>, transform_indices = @transform_6, window_bounds = array<i64: 128, 128>}, {pipeline_mode = #tpu.pipeline_mode<synchronous>, transform_indices = @transform_7, window_bounds = array<i64: 1, 128>}, {pipeline_mode = #tpu.pipeline_mode<synchronous>, transform_indices = @transform_8, window_bounds = array<i64: 128, 128>}, {pipeline_mode = #tpu.pipeline_mode<synchronous>, transform_indices = @transform_9, window_bounds = array<i64: 1, 128>}, {pipeline_mode = #tpu.pipeline_mode<synchronous>, transform_indices = @transform_10, window_bounds = array<i64: 128, 128>}, {pipeline_mode = #tpu.pipeline_mode<synchronous>, transform_indices = @transform_11, window_bounds = array<i64: 1, 128>}, {pipeline_mode = #tpu.pipeline_mode<synchronous>, transform_indices = @transform_12, window_bounds = array<i64: 128, 4>}, {transform_indices = @transform_13, window_bounds = array<i64: 2000, 128>}, {transform_indices = @transform_14, window_bounds = array<i64: 2000, 128>}, {transform_indices = @transform_15, window_bounds = array<i64: 2000, 4>}]} {
    %get3A = arith.constant 0 : index
    %get3A_0 = arith.constant 0 : index
    %get3A_1 = arith.constant 0 : index
    %get3A_2 = vector.load %arg2[%get3A, %get3A_0, %get3A_1] : memref<2x2000x128xf32, #tpu.memory_space<vmem>>, vector<1x2000x128xf32>
    %get3A_3 = vector.shape_cast %get3A_2 : vector<1x2000x128xf32> to vector<2000x128xf32>
    %get3A_4 = arith.constant 1 : index
    %get3A_5 = arith.constant 0 : index
    %get3A_6 = arith.constant 0 : index
    %get3A_7 = vector.load %arg2[%get3A_4, %get3A_5, %get3A_6] : memref<2x2000x128xf32, #tpu.memory_space<vmem>>, vector<1x2000x128xf32>
    %get3A_8 = vector.shape_cast %get3A_7 : vector<1x2000x128xf32> to vector<2000x128xf32>
    %add3A = arith.addf %get3A_3, %get3A_8 : vector<2000x128xf32>
    %get3A_9 = arith.constant 0 : index
    %get3A_10 = arith.constant 0 : index
    %get3A_11 = arith.constant 0 : index
    %get3A_12 = vector.load %arg3[%get3A_9, %get3A_10, %get3A_11] : memref<2x2000x128xf32, #tpu.memory_space<vmem>>, vector<1x2000x128xf32>
    %get3A_13 = vector.shape_cast %get3A_12 : vector<1x2000x128xf32> to vector<2000x128xf32>
    %add3A_14 = arith.addf %add3A, %get3A_13 : vector<2000x128xf32>
    %get3A_15 = arith.constant 1 : index
    %get3A_16 = arith.constant 0 : index
    %get3A_17 = arith.constant 0 : index
    %get3A_18 = vector.load %arg3[%get3A_15, %get3A_16, %get3A_17] : memref<2x2000x128xf32, #tpu.memory_space<vmem>>, vector<1x2000x128xf32>
    %get3A_19 = vector.shape_cast %get3A_18 : vector<1x2000x128xf32> to vector<2000x128xf32>
    %add3A_20 = arith.addf %add3A_14, %get3A_19 : vector<2000x128xf32>
    %get3A_21 = arith.constant 0 : index
    %get3A_22 = arith.constant 0 : index
    %get3A_23 = vector.load %arg1[%get3A_21, %get3A_22] : memref<2000x128xf32, #tpu.memory_space<vmem>>, vector<2000x128xf32>
    %get3A_24 = arith.constant 0 : index
    %get3A_25 = arith.constant 0 : index
    %get3A_26 = vector.load %arg4[%get3A_24, %get3A_25] : memref<128x128xf32, #tpu.memory_space<vmem>>, vector<128x128xf32>
    %dot_general3A = arith.constant dense<0.000000e+00> : vector<2000x128xf32>
    %dot_general3A_27 = tpu.matmul %get3A_23, %get3A_26, %dot_general3A {dimension_numbers = #tpu.dot_dimension_numbers<[1], [0], [0], [1], [0, 0, 1, 1], [], []>, transpose_lhs_hint = false} : vector<2000x128xf32>, vector<128x128xf32>, vector<2000x128xf32> -> vector<2000x128xf32>
    %get3A_28 = arith.constant 0 : index
    %get3A_29 = arith.constant 0 : index
    %get3A_30 = vector.load %arg5[%get3A_28, %get3A_29] : memref<128x128xf32, #tpu.memory_space<vmem>>, vector<128x128xf32>
    %dot_general3A_31 = arith.constant dense<0.000000e+00> : vector<2000x128xf32>
    %dot_general3A_32 = tpu.matmul %add3A_20, %get3A_30, %dot_general3A_31 {dimension_numbers = #tpu.dot_dimension_numbers<[1], [0], [0], [1], [0, 0, 1, 1], [], []>, transpose_lhs_hint = false} : vector<2000x128xf32>, vector<128x128xf32>, vector<2000x128xf32> -> vector<2000x128xf32>
    %add3A_33 = arith.addf %dot_general3A_27, %dot_general3A_32 : vector<2000x128xf32>
    %get3A_34 = arith.constant 0 : index
    %get3A_35 = arith.constant 0 : index
    %get3A_36 = vector.load %arg6[%get3A_34, %get3A_35] : memref<1x128xf32, #tpu.memory_space<vmem>>, vector<1x128xf32>
    %add3A_37 = vector.broadcast %get3A_36 : vector<1x128xf32> to vector<2000x128xf32>
    %add3A_38 = arith.addf %add3A_33, %add3A_37 : vector<2000x128xf32>
    %logistic3A = arith.negf %add3A_38 : vector<2000x128xf32>
    %logistic3A_39 = math.exp %logistic3A : vector<2000x128xf32>
    %logistic3A_40 = arith.constant 1.000000e+00 : f32
    %logistic3A_41 = vector.broadcast %logistic3A_40 : f32 to vector<2000x128xf32>
    %logistic3A_42 = arith.addf %logistic3A_41, %logistic3A_39 : vector<2000x128xf32>
    %logistic3A_43 = arith.divf %logistic3A_41, %logistic3A_42 : vector<2000x128xf32>
    %mul3A = arith.mulf %add3A_38, %logistic3A_43 : vector<2000x128xf32>
    %get3A_44 = arith.constant 0 : index
    %get3A_45 = arith.constant 0 : index
    %get3A_46 = vector.load %arg7[%get3A_44, %get3A_45] : memref<128x128xf32, #tpu.memory_space<vmem>>, vector<128x128xf32>
    %dot_general3A_47 = arith.constant dense<0.000000e+00> : vector<2000x128xf32>
    %dot_general3A_48 = tpu.matmul %mul3A, %get3A_46, %dot_general3A_47 {dimension_numbers = #tpu.dot_dimension_numbers<[1], [0], [0], [1], [0, 0, 1, 1], [], []>, transpose_lhs_hint = false} : vector<2000x128xf32>, vector<128x128xf32>, vector<2000x128xf32> -> vector<2000x128xf32>
    %get3A_49 = arith.constant 0 : index
    %get3A_50 = arith.constant 0 : index
    %get3A_51 = vector.load %arg8[%get3A_49, %get3A_50] : memref<1x128xf32, #tpu.memory_space<vmem>>, vector<1x128xf32>
    %add3A_52 = vector.broadcast %get3A_51 : vector<1x128xf32> to vector<2000x128xf32>
    %add3A_53 = arith.addf %dot_general3A_48, %add3A_52 : vector<2000x128xf32>
    %swap3A = arith.constant 0 : index
    %swap3A_54 = arith.constant 0 : index
    %swap3A_55 = vector.load %arg14[%swap3A, %swap3A_54] : memref<2000x128xf32, #tpu.memory_space<vmem>>, vector<2000x128xf32>
    tpu.vector_store %arg14[%swap3A, %swap3A_54], %add3A_53 {strides = array<i32>} : memref<2000x128xf32, #tpu.memory_space<vmem>>, vector<2000x128xf32>,
    %get3A_56 = arith.constant 0 : index
    %get3A_57 = arith.constant 0 : index
    %get3A_58 = vector.load %arg9[%get3A_56, %get3A_57] : memref<128x128xf32, #tpu.memory_space<vmem>>, vector<128x128xf32>
    %dot_general3A_59 = arith.constant dense<0.000000e+00> : vector<2000x128xf32>
    %dot_general3A_60 = tpu.matmul %add3A_53, %get3A_58, %dot_general3A_59 {dimension_numbers = #tpu.dot_dimension_numbers<[1], [0], [0], [1], [0, 0, 1, 1], [], []>, transpose_lhs_hint = false} : vector<2000x128xf32>, vector<128x128xf32>, vector<2000x128xf32> -> vector<2000x128xf32>
    %get3A_61 = arith.constant 0 : index
    %get3A_62 = arith.constant 0 : index
    %get3A_63 = vector.load %arg10[%get3A_61, %get3A_62] : memref<1x128xf32, #tpu.memory_space<vmem>>, vector<1x128xf32>
    %add3A_64 = vector.broadcast %get3A_63 : vector<1x128xf32> to vector<2000x128xf32>
    %add3A_65 = arith.addf %dot_general3A_60, %add3A_64 : vector<2000x128xf32>
    %get3A_66 = arith.constant 0 : index
    %get3A_67 = arith.constant 0 : index
    %get3A_68 = vector.load %arg11[%get3A_66, %get3A_67] : memref<128x128xf32, #tpu.memory_space<vmem>>, vector<128x128xf32>
    %dot_general3A_69 = arith.constant dense<0.000000e+00> : vector<2000x128xf32>
    %dot_general3A_70 = tpu.matmul %add3A_53, %get3A_68, %dot_general3A_69 {dimension_numbers = #tpu.dot_dimension_numbers<[1], [0], [0], [1], [0, 0, 1, 1], [], []>, transpose_lhs_hint = false} : vector<2000x128xf32>, vector<128x128xf32>, vector<2000x128xf32> -> vector<2000x128xf32>
    %get3A_71 = arith.constant 0 : index
    %get3A_72 = arith.constant 0 : index
    %get3A_73 = vector.load %arg12[%get3A_71, %get3A_72] : memref<1x128xf32, #tpu.memory_space<vmem>>, vector<1x128xf32>
    %add3A_74 = vector.broadcast %get3A_73 : vector<1x128xf32> to vector<2000x128xf32>
    %add3A_75 = arith.addf %dot_general3A_70, %add3A_74 : vector<2000x128xf32>
    %swap3A_76 = arith.constant 0 : index
    %swap3A_77 = arith.constant 0 : index
    %swap3A_78 = vector.load %arg15[%swap3A_76, %swap3A_77] : memref<2000x128xf32, #tpu.memory_space<vmem>>, vector<2000x128xf32>
    tpu.vector_store %arg15[%swap3A_76, %swap3A_77], %add3A_75 {strides = array<i32>} : memref<2000x128xf32, #tpu.memory_space<vmem>>, vector<2000x128xf32>,
    %get3A_79 = arith.constant 0 : index
    %get3A_80 = arith.constant 0 : index
    %get3A_81 = vector.load %arg13[%get3A_79, %get3A_80] : memref<128x4xf32, #tpu.memory_space<vmem>>, vector<128x4xf32>
    %dot_general3A_82 = arith.constant dense<0.000000e+00> : vector<2000x4xf32>
    %dot_general3A_83 = tpu.matmul %add3A_65, %get3A_81, %dot_general3A_82 {dimension_numbers = #tpu.dot_dimension_numbers<[1], [0], [0], [1], [0, 0, 1, 1], [], []>, transpose_lhs_hint = false} : vector<2000x128xf32>, vector<128x4xf32>, vector<2000x4xf32> -> vector<2000x4xf32>
    %mul3A_84 = arith.constant 0.176776692 : f32
    %mul3A_85 = vector.broadcast %mul3A_84 : f32 to vector<2000x4xf32>
    %mul3A_86 = arith.mulf %dot_general3A_83, %mul3A_85 : vector<2000x4xf32>
    %jit3A = arith.constant -2.000000e+01 : f32
    %jit3A_87 = arith.constant 2.000000e+01 : f32
    %max3A = vector.broadcast %jit3A : f32 to vector<2000x4xf32>
    %max3A_88 = arith.maximumf %max3A, %mul3A_86 : vector<2000x4xf32>
    %min3A = vector.broadcast %jit3A_87 : f32 to vector<2000x4xf32>
    %min3A_89 = arith.minimumf %min3A, %max3A_88 : vector<2000x4xf32>
    %exp3A = math.exp %min3A_89 : vector<2000x4xf32>
    %swap3A_90 = arith.constant 0 : index
    %swap3A_91 = arith.constant 0 : index
    %swap3A_92 = vector.load %arg16[%swap3A_90, %swap3A_91] : memref<2000x4xf32, #tpu.memory_space<vmem>>, vector<2000x4xf32>
    tpu.vector_store %arg16[%swap3A_90, %swap3A_91], %exp3A {strides = array<i32>} : memref<2000x4xf32, #tpu.memory_space<vmem>>, vector<2000x4xf32>,
    return
  }
  func.func @transform_0(%arg0: i32) -> (i32, i32) {
    %c0_i32 = arith.constant 0 : i32
    %c0_i32_0 = arith.constant 0 : i32
    return %arg0, %c0_i32 : i32, i32
  }
  func.func @transform_1(%arg0: i32) -> (i32, i32, i32) {
    %c0_i32 = arith.constant 0 : i32
    %c0_i32_0 = arith.constant 0 : i32
    %c0_i32_1 = arith.constant 0 : i32
    return %c0_i32, %arg0, %c0_i32_0 : i32, i32, i32
  }
  func.func @transform_2(%arg0: i32) -> (i32, i32, i32) {
    %c0_i32 = arith.constant 0 : i32
    %c0_i32_0 = arith.constant 0 : i32
    %c0_i32_1 = arith.constant 0 : i32
    return %c0_i32, %arg0, %c0_i32_0 : i32, i32, i32
  }
  func.func @transform_3(%arg0: i32) -> (i32, i32) {
    %c0_i32 = arith.constant 0 : i32
    %c0_i32_0 = arith.constant 0 : i32
    %c0_i32_1 = arith.constant 0 : i32
    return %c0_i32, %c0_i32_0 : i32, i32
  }
  func.func @transform_4(%arg0: i32) -> (i32, i32) {
    %c0_i32 = arith.constant 0 : i32
    %c0_i32_0 = arith.constant 0 : i32
    %c0_i32_1 = arith.constant 0 : i32
    return %c0_i32, %c0_i32_0 : i32, i32
  }
  func.func @transform_5(%arg0: i32) -> (i32, i32) {
    %c0_i32 = arith.constant 0 : i32
    %c0_i32_0 = arith.constant 0 : i32
    %c0_i32_1 = arith.constant 0 : i32
    return %c0_i32, %c0_i32_0 : i32, i32
  }
  func.func @transform_6(%arg0: i32) -> (i32, i32) {
    %c0_i32 = arith.constant 0 : i32
    %c0_i32_0 = arith.constant 0 : i32
    %c0_i32_1 = arith.constant 0 : i32
    return %c0_i32, %c0_i32_0 : i32, i32
  }
  func.func @transform_7(%arg0: i32) -> (i32, i32) {
    %c0_i32 = arith.constant 0 : i32
    %c0_i32_0 = arith.constant 0 : i32
    %c0_i32_1 = arith.constant 0 : i32
    return %c0_i32, %c0_i32_0 : i32, i32
  }
  func.func @transform_8(%arg0: i32) -> (i32, i32) {
    %c0_i32 = arith.constant 0 : i32
    %c0_i32_0 = arith.constant 0 : i32
    %c0_i32_1 = arith.constant 0 : i32
    return %c0_i32, %c0_i32_0 : i32, i32
  }
  func.func @transform_9(%arg0: i32) -> (i32, i32) {
    %c0_i32 = arith.constant 0 : i32
    %c0_i32_0 = arith.constant 0 : i32
    %c0_i32_1 = arith.constant 0 : i32
    return %c0_i32, %c0_i32_0 : i32, i32
  }
  func.func @transform_10(%arg0: i32) -> (i32, i32) {
    %c0_i32 = arith.constant 0 : i32
    %c0_i32_0 = arith.constant 0 : i32
    %c0_i32_1 = arith.constant 0 : i32
    return %c0_i32, %c0_i32_0 : i32, i32
  }
  func.func @transform_11(%arg0: i32) -> (i32, i32) {
    %c0_i32 = arith.constant 0 : i32
    %c0_i32_0 = arith.constant 0 : i32
    %c0_i32_1 = arith.constant 0 : i32
    return %c0_i32, %c0_i32_0 : i32, i32
  }
  func.func @transform_12(%arg0: i32) -> (i32, i32) {
    %c0_i32 = arith.constant 0 : i32
    %c0_i32_0 = arith.constant 0 : i32
    %c0_i32_1 = arith.constant 0 : i32
    return %c0_i32, %c0_i32_0 : i32, i32
  }
  func.func @transform_13(%arg0: i32) -> (i32, i32) {
    %c0_i32 = arith.constant 0 : i32
    %c0_i32_0 = arith.constant 0 : i32
    return %arg0, %c0_i32 : i32, i32
  }
  func.func @transform_14(%arg0: i32) -> (i32, i32) {
    %c0_i32 = arith.constant 0 : i32
    %c0_i32_0 = arith.constant 0 : i32
    return %arg0, %c0_i32 : i32, i32
  }
  func.func @transform_15(%arg0: i32) -> (i32, i32) {
    %c0_i32 = arith.constant 0 : i32
    %c0_i32_0 = arith.constant 0 : i32
    return %arg0, %c0_i32 : i32, i32
  }
}

module attributes {stable_mosaic.version = 14 : i64} {
  func.func @_tail_body(%arg0: memref<10000x128xf32, #tpu.memory_space<vmem>>, %arg1: memref<10000x128xf32, #tpu.memory_space<vmem>>, %arg2: memref<10000x4xf32, #tpu.memory_space<vmem>>, %arg3: memref<10000x1xi32, #tpu.memory_space<vmem>>, %arg4: memref<1x10000xi32, #tpu.memory_space<vmem>>, %arg5: memref<256x512xf32, #tpu.memory_space<vmem>>, %arg6: memref<128x512xf32, #tpu.memory_space<vmem>>, %arg7: memref<1x512xf32, #tpu.memory_space<vmem>>, %arg8: memref<1x512xf32, #tpu.memory_space<vmem>>, %arg9: memref<64x384xf32, #tpu.memory_space<vmem>>) attributes {dimension_semantics = [], scalar_prefetch = 0 : i64, scratch_operands = 0 : i64, tpu.core_type = #tpu.core_type<tc>} {
    %get3A = arith.constant 0 : index
    %get3A_0 = arith.constant 0 : index
    %get3A_1 = vector.load %arg0[%get3A, %get3A_0] : memref<10000x128xf32, #tpu.memory_space<vmem>>, vector<10000x128xf32>
    %get3A_2 = arith.constant 0 : index
    %get3A_3 = arith.constant 0 : index
    %get3A_4 = vector.load %arg1[%get3A_2, %get3A_3] : memref<10000x128xf32, #tpu.memory_space<vmem>>, vector<10000x128xf32>
    %get3A_5 = arith.constant 0 : index
    %get3A_6 = arith.constant 0 : index
    %get3A_7 = vector.load %arg2[%get3A_5, %get3A_6] : memref<10000x4xf32, #tpu.memory_space<vmem>>, vector<10000x4xf32>
    %get3A_8 = arith.constant 0 : index
    %get3A_9 = arith.constant 0 : index
    %get3A_10 = vector.load %arg3[%get3A_8, %get3A_9] : memref<10000x1xi32, #tpu.memory_space<vmem>>, vector<10000x1xi32>
    %iota3A = tpu.iota {dimensions = array<i32: 1>} : vector<10000x64xi32>
    %eq3A = vector.broadcast %get3A_10 : vector<10000x1xi32> to vector<10000x64xi32>
    %eq3A_11 = arith.cmpi eq, %eq3A, %iota3A : vector<10000x64xi32>
    %convert_element_type3A = arith.extui %eq3A_11 : vector<10000x64xi1> to vector<10000x64xi32>
    %convert_element_type3A_12 = arith.sitofp %convert_element_type3A : vector<10000x64xi32> to vector<10000x64xf32>
    %get3A_13 = arith.constant 0 : index
    %get3A_14 = arith.constant 0 : index
    %get3A_15 = vector.load %arg4[%get3A_13, %get3A_14] : memref<1x10000xi32, #tpu.memory_space<vmem>>, vector<1x10000xi32>
    %iota3A_16 = tpu.iota {dimensions = array<i32: 0>} : vector<64x10000xi32>
    %eq3A_17 = vector.broadcast %get3A_15 : vector<1x10000xi32> to vector<64x10000xi32>
    %eq3A_18 = arith.cmpi eq, %eq3A_17, %iota3A_16 : vector<64x10000xi32>
    %convert_element_type3A_19 = arith.extui %eq3A_18 : vector<64x10000xi1> to vector<64x10000xi32>
    %convert_element_type3A_20 = arith.sitofp %convert_element_type3A_19 : vector<64x10000xi32> to vector<64x10000xf32>
    %dot_general3A = arith.constant dense<0.000000e+00> : vector<64x4xf32>
    %dot_general3A_21 = tpu.matmul %convert_element_type3A_20, %get3A_7, %dot_general3A {dimension_numbers = #tpu.dot_dimension_numbers<[1], [0], [0], [1], [0, 0, 1, 1], [], []>, transpose_lhs_hint = false} : vector<64x10000xf32>, vector<10000x4xf32>, vector<64x4xf32> -> vector<64x4xf32>
    %slice3A = vector.extract_strided_slice %get3A_7 {offsets = [0, 0], sizes = [10000, 1], strides = [1, 1]} : vector<10000x4xf32> to vector<10000x1xf32>
    %slice3A_22 = vector.extract_strided_slice %get3A_4 {offsets = [0, 0], sizes = [10000, 32], strides = [1, 1]} : vector<10000x128xf32> to vector<10000x32xf32>
    %mul3A = vector.broadcast %slice3A : vector<10000x1xf32> to vector<10000x32xf32>
    %mul3A_23 = arith.mulf %mul3A, %slice3A_22 : vector<10000x32xf32>
    %dot_general3A_24 = arith.constant dense<0.000000e+00> : vector<64x32xf32>
    %dot_general3A_25 = tpu.matmul %convert_element_type3A_20, %mul3A_23, %dot_general3A_24 {dimension_numbers = #tpu.dot_dimension_numbers<[1], [0], [0], [1], [0, 0, 1, 1], [], []>, transpose_lhs_hint = false} : vector<64x10000xf32>, vector<10000x32xf32>, vector<64x32xf32> -> vector<64x32xf32>
    %slice3A_26 = vector.extract_strided_slice %dot_general3A_21 {offsets = [0, 0], sizes = [64, 1], strides = [1, 1]} : vector<64x4xf32> to vector<64x1xf32>
    %add3A = arith.constant 9.99999993E-9 : f32
    %add3A_27 = vector.broadcast %add3A : f32 to vector<64x1xf32>
    %add3A_28 = arith.addf %slice3A_26, %add3A_27 : vector<64x1xf32>
    %div3A = vector.broadcast %add3A_28 : vector<64x1xf32> to vector<64x32xf32>
    %div3A_29 = arith.divf %dot_general3A_25, %div3A : vector<64x32xf32>
    %slice3A_30 = vector.extract_strided_slice %get3A_7 {offsets = [0, 1], sizes = [10000, 1], strides = [1, 1]} : vector<10000x4xf32> to vector<10000x1xf32>
    %slice3A_31 = vector.extract_strided_slice %get3A_4 {offsets = [0, 32], sizes = [10000, 32], strides = [1, 1]} : vector<10000x128xf32> to vector<10000x32xf32>
    %mul3A_32 = vector.broadcast %slice3A_30 : vector<10000x1xf32> to vector<10000x32xf32>
    %mul3A_33 = arith.mulf %mul3A_32, %slice3A_31 : vector<10000x32xf32>
    %dot_general3A_34 = arith.constant dense<0.000000e+00> : vector<64x32xf32>
    %dot_general3A_35 = tpu.matmul %convert_element_type3A_20, %mul3A_33, %dot_general3A_34 {dimension_numbers = #tpu.dot_dimension_numbers<[1], [0], [0], [1], [0, 0, 1, 1], [], []>, transpose_lhs_hint = false} : vector<64x10000xf32>, vector<10000x32xf32>, vector<64x32xf32> -> vector<64x32xf32>
    %slice3A_36 = vector.extract_strided_slice %dot_general3A_21 {offsets = [0, 1], sizes = [64, 1], strides = [1, 1]} : vector<64x4xf32> to vector<64x1xf32>
    %add3A_37 = arith.constant 9.99999993E-9 : f32
    %add3A_38 = vector.broadcast %add3A_37 : f32 to vector<64x1xf32>
    %add3A_39 = arith.addf %slice3A_36, %add3A_38 : vector<64x1xf32>
    %div3A_40 = vector.broadcast %add3A_39 : vector<64x1xf32> to vector<64x32xf32>
    %div3A_41 = arith.divf %dot_general3A_35, %div3A_40 : vector<64x32xf32>
    %slice3A_42 = vector.extract_strided_slice %get3A_7 {offsets = [0, 2], sizes = [10000, 1], strides = [1, 1]} : vector<10000x4xf32> to vector<10000x1xf32>
    %slice3A_43 = vector.extract_strided_slice %get3A_4 {offsets = [0, 64], sizes = [10000, 32], strides = [1, 1]} : vector<10000x128xf32> to vector<10000x32xf32>
    %mul3A_44 = vector.broadcast %slice3A_42 : vector<10000x1xf32> to vector<10000x32xf32>
    %mul3A_45 = arith.mulf %mul3A_44, %slice3A_43 : vector<10000x32xf32>
    %dot_general3A_46 = arith.constant dense<0.000000e+00> : vector<64x32xf32>
    %dot_general3A_47 = tpu.matmul %convert_element_type3A_20, %mul3A_45, %dot_general3A_46 {dimension_numbers = #tpu.dot_dimension_numbers<[1], [0], [0], [1], [0, 0, 1, 1], [], []>, transpose_lhs_hint = false} : vector<64x10000xf32>, vector<10000x32xf32>, vector<64x32xf32> -> vector<64x32xf32>
    %slice3A_48 = vector.extract_strided_slice %dot_general3A_21 {offsets = [0, 2], sizes = [64, 1], strides = [1, 1]} : vector<64x4xf32> to vector<64x1xf32>
    %add3A_49 = arith.constant 9.99999993E-9 : f32
    %add3A_50 = vector.broadcast %add3A_49 : f32 to vector<64x1xf32>
    %add3A_51 = arith.addf %slice3A_48, %add3A_50 : vector<64x1xf32>
    %div3A_52 = vector.broadcast %add3A_51 : vector<64x1xf32> to vector<64x32xf32>
    %div3A_53 = arith.divf %dot_general3A_47, %div3A_52 : vector<64x32xf32>
    %slice3A_54 = vector.extract_strided_slice %get3A_7 {offsets = [0, 3], sizes = [10000, 1], strides = [1, 1]} : vector<10000x4xf32> to vector<10000x1xf32>
    %slice3A_55 = vector.extract_strided_slice %get3A_4 {offsets = [0, 96], sizes = [10000, 32], strides = [1, 1]} : vector<10000x128xf32> to vector<10000x32xf32>
    %mul3A_56 = vector.broadcast %slice3A_54 : vector<10000x1xf32> to vector<10000x32xf32>
    %mul3A_57 = arith.mulf %mul3A_56, %slice3A_55 : vector<10000x32xf32>
    %dot_general3A_58 = arith.constant dense<0.000000e+00> : vector<64x32xf32>
    %dot_general3A_59 = tpu.matmul %convert_element_type3A_20, %mul3A_57, %dot_general3A_58 {dimension_numbers = #tpu.dot_dimension_numbers<[1], [0], [0], [1], [0, 0, 1, 1], [], []>, transpose_lhs_hint = false} : vector<64x10000xf32>, vector<10000x32xf32>, vector<64x32xf32> -> vector<64x32xf32>
    %slice3A_60 = vector.extract_strided_slice %dot_general3A_21 {offsets = [0, 3], sizes = [64, 1], strides = [1, 1]} : vector<64x4xf32> to vector<64x1xf32>
    %add3A_61 = arith.constant 9.99999993E-9 : f32
    %add3A_62 = vector.broadcast %add3A_61 : f32 to vector<64x1xf32>
    %add3A_63 = arith.addf %slice3A_60, %add3A_62 : vector<64x1xf32>
    %div3A_64 = vector.broadcast %add3A_63 : vector<64x1xf32> to vector<64x32xf32>
    %div3A_65 = arith.divf %dot_general3A_59, %div3A_64 : vector<64x32xf32>
    %concatenate3A = tpu.concatenate %div3A_29, %div3A_41, %div3A_53, %div3A_65 in 1 : vector<64x32xf32>, vector<64x32xf32>, vector<64x32xf32>, vector<64x32xf32> -> vector<64x128xf32>
    %broadcast_in_dim3A = arith.constant 0.000000e+00 : f32
    %broadcast_in_dim3A_66 = vector.broadcast %broadcast_in_dim3A : f32 to vector<64x128xf32>
    %broadcast_in_dim3A_67 = arith.constant 0.000000e+00 : f32
    %broadcast_in_dim3A_68 = vector.broadcast %broadcast_in_dim3A_67 : f32 to vector<64x128xf32>
    %broadcast_in_dim3A_69 = arith.constant 0.000000e+00 : f32
    %broadcast_in_dim3A_70 = vector.broadcast %broadcast_in_dim3A_69 : f32 to vector<64x256xf32>
    %get3A_71 = arith.constant 0 : index
    %get3A_72 = arith.constant 0 : index
    %get3A_73 = vector.load %arg5[%get3A_71, %get3A_72] : memref<256x512xf32, #tpu.memory_space<vmem>>, vector<256x512xf32>
    %dot_general3A_74 = arith.constant dense<0.000000e+00> : vector<64x512xf32>
    %dot_general3A_75 = tpu.matmul %broadcast_in_dim3A_70, %get3A_73, %dot_general3A_74 {dimension_numbers = #tpu.dot_dimension_numbers<[1], [0], [0], [1], [0, 0, 1, 1], [], []>, transpose_lhs_hint = false} : vector<64x256xf32>, vector<256x512xf32>, vector<64x512xf32> -> vector<64x512xf32>
    %get3A_76 = arith.constant 0 : index
    %get3A_77 = arith.constant 0 : index
    %get3A_78 = vector.load %arg7[%get3A_76, %get3A_77] : memref<1x512xf32, #tpu.memory_space<vmem>>, vector<1x512xf32>
    %add3A_79 = vector.broadcast %get3A_78 : vector<1x512xf32> to vector<64x512xf32>
    %add3A_80 = arith.addf %dot_general3A_75, %add3A_79 : vector<64x512xf32>
    %get3A_81 = arith.constant 0 : index
    %get3A_82 = arith.constant 0 : index
    %get3A_83 = vector.load %arg6[%get3A_81, %get3A_82] : memref<128x512xf32, #tpu.memory_space<vmem>>, vector<128x512xf32>
    %dot_general3A_84 = arith.constant dense<0.000000e+00> : vector<64x512xf32>
    %dot_general3A_85 = tpu.matmul %broadcast_in_dim3A_66, %get3A_83, %dot_general3A_84 {dimension_numbers = #tpu.dot_dimension_numbers<[1], [0], [0], [1], [0, 0, 1, 1], [], []>, transpose_lhs_hint = false} : vector<64x128xf32>, vector<128x512xf32>, vector<64x512xf32> -> vector<64x512xf32>
    %add3A_86 = arith.addf %add3A_80, %dot_general3A_85 : vector<64x512xf32>
    %get3A_87 = arith.constant 0 : index
    %get3A_88 = arith.constant 0 : index
    %get3A_89 = vector.load %arg8[%get3A_87, %get3A_88] : memref<1x512xf32, #tpu.memory_space<vmem>>, vector<1x512xf32>
    %add3A_90 = vector.broadcast %get3A_89 : vector<1x512xf32> to vector<64x512xf32>
    %add3A_91 = arith.addf %add3A_86, %add3A_90 : vector<64x512xf32>
    %slice3A_92 = vector.extract_strided_slice %add3A_91 {offsets = [0, 0], sizes = [64, 128], strides = [1, 1]} : vector<64x512xf32> to vector<64x128xf32>
    %logistic3A = arith.negf %slice3A_92 : vector<64x128xf32>
    %logistic3A_93 = math.exp %logistic3A : vector<64x128xf32>
    %logistic3A_94 = arith.constant 1.000000e+00 : f32
    %logistic3A_95 = vector.broadcast %logistic3A_94 : f32 to vector<64x128xf32>
    %logistic3A_96 = arith.addf %logistic3A_95, %logistic3A_93 : vector<64x128xf32>
    %logistic3A_97 = arith.divf %logistic3A_95, %logistic3A_96 : vector<64x128xf32>
    %slice3A_98 = vector.extract_strided_slice %add3A_91 {offsets = [0, 128], sizes = [64, 128], strides = [1, 1]} : vector<64x512xf32> to vector<64x128xf32>
    %logistic3A_99 = arith.negf %slice3A_98 : vector<64x128xf32>
    %logistic3A_100 = math.exp %logistic3A_99 : vector<64x128xf32>
    %logistic3A_101 = arith.constant 1.000000e+00 : f32
    %logistic3A_102 = vector.broadcast %logistic3A_101 : f32 to vector<64x128xf32>
    %logistic3A_103 = arith.addf %logistic3A_102, %logistic3A_100 : vector<64x128xf32>
    %logistic3A_104 = arith.divf %logistic3A_102, %logistic3A_103 : vector<64x128xf32>
    %slice3A_105 = vector.extract_strided_slice %add3A_91 {offsets = [0, 256], sizes = [64, 128], strides = [1, 1]} : vector<64x512xf32> to vector<64x128xf32>
    %tanh3A = math.tanh %slice3A_105 : vector<64x128xf32>
    %slice3A_106 = vector.extract_strided_slice %add3A_91 {offsets = [0, 384], sizes = [64, 128], strides = [1, 1]} : vector<64x512xf32> to vector<64x128xf32>
    %logistic3A_107 = arith.negf %slice3A_106 : vector<64x128xf32>
    %logistic3A_108 = math.exp %logistic3A_107 : vector<64x128xf32>
    %logistic3A_109 = arith.constant 1.000000e+00 : f32
    %logistic3A_110 = vector.broadcast %logistic3A_109 : f32 to vector<64x128xf32>
    %logistic3A_111 = arith.addf %logistic3A_110, %logistic3A_108 : vector<64x128xf32>
    %logistic3A_112 = arith.divf %logistic3A_110, %logistic3A_111 : vector<64x128xf32>
    %mul3A_113 = arith.mulf %logistic3A_104, %broadcast_in_dim3A_68 : vector<64x128xf32>
    %mul3A_114 = arith.mulf %logistic3A_97, %tanh3A : vector<64x128xf32>
    %add3A_115 = arith.addf %mul3A_113, %mul3A_114 : vector<64x128xf32>
    %tanh3A_116 = math.tanh %add3A_115 : vector<64x128xf32>
    %mul3A_117 = arith.mulf %logistic3A_112, %tanh3A_116 : vector<64x128xf32>
    %dot_general3A_118 = arith.constant dense<0.000000e+00> : vector<10000x128xf32>
    %dot_general3A_119 = tpu.matmul %convert_element_type3A_12, %mul3A_117, %dot_general3A_118 {dimension_numbers = #tpu.dot_dimension_numbers<[1], [0], [0], [1], [0, 0, 1, 1], [], []>, transpose_lhs_hint = false} : vector<10000x64xf32>, vector<64x128xf32>, vector<10000x128xf32> -> vector<10000x128xf32>
    %mul3A_120 = arith.mulf %get3A_1, %dot_general3A_119 : vector<10000x128xf32>
    %reduce_sum3A = arith.constant dense<0.000000e+00> : vector<10000xf32>
    %reduce_sum3A_121 = vector.multi_reduction <add>, %mul3A_120, %reduce_sum3A [1] : vector<10000x128xf32> to vector<10000xf32>
    %broadcast_in_dim3A_122 = vector.shape_cast %reduce_sum3A_121 : vector<10000xf32> to vector<10000x1xf32>
    %jit3A = arith.constant -2.000000e+01 : f32
    %jit3A_123 = arith.constant 2.000000e+01 : f32
    %max3A = vector.broadcast %jit3A : f32 to vector<10000x1xf32>
    %max3A_124 = arith.maximumf %max3A, %broadcast_in_dim3A_122 : vector<10000x1xf32>
    %min3A = vector.broadcast %jit3A_123 : f32 to vector<10000x1xf32>
    %min3A_125 = arith.minimumf %min3A, %max3A_124 : vector<10000x1xf32>
    %exp3A = math.exp %min3A_125 : vector<10000x1xf32>
    %dot_general3A_126 = arith.constant dense<0.000000e+00> : vector<64x1xf32>
    %dot_general3A_127 = tpu.matmul %convert_element_type3A_20, %exp3A, %dot_general3A_126 {dimension_numbers = #tpu.dot_dimension_numbers<[1], [0], [0], [1], [0, 0, 1, 1], [], []>, transpose_lhs_hint = false} : vector<64x10000xf32>, vector<10000x1xf32>, vector<64x1xf32> -> vector<64x1xf32>
    %mul3A_128 = vector.broadcast %exp3A : vector<10000x1xf32> to vector<10000x128xf32>
    %mul3A_129 = arith.mulf %mul3A_128, %get3A_1 : vector<10000x128xf32>
    %dot_general3A_130 = arith.constant dense<0.000000e+00> : vector<64x128xf32>
    %dot_general3A_131 = tpu.matmul %convert_element_type3A_20, %mul3A_129, %dot_general3A_130 {dimension_numbers = #tpu.dot_dimension_numbers<[1], [0], [0], [1], [0, 0, 1, 1], [], []>, transpose_lhs_hint = false} : vector<64x10000xf32>, vector<10000x128xf32>, vector<64x128xf32> -> vector<64x128xf32>
    %add3A_132 = arith.constant 9.99999993E-9 : f32
    %add3A_133 = vector.broadcast %add3A_132 : f32 to vector<64x1xf32>
    %add3A_134 = arith.addf %dot_general3A_127, %add3A_133 : vector<64x1xf32>
    %div3A_135 = vector.broadcast %add3A_134 : vector<64x1xf32> to vector<64x128xf32>
    %div3A_136 = arith.divf %dot_general3A_131, %div3A_135 : vector<64x128xf32>
    %concatenate3A_137 = tpu.concatenate %mul3A_117, %div3A_136 in 1 : vector<64x128xf32>, vector<64x128xf32> -> vector<64x256xf32>
    %get3A_138 = arith.constant 0 : index
    %get3A_139 = arith.constant 0 : index
    %get3A_140 = vector.load %arg5[%get3A_138, %get3A_139] : memref<256x512xf32, #tpu.memory_space<vmem>>, vector<256x512xf32>
    %dot_general3A_141 = arith.constant dense<0.000000e+00> : vector<64x512xf32>
    %dot_general3A_142 = tpu.matmul %concatenate3A_137, %get3A_140, %dot_general3A_141 {dimension_numbers = #tpu.dot_dimension_numbers<[1], [0], [0], [1], [0, 0, 1, 1], [], []>, transpose_lhs_hint = false} : vector<64x256xf32>, vector<256x512xf32>, vector<64x512xf32> -> vector<64x512xf32>
    %get3A_143 = arith.constant 0 : index
    %get3A_144 = arith.constant 0 : index
    %get3A_145 = vector.load %arg7[%get3A_143, %get3A_144] : memref<1x512xf32, #tpu.memory_space<vmem>>, vector<1x512xf32>
    %add3A_146 = vector.broadcast %get3A_145 : vector<1x512xf32> to vector<64x512xf32>
    %add3A_147 = arith.addf %dot_general3A_142, %add3A_146 : vector<64x512xf32>
    %get3A_148 = arith.constant 0 : index
    %get3A_149 = arith.constant 0 : index
    %get3A_150 = vector.load %arg6[%get3A_148, %get3A_149] : memref<128x512xf32, #tpu.memory_space<vmem>>, vector<128x512xf32>
    %dot_general3A_151 = arith.constant dense<0.000000e+00> : vector<64x512xf32>
    %dot_general3A_152 = tpu.matmul %mul3A_117, %get3A_150, %dot_general3A_151 {dimension_numbers = #tpu.dot_dimension_numbers<[1], [0], [0], [1], [0, 0, 1, 1], [], []>, transpose_lhs_hint = false} : vector<64x128xf32>, vector<128x512xf32>, vector<64x512xf32> -> vector<64x512xf32>
    %add3A_153 = arith.addf %add3A_147, %dot_general3A_152 : vector<64x512xf32>
    %get3A_154 = arith.constant 0 : index
    %get3A_155 = arith.constant 0 : index
    %get3A_156 = vector.load %arg8[%get3A_154, %get3A_155] : memref<1x512xf32, #tpu.memory_space<vmem>>, vector<1x512xf32>
    %add3A_157 = vector.broadcast %get3A_156 : vector<1x512xf32> to vector<64x512xf32>
    %add3A_158 = arith.addf %add3A_153, %add3A_157 : vector<64x512xf32>
    %slice3A_159 = vector.extract_strided_slice %add3A_158 {offsets = [0, 0], sizes = [64, 128], strides = [1, 1]} : vector<64x512xf32> to vector<64x128xf32>
    %logistic3A_160 = arith.negf %slice3A_159 : vector<64x128xf32>
    %logistic3A_161 = math.exp %logistic3A_160 : vector<64x128xf32>
    %logistic3A_162 = arith.constant 1.000000e+00 : f32
    %logistic3A_163 = vector.broadcast %logistic3A_162 : f32 to vector<64x128xf32>
    %logistic3A_164 = arith.addf %logistic3A_163, %logistic3A_161 : vector<64x128xf32>
    %logistic3A_165 = arith.divf %logistic3A_163, %logistic3A_164 : vector<64x128xf32>
    %slice3A_166 = vector.extract_strided_slice %add3A_158 {offsets = [0, 128], sizes = [64, 128], strides = [1, 1]} : vector<64x512xf32> to vector<64x128xf32>
    %logistic3A_167 = arith.negf %slice3A_166 : vector<64x128xf32>
    %logistic3A_168 = math.exp %logistic3A_167 : vector<64x128xf32>
    %logistic3A_169 = arith.constant 1.000000e+00 : f32
    %logistic3A_170 = vector.broadcast %logistic3A_169 : f32 to vector<64x128xf32>
    %logistic3A_171 = arith.addf %logistic3A_170, %logistic3A_168 : vector<64x128xf32>
    %logistic3A_172 = arith.divf %logistic3A_170, %logistic3A_171 : vector<64x128xf32>
    %slice3A_173 = vector.extract_strided_slice %add3A_158 {offsets = [0, 256], sizes = [64, 128], strides = [1, 1]} : vector<64x512xf32> to vector<64x128xf32>
    %tanh3A_174 = math.tanh %slice3A_173 : vector<64x128xf32>
    %slice3A_175 = vector.extract_strided_slice %add3A_158 {offsets = [0, 384], sizes = [64, 128], strides = [1, 1]} : vector<64x512xf32> to vector<64x128xf32>
    %logistic3A_176 = arith.negf %slice3A_175 : vector<64x128xf32>
    %logistic3A_177 = math.exp %logistic3A_176 : vector<64x128xf32>
    %logistic3A_178 = arith.constant 1.000000e+00 : f32
    %logistic3A_179 = vector.broadcast %logistic3A_178 : f32 to vector<64x128xf32>
    %logistic3A_180 = arith.addf %logistic3A_179, %logistic3A_177 : vector<64x128xf32>
    %logistic3A_181 = arith.divf %logistic3A_179, %logistic3A_180 : vector<64x128xf32>
    %mul3A_182 = arith.mulf %logistic3A_172, %add3A_115 : vector<64x128xf32>
    %mul3A_183 = arith.mulf %logistic3A_165, %tanh3A_174 : vector<64x128xf32>
    %add3A_184 = arith.addf %mul3A_182, %mul3A_183 : vector<64x128xf32>
    %tanh3A_185 = math.tanh %add3A_184 : vector<64x128xf32>
    %mul3A_186 = arith.mulf %logistic3A_181, %tanh3A_185 : vector<64x128xf32>
    %dot_general3A_187 = arith.constant dense<0.000000e+00> : vector<10000x128xf32>
    %dot_general3A_188 = tpu.matmul %convert_element_type3A_12, %mul3A_186, %dot_general3A_187 {dimension_numbers = #tpu.dot_dimension_numbers<[1], [0], [0], [1], [0, 0, 1, 1], [], []>, transpose_lhs_hint = false} : vector<10000x64xf32>, vector<64x128xf32>, vector<10000x128xf32> -> vector<10000x128xf32>
    %mul3A_189 = arith.mulf %get3A_1, %dot_general3A_188 : vector<10000x128xf32>
    %reduce_sum3A_190 = arith.constant dense<0.000000e+00> : vector<10000xf32>
    %reduce_sum3A_191 = vector.multi_reduction <add>, %mul3A_189, %reduce_sum3A_190 [1] : vector<10000x128xf32> to vector<10000xf32>
    %broadcast_in_dim3A_192 = vector.shape_cast %reduce_sum3A_191 : vector<10000xf32> to vector<10000x1xf32>
    %jit3A_193 = arith.constant -2.000000e+01 : f32
    %jit3A_194 = arith.constant 2.000000e+01 : f32
    %max3A_195 = vector.broadcast %jit3A_193 : f32 to vector<10000x1xf32>
    %max3A_196 = arith.maximumf %max3A_195, %broadcast_in_dim3A_192 : vector<10000x1xf32>
    %min3A_197 = vector.broadcast %jit3A_194 : f32 to vector<10000x1xf32>
    %min3A_198 = arith.minimumf %min3A_197, %max3A_196 : vector<10000x1xf32>
    %exp3A_199 = math.exp %min3A_198 : vector<10000x1xf32>
    %dot_general3A_200 = arith.constant dense<0.000000e+00> : vector<64x1xf32>
    %dot_general3A_201 = tpu.matmul %convert_element_type3A_20, %exp3A_199, %dot_general3A_200 {dimension_numbers = #tpu.dot_dimension_numbers<[1], [0], [0], [1], [0, 0, 1, 1], [], []>, transpose_lhs_hint = false} : vector<64x10000xf32>, vector<10000x1xf32>, vector<64x1xf32> -> vector<64x1xf32>
    %mul3A_202 = vector.broadcast %exp3A_199 : vector<10000x1xf32> to vector<10000x128xf32>
    %mul3A_203 = arith.mulf %mul3A_202, %get3A_1 : vector<10000x128xf32>
    %dot_general3A_204 = arith.constant dense<0.000000e+00> : vector<64x128xf32>
    %dot_general3A_205 = tpu.matmul %convert_element_type3A_20, %mul3A_203, %dot_general3A_204 {dimension_numbers = #tpu.dot_dimension_numbers<[1], [0], [0], [1], [0, 0, 1, 1], [], []>, transpose_lhs_hint = false} : vector<64x10000xf32>, vector<10000x128xf32>, vector<64x128xf32> -> vector<64x128xf32>
    %add3A_206 = arith.constant 9.99999993E-9 : f32
    %add3A_207 = vector.broadcast %add3A_206 : f32 to vector<64x1xf32>
    %add3A_208 = arith.addf %dot_general3A_201, %add3A_207 : vector<64x1xf32>
    %div3A_209 = vector.broadcast %add3A_208 : vector<64x1xf32> to vector<64x128xf32>
    %div3A_210 = arith.divf %dot_general3A_205, %div3A_209 : vector<64x128xf32>
    %concatenate3A_211 = tpu.concatenate %mul3A_186, %div3A_210 in 1 : vector<64x128xf32>, vector<64x128xf32> -> vector<64x256xf32>
    %get3A_212 = arith.constant 0 : index
    %get3A_213 = arith.constant 0 : index
    %get3A_214 = vector.load %arg5[%get3A_212, %get3A_213] : memref<256x512xf32, #tpu.memory_space<vmem>>, vector<256x512xf32>
    %dot_general3A_215 = arith.constant dense<0.000000e+00> : vector<64x512xf32>
    %dot_general3A_216 = tpu.matmul %concatenate3A_211, %get3A_214, %dot_general3A_215 {dimension_numbers = #tpu.dot_dimension_numbers<[1], [0], [0], [1], [0, 0, 1, 1], [], []>, transpose_lhs_hint = false} : vector<64x256xf32>, vector<256x512xf32>, vector<64x512xf32> -> vector<64x512xf32>
    %get3A_217 = arith.constant 0 : index
    %get3A_218 = arith.constant 0 : index
    %get3A_219 = vector.load %arg7[%get3A_217, %get3A_218] : memref<1x512xf32, #tpu.memory_space<vmem>>, vector<1x512xf32>
    %add3A_220 = vector.broadcast %get3A_219 : vector<1x512xf32> to vector<64x512xf32>
    %add3A_221 = arith.addf %dot_general3A_216, %add3A_220 : vector<64x512xf32>
    %get3A_222 = arith.constant 0 : index
    %get3A_223 = arith.constant 0 : index
    %get3A_224 = vector.load %arg6[%get3A_222, %get3A_223] : memref<128x512xf32, #tpu.memory_space<vmem>>, vector<128x512xf32>
    %dot_general3A_225 = arith.constant dense<0.000000e+00> : vector<64x512xf32>
    %dot_general3A_226 = tpu.matmul %mul3A_186, %get3A_224, %dot_general3A_225 {dimension_numbers = #tpu.dot_dimension_numbers<[1], [0], [0], [1], [0, 0, 1, 1], [], []>, transpose_lhs_hint = false} : vector<64x128xf32>, vector<128x512xf32>, vector<64x512xf32> -> vector<64x512xf32>
    %add3A_227 = arith.addf %add3A_221, %dot_general3A_226 : vector<64x512xf32>
    %get3A_228 = arith.constant 0 : index
    %get3A_229 = arith.constant 0 : index
    %get3A_230 = vector.load %arg8[%get3A_228, %get3A_229] : memref<1x512xf32, #tpu.memory_space<vmem>>, vector<1x512xf32>
    %add3A_231 = vector.broadcast %get3A_230 : vector<1x512xf32> to vector<64x512xf32>
    %add3A_232 = arith.addf %add3A_227, %add3A_231 : vector<64x512xf32>
    %slice3A_233 = vector.extract_strided_slice %add3A_232 {offsets = [0, 0], sizes = [64, 128], strides = [1, 1]} : vector<64x512xf32> to vector<64x128xf32>
    %logistic3A_234 = arith.negf %slice3A_233 : vector<64x128xf32>
    %logistic3A_235 = math.exp %logistic3A_234 : vector<64x128xf32>
    %logistic3A_236 = arith.constant 1.000000e+00 : f32
    %logistic3A_237 = vector.broadcast %logistic3A_236 : f32 to vector<64x128xf32>
    %logistic3A_238 = arith.addf %logistic3A_237, %logistic3A_235 : vector<64x128xf32>
    %logistic3A_239 = arith.divf %logistic3A_237, %logistic3A_238 : vector<64x128xf32>
    %slice3A_240 = vector.extract_strided_slice %add3A_232 {offsets = [0, 128], sizes = [64, 128], strides = [1, 1]} : vector<64x512xf32> to vector<64x128xf32>
    %logistic3A_241 = arith.negf %slice3A_240 : vector<64x128xf32>
    %logistic3A_242 = math.exp %logistic3A_241 : vector<64x128xf32>
    %logistic3A_243 = arith.constant 1.000000e+00 : f32
    %logistic3A_244 = vector.broadcast %logistic3A_243 : f32 to vector<64x128xf32>
    %logistic3A_245 = arith.addf %logistic3A_244, %logistic3A_242 : vector<64x128xf32>
    %logistic3A_246 = arith.divf %logistic3A_244, %logistic3A_245 : vector<64x128xf32>
    %slice3A_247 = vector.extract_strided_slice %add3A_232 {offsets = [0, 256], sizes = [64, 128], strides = [1, 1]} : vector<64x512xf32> to vector<64x128xf32>
    %tanh3A_248 = math.tanh %slice3A_247 : vector<64x128xf32>
    %slice3A_249 = vector.extract_strided_slice %add3A_232 {offsets = [0, 384], sizes = [64, 128], strides = [1, 1]} : vector<64x512xf32> to vector<64x128xf32>
    %logistic3A_250 = arith.negf %slice3A_249 : vector<64x128xf32>
    %logistic3A_251 = math.exp %logistic3A_250 : vector<64x128xf32>
    %logistic3A_252 = arith.constant 1.000000e+00 : f32
    %logistic3A_253 = vector.broadcast %logistic3A_252 : f32 to vector<64x128xf32>
    %logistic3A_254 = arith.addf %logistic3A_253, %logistic3A_251 : vector<64x128xf32>
    %logistic3A_255 = arith.divf %logistic3A_253, %logistic3A_254 : vector<64x128xf32>
    %mul3A_256 = arith.mulf %logistic3A_246, %add3A_184 : vector<64x128xf32>
    %mul3A_257 = arith.mulf %logistic3A_239, %tanh3A_248 : vector<64x128xf32>
    %add3A_258 = arith.addf %mul3A_256, %mul3A_257 : vector<64x128xf32>
    %tanh3A_259 = math.tanh %add3A_258 : vector<64x128xf32>
    %mul3A_260 = arith.mulf %logistic3A_255, %tanh3A_259 : vector<64x128xf32>
    %dot_general3A_261 = arith.constant dense<0.000000e+00> : vector<10000x128xf32>
    %dot_general3A_262 = tpu.matmul %convert_element_type3A_12, %mul3A_260, %dot_general3A_261 {dimension_numbers = #tpu.dot_dimension_numbers<[1], [0], [0], [1], [0, 0, 1, 1], [], []>, transpose_lhs_hint = false} : vector<10000x64xf32>, vector<64x128xf32>, vector<10000x128xf32> -> vector<10000x128xf32>
    %mul3A_263 = arith.mulf %get3A_1, %dot_general3A_262 : vector<10000x128xf32>
    %reduce_sum3A_264 = arith.constant dense<0.000000e+00> : vector<10000xf32>
    %reduce_sum3A_265 = vector.multi_reduction <add>, %mul3A_263, %reduce_sum3A_264 [1] : vector<10000x128xf32> to vector<10000xf32>
    %broadcast_in_dim3A_266 = vector.shape_cast %reduce_sum3A_265 : vector<10000xf32> to vector<10000x1xf32>
    %jit3A_267 = arith.constant -2.000000e+01 : f32
    %jit3A_268 = arith.constant 2.000000e+01 : f32
    %max3A_269 = vector.broadcast %jit3A_267 : f32 to vector<10000x1xf32>
    %max3A_270 = arith.maximumf %max3A_269, %broadcast_in_dim3A_266 : vector<10000x1xf32>
    %min3A_271 = vector.broadcast %jit3A_268 : f32 to vector<10000x1xf32>
    %min3A_272 = arith.minimumf %min3A_271, %max3A_270 : vector<10000x1xf32>
    %exp3A_273 = math.exp %min3A_272 : vector<10000x1xf32>
    %dot_general3A_274 = arith.constant dense<0.000000e+00> : vector<64x1xf32>
    %dot_general3A_275 = tpu.matmul %convert_element_type3A_20, %exp3A_273, %dot_general3A_274 {dimension_numbers = #tpu.dot_dimension_numbers<[1], [0], [0], [1], [0, 0, 1, 1], [], []>, transpose_lhs_hint = false} : vector<64x10000xf32>, vector<10000x1xf32>, vector<64x1xf32> -> vector<64x1xf32>
    %mul3A_276 = vector.broadcast %exp3A_273 : vector<10000x1xf32> to vector<10000x128xf32>
    %mul3A_277 = arith.mulf %mul3A_276, %get3A_1 : vector<10000x128xf32>
    %dot_general3A_278 = arith.constant dense<0.000000e+00> : vector<64x128xf32>
    %dot_general3A_279 = tpu.matmul %convert_element_type3A_20, %mul3A_277, %dot_general3A_278 {dimension_numbers = #tpu.dot_dimension_numbers<[1], [0], [0], [1], [0, 0, 1, 1], [], []>, transpose_lhs_hint = false} : vector<64x10000xf32>, vector<10000x128xf32>, vector<64x128xf32> -> vector<64x128xf32>
    %add3A_280 = arith.constant 9.99999993E-9 : f32
    %add3A_281 = vector.broadcast %add3A_280 : f32 to vector<64x1xf32>
    %add3A_282 = arith.addf %dot_general3A_275, %add3A_281 : vector<64x1xf32>
    %div3A_283 = vector.broadcast %add3A_282 : vector<64x1xf32> to vector<64x128xf32>
    %div3A_284 = arith.divf %dot_general3A_279, %div3A_283 : vector<64x128xf32>
    %concatenate3A_285 = tpu.concatenate %mul3A_260, %div3A_284 in 1 : vector<64x128xf32>, vector<64x128xf32> -> vector<64x256xf32>
    %concatenate3A_286 = tpu.concatenate %concatenate3A, %concatenate3A_285 in 1 : vector<64x128xf32>, vector<64x256xf32> -> vector<64x384xf32>
    %swap3A = arith.constant 0 : index
    %swap3A_287 = arith.constant 0 : index
    %swap3A_288 = vector.load %arg9[%swap3A, %swap3A_287] : memref<64x384xf32, #tpu.memory_space<vmem>>, vector<64x384xf32>
    tpu.vector_store %arg9[%swap3A, %swap3A_287], %concatenate3A_286 {strides = array<i32>} : memref<64x384xf32, #tpu.memory_space<vmem>>, vector<64x384xf32>,
    return
  }
}

</mosaic_0001>

<sc_bundles>
// kernel: kernel.11.cloned.1.call-start
scs
__scs_entry_jumppad:
0x0: {  	(pc) =	sbr.rel $0x88, $3  }
0x1: {  	(tag) =	ssettag $0x0;
	lr =	simm.s32 $0x1  }
0x2: {  	[smem:$0x3F8B] =	sst lr;
	_ =	strace $0xD0000000  }
0x3: {  	_ = 	snop  }
0x4: {  	_ = 	snop  }
0x5: {  	_ = 	snop  }
0x6: {  	_ = 	snop  }
0x7: {  	_ = 	snop  }
__scs_overlays_trampoline_lowered:
0x8: {  	[smem:$0x3F9A] =	sst s0  }
0x9: {  	[smem:$0x3F9B] =	sst s1  }
0xa: {  	[smem:$0x3F9C] =	sst s2  }
0xb: {  	[smem:$0x3F9D] =	sst s3  }
0xc: {  	[smem:$0x3F9E] =	sst s4  }
0xd: {  	[smem:$0x3F9F] =	sst s5  }
0xe: {  	[smem:$0x3FA0] =	sst s6  }
0xf: {  	[smem:$0x3FA1] =	sst s7  }
0x10: {  	[smem:$0x3FA2] =	sst s8  }
0x11: {  	[smem:$0x3FA3] =	sst s9;
	s0 =	simm.s32 @!p0 $0x0  }
0x12: {  	s1 =	sld [smem:$0x3F89];
	s0 =	simm.s32 @p0 $0x1  }
0x13: {  	[smem:$0x3FA4] =	sst s0;
	s0 =	simm.s32 @!p1 $0x0  }
0x14: {  	s2 =	sld [smem:$0x3F88];
	s0 =	simm.s32 @p1 $0x1  }
0x15: {  	[smem:$0x3FA5] =	sst s0;
	s0 =	simm.s32 @!p2 $0x0  }
0x16: {  	s3 =	sld [smem:$0x3FDB];
	s0 =	simm.s32 @p2 $0x1  }
0x17: {  	s4 =	simm.s32 $0x1BF5;
	[smem:$0x3FA7] =	sst s0  }
0x18: {  	s0 =	sld [smem:$0x3F8A];
	_ =	swait.ge [sflag:s4], $0x0  }
0x19: {  	s7 =	sld [smem:$0x3F8B]  }
0x1a: {  	s8 =	sadd.s32 $0xFFFFE003, lr  }
0x1b: {  	s9 =	sadd.s32 $0xFFFFFEF7, lr;
	s5 =	simm.s32 $0xFFFFFFFF;
	p2 =	slt.u32 s8, $0xFFFFF086  }
0x1c: {  	p1 =	slt.u32 s9, $0xF7A;
	s5 =	simm.s32 @!p2 $0x0  }
0x1d: {  	s5 =	simm.s32 @p1 $0x1;
	p0 =	seq.s32 s7, s2  }
0x1e: {  	s7 =	smul.u32 @!p0 $0xF7A, s2;
	p2 =	seq.s32 @!p0 s5, $0x0  }
0x1f: {  	s9 =	smul.u32 $0xF7A, s1;
	s8 =	simm.s32 @!p0 $0x1BF5;
	p2 =	por !p2, p0  }
0x20: {  	[sflag:s8] =	ssyncset.s32 @!p0 $0xFFFFF086;
	s6 =	sadd.s32 @!p0 s3, s7;
	s7 =	simm.s32 @!p0 $0x108  }
0x21: {  	s3 =	sadd.s32 s3, s9;
	s6 =	sadd.s32 @!p0 $0x88, s6;
	s7 =	simm.s32 @p2 $0x1082  }
0x22: {  	[simem:s7], [sflag:s8] =	dma.local @!p0 [hbm:s6], $0xF7A  }
0x23: {  	s9 =	sor.u32 $0xD0000000, s2;
	s6 =	simm.s32 $0x108;
	_ =	swait.ge @!p0 [sflag:s8], $0x0  }
0x24: {  	s3 =	sadd.s32 $0x88, s3;
	s6 =	simm.s32 @!p1 $0x1082;
	[sflag:s4] =	ssyncset.s32 $0xFFFFF086  }
0x25: {  	[simem:s6], [sflag:s4] =	dma.local [hbm:s3], $0xF7A  }
0x26: {  	[smem:$0x3F8B] =	sst s1;
	(tag) =	ssettag s2;
	_ =	strace s9  }
0x27: {  	s1 =	sld [smem:$0x3F9B]  }
0x28: {  	s2 =	sld [smem:$0x3F9C]  }
0x29: {  	s4 =	sld [smem:$0x3F9E]  }
0x2a: {  	p0 =	seq.s32 s5, $0x0;
	s5 =	sld [smem:$0x3F9F]  }
0x2b: {  	s6 =	sld [smem:$0x3FA0]  }
0x2c: {  	s7 =	sld [smem:$0x3FA1]  }
0x2d: {  	s3 =	simm.s32 $0x108;
	s8 =	sld [smem:$0x3FA2]  }
0x2e: {  	s3 =	simm.s32 @!p0 $0x1082;
	s9 =	sld [smem:$0x3FA3]  }
0x2f: {  	lr =	sadd.s32 s0, s3;
	s0 =	sld [smem:$0x3F9A]  }
0x30: {  	s3 =	sld [smem:$0x3F9D]  }
0x31: {  	[smem:$0x3FA6] =	sst s10  }
0x32: {  	s10 =	sld [smem:$0x3FA4];
	_ =	sdelay $0x3  }
0x33: {  	p0 =	seq.s32 s10, $0x1;
	s10 =	sld [smem:$0x3FA6];
	_ =	sdelay $0x3  }
0x34: {  	[smem:$0x3FA6] =	sst s10  }
0x35: {  	s10 =	sld [smem:$0x3FA5];
	_ =	sdelay $0x3  }
0x36: {  	p1 =	seq.s32 s10, $0x1;
	s10 =	sld [smem:$0x3FA6];
	_ =	sdelay $0x3  }
0x37: {  	[smem:$0x3FA6] =	sst s10  }
0x38: {  	s10 =	sld [smem:$0x3FA7]  }
0x39: {  	_ = 	snop;
	(pc) =	sbr.ind lr, $3  }
0x3a: {  	_ = 	snop  }
0x3b: {  	_ = 	snop  }
0x3c: {  	p2 =	seq.s32 s10, $0x1;
	s10 =	sld [smem:$0x3FA6]  }
0x3d: {  	_ =	shalt  }
0x3e: {  	_ =	shalt  }
0x3f: {  	_ =	shalt  }
0x40: {  	_ =	shalt  }
0x41: {  	_ =	shalt  }
0x42: {  	_ =	shalt  }
0x43: {  	_ =	shalt  }
0x44: {  	_ =	shalt  }
0x45: {  	_ =	shalt  }
0x46: {  	_ =	shalt  }
0x47: {  	_ =	shalt  }
0x48: {  	_ =	shalt  }
0x49: {  	_ =	shalt  }
0x4a: {  	_ =	shalt  }
0x4b: {  	_ =	shalt  }
0x4c: {  	_ =	shalt  }
0x4d: {  	_ =	shalt  }
0x4e: {  	_ =	shalt  }
0x4f: {  	_ =	shalt  }
0x50: {  	_ =	shalt  }
0x51: {  	_ =	shalt  }
0x52: {  	_ =	shalt  }
0x53: {  	_ =	shalt  }
0x54: {  	_ =	shalt  }
0x55: {  	_ =	shalt  }
0x56: {  	_ =	shalt  }
0x57: {  	_ =	shalt  }
0x58: {  	_ =	shalt  }
0x59: {  	_ =	shalt  }
0x5a: {  	_ =	shalt  }
0x5b: {  	_ =	shalt  }
0x5c: {  	_ =	shalt  }
0x5d: {  	_ =	shalt  }
0x5e: {  	_ =	shalt  }
0x5f: {  	_ =	shalt  }
0x60: {  	_ =	shalt  }
0x61: {  	_ =	shalt  }
0x62: {  	_ =	shalt  }
0x63: {  	_ =	shalt  }
0x64: {  	_ =	shalt  }
0x65: {  	_ =	shalt  }
0x66: {  	_ =	shalt  }
0x67: {  	_ =	shalt  }
0x68: {  	_ =	shalt  }
0x69: {  	_ =	shalt  }
0x6a: {  	_ =	shalt  }
0x6b: {  	_ =	shalt  }
0x6c: {  	_ =	shalt  }
0x6d: {  	_ =	shalt  }
0x6e: {  	_ =	shalt  }
0x6f: {  	_ =	shalt  }
0x70: {  	_ =	shalt  }
0x71: {  	_ =	shalt  }
0x72: {  	_ =	shalt  }
0x73: {  	_ =	shalt  }
0x74: {  	_ =	shalt  }
0x75: {  	_ =	shalt  }
0x76: {  	_ =	shalt  }
0x77: {  	_ =	shalt  }
0x78: {  	_ =	shalt  }
0x79: {  	_ =	shalt  }
0x7a: {  	_ =	shalt  }
0x7b: {  	_ =	shalt  }
0x7c: {  	_ =	shalt  }
0x7d: {  	_ =	shalt  }
0x7e: {  	_ =	shalt  }
0x7f: {  	_ =	shalt  }
0x80: {  	_ =	shalt  }
0x81: {  	_ =	shalt  }
0x82: {  	_ =	shalt  }
0x83: {  	_ =	shalt  }
0x84: {  	_ =	shalt  }
0x85: {  	_ =	shalt  }
0x86: {  	_ =	shalt  }
0x87: {  	_ =	shalt  }
.Lfunc_end0:
.L_simem_size_0:
called_computation_lowered:
.L_overlay_start_0:
0x88: {  	s2 =	sld [smem:$0x3FD9]  }
0x89: {  	s3 =	sld [smem:$0x3FFE];
	_ =	sdelay $0x1  }
0x8a: {  	s1 =	srdreg.scid  }
0x8b: {  	s0 =	sand.u32 $0x1, s1  }
0x8c: {  	s17 =	sshll.u32 s0, $0xA;
	s2 =	sadd.s32 s3, s2  }
0x8d: {  	s2 =	sadd.s32 s2, s17  }
0x8e: {  	[smem:$0x3FB2] =	sst s2  }
0x8f: {  	_ = 	snop  }
0x90: {  	s2 =	sld [smem:$0x3FD0];
	(tm) =	ssettm $0x1  }
0x91: {  	s18 =	sld [smem:$0x3FFB];
	_ =	sdelay $0x3  }
0x92: {  	_ =	strace s18  }
0x93: {  	s3 =	sld [smem:$0x3FFC];
	_ =	sdelay $0x3  }
0x94: {  	_ =	strace s3  }
0x95: {  	s3 =	sld [smem:$0x3FFD];
	_ =	sdelay $0x3  }
0x96: {  	_ =	strace s3  }
0x97: {  	_ =	strace $0x8FFFFFFF  }
0x98: {  	s19 =	sld [smem:$0x3FDB];
	_ =	sdelay $0x1  }
0x99: {  	s4 =	simm.s32 $_scs_section_size  }
0x9a: {  	s5 =	simm.s32 $_size__tile_overlayer_lowered;
	s6 =	simm.s32 $_tile_overlayer_lowered  }
0x9b: {  	s22 =	simm.s32 $0x1BFF;
	s21 =	sshll.u32 s6, $0x1;
	s3 =	sadd.s32 s4, s19  }
0x9c: {  	s7 =	simm.s32 $0x0;
	s20 =	sshll.u32 s5, $0x1;
	s5 =	sadd.s32 s21, s3  }
0x9d: {  	[timem:s7], [sflag:s22] =	dma.local [hbm:s5], s20  }
0x9e: {  	_ =	swait.ge [sflag:s22], s20  }
0x9f: {  	s4 =	ssub.s32 $0x0, s20;
	[sflag:s22] =	ssyncset.done $0x0  }
0xa0: {  	[sflag:s22] =	ssyncadd.s32 s4;
	_ =	sdelay $0x1  }
0xa1: {  	s23 =	simm.s32 $0x1B8B  }
0xa2: {  	_ =	swait.ge [sflag:s23], $0x1  }
0xa3: {  	[sflag:s23] =	ssyncset.done $0x0  }
0xa4: {  	s25 =	simm.s32 $0x1B8E;
	s24 =	sld [smem:$0x3FFE];
	[sflag:s23] =	ssyncadd.s32 $0xFFFFFFFF  }
0xa5: {  	s26 =	simm.s32 $execute0_lowered;
	[smem:$0x3FD2] =	sst s25  }
0xa6: {  	s5 =	sshll.u32 s26, $0x1;
	_ =	strace $0x80000046;
	[dreg:$0x1] =	wrdreg $0xFFFFFFFF  }
0xa7: {  	s28 =	simm.s32 $_size_execute0_lowered;
	s3 =	sadd.s32 s3, s5;
	[dreg:$0x0] =	wrdreg $0x0  }
0xa8: {  	s5 =	sshll.u32 s28, $0x1;
	[dreg:$0x2] =	wrdreg s3  }
0xa9: {  	[dreg:$0x3] =	wrdreg s5  }
0xaa: {  	[dreg:$0x4] =	wrdreg $0xC0  }
0xab: {  	_ =	task [dreg:s7], $0x5FFFF  }
0xac: {  	[dreg:$0x1] =	wrdreg $0xFFFFFFFF  }
0xad: {  	[dreg:$0x0] =	wrdreg $0x60  }
0xae: {  	[dreg:$0x2] =	wrdreg s24  }
0xaf: {  	[dreg:$0x3] =	wrdreg s2  }
0xb0: {  	[dreg:$0x4] =	wrdreg $0x9  }
0xb1: {  	_ =	task.clear_ibuf [dreg:s7], $0x5FFFF;
	_ =	strace $0x90000046  }
0xb2: {  	s29 =	simm.s32 $0x9;
	_ =	strace $0x80000048  }
0xb3: {  	_ =	swait.ge [sflag:s29], $0x1  }
0xb4: {  	[sflag:s29] =	ssyncadd.s32 $0xFFFFFFFF  }
0xb5: {  	_ =	strace $0x90000048  }
0xb6: {  	_ =	sfence  }
0xb7: {  	s30 =	sld [smem:$0x0];
	_ =	sdelay $0x2  }
0xb8: {  	s31 =	sshll.u32 s1, $0xD;
	s1 =	sshrl.u32 s1, $0x2  }
0xb9: {  	s3 =	sand.u32 $0x4000, s31;
	s1 =	sadd.s32 s1, s30  }
0xba: {  	s0 =	sor.u32 s3, s0;
	s1 =	sshll.u32 s1, $0x11  }
0xbb: {  	s0 =	sor.u32 s1, s0  }
0xbc: {  	s0 =	sadd.s32 $0x8F2B, s0  }
0xbd: {  	[sflag:s0] =	ssyncadd.remote.s32 $0x1  }
0xbe: {  	_ =	sfence.sel $0xFFFF  }
0xbf: {  	[dreg:$0x0] =	wrdreg $0xFFFFFFFF;
	(pc) =	sbr.abs _section_cstart, $3  }
0xc0: {  	[dreg:$0x1] =	wrdreg $0xFFFFFFFF  }
0xc1: {  	_ =	task.clear_ibuf [dreg:s7], $0x2FFFF;
	_ =	strace $0x9FFFFFFF  }
0xc2: {  	(tm) =	ssettm $0x7FFFFFFF  }
0xc3: {  	_ =	shalt  }
tec
execute0_lowered:
.L_overlay_start_1:
0x0: {  	(tag) =	ssettag $0x1  }
0x1: {  	s0 =	rddreg [dreg:$0x0];
	s3 =	simm.s32 $0x0  }
0x2: {  	s1 =	srdreg.scid;
	s2 =	stileid.u32;
	s15 =	simm.s32 $0x5  }
0x3: {  	s16 =	simm.s32 $0x2800;
	s17 =	simm.s32 $0x5000;
	s18 =	simm.s32 $0x7780  }
0x4: {  	s19 =	simm.s32 $0x9F00;
	s20 =	simm.s32 $0x50;
	s21 =	simm.s32 $0xC680  }
0x5: {  	s22 =	simm.s32 $0xEE80;
	s24 =	simm.s32 $0x11680;
	s28 =	simm.s32 $0x1  }
0x6: {  	s29 =	simm.s32 $0x2;
	s30 =	simm.s32 $0x3;
	s31 =	simm.s32 $0x4  }
0x7: {  	[smem:$0x7FF] =	sst s3;
	s1 =	sand.u32 $0x1, s1;
	s2 =	sshll.u32 s2, $0x1  }
0x8: {  	s4 =	sadd.s32 $0x18600, s0;
	s5 =	sadd.s32 $0x3F800, s0;
	s7 =	sadd.s32 $0x4000, s0  }
0x9: {  	s26 =	sadd.s32 $0x3A00, s0;
	s9 =	sadd.s32 $0x6C800, s0;
	s2 =	sor.u32 s1, s2  }
0xa: {  	_ =	strace $0x80000047;
	[dreg:$0x3] =	wrdreg s7;
	s6 =	smul.u32 $0x500, s2  }
0xb: {  	[dreg:$0x4] =	wrdreg s26;
	s1 =	ssub.s32 $0x2, s1;
	s8 =	smul.u32 $0x1770, s2  }
0xc: {  	s26 =	simm.s32 $0x13E80;
	s2 =	smul.u32 $0xBB800, s2;
	s11 =	sshrl.u32 s1, $0x1  }
0xd: {  	s1 =	ssub.s32 s1, s11;
	s6 =	sadd.s32 s6, s0;
	s10 =	sshrl.u32 s8, $0x3  }
0xe: {  	s2 =	sshrl.u32 s2, $0x3;
	s14 =	smax.u32 s1, $0x1;
	s1 =	simm.s32 $0x0  }
0xf: {  	s0 =	sadd.s32 s10, s0;
	s10 =	sadd.s32 $0xE600, s6;
	s2 =	sadd.s32 s9, s2  }
0x10: {  	s11 =	sadd.s32 $0x4600, s6;
	s12 =	sadd.s32 $0x17200, s2;
	s13 =	sadd.s32 $0x66A00, s0  }
.LBB2_1:
0x11: {  	[tilespmem:s3], [sflag:$0x5] =	stream.linear.gather [hbm4b:s10+s3], $0x2580, $0x38;
	[tilespmem:$0x17E00] =	vst v63  }
0x12: {  	_ =	swait.ge [sflag:s15], $0x2580  }
0x13: {  	[sflag:s15] =	ssyncset.done $0x0  }
0x14: {  	[sflag:s15] =	ssyncadd.s32 $0xFFFFDA80  }
0x15: {  	[tilespmem:s16], [sflag:$0x5] =	stream.linear.gather [hbm4b:s11+s3], $0x2580, $0x38;
	[tilespmem:$0x17E00] =	vst v63  }
0x16: {  	_ =	swait.ge [sflag:s15], $0x2580  }
0x17: {  	[sflag:s15] =	ssyncset.done $0x0  }
0x18: {  	s0 =	rddreg [dreg:$0x3];
	[sflag:s15] =	ssyncadd.s32 $0xFFFFDA80  }
0x19: {  	[tilespmem:s17], [sflag:$0x5] =	stream.linear.gather [hbm4b:s0+s3], $0x2780, $0x38;
	[tilespmem:$0x17E00] =	vst v63  }
0x1a: {  	_ =	swait.ge [sflag:s15], $0x2780  }
0x1b: {  	[sflag:s15] =	ssyncset.done $0x0  }
0x1c: {  	s6 =	rddreg [dreg:$0x4];
	[sflag:s15] =	ssyncadd.s32 $0xFFFFD880  }
0x1d: {  	[tilespmem:s18], [sflag:$0x5] =	stream.linear.gather [hbm4b:s6+s3], $0x2780, $0x38;
	[tilespmem:$0x17E00] =	vst v63  }
0x1e: {  	_ =	swait.ge [sflag:s15], $0x2780  }
0x1f: {  	[sflag:s15] =	ssyncset.done $0x0  }
0x20: {  	[sflag:s15] =	ssyncadd.s32 $0xFFFFD880  }
0x21: {  	s7 =	rddreg [dreg:$0x1]  }
0x22: {  	[tilespmem:s19], [sflag:$0x5] =	stream.linear.gather [hbm4b:s7+s3], $0x2780, $0x38;
	[tilespmem:$0x17E00] =	vst v63  }
0x23: {  	_ =	swait.ge [sflag:s15], $0x2780  }
0x24: {  	[sflag:s15] =	ssyncset.done $0x0  }
0x25: {  	[sflag:s15] =	ssyncadd.s32 $0xFFFFD880  }
0x26: {  	[tilespmem:s21], [sflag:$0x1] =	stream.indirect.gather [hbm4b:s4+s20], $0x80, s16, s20, $0xb8;
	[tilespmem:$0x17E00] =	vst v63  }
0x27: {  	_ = 	snop  }
0x28: {  	[tilespmem:s22], [sflag:$0x2] =	stream.indirect.gather [hbm4b:s5+s20], $0x80, s3, s20, $0xb8;
	[tilespmem:$0x17E00] =	vst v63  }
0x29: {  	s23 =	simm.s32 $0x2880  }
0x2a: {  	[tilespmem:s24], [sflag:$0x3] =	stream.indirect.gather [hbm4b:s4+s20], $0x80, s23, s20, $0xb8;
	[tilespmem:$0x17E00] =	vst v63  }
0x2b: {  	s25 =	simm.s32 $0x80;
	s2 =	simm.s32 $0x0  }
0x2c: {  	[tilespmem:s26], [sflag:$0x4] =	stream.indirect.gather [hbm4b:s5+s20], $0x80, s25, s20, $0xb8;
	[tilespmem:$0x17E00] =	vst v63  }
.LBB2_2:
0x2d: {  	s23 =	sshll.u32 s2, $0x8  }
0x2e: {  	v0 =	vld [tilespmem:s23+$0x2800]  }
0x2f: {  	v1 =	vld [tilespmem:s23+$0x0];
	_ =	sdelay $0x6  }
0x30: {  	v2 =	vld.idx.msk [tilespmem:v0+s17+$0x0], $0xffff  }
0x31: {  	v3 =	vld.idx.msk [tilespmem:v1+s17+$0x0], $0xffff  }
0x32: {  	v4 =	vld.idx.msk [tilespmem:v0+s18+$0x0], $0xffff  }
0x33: {  	v5 =	vld.idx.msk [tilespmem:v1+s18+$0x0], $0xffff  }
0x34: {  	v0 =	vld.idx.msk [tilespmem:v0+s19+$0x0], $0xffff  }
0x35: {  	v1 =	vld.idx.msk [tilespmem:v1+s19+$0x0], $0xffff;
	_ =	sdelay $0x2  }
0x36: {  	v2 =	vsub.f32 v2, v3;
	v3 =	vsub.f32 v4, v5;
	_ =	sdelay $0x1  }
0x37: {  	v0 =	vsub.f32 v0, v1;
	v1 =	vmul.f32 v2, v2;
	v2 =	vmul.f32 v3, v3;
	_ =	sdelay $0x1  }
0x38: {  	v0 =	vmul.f32 v0, v0;
	v1 =	vadd.f32 v2, v1;
	_ =	sdelay $0x1  }
0x39: {  	s25 =	smul.u32 $0xA0, s2;
	v0 =	vadd.f32 v0, v1;
	_ =	sdelay $0x1  }
0x3a: {  	[tilespmem:s25+$0x16680] =	vst v0  }
0x3b: {  	v0 =	vld [tilespmem:s23+$0x2810]  }
0x3c: {  	v1 =	vld [tilespmem:s23+$0x10];
	_ =	sdelay $0x6  }
0x3d: {  	v2 =	vld.idx.msk [tilespmem:v0+s17+$0x0], $0xffff  }
0x3e: {  	v3 =	vld.idx.msk [tilespmem:v1+s17+$0x0], $0xffff  }
0x3f: {  	v4 =	vld.idx.msk [tilespmem:v0+s18+$0x0], $0xffff  }
0x40: {  	v5 =	vld.idx.msk [tilespmem:v1+s18+$0x0], $0xffff  }
0x41: {  	v0 =	vld.idx.msk [tilespmem:v0+s19+$0x0], $0xffff  }
0x42: {  	v1 =	vld.idx.msk [tilespmem:v1+s19+$0x0], $0xffff;
	_ =	sdelay $0x2  }
0x43: {  	v2 =	vsub.f32 v2, v3;
	v3 =	vsub.f32 v4, v5;
	_ =	sdelay $0x1  }
0x44: {  	v0 =	vsub.f32 v0, v1;
	v1 =	vmul.f32 v2, v2;
	v2 =	vmul.f32 v3, v3;
	_ =	sdelay $0x1  }
0x45: {  	v0 =	vmul.f32 v0, v0;
	v1 =	vadd.f32 v2, v1;
	_ =	sdelay $0x1  }
0x46: {  	v0 =	vadd.f32 v0, v1;
	_ =	sdelay $0x1  }
0x47: {  	[tilespmem:s25+$0x16690] =	vst v0  }
0x48: {  	v0 =	vld [tilespmem:s23+$0x2820]  }
0x49: {  	v1 =	vld [tilespmem:s23+$0x20];
	_ =	sdelay $0x6  }
0x4a: {  	v2 =	vld.idx.msk [tilespmem:v0+s17+$0x0], $0xffff  }
0x4b: {  	v3 =	vld.idx.msk [tilespmem:v1+s17+$0x0], $0xffff  }
0x4c: {  	v4 =	vld.idx.msk [tilespmem:v0+s18+$0x0], $0xffff  }
0x4d: {  	v5 =	vld.idx.msk [tilespmem:v1+s18+$0x0], $0xffff  }
0x4e: {  	v0 =	vld.idx.msk [tilespmem:v0+s19+$0x0], $0xffff  }
0x4f: {  	v1 =	vld.idx.msk [tilespmem:v1+s19+$0x0], $0xffff;
	_ =	sdelay $0x2  }
0x50: {  	v2 =	vsub.f32 v2, v3;
	v3 =	vsub.f32 v4, v5;
	_ =	sdelay $0x1  }
0x51: {  	v0 =	vsub.f32 v0, v1;
	v1 =	vmul.f32 v2, v2;
	v2 =	vmul.f32 v3, v3;
	_ =	sdelay $0x1  }
0x52: {  	v0 =	vmul.f32 v0, v0;
	v1 =	vadd.f32 v2, v1;
	_ =	sdelay $0x1  }
0x53: {  	v0 =	vadd.f32 v0, v1;
	_ =	sdelay $0x1  }
0x54: {  	[tilespmem:s25+$0x166A0] =	vst v0  }
0x55: {  	v0 =	vld [tilespmem:s23+$0x2830]  }
0x56: {  	v1 =	vld [tilespmem:s23+$0x30];
	_ =	sdelay $0x6  }
0x57: {  	v2 =	vld.idx.msk [tilespmem:v0+s17+$0x0], $0xffff  }
0x58: {  	v3 =	vld.idx.msk [tilespmem:v1+s17+$0x0], $0xffff  }
0x59: {  	v4 =	vld.idx.msk [tilespmem:v0+s18+$0x0], $0xffff  }
0x5a: {  	v5 =	vld.idx.msk [tilespmem:v1+s18+$0x0], $0xffff  }
0x5b: {  	v0 =	vld.idx.msk [tilespmem:v0+s19+$0x0], $0xffff  }
0x5c: {  	v1 =	vld.idx.msk [tilespmem:v1+s19+$0x0], $0xffff;
	_ =	sdelay $0x2  }
0x5d: {  	v2 =	vsub.f32 v2, v3;
	v3 =	vsub.f32 v4, v5;
	_ =	sdelay $0x1  }
0x5e: {  	v0 =	vsub.f32 v0, v1;
	v1 =	vmul.f32 v2, v2;
	v2 =	vmul.f32 v3, v3;
	_ =	sdelay $0x1  }
0x5f: {  	v0 =	vmul.f32 v0, v0;
	v1 =	vadd.f32 v2, v1;
	_ =	sdelay $0x1  }
0x60: {  	v0 =	vadd.f32 v0, v1;
	_ =	sdelay $0x1  }
0x61: {  	[tilespmem:s25+$0x166B0] =	vst v0  }
0x62: {  	v0 =	vld [tilespmem:s23+$0x2840]  }
0x63: {  	v1 =	vld [tilespmem:s23+$0x40];
	_ =	sdelay $0x6  }
0x64: {  	v2 =	vld.idx.msk [tilespmem:v0+s17+$0x0], $0xffff  }
0x65: {  	v3 =	vld.idx.msk [tilespmem:v1+s17+$0x0], $0xffff  }
0x66: {  	v4 =	vld.idx.msk [tilespmem:v0+s18+$0x0], $0xffff  }
0x67: {  	v5 =	vld.idx.msk [tilespmem:v1+s18+$0x0], $0xffff  }
0x68: {  	v0 =	vld.idx.msk [tilespmem:v0+s19+$0x0], $0xffff  }
0x69: {  	v1 =	vld.idx.msk [tilespmem:v1+s19+$0x0], $0xffff;
	_ =	sdelay $0x2  }
0x6a: {  	v2 =	vsub.f32 v2, v3;
	v3 =	vsub.f32 v4, v5;
	_ =	sdelay $0x1  }
0x6b: {  	v0 =	vsub.f32 v0, v1;
	v1 =	vmul.f32 v2, v2;
	v2 =	vmul.f32 v3, v3;
	_ =	sdelay $0x1  }
0x6c: {  	v0 =	vmul.f32 v0, v0;
	v1 =	vadd.f32 v2, v1;
	_ =	sdelay $0x1  }
0x6d: {  	v0 =	vadd.f32 v0, v1;
	_ =	sdelay $0x1  }
0x6e: {  	[tilespmem:s25+$0x166C0] =	vst v0  }
0x6f: {  	_ =	swait.ge [sflag:s28], $0x2800  }
0x70: {  	[sflag:s28] =	ssyncset.done $0x0  }
0x71: {  	[sflag:s28] =	ssyncadd.s32 $0xFFFFD800  }
0x72: {  	_ =	swait.ge [sflag:s29], $0x2800  }
0x73: {  	[sflag:s29] =	ssyncset.done $0x0  }
0x74: {  	s0 =	simm.s32 $0x0;
	[sflag:s29] =	ssyncadd.s32 $0xFFFFD800  }
0x75: {  	v7 =	vld [tilespmem:s0+$0xEE80]  }
0x76: {  	v11 =	vld [tilespmem:s0+$0xEE90]  }
0x77: {  	v5 =	vld [tilespmem:s0+$0xEEA0]  }
0x78: {  	v4 =	vld [tilespmem:s0+$0xEEB0]  }
0x79: {  	v3 =	vld [tilespmem:s0+$0xEEC0]  }
0x7a: {  	v2 =	vld [tilespmem:s0+$0xEED0]  }
0x7b: {  	v1 =	vld [tilespmem:s0+$0xEEE0]  }
0x7c: {  	v0 =	vld [tilespmem:s0+$0xEEF0]  }
0x7d: {  	v12 =	vld [tilespmem:s0+$0xC680]  }
0x7e: {  	v13 =	vld [tilespmem:s0+$0xC690]  }
0x7f: {  	v10 =	vld [tilespmem:s0+$0xC6A0]  }
0x80: {  	v9 =	vld [tilespmem:s0+$0xC6B0]  }
0x81: {  	v8 =	vld [tilespmem:s0+$0xC6C0]  }
0x82: {  	v6 =	vld [tilespmem:s0+$0xC6D0];
	v12 =	vadd.f32 v7, v12  }
0x83: {  	s6 =	simm.s32 $0x200;
	v11 =	vadd.f32 v11, v13;
	v7 =	vld [tilespmem:s0+$0xC6E0]  }
.LBB2_3:
0x84: {  	s7 =	sshra.s32 s6, $0x2;
	p0 =	sne.s32 s6, $0x9E00;
	[tilespmem:s0+$0xC680] =	vst v12;
	v5 =	vadd.f32 v5, v10;
	v10 =	vld [tilespmem:s0+$0xC6F0]  }
0x85: {  	v12 =	vld [tilespmem:s7+$0xEE80];
	[tilespmem:s0+$0xC690] =	vst v11;
	v4 =	vadd.f32 v4, v9  }
0x86: {  	v11 =	vld [tilespmem:s7+$0xEE90];
	[tilespmem:s0+$0xC6A0] =	vst v5;
	v3 =	vadd.f32 v3, v8  }
0x87: {  	v5 =	vld [tilespmem:s7+$0xEEA0];
	[tilespmem:s0+$0xC6B0] =	vst v4;
	v2 =	vadd.f32 v2, v6  }
0x88: {  	v4 =	vld [tilespmem:s7+$0xEEB0];
	[tilespmem:s0+$0xC6C0] =	vst v3;
	v1 =	vadd.f32 v1, v7  }
0x89: {  	v3 =	vld [tilespmem:s7+$0xEEC0];
	[tilespmem:s0+$0xC6D0] =	vst v2;
	v0 =	vadd.f32 v0, v10  }
0x8a: {  	v2 =	vld [tilespmem:s7+$0xEED0];
	[tilespmem:s0+$0xC6E0] =	vst v1  }
0x8b: {  	v1 =	vld [tilespmem:s7+$0xEEE0];
	[tilespmem:s0+$0xC6F0] =	vst v0;
	s0 =	smov.u32 s7  }
0x8c: {  	v0 =	vld [tilespmem:s0+$0xEEF0]  }
0x8d: {  	v6 =	vld [tilespmem:s0+$0xC680]  }
0x8e: {  	v7 =	vld [tilespmem:s0+$0xC690]  }
.Ltmp0:
0x8f: {  	v10 =	vld [tilespmem:s0+$0xC6A0];
	(pc) =	sbr.rel @p0 .LBB2_3-.Ltmp0, $4  }
0x90: {  	v9 =	vld [tilespmem:s0+$0xC6B0]  }
0x91: {  	v8 =	vld [tilespmem:s0+$0xC6C0]  }
0x92: {  	v12 =	vadd.f32 v12, v6;
	v6 =	vld [tilespmem:s0+$0xC6D0]  }
0x93: {  	s6 =	sadd.s32 $0x200, s6;
	v11 =	vadd.f32 v11, v7;
	v7 =	vld [tilespmem:s0+$0xC6E0]  }
0x94: {  	[tilespmem:s0+$0xC680] =	vst v12;
	v5 =	vadd.f32 v5, v10;
	v10 =	vld [tilespmem:s0+$0xC6F0]  }
0x95: {  	[tilespmem:s0+$0xC690] =	vst v11;
	v4 =	vadd.f32 v4, v9  }
0x96: {  	[tilespmem:s0+$0xC6A0] =	vst v5;
	v3 =	vadd.f32 v3, v8  }
0x97: {  	[tilespmem:s0+$0xC6B0] =	vst v4;
	v2 =	vadd.f32 v2, v6  }
0x98: {  	[tilespmem:s0+$0xC6C0] =	vst v3;
	v1 =	vadd.f32 v1, v7  }
0x99: {  	s6 =	sadd.s32 s8, s25;
	[tilespmem:s0+$0xC6D0] =	vst v2;
	v0 =	vadd.f32 v0, v10  }
0x9a: {  	s6 =	sshll.u32 s6, $0x4;
	[tilespmem:s0+$0xC6E0] =	vst v1  }
0x9b: {  	s25 =	simm.s32 $0x0;
	s7 =	sadd.s32 s9, s6;
	[tilespmem:s0+$0xC6F0] =	vst v0  }
0x9c: {  	[hbm4b:s7+s25] =	stream.linear.scatter [tilespmem:s21], [sflag:$0x5], $0x2800, $0x38;
	[tilespmem:$0x17E00] =	vst v63  }
0x9d: {  	_ =	swait.ge [sflag:s15], $0x2800  }
0x9e: {  	[sflag:s15] =	ssyncset.done $0x0  }
0x9f: {  	s0 =	sshllo.u32 s2, $0x1;
	s7 =	sadd.s32 $0x2900, s23;
	[sflag:s15] =	ssyncadd.s32 $0xFFFFD800  }
0xa0: {  	[tilespmem:s21], [sflag:$0x1] =	stream.indirect.gather [hbm4b:s4+s20], $0x80, s7, s20, $0xb8;
	[tilespmem:$0x17E00] =	vst v63  }
0xa1: {  	s25 =	sadd.s32 $0x100, s23;
	s7 =	sshll.u32 s0, $0x7  }
0xa2: {  	[tilespmem:s22], [sflag:$0x2] =	stream.indirect.gather [hbm4b:s5+s20], $0x80, s25, s20, $0xb8;
	[tilespmem:$0x17E00] =	vst v63  }
0xa3: {  	v0 =	vld [tilespmem:s7+$0x2800]  }
0xa4: {  	v1 =	vld [tilespmem:s7+$0x0];
	_ =	sdelay $0x6  }
0xa5: {  	v2 =	vld.idx.msk [tilespmem:v0+s17+$0x0], $0xffff  }
0xa6: {  	v3 =	vld.idx.msk [tilespmem:v1+s17+$0x0], $0xffff  }
0xa7: {  	v4 =	vld.idx.msk [tilespmem:v0+s18+$0x0], $0xffff  }
0xa8: {  	v5 =	vld.idx.msk [tilespmem:v1+s18+$0x0], $0xffff  }
0xa9: {  	v0 =	vld.idx.msk [tilespmem:v0+s19+$0x0], $0xffff  }
0xaa: {  	v1 =	vld.idx.msk [tilespmem:v1+s19+$0x0], $0xffff;
	_ =	sdelay $0x2  }
0xab: {  	v2 =	vsub.f32 v2, v3;
	v3 =	vsub.f32 v4, v5;
	_ =	sdelay $0x1  }
0xac: {  	v0 =	vsub.f32 v0, v1;
	v1 =	vmul.f32 v2, v2;
	v2 =	vmul.f32 v3, v3;
	_ =	sdelay $0x1  }
0xad: {  	v0 =	vmul.f32 v0, v0;
	v1 =	vadd.f32 v2, v1;
	_ =	sdelay $0x1  }
0xae: {  	s25 =	smul.u32 $0x50, s0;
	v0 =	vadd.f32 v0, v1;
	_ =	sdelay $0x1  }
0xaf: {  	[tilespmem:s25+$0x16680] =	vst v0  }
0xb0: {  	v0 =	vld [tilespmem:s7+$0x2810]  }
0xb1: {  	v1 =	vld [tilespmem:s7+$0x10];
	_ =	sdelay $0x6  }
0xb2: {  	v2 =	vld.idx.msk [tilespmem:v0+s17+$0x0], $0xffff  }
0xb3: {  	v3 =	vld.idx.msk [tilespmem:v1+s17+$0x0], $0xffff  }
0xb4: {  	v4 =	vld.idx.msk [tilespmem:v0+s18+$0x0], $0xffff  }
0xb5: {  	v5 =	vld.idx.msk [tilespmem:v1+s18+$0x0], $0xffff  }
0xb6: {  	v0 =	vld.idx.msk [tilespmem:v0+s19+$0x0], $0xffff  }
0xb7: {  	v1 =	vld.idx.msk [tilespmem:v1+s19+$0x0], $0xffff;
	_ =	sdelay $0x2  }
0xb8: {  	v2 =	vsub.f32 v2, v3;
	v3 =	vsub.f32 v4, v5;
	_ =	sdelay $0x1  }
0xb9: {  	v0 =	vsub.f32 v0, v1;
	v1 =	vmul.f32 v2, v2;
	v2 =	vmul.f32 v3, v3;
	_ =	sdelay $0x1  }
0xba: {  	v0 =	vmul.f32 v0, v0;
	v1 =	vadd.f32 v2, v1;
	_ =	sdelay $0x1  }
0xbb: {  	v0 =	vadd.f32 v0, v1;
	_ =	sdelay $0x1  }
0xbc: {  	[tilespmem:s25+$0x16690] =	vst v0  }
0xbd: {  	v0 =	vld [tilespmem:s7+$0x2820]  }
0xbe: {  	v1 =	vld [tilespmem:s7+$0x20];
	_ =	sdelay $0x6  }
0xbf: {  	v2 =	vld.idx.msk [tilespmem:v0+s17+$0x0], $0xffff  }
0xc0: {  	v3 =	vld.idx.msk [tilespmem:v1+s17+$0x0], $0xffff  }
0xc1: {  	v4 =	vld.idx.msk [tilespmem:v0+s18+$0x0], $0xffff  }
0xc2: {  	v5 =	vld.idx.msk [tilespmem:v1+s18+$0x0], $0xffff  }
0xc3: {  	v0 =	vld.idx.msk [tilespmem:v0+s19+$0x0], $0xffff  }
0xc4: {  	v1 =	vld.idx.msk [tilespmem:v1+s19+$0x0], $0xffff;
	_ =	sdelay $0x2  }
0xc5: {  	v2 =	vsub.f32 v2, v3;
	v3 =	vsub.f32 v4, v5;
	_ =	sdelay $0x1  }
0xc6: {  	v0 =	vsub.f32 v0, v1;
	v1 =	vmul.f32 v2, v2;
	v2 =	vmul.f32 v3, v3;
	_ =	sdelay $0x1  }
0xc7: {  	v0 =	vmul.f32 v0, v0;
	v1 =	vadd.f32 v2, v1;
	_ =	sdelay $0x1  }
0xc8: {  	v0 =	vadd.f32 v0, v1;
	_ =	sdelay $0x1  }
0xc9: {  	[tilespmem:s25+$0x166A0] =	vst v0  }
0xca: {  	v0 =	vld [tilespmem:s7+$0x2830]  }
0xcb: {  	v1 =	vld [tilespmem:s7+$0x30];
	_ =	sdelay $0x6  }
0xcc: {  	v2 =	vld.idx.msk [tilespmem:v0+s17+$0x0], $0xffff  }
0xcd: {  	v3 =	vld.idx.msk [tilespmem:v1+s17+$0x0], $0xffff  }
0xce: {  	v4 =	vld.idx.msk [tilespmem:v0+s18+$0x0], $0xffff  }
0xcf: {  	v5 =	vld.idx.msk [tilespmem:v1+s18+$0x0], $0xffff  }
0xd0: {  	v0 =	vld.idx.msk [tilespmem:v0+s19+$0x0], $0xffff  }
0xd1: {  	v1 =	vld.idx.msk [tilespmem:v1+s19+$0x0], $0xffff;
	_ =	sdelay $0x2  }
0xd2: {  	v2 =	vsub.f32 v2, v3;
	v3 =	vsub.f32 v4, v5;
	_ =	sdelay $0x1  }
0xd3: {  	v0 =	vsub.f32 v0, v1;
	v1 =	vmul.f32 v2, v2;
	v2 =	vmul.f32 v3, v3;
	_ =	sdelay $0x1  }
0xd4: {  	v0 =	vmul.f32 v0, v0;
	v1 =	vadd.f32 v2, v1;
	_ =	sdelay $0x1  }
0xd5: {  	v0 =	vadd.f32 v0, v1;
	_ =	sdelay $0x1  }
0xd6: {  	[tilespmem:s25+$0x166B0] =	vst v0  }
0xd7: {  	v0 =	vld [tilespmem:s7+$0x2840]  }
0xd8: {  	v1 =	vld [tilespmem:s7+$0x40];
	_ =	sdelay $0x6  }
0xd9: {  	v2 =	vld.idx.msk [tilespmem:v0+s17+$0x0], $0xffff  }
0xda: {  	v3 =	vld.idx.msk [tilespmem:v1+s17+$0x0], $0xffff  }
0xdb: {  	v4 =	vld.idx.msk [tilespmem:v0+s18+$0x0], $0xffff  }
0xdc: {  	v5 =	vld.idx.msk [tilespmem:v1+s18+$0x0], $0xffff  }
0xdd: {  	v0 =	vld.idx.msk [tilespmem:v0+s19+$0x0], $0xffff  }
0xde: {  	v1 =	vld.idx.msk [tilespmem:v1+s19+$0x0], $0xffff;
	_ =	sdelay $0x2  }
0xdf: {  	v2 =	vsub.f32 v2, v3;
	v3 =	vsub.f32 v4, v5;
	_ =	sdelay $0x1  }
0xe0: {  	v0 =	vsub.f32 v0, v1;
	v1 =	vmul.f32 v2, v2;
	v2 =	vmul.f32 v3, v3;
	_ =	sdelay $0x1  }
0xe1: {  	v0 =	vmul.f32 v0, v0;
	v1 =	vadd.f32 v2, v1;
	_ =	sdelay $0x1  }
0xe2: {  	v0 =	vadd.f32 v0, v1;
	_ =	sdelay $0x1  }
0xe3: {  	[tilespmem:s25+$0x166C0] =	vst v0  }
0xe4: {  	_ =	swait.ge [sflag:s30], $0x2800  }
0xe5: {  	[sflag:s30] =	ssyncset.done $0x0  }
0xe6: {  	[sflag:s30] =	ssyncadd.s32 $0xFFFFD800  }
0xe7: {  	_ =	swait.ge [sflag:s31], $0x2800  }
0xe8: {  	[sflag:s31] =	ssyncset.done $0x0  }
0xe9: {  	s0 =	simm.s32 $0x0;
	[sflag:s31] =	ssyncadd.s32 $0xFFFFD800  }
0xea: {  	v7 =	vld [tilespmem:s0+$0x13E80]  }
0xeb: {  	v11 =	vld [tilespmem:s0+$0x13E90]  }
0xec: {  	v5 =	vld [tilespmem:s0+$0x13EA0]  }
0xed: {  	v4 =	vld [tilespmem:s0+$0x13EB0]  }
0xee: {  	v3 =	vld [tilespmem:s0+$0x13EC0]  }
0xef: {  	v2 =	vld [tilespmem:s0+$0x13ED0]  }
0xf0: {  	v1 =	vld [tilespmem:s0+$0x13EE0]  }
0xf1: {  	v0 =	vld [tilespmem:s0+$0x13EF0]  }
0xf2: {  	v12 =	vld [tilespmem:s0+$0x11680]  }
0xf3: {  	v13 =	vld [tilespmem:s0+$0x11690]  }
0xf4: {  	v10 =	vld [tilespmem:s0+$0x116A0]  }
0xf5: {  	v9 =	vld [tilespmem:s0+$0x116B0]  }
0xf6: {  	v8 =	vld [tilespmem:s0+$0x116C0]  }
0xf7: {  	v6 =	vld [tilespmem:s0+$0x116D0];
	v12 =	vadd.f32 v7, v12  }
0xf8: {  	s6 =	simm.s32 $0x200;
	v11 =	vadd.f32 v11, v13;
	v7 =	vld [tilespmem:s0+$0x116E0]  }
.LBB2_5:
0xf9: {  	s7 =	sshra.s32 s6, $0x2;
	p0 =	sne.s32 s6, $0x9E00;
	[tilespmem:s0+$0x11680] =	vst v12;
	v5 =	vadd.f32 v5, v10;
	v10 =	vld [tilespmem:s0+$0x116F0]  }
0xfa: {  	v12 =	vld [tilespmem:s7+$0x13E80];
	[tilespmem:s0+$0x11690] =	vst v11;
	v4 =	vadd.f32 v4, v9  }
0xfb: {  	v11 =	vld [tilespmem:s7+$0x13E90];
	[tilespmem:s0+$0x116A0] =	vst v5;
	v3 =	vadd.f32 v3, v8  }
0xfc: {  	v5 =	vld [tilespmem:s7+$0x13EA0];
	[tilespmem:s0+$0x116B0] =	vst v4;
	v2 =	vadd.f32 v2, v6  }
0xfd: {  	v4 =	vld [tilespmem:s7+$0x13EB0];
	[tilespmem:s0+$0x116C0] =	vst v3;
	v1 =	vadd.f32 v1, v7  }
0xfe: {  	v3 =	vld [tilespmem:s7+$0x13EC0];
	[tilespmem:s0+$0x116D0] =	vst v2;
	v0 =	vadd.f32 v0, v10  }
0xff: {  	v2 =	vld [tilespmem:s7+$0x13ED0];
	[tilespmem:s0+$0x116E0] =	vst v1  }
0x100: {  	v1 =	vld [tilespmem:s7+$0x13EE0];
	[tilespmem:s0+$0x116F0] =	vst v0;
	s0 =	smov.u32 s7  }
0x101: {  	v0 =	vld [tilespmem:s0+$0x13EF0]  }
0x102: {  	v6 =	vld [tilespmem:s0+$0x11680]  }
0x103: {  	v7 =	vld [tilespmem:s0+$0x11690]  }
.Ltmp1:
0x104: {  	v10 =	vld [tilespmem:s0+$0x116A0];
	(pc) =	sbr.rel @p0 .LBB2_5-.Ltmp1, $4  }
0x105: {  	v9 =	vld [tilespmem:s0+$0x116B0]  }
0x106: {  	v8 =	vld [tilespmem:s0+$0x116C0]  }
0x107: {  	v12 =	vadd.f32 v12, v6;
	v6 =	vld [tilespmem:s0+$0x116D0]  }
0x108: {  	s6 =	sadd.s32 $0x200, s6;
	v11 =	vadd.f32 v11, v7;
	v7 =	vld [tilespmem:s0+$0x116E0]  }
0x109: {  	[tilespmem:s0+$0x11680] =	vst v12;
	v5 =	vadd.f32 v5, v10;
	v63 =	vld [tilespmem:s0+$0x116F0]  }
0x10a: {  	[tilespmem:s0+$0x11690] =	vst v11;
	v4 =	vadd.f32 v4, v9  }
0x10b: {  	[tilespmem:s0+$0x116A0] =	vst v5;
	v3 =	vadd.f32 v3, v8  }
0x10c: {  	[tilespmem:s0+$0x116B0] =	vst v4;
	v2 =	vadd.f32 v2, v6  }
0x10d: {  	[tilespmem:s0+$0x116C0] =	vst v3;
	v1 =	vadd.f32 v1, v7  }
0x10e: {  	s6 =	sadd.s32 s8, s25;
	[tilespmem:s0+$0x116D0] =	vst v2;
	v0 =	vadd.f32 v0, v63  }
0x10f: {  	p0 =	seq.s32 s2, $0x24;
	s6 =	sshll.u32 s6, $0x4;
	[tilespmem:s0+$0x116E0] =	vst v1  }
.Ltmp2:
0x110: {  	s25 =	sadd.s32 s9, s6;
	[tilespmem:s0+$0x116F0] =	vst v0;
	(pc) =	sbr.rel @p0 .LBB2_8-.Ltmp2, $4  }
0x111: {  	[hbm4b:s25+s3] =	stream.linear.scatter [tilespmem:s24], [sflag:$0x5], $0x2800, $0x38;
	[tilespmem:$0x17E00] =	vst v63  }
0x112: {  	_ =	swait.ge [sflag:s15], $0x2800  }
0x113: {  	[sflag:s15] =	ssyncset.done $0x0  }
0x114: {  	[sflag:s15] =	ssyncadd.s32 $0xFFFFD800  }
.Ltmp3:
0x115: {  	(pc) =	sbr.rel .LBB2_2-.Ltmp3, $4  }
0x116: {  	s0 =	sadd.s32 $0x2980, s23  }
0x117: {  	[tilespmem:s24], [sflag:$0x3] =	stream.indirect.gather [hbm4b:s4+s20], $0x80, s0, s20, $0xb8;
	[tilespmem:$0x17E00] =	vst v63  }
0x118: {  	s25 =	sadd.s32 $0x180, s23;
	s2 =	sadd.s32 $0x1, s2  }
0x119: {  	[tilespmem:s26], [sflag:$0x4] =	stream.indirect.gather [hbm4b:s5+s20], $0x80, s25, s20, $0xb8;
	[tilespmem:$0x17E00] =	vst v63  }
.LBB2_8:
0x11a: {  	v0 =	vld [tilespmem:$0x4D00]  }
0x11b: {  	v1 =	vld [tilespmem:$0x2500];
	_ =	sdelay $0x6  }
0x11c: {  	v2 =	vld.idx.msk [tilespmem:v0+s17+$0x0], $0xffff  }
0x11d: {  	v3 =	vld.idx.msk [tilespmem:v1+s17+$0x0], $0xffff  }
0x11e: {  	v4 =	vld.idx.msk [tilespmem:v0+s18+$0x0], $0xffff  }
0x11f: {  	v5 =	vld.idx.msk [tilespmem:v1+s18+$0x0], $0xffff  }
0x120: {  	v0 =	vld.idx.msk [tilespmem:v0+s19+$0x0], $0xffff  }
0x121: {  	v1 =	vld.idx.msk [tilespmem:v1+s19+$0x0], $0xffff;
	_ =	sdelay $0x2  }
0x122: {  	v2 =	vsub.f32 v2, v3;
	v3 =	vsub.f32 v4, v5  }
0x123: {  	v4 =	vld [tilespmem:$0x4D10]  }
0x124: {  	v0 =	vsub.f32 v0, v1;
	v1 =	vmul.f32 v2, v2;
	v2 =	vmul.f32 v3, v3  }
0x125: {  	v3 =	vld [tilespmem:$0x2510]  }
0x126: {  	v0 =	vmul.f32 v0, v0;
	v1 =	vadd.f32 v2, v1;
	_ =	sdelay $0x1  }
0x127: {  	v0 =	vadd.f32 v0, v1;
	_ =	sdelay $0x1  }
0x128: {  	[tilespmem:$0x17DA0] =	vst v0  }
0x129: {  	v0 =	vld.idx.msk [tilespmem:v4+s17+$0x0], $0xffff  }
0x12a: {  	v2 =	vld.idx.msk [tilespmem:v4+s18+$0x0], $0xffff  }
0x12b: {  	v1 =	vld.idx.msk [tilespmem:v3+s17+$0x0], $0xffff  }
0x12c: {  	v5 =	vld.idx.msk [tilespmem:v3+s18+$0x0], $0xffff  }
0x12d: {  	v4 =	vld.idx.msk [tilespmem:v4+s19+$0x0], $0xffff  }
0x12e: {  	v3 =	vld.idx.msk [tilespmem:v3+s19+$0x0], $0xffff;
	_ =	sdelay $0x2  }
0x12f: {  	v0 =	vsub.f32 v0, v1;
	v1 =	vsub.f32 v2, v5  }
0x130: {  	v2 =	vld [tilespmem:$0x4D20]  }
0x131: {  	v3 =	vsub.f32 v4, v3;
	v4 =	vld [tilespmem:$0x2520];
	v0 =	vmul.f32 v0, v0;
	v1 =	vmul.f32 v1, v1;
	_ =	sdelay $0x1  }
0x132: {  	v0 =	vadd.f32 v1, v0;
	v1 =	vmul.f32 v3, v3;
	_ =	sdelay $0x1  }
0x133: {  	v0 =	vadd.f32 v1, v0;
	_ =	sdelay $0x1  }
0x134: {  	[tilespmem:$0x17DB0] =	vst v0  }
0x135: {  	v0 =	vld.idx.msk [tilespmem:v2+s17+$0x0], $0xffff  }
0x136: {  	v1 =	vld.idx.msk [tilespmem:v4+s17+$0x0], $0xffff  }
0x137: {  	v3 =	vld.idx.msk [tilespmem:v2+s18+$0x0], $0xffff  }
0x138: {  	v5 =	vld.idx.msk [tilespmem:v4+s18+$0x0], $0xffff  }
0x139: {  	v2 =	vld.idx.msk [tilespmem:v2+s19+$0x0], $0xffff  }
0x13a: {  	v4 =	vld.idx.msk [tilespmem:v4+s19+$0x0], $0xffff;
	_ =	sdelay $0x2  }
0x13b: {  	v0 =	vsub.f32 v0, v1;
	v1 =	vsub.f32 v3, v5  }
0x13c: {  	v3 =	vld [tilespmem:$0x4D30]  }
0x13d: {  	v2 =	vsub.f32 v2, v4;
	v4 =	vld [tilespmem:$0x2530];
	v0 =	vmul.f32 v0, v0;
	v1 =	vmul.f32 v1, v1;
	_ =	sdelay $0x1  }
0x13e: {  	v0 =	vadd.f32 v1, v0;
	v1 =	vmul.f32 v2, v2;
	_ =	sdelay $0x1  }
0x13f: {  	v0 =	vadd.f32 v1, v0;
	_ =	sdelay $0x1  }
0x140: {  	[tilespmem:$0x17DC0] =	vst v0  }
0x141: {  	v0 =	vld.idx.msk [tilespmem:v3+s17+$0x0], $0xffff  }
0x142: {  	v1 =	vld.idx.msk [tilespmem:v4+s17+$0x0], $0xffff  }
0x143: {  	v2 =	vld.idx.msk [tilespmem:v3+s18+$0x0], $0xffff  }
0x144: {  	v5 =	vld.idx.msk [tilespmem:v4+s18+$0x0], $0xffff  }
0x145: {  	v3 =	vld.idx.msk [tilespmem:v3+s19+$0x0], $0xffff  }
0x146: {  	v4 =	vld.idx.msk [tilespmem:v4+s19+$0x0], $0xffff;
	_ =	sdelay $0x2  }
0x147: {  	v0 =	vsub.f32 v0, v1;
	v1 =	vsub.f32 v2, v5  }
0x148: {  	v2 =	vld [tilespmem:$0x4D40]  }
0x149: {  	v3 =	vsub.f32 v3, v4;
	v4 =	vld [tilespmem:$0x2540];
	v0 =	vmul.f32 v0, v0;
	v1 =	vmul.f32 v1, v1;
	_ =	sdelay $0x1  }
0x14a: {  	v0 =	vadd.f32 v1, v0;
	v1 =	vmul.f32 v3, v3;
	_ =	sdelay $0x1  }
0x14b: {  	v0 =	vadd.f32 v1, v0;
	_ =	sdelay $0x1  }
0x14c: {  	[tilespmem:$0x17DD0] =	vst v0  }
0x14d: {  	v0 =	vld.idx.msk [tilespmem:v2+s17+$0x0], $0xffff  }
0x14e: {  	v1 =	vld.idx.msk [tilespmem:v4+s17+$0x0], $0xffff  }
0x14f: {  	v3 =	vld.idx.msk [tilespmem:v2+s18+$0x0], $0xffff  }
0x150: {  	v5 =	vld.idx.msk [tilespmem:v4+s18+$0x0], $0xffff  }
0x151: {  	v2 =	vld.idx.msk [tilespmem:v2+s19+$0x0], $0xffff  }
0x152: {  	v4 =	vld.idx.msk [tilespmem:v4+s19+$0x0], $0xffff;
	_ =	sdelay $0x2  }
0x153: {  	v0 =	vsub.f32 v0, v1;
	v1 =	vsub.f32 v3, v5;
	_ =	sdelay $0x1  }
0x154: {  	v2 =	vsub.f32 v2, v4;
	v0 =	vmul.f32 v0, v0;
	v1 =	vmul.f32 v1, v1;
	_ =	sdelay $0x1  }
0x155: {  	v0 =	vadd.f32 v1, v0;
	v1 =	vmul.f32 v2, v2;
	_ =	sdelay $0x1  }
0x156: {  	v0 =	vadd.f32 v1, v0;
	_ =	sdelay $0x1  }
0x157: {  	[tilespmem:$0x17DE0] =	vst v0  }
0x158: {  	_ =	swait.ge [sflag:s28], $0x2800  }
0x159: {  	[sflag:s28] =	ssyncset.done $0x0  }
0x15a: {  	[sflag:s28] =	ssyncadd.s32 $0xFFFFD800  }
0x15b: {  	_ =	swait.ge [sflag:s29], $0x2800  }
0x15c: {  	[sflag:s29] =	ssyncset.done $0x0  }
0x15d: {  	s0 =	simm.s32 $0x0;
	[sflag:s29] =	ssyncadd.s32 $0xFFFFD800  }
0x15e: {  	v7 =	vld [tilespmem:s0+$0xEE80]  }
0x15f: {  	v11 =	vld [tilespmem:s0+$0xEE90]  }
0x160: {  	v5 =	vld [tilespmem:s0+$0xEEA0]  }
0x161: {  	v4 =	vld [tilespmem:s0+$0xEEB0]  }
0x162: {  	v3 =	vld [tilespmem:s0+$0xEEC0]  }
0x163: {  	v2 =	vld [tilespmem:s0+$0xEED0]  }
0x164: {  	v1 =	vld [tilespmem:s0+$0xEEE0]  }
0x165: {  	v0 =	vld [tilespmem:s0+$0xEEF0]  }
0x166: {  	v12 =	vld [tilespmem:s0+$0xC680]  }
0x167: {  	v13 =	vld [tilespmem:s0+$0xC690]  }
0x168: {  	v10 =	vld [tilespmem:s0+$0xC6A0]  }
0x169: {  	v9 =	vld [tilespmem:s0+$0xC6B0]  }
0x16a: {  	v8 =	vld [tilespmem:s0+$0xC6C0]  }
0x16b: {  	v6 =	vld [tilespmem:s0+$0xC6D0];
	v12 =	vadd.f32 v7, v12  }
0x16c: {  	s2 =	simm.s32 $0x200;
	v11 =	vadd.f32 v11, v13;
	v7 =	vld [tilespmem:s0+$0xC6E0]  }
.LBB2_9:
0x16d: {  	s6 =	sshra.s32 s2, $0x2;
	p0 =	sne.s32 s2, $0x9E00;
	[tilespmem:s0+$0xC680] =	vst v12;
	v5 =	vadd.f32 v5, v10;
	v10 =	vld [tilespmem:s0+$0xC6F0]  }
0x16e: {  	v12 =	vld [tilespmem:s6+$0xEE80];
	[tilespmem:s0+$0xC690] =	vst v11;
	v4 =	vadd.f32 v4, v9  }
0x16f: {  	v11 =	vld [tilespmem:s6+$0xEE90];
	[tilespmem:s0+$0xC6A0] =	vst v5;
	v3 =	vadd.f32 v3, v8  }
0x170: {  	v5 =	vld [tilespmem:s6+$0xEEA0];
	[tilespmem:s0+$0xC6B0] =	vst v4;
	v2 =	vadd.f32 v2, v6  }
0x171: {  	v4 =	vld [tilespmem:s6+$0xEEB0];
	[tilespmem:s0+$0xC6C0] =	vst v3;
	v1 =	vadd.f32 v1, v7  }
0x172: {  	v3 =	vld [tilespmem:s6+$0xEEC0];
	[tilespmem:s0+$0xC6D0] =	vst v2;
	v0 =	vadd.f32 v0, v10  }
0x173: {  	v2 =	vld [tilespmem:s6+$0xEED0];
	[tilespmem:s0+$0xC6E0] =	vst v1  }
0x174: {  	v1 =	vld [tilespmem:s6+$0xEEE0];
	[tilespmem:s0+$0xC6F0] =	vst v0;
	s0 =	smov.u32 s6  }
0x175: {  	v0 =	vld [tilespmem:s0+$0xEEF0]  }
0x176: {  	v6 =	vld [tilespmem:s0+$0xC680]  }
0x177: {  	v7 =	vld [tilespmem:s0+$0xC690]  }
.Ltmp4:
0x178: {  	v10 =	vld [tilespmem:s0+$0xC6A0];
	(pc) =	sbr.rel @p0 .LBB2_9-.Ltmp4, $4  }
0x179: {  	v9 =	vld [tilespmem:s0+$0xC6B0]  }
0x17a: {  	v8 =	vld [tilespmem:s0+$0xC6C0]  }
0x17b: {  	v12 =	vadd.f32 v12, v6;
	v6 =	vld [tilespmem:s0+$0xC6D0]  }
0x17c: {  	s2 =	sadd.s32 $0x200, s2;
	v11 =	vadd.f32 v11, v7;
	v7 =	vld [tilespmem:s0+$0xC6E0]  }
0x17d: {  	[tilespmem:s0+$0xC680] =	vst v12;
	v5 =	vadd.f32 v5, v10;
	v63 =	vld [tilespmem:s0+$0xC6F0]  }
0x17e: {  	[tilespmem:s0+$0xC690] =	vst v11;
	v4 =	vadd.f32 v4, v9  }
0x17f: {  	[tilespmem:s0+$0xC6A0] =	vst v5;
	v3 =	vadd.f32 v3, v8  }
0x180: {  	[tilespmem:s0+$0xC6B0] =	vst v4;
	v2 =	vadd.f32 v2, v6  }
0x181: {  	[tilespmem:s0+$0xC6C0] =	vst v3;
	v1 =	vadd.f32 v1, v7  }
0x182: {  	[tilespmem:s0+$0xC6D0] =	vst v2;
	v0 =	vadd.f32 v0, v63  }
0x183: {  	[tilespmem:s0+$0xC6E0] =	vst v1  }
0x184: {  	[tilespmem:s0+$0xC6F0] =	vst v0  }
0x185: {  	[hbm4b:s12+s3] =	stream.linear.scatter [tilespmem:s21], [sflag:$0x5], $0x2800, $0x38;
	[tilespmem:$0x17E00] =	vst v63  }
0x186: {  	s1 =	sadd.s32 $0x1, s1;
	_ =	swait.ge [sflag:s15], $0x2800  }
0x187: {  	p0 =	sne.s32 s1, s14;
	[sflag:s15] =	ssyncset.done $0x0  }
.Ltmp5:
0x188: {  	s25 =	simm.s32 $0x16680;
	[sflag:s15] =	ssyncadd.s32 $0xFFFFD800;
	(pc) =	sbr.rel @p0 .LBB2_1-.Ltmp5, $4  }
0x189: {  	[hbm4b:s13+s3] =	stream.linear.scatter [tilespmem:s25], [sflag:$0x5], $0x1770, $0x38;
	[tilespmem:$0x17E00] =	vst v63  }
0x18a: {  	_ =	swait.ge [sflag:s15], $0x1770  }
0x18b: {  	[sflag:s15] =	ssyncset.done $0x0  }
0x18c: {  	[sflag:s15] =	ssyncadd.s32 $0xFFFFE890  }
0x18d: {  	_ =	sfence.sel $0x180000  }
0x18e: {  	[bflag:$0x0] =	sbarrier.arrive $0xFFFF  }
0x18f: {  	_ =	strace $0x90000047  }
0x190: {  	s0 =	stileid.u32;
	[bflag:$0x2] =	sbarrier.arrive $0xFFFF  }
0x191: {  	p0 =	sne.s32 s0, $0x0;
	s0 =	rddreg [dreg:$0x2]  }
0x192: {  	s0 =	sadd.s32 @!p0 $0x100000, s0  }
0x193: {  	[sflag:s0] =	ssyncadd.tile.s32 @!p0 $0x1;
	_ =	shalt  }
.Lfunc_end2:
_tile_overlayer_lowered:
.L_overlay_start_2:
0x194: {  	(tag) =	ssettag $0x2  }
0x195: {  	s0 =	rddreg [dreg:$0x0];
	s2 =	stileid.u32  }
0x196: {  	s1 =	rddreg [dreg:$0x1];
	p0 =	sne.s32 s2, $0x0  }
0x197: {  	s3 =	rddreg [dreg:$0x2];
	[bflag:$0x3] =	sbarrier.arrive $0xFFFF;
	s2 =	simm.s32 @!p0 $0x1C05  }
0x198: {  	[timem:s3], [sflag:s2] =	dma.local @!p0 [hbm:s0], s1  }
0x199: {  	s0 =	simm.s32 @!p0 $0x5  }
0x19a: {  	_ =	swait.ge @!p0 [sflag:s0], s1  }
0x19b: {  	s1 =	ssub.s32 @!p0 $0x0, s1;
	[sflag:s0] =	ssyncset.done @!p0 $0x0  }
0x19c: {  	[sflag:s0] =	ssyncadd.s32 @!p0 s1  }
0x19d: {  	[bflag:$0x3] =	sbarrier.arrive $0xFFFF  }
0x19e: {  	_ =	shalt  }

// kernel: kernel.14.cloned.1.call-start
scs
__scs_entry_jumppad:
0x0: {  	(pc) =	sbr.rel $0x88, $3  }
0x1: {  	(tag) =	ssettag $0x0;
	lr =	simm.s32 $0x1  }
0x2: {  	[smem:$0x3F8B] =	sst lr;
	_ =	strace $0xD0000000  }
0x3: {  	_ = 	snop  }
0x4: {  	_ = 	snop  }
0x5: {  	_ = 	snop  }
0x6: {  	_ = 	snop  }
0x7: {  	_ = 	snop  }
__scs_overlays_trampoline_lowered:
0x8: {  	[smem:$0x3F9A] =	sst s0  }
0x9: {  	[smem:$0x3F9B] =	sst s1  }
0xa: {  	[smem:$0x3F9C] =	sst s2  }
0xb: {  	[smem:$0x3F9D] =	sst s3  }
0xc: {  	[smem:$0x3F9E] =	sst s4  }
0xd: {  	[smem:$0x3F9F] =	sst s5  }
0xe: {  	[smem:$0x3FA0] =	sst s6  }
0xf: {  	[smem:$0x3FA1] =	sst s7  }
0x10: {  	[smem:$0x3FA2] =	sst s8  }
0x11: {  	[smem:$0x3FA3] =	sst s9;
	s0 =	simm.s32 @!p0 $0x0  }
0x12: {  	s1 =	sld [smem:$0x3F89];
	s0 =	simm.s32 @p0 $0x1  }
0x13: {  	[smem:$0x3FA4] =	sst s0;
	s0 =	simm.s32 @!p1 $0x0  }
0x14: {  	s2 =	sld [smem:$0x3F88];
	s0 =	simm.s32 @p1 $0x1  }
0x15: {  	[smem:$0x3FA5] =	sst s0;
	s0 =	simm.s32 @!p2 $0x0  }
0x16: {  	s3 =	sld [smem:$0x3FDB];
	s0 =	simm.s32 @p2 $0x1  }
0x17: {  	s4 =	simm.s32 $0x1BF5;
	[smem:$0x3FA7] =	sst s0  }
0x18: {  	s0 =	sld [smem:$0x3F8A];
	_ =	swait.ge [sflag:s4], $0x0  }
0x19: {  	s7 =	sld [smem:$0x3F8B]  }
0x1a: {  	s8 =	sadd.s32 $0xFFFFE003, lr  }
0x1b: {  	s9 =	sadd.s32 $0xFFFFFEF7, lr;
	s5 =	simm.s32 $0xFFFFFFFF;
	p2 =	slt.u32 s8, $0xFFFFF086  }
0x1c: {  	p1 =	slt.u32 s9, $0xF7A;
	s5 =	simm.s32 @!p2 $0x0  }
0x1d: {  	s5 =	simm.s32 @p1 $0x1;
	p0 =	seq.s32 s7, s2  }
0x1e: {  	s7 =	smul.u32 @!p0 $0xF7A, s2;
	p2 =	seq.s32 @!p0 s5, $0x0  }
0x1f: {  	s9 =	smul.u32 $0xF7A, s1;
	s8 =	simm.s32 @!p0 $0x1BF5;
	p2 =	por !p2, p0  }
0x20: {  	[sflag:s8] =	ssyncset.s32 @!p0 $0xFFFFF086;
	s6 =	sadd.s32 @!p0 s3, s7;
	s7 =	simm.s32 @!p0 $0x108  }
0x21: {  	s3 =	sadd.s32 s3, s9;
	s6 =	sadd.s32 @!p0 $0x88, s6;
	s7 =	simm.s32 @p2 $0x1082  }
0x22: {  	[simem:s7], [sflag:s8] =	dma.local @!p0 [hbm:s6], $0xF7A  }
0x23: {  	s9 =	sor.u32 $0xD0000000, s2;
	s6 =	simm.s32 $0x108;
	_ =	swait.ge @!p0 [sflag:s8], $0x0  }
0x24: {  	s3 =	sadd.s32 $0x88, s3;
	s6 =	simm.s32 @!p1 $0x1082;
	[sflag:s4] =	ssyncset.s32 $0xFFFFF086  }
0x25: {  	[simem:s6], [sflag:s4] =	dma.local [hbm:s3], $0xF7A  }
0x26: {  	[smem:$0x3F8B] =	sst s1;
	(tag) =	ssettag s2;
	_ =	strace s9  }
0x27: {  	s1 =	sld [smem:$0x3F9B]  }
0x28: {  	s2 =	sld [smem:$0x3F9C]  }
0x29: {  	s4 =	sld [smem:$0x3F9E]  }
0x2a: {  	p0 =	seq.s32 s5, $0x0;
	s5 =	sld [smem:$0x3F9F]  }
0x2b: {  	s6 =	sld [smem:$0x3FA0]  }
0x2c: {  	s7 =	sld [smem:$0x3FA1]  }
0x2d: {  	s3 =	simm.s32 $0x108;
	s8 =	sld [smem:$0x3FA2]  }
0x2e: {  	s3 =	simm.s32 @!p0 $0x1082;
	s9 =	sld [smem:$0x3FA3]  }
0x2f: {  	lr =	sadd.s32 s0, s3;
	s0 =	sld [smem:$0x3F9A]  }
0x30: {  	s3 =	sld [smem:$0x3F9D]  }
0x31: {  	[smem:$0x3FA6] =	sst s10  }
0x32: {  	s10 =	sld [smem:$0x3FA4];
	_ =	sdelay $0x3  }
0x33: {  	p0 =	seq.s32 s10, $0x1;
	s10 =	sld [smem:$0x3FA6];
	_ =	sdelay $0x3  }
0x34: {  	[smem:$0x3FA6] =	sst s10  }
0x35: {  	s10 =	sld [smem:$0x3FA5];
	_ =	sdelay $0x3  }
0x36: {  	p1 =	seq.s32 s10, $0x1;
	s10 =	sld [smem:$0x3FA6];
	_ =	sdelay $0x3  }
0x37: {  	[smem:$0x3FA6] =	sst s10  }
0x38: {  	s10 =	sld [smem:$0x3FA7]  }
0x39: {  	_ = 	snop;
	(pc) =	sbr.ind lr, $3  }
0x3a: {  	_ = 	snop  }
0x3b: {  	_ = 	snop  }
0x3c: {  	p2 =	seq.s32 s10, $0x1;
	s10 =	sld [smem:$0x3FA6]  }
0x3d: {  	_ =	shalt  }
0x3e: {  	_ =	shalt  }
0x3f: {  	_ =	shalt  }
0x40: {  	_ =	shalt  }
0x41: {  	_ =	shalt  }
0x42: {  	_ =	shalt  }
0x43: {  	_ =	shalt  }
0x44: {  	_ =	shalt  }
0x45: {  	_ =	shalt  }
0x46: {  	_ =	shalt  }
0x47: {  	_ =	shalt  }
0x48: {  	_ =	shalt  }
0x49: {  	_ =	shalt  }
0x4a: {  	_ =	shalt  }
0x4b: {  	_ =	shalt  }
0x4c: {  	_ =	shalt  }
0x4d: {  	_ =	shalt  }
0x4e: {  	_ =	shalt  }
0x4f: {  	_ =	shalt  }
0x50: {  	_ =	shalt  }
0x51: {  	_ =	shalt  }
0x52: {  	_ =	shalt  }
0x53: {  	_ =	shalt  }
0x54: {  	_ =	shalt  }
0x55: {  	_ =	shalt  }
0x56: {  	_ =	shalt  }
0x57: {  	_ =	shalt  }
0x58: {  	_ =	shalt  }
0x59: {  	_ =	shalt  }
0x5a: {  	_ =	shalt  }
0x5b: {  	_ =	shalt  }
0x5c: {  	_ =	shalt  }
0x5d: {  	_ =	shalt  }
0x5e: {  	_ =	shalt  }
0x5f: {  	_ =	shalt  }
0x60: {  	_ =	shalt  }
0x61: {  	_ =	shalt  }
0x62: {  	_ =	shalt  }
0x63: {  	_ =	shalt  }
0x64: {  	_ =	shalt  }
0x65: {  	_ =	shalt  }
0x66: {  	_ =	shalt  }
0x67: {  	_ =	shalt  }
0x68: {  	_ =	shalt  }
0x69: {  	_ =	shalt  }
0x6a: {  	_ =	shalt  }
0x6b: {  	_ =	shalt  }
0x6c: {  	_ =	shalt  }
0x6d: {  	_ =	shalt  }
0x6e: {  	_ =	shalt  }
0x6f: {  	_ =	shalt  }
0x70: {  	_ =	shalt  }
0x71: {  	_ =	shalt  }
0x72: {  	_ =	shalt  }
0x73: {  	_ =	shalt  }
0x74: {  	_ =	shalt  }
0x75: {  	_ =	shalt  }
0x76: {  	_ =	shalt  }
0x77: {  	_ =	shalt  }
0x78: {  	_ =	shalt  }
0x79: {  	_ =	shalt  }
0x7a: {  	_ =	shalt  }
0x7b: {  	_ =	shalt  }
0x7c: {  	_ =	shalt  }
0x7d: {  	_ =	shalt  }
0x7e: {  	_ =	shalt  }
0x7f: {  	_ =	shalt  }
0x80: {  	_ =	shalt  }
0x81: {  	_ =	shalt  }
0x82: {  	_ =	shalt  }
0x83: {  	_ =	shalt  }
0x84: {  	_ =	shalt  }
0x85: {  	_ =	shalt  }
0x86: {  	_ =	shalt  }
0x87: {  	_ =	shalt  }
.Lfunc_end0:
.L_simem_size_0:
called_computation.1_lowered:
.L_overlay_start_0:
0x88: {  	s2 =	sld [smem:$0x3FD9]  }
0x89: {  	s3 =	sld [smem:$0x3FFE];
	_ =	sdelay $0x1  }
0x8a: {  	s1 =	srdreg.scid  }
0x8b: {  	s0 =	sand.u32 $0x1, s1  }
0x8c: {  	s17 =	sshll.u32 s0, $0xA;
	s2 =	sadd.s32 s3, s2  }
0x8d: {  	s2 =	sadd.s32 s2, s17  }
0x8e: {  	[smem:$0x3FB2] =	sst s2  }
0x8f: {  	_ = 	snop  }
0x90: {  	(tm) =	ssettm $0x1  }
0x91: {  	s18 =	sld [smem:$0x3FFB];
	_ =	sdelay $0x3  }
0x92: {  	_ =	strace s18  }
0x93: {  	s2 =	sld [smem:$0x3FFC];
	_ =	sdelay $0x3  }
0x94: {  	_ =	strace s2  }
0x95: {  	s2 =	sld [smem:$0x3FFD];
	_ =	sdelay $0x3  }
0x96: {  	_ =	strace s2  }
0x97: {  	_ =	strace $0x8FFFFFFF  }
0x98: {  	s19 =	sld [smem:$0x3FDB];
	_ =	sdelay $0x1  }
0x99: {  	s20 =	simm.s32 $_scs_section_size  }
0x9a: {  	s4 =	simm.s32 $_size__tile_overlayer_lowered;
	s5 =	simm.s32 $_tile_overlayer_lowered  }
0x9b: {  	s6 =	simm.s32 $0x1BFF;
	s21 =	sshll.u32 s5, $0x1;
	s3 =	sadd.s32 s20, s19  }
0x9c: {  	s22 =	simm.s32 $0x0;
	s4 =	sshll.u32 s4, $0x1;
	s5 =	sadd.s32 s21, s3  }
0x9d: {  	[timem:s22], [sflag:s6] =	dma.local [hbm:s5], s4  }
0x9e: {  	_ =	swait.ge [sflag:s6], s4  }
0x9f: {  	s4 =	ssub.s32 $0x0, s4;
	[sflag:s6] =	ssyncset.done $0x0  }
0xa0: {  	[sflag:s6] =	ssyncadd.s32 s4;
	_ =	sdelay $0x1  }
0xa1: {  	s23 =	simm.s32 $0x1B8B  }
0xa2: {  	_ =	swait.ge [sflag:s23], $0x1  }
0xa3: {  	[sflag:s23] =	ssyncset.done $0x0  }
0xa4: {  	[sflag:s23] =	ssyncadd.s32 $0xFFFFFFFF  }
0xa5: {  	s4 =	sld [smem:$0x0]  }
0xa6: {  	s5 =	sand.u32 $0xFFFFFFFE, s1  }
0xa7: {  	p0 =	sne.s32 s1, s5  }
0xa8: {  	s5 =	sshll.u32 @p0 s5, $0xE  }
0xa9: {  	s5 =	sadd.s32 @p0 $0x11B8D, s5;
	s6 =	sshll.u32 @p0 s4, $0x11  }
0xaa: {  	s5 =	sor.u32 @p0 s6, s5  }
0xab: {  	[sflag:s5] =	ssyncadd.remote.s32 @p0 $0x1;
	_ =	sdelay $0x1  }
0xac: {  	s5 =	simm.s32 @p0 $0x1B8D  }
0xad: {  	_ =	swait.eq @p0 [sflag:s5], $0x1  }
0xae: {  	[sflag:s5] =	ssyncadd.s32 @p0 $0xFFFFFFFF  }
0xaf: {  	s6 =	sshll.u32 @!p0 s1, $0xE  }
0xb0: {  	s6 =	sor.u32 @!p0 $0x4000, s6;
	s5 =	simm.s32 @!p0 $0x1B8D  }
0xb1: {  	s4 =	sshll.u32 @!p0 s4, $0x11;
	s6 =	sadd.s32 @!p0 $0x11B8D, s6;
	_ =	swait.eq @!p0 [sflag:s5], $0x1  }
0xb2: {  	s4 =	sor.u32 @!p0 s4, s6;
	[sflag:s5] =	ssyncadd.s32 @!p0 $0xFFFFFFFF  }
0xb3: {  	s25 =	simm.s32 $0x1B8E;
	s24 =	sld [smem:$0x3FFE];
	[sflag:s4] =	ssyncadd.remote.s32 @!p0 $0x1  }
0xb4: {  	s26 =	simm.s32 $execute0_lowered;
	[smem:$0x3FD2] =	sst s25  }
0xb5: {  	s5 =	sshll.u32 s26, $0x1;
	_ =	strace $0x8000004C;
	[dreg:$0x1] =	wrdreg $0xFFFFFFFF  }
0xb6: {  	s28 =	simm.s32 $_size_execute0_lowered;
	s3 =	sadd.s32 s3, s5;
	[dreg:$0x0] =	wrdreg $0x0  }
0xb7: {  	s5 =	sshll.u32 s28, $0x1;
	[dreg:$0x2] =	wrdreg s3  }
0xb8: {  	[dreg:$0x3] =	wrdreg s5  }
0xb9: {  	[dreg:$0x4] =	wrdreg $0xC0  }
0xba: {  	_ =	task [dreg:s22], $0x5FFFF  }
0xbb: {  	[dreg:$0x1] =	wrdreg $0xFFFFFFFF  }
0xbc: {  	[dreg:$0x0] =	wrdreg $0x60  }
0xbd: {  	[dreg:$0x2] =	wrdreg s24  }
0xbe: {  	[dreg:$0x3] =	wrdreg $0x78000  }
0xbf: {  	[dreg:$0x4] =	wrdreg $0x9  }
0xc0: {  	_ =	task.clear_ibuf [dreg:s22], $0x5FFFF;
	_ =	strace $0x9000004C  }
0xc1: {  	s29 =	simm.s32 $0x9;
	_ =	strace $0x8000004E  }
0xc2: {  	_ =	swait.ge [sflag:s29], $0x1  }
0xc3: {  	[sflag:s29] =	ssyncadd.s32 $0xFFFFFFFF  }
0xc4: {  	_ =	strace $0x9000004E  }
0xc5: {  	_ =	sfence  }
0xc6: {  	s30 =	sld [smem:$0x0];
	_ =	sdelay $0x2  }
0xc7: {  	s31 =	sshll.u32 s1, $0xD;
	s1 =	sshrl.u32 s1, $0x2  }
0xc8: {  	s4 =	sand.u32 $0x4000, s31;
	s1 =	sadd.s32 s1, s30  }
0xc9: {  	s0 =	sor.u32 s4, s0;
	s1 =	sshll.u32 s1, $0x11  }
0xca: {  	s0 =	sor.u32 s1, s0  }
0xcb: {  	s0 =	sadd.s32 $0x8F2B, s0  }
0xcc: {  	[sflag:s0] =	ssyncadd.remote.s32 $0x1  }
0xcd: {  	_ =	sfence.sel $0xFFFF  }
0xce: {  	[dreg:$0x0] =	wrdreg $0xFFFFFFFF;
	(pc) =	sbr.abs _section_cstart, $3  }
0xcf: {  	[dreg:$0x1] =	wrdreg $0xFFFFFFFF  }
0xd0: {  	_ =	task.clear_ibuf [dreg:s22], $0x2FFFF;
	_ =	strace $0x9FFFFFFF  }
0xd1: {  	(tm) =	ssettm $0x7FFFFFFF  }
tec
execute0_lowered:
.L_overlay_start_1:
0x0: {  	(tag) =	ssettag $0x1  }
0x1: {  	s0 =	rddreg [dreg:$0x0]  }
0x2: {  	s2 =	rddreg [dreg:$0x1];
	s3 =	simm.s32 $0x0  }
0x3: {  	s4 =	srdreg.scid;
	s1 =	stileid.u32;
	s20 =	simm.s32 $0x5000  }
0x4: {  	s21 =	simm.s32 $0x1;
	s22 =	simm.s32 $0x50;
	s25 =	smul.u32 $0x50000, s1  }
0x5: {  	s23 =	simm.s32 $0x2;
	s15 =	sand.u32 $0x1, s4;
	s19 =	smul.u32 $0x2EE00, s1  }
0x6: {  	s28 =	simm.s32 $0x2500;
	s24 =	sshll.u32 s1, $0x1;
	s6 =	smul.u32 $0x28000, s15  }
0x7: {  	s29 =	simm.s32 $0x0;
	s12 =	sor.u32 s15, s24;
	s30 =	smul.u32 $0x17700, s15  }
0x8: {  	[smem:$0x7FF] =	sst s3;
	s16 =	sadd.s32 $0x9C5800, s0;
	s5 =	smul.u32 $0x500, s12  }
0x9: {  	_ =	strace $0x8000004D;
	s7 =	ssub.s32 $0x2, s15;
	s14 =	smul.u32 $0xBB800, s12  }
0xa: {  	s4 =	sshrl.u32 s25, $0x2;
	s26 =	sshrl.u32 s7, $0x1;
	s18 =	smul.u32 $0x17700, s12  }
0xb: {  	s25 =	smul.u32 $0x2800, s1;
	s31 =	sadd.s32 s19, s16;
	s19 =	simm.s32 $0x3  }
0xc: {  	s4 =	sadd.s32 s4, s2;
	s17 =	ssub.s32 s7, s26;
	s26 =	simm.s32 $0x2480  }
0xd: {  	s13 =	sadd.s32 s5, s0;
	s0 =	sadd.s32 s6, s0;
	s5 =	sadd.s32 $0x2800, s4  }
0xe: {  	s6 =	sadd.s32 $0x5000, s4;
	s7 =	sadd.s32 $0x7800, s4;
	s8 =	sadd.s32 $0xA000, s4  }
0xf: {  	s9 =	sadd.s32 $0xC800, s4;
	s10 =	sadd.s32 $0xF000, s4;
	s11 =	sadd.s32 $0x11800, s4  }
0x10: {  	s14 =	sshrl.u32 s14, $0x3;
	s15 =	smax.u32 s17, $0x1;
	s12 =	sadd.s32 $0x4600, s13  }
0x11: {  	s14 =	sadd.s32 s16, s14;
	s13 =	sadd.s32 s16, s18;
	s24 =	sadd.s32 $0x66A00, s0  }
0x12: {  	s0 =	sadd.s32 s30, s31;
	s18 =	simm.s32 $0x2800;
	s14 =	sadd.s32 $0x500, s14  }
0x13: {  	v0 =	vimm.f32 $0.0e+00;
	s16 =	sadd.s32 $0x17200, s13;
	s0 =	sadd.s32 $0xF00, s0;
	s24 =	sadd.s32 s25, s24  }
.LBB2_1:
0x14: {  	s17 =	simm.s32 $0x0;
	s30 =	simm.s32 $0x200  }
.LBB2_2:
0x15: {  	p0 =	sne.s32 s30, $0x9E00;
	[tilespmem:s17+$0x2870] =	vst v0  }
0x16: {  	[tilespmem:s17+$0x2800] =	vst v0  }
0x17: {  	[tilespmem:s17+$0x2810] =	vst v0  }
.Ltmp0:
0x18: {  	[tilespmem:s17+$0x2820] =	vst v0;
	(pc) =	sbr.rel @p0 .LBB2_2-.Ltmp0, $4  }
0x19: {  	[tilespmem:s17+$0x2830] =	vst v0  }
0x1a: {  	[tilespmem:s17+$0x2840] =	vst v0  }
0x1b: {  	[tilespmem:s17+$0x2850] =	vst v0  }
0x1c: {  	[tilespmem:s17+$0x2860] =	vst v0;
	s17 =	sshra.s32 s30, $0x2;
	s30 =	sadd.s32 $0x200, s30  }
0x1d: {  	[tilespmem:s17+$0x2870] =	vst v0  }
0x1e: {  	[tilespmem:s17+$0x2800] =	vst v0  }
0x1f: {  	[tilespmem:s17+$0x2810] =	vst v0  }
0x20: {  	[tilespmem:s17+$0x2820] =	vst v0  }
0x21: {  	[tilespmem:s17+$0x2830] =	vst v0  }
0x22: {  	[tilespmem:s17+$0x2840] =	vst v0  }
0x23: {  	[tilespmem:s17+$0x2850] =	vst v0  }
0x24: {  	[tilespmem:s17+$0x2860] =	vst v0  }
0x25: {  	[spmem:s4] =	stream.linear.scatter [tilespmem:s18], [sflag:$0x3], $0x2800, $0x38;
	[tilespmem:$0x1B800] =	vst v63  }
0x26: {  	_ =	swait.ge [sflag:s19], $0x2800  }
0x27: {  	[sflag:s19] =	ssyncset.done $0x0  }
0x28: {  	[sflag:s19] =	ssyncadd.s32 $0xFFFFD800  }
0x29: {  	[spmem:s5] =	stream.linear.scatter [tilespmem:s18], [sflag:$0x3], $0x2800, $0x38;
	[tilespmem:$0x1B800] =	vst v63  }
0x2a: {  	_ =	swait.ge [sflag:s19], $0x2800  }
0x2b: {  	[sflag:s19] =	ssyncset.done $0x0  }
0x2c: {  	[sflag:s19] =	ssyncadd.s32 $0xFFFFD800  }
0x2d: {  	[spmem:s6] =	stream.linear.scatter [tilespmem:s18], [sflag:$0x3], $0x2800, $0x38;
	[tilespmem:$0x1B800] =	vst v63  }
0x2e: {  	_ =	swait.ge [sflag:s19], $0x2800  }
0x2f: {  	[sflag:s19] =	ssyncset.done $0x0  }
0x30: {  	[sflag:s19] =	ssyncadd.s32 $0xFFFFD800  }
0x31: {  	[spmem:s7] =	stream.linear.scatter [tilespmem:s18], [sflag:$0x3], $0x2800, $0x38;
	[tilespmem:$0x1B800] =	vst v63  }
0x32: {  	_ =	swait.ge [sflag:s19], $0x2800  }
0x33: {  	[sflag:s19] =	ssyncset.done $0x0  }
0x34: {  	[sflag:s19] =	ssyncadd.s32 $0xFFFFD800  }
0x35: {  	[spmem:s8] =	stream.linear.scatter [tilespmem:s18], [sflag:$0x3], $0x2800, $0x38;
	[tilespmem:$0x1B800] =	vst v63  }
0x36: {  	_ =	swait.ge [sflag:s19], $0x2800  }
0x37: {  	[sflag:s19] =	ssyncset.done $0x0  }
0x38: {  	[sflag:s19] =	ssyncadd.s32 $0xFFFFD800  }
0x39: {  	[spmem:s9] =	stream.linear.scatter [tilespmem:s18], [sflag:$0x3], $0x2800, $0x38;
	[tilespmem:$0x1B800] =	vst v63  }
0x3a: {  	_ =	swait.ge [sflag:s19], $0x2800  }
0x3b: {  	[sflag:s19] =	ssyncset.done $0x0  }
0x3c: {  	[sflag:s19] =	ssyncadd.s32 $0xFFFFD800  }
0x3d: {  	[spmem:s10] =	stream.linear.scatter [tilespmem:s18], [sflag:$0x3], $0x2800, $0x38;
	[tilespmem:$0x1B800] =	vst v63  }
0x3e: {  	_ =	swait.ge [sflag:s19], $0x2800  }
0x3f: {  	[sflag:s19] =	ssyncset.done $0x0  }
0x40: {  	[sflag:s19] =	ssyncadd.s32 $0xFFFFD800  }
0x41: {  	[spmem:s11] =	stream.linear.scatter [tilespmem:s18], [sflag:$0x3], $0x2800, $0x38;
	[tilespmem:$0x1B800] =	vst v63  }
0x42: {  	_ =	swait.ge [sflag:s19], $0x2800  }
0x43: {  	[sflag:s19] =	ssyncset.done $0x0  }
0x44: {  	[sflag:s19] =	ssyncadd.s32 $0xFFFFD800  }
0x45: {  	s1 =	simm.s32 $0x0;
	[bflag:$0x0] =	sbarrier.arrive $0xFFFF  }
0x46: {  	[tilespmem:s1], [sflag:$0x3] =	stream.linear.gather [hbm4b:s12+s1], $0x2580, $0x38;
	[tilespmem:$0x1B800] =	vst v63  }
0x47: {  	_ =	swait.ge [sflag:s19], $0x2580  }
0x48: {  	[sflag:s19] =	ssyncset.done $0x0  }
0x49: {  	[sflag:s19] =	ssyncadd.s32 $0xFFFFDA80  }
0x4a: {  	[tilespmem:s18], [sflag:$0x1] =	stream.linear.gather [hbm4b:s13+s1], $0x2800, $0x38;
	[tilespmem:$0x1B800] =	vst v63  }
0x4b: {  	_ = 	snop  }
0x4c: {  	[tilespmem:s20], [sflag:$0x2] =	stream.linear.gather [hbm4b:s14+s1], $0x2800, $0x38;
	[tilespmem:$0x1B800] =	vst v63  }
0x4d: {  	_ =	swait.ge [sflag:s21], $0x2800  }
0x4e: {  	[sflag:s21] =	ssyncset.done $0x0  }
0x4f: {  	s25 =	simm.s32 $0x0;
	[sflag:s21] =	ssyncadd.s32 $0xFFFFD800  }
0x50: {  	[spmem:s2] =	stream.indirect.scatter.add.f32 [tilespmem:s18], [sflag:$0x3], $0x80, s25, s22, $0xb8;
	[tilespmem:$0x1B800] =	vst v63  }
0x51: {  	_ =	swait.ge [sflag:s19], $0x2800  }
0x52: {  	[sflag:s19] =	ssyncset.done $0x0  }
0x53: {  	s1 =	sadd.s32 $0xFFFFFB00, s0;
	[sflag:s19] =	ssyncadd.s32 $0xFFFFD800  }
0x54: {  	[tilespmem:s18], [sflag:$0x1] =	stream.linear.gather [hbm4b:s1+s3], $0x2800, $0x38;
	[tilespmem:$0x1B800] =	vst v63  }
0x55: {  	_ =	swait.ge [sflag:s23], $0x2800  }
0x56: {  	[sflag:s23] =	ssyncset.done $0x0  }
0x57: {  	s25 =	simm.s32 $0x80;
	[sflag:s23] =	ssyncadd.s32 $0xFFFFD800  }
0x58: {  	[spmem:s2] =	stream.indirect.scatter.add.f32 [tilespmem:s20], [sflag:$0x3], $0x80, s25, s22, $0xb8;
	[tilespmem:$0x1B800] =	vst v63  }
0x59: {  	_ =	swait.ge [sflag:s19], $0x2800  }
0x5a: {  	s30 =	simm.s32 $0x400;
	[sflag:s19] =	ssyncset.done $0x0  }
0x5b: {  	s31 =	sadd.s32 $0xA00, s0;
	s17 =	smov.u32 s0;
	[sflag:s19] =	ssyncadd.s32 $0xFFFFD800  }
.LBB2_4:
0x5c: {  	[tilespmem:s20], [sflag:$0x2] =	stream.linear.gather [hbm4b:s17+s3], $0x2800, $0x38;
	[tilespmem:$0x1B800] =	vst v63  }
0x5d: {  	s1 =	smov.u32 s30;
	s17 =	smov.u32 s31  }
0x5e: {  	p0 =	sne.s32 s30, $0x8C00;
	s30 =	sadd.s32 $0x400, s30;
	_ =	swait.ge [sflag:s21], $0x2800  }
0x5f: {  	[sflag:s21] =	ssyncset.done $0x0  }
0x60: {  	s1 =	sshra.s32 s1, $0x2;
	[sflag:s21] =	ssyncadd.s32 $0xFFFFD800  }
0x61: {  	[spmem:s2] =	stream.indirect.scatter.add.f32 [tilespmem:s18], [sflag:$0x3], $0x80, s1, s22, $0xb8;
	[tilespmem:$0x1B800] =	vst v63  }
0x62: {  	_ =	swait.ge [sflag:s19], $0x2800  }
0x63: {  	[sflag:s19] =	ssyncset.done $0x0  }
0x64: {  	s25 =	sadd.s32 $0xFFFFFB00, s31;
	[sflag:s19] =	ssyncadd.s32 $0xFFFFD800  }
0x65: {  	[tilespmem:s18], [sflag:$0x1] =	stream.linear.gather [hbm4b:s25+s3], $0x2800, $0x38;
	[tilespmem:$0x1B800] =	vst v63  }
0x66: {  	_ =	swait.ge [sflag:s23], $0x2800  }
0x67: {  	[sflag:s23] =	ssyncset.done $0x0  }
.Ltmp1:
0x68: {  	s1 =	sadd.s32 $0x80, s1;
	[sflag:s23] =	ssyncadd.s32 $0xFFFFD800;
	(pc) =	sbr.rel @p0 .LBB2_4-.Ltmp1, $4  }
0x69: {  	[spmem:s2] =	stream.indirect.scatter.add.f32 [tilespmem:s20], [sflag:$0x3], $0x80, s1, s22, $0xb8;
	[tilespmem:$0x1B800] =	vst v63  }
0x6a: {  	_ =	swait.ge [sflag:s19], $0x2800  }
0x6b: {  	[sflag:s19] =	ssyncset.done $0x0  }
0x6c: {  	s31 =	sadd.s32 $0xA00, s31;
	[sflag:s19] =	ssyncadd.s32 $0xFFFFD800  }
0x6d: {  	[tilespmem:s20], [sflag:$0x2] =	stream.linear.gather [hbm4b:s17+s3], $0x2800, $0x38;
	[tilespmem:$0x1B800] =	vst v63  }
0x6e: {  	_ =	swait.ge [sflag:s21], $0x2800  }
0x6f: {  	[sflag:s21] =	ssyncset.done $0x0  }
0x70: {  	s1 =	simm.s32 $0x2400;
	[sflag:s21] =	ssyncadd.s32 $0xFFFFD800  }
0x71: {  	[spmem:s2] =	stream.indirect.scatter.add.f32 [tilespmem:s18], [sflag:$0x3], $0x80, s1, s22, $0xb8;
	[tilespmem:$0x1B800] =	vst v63  }
0x72: {  	_ =	swait.ge [sflag:s19], $0x2800  }
0x73: {  	[sflag:s19] =	ssyncset.done $0x0  }
0x74: {  	[sflag:s19] =	ssyncadd.s32 $0xFFFFD800  }
0x75: {  	[tilespmem:s18], [sflag:$0x1] =	stream.linear.gather [hbm4b:s16+s3], $0x2800, $0x38;
	[tilespmem:$0x1B800] =	vst v63  }
0x76: {  	_ =	swait.ge [sflag:s23], $0x2800  }
0x77: {  	[sflag:s23] =	ssyncset.done $0x0  }
0x78: {  	[sflag:s23] =	ssyncadd.s32 $0xFFFFD800  }
0x79: {  	[spmem:s2] =	stream.indirect.scatter.add.f32 [tilespmem:s20], [sflag:$0x3], $0x80, s26, s22, $0xb8;
	[tilespmem:$0x1B800] =	vst v63  }
0x7a: {  	_ =	swait.ge [sflag:s19], $0x2800  }
0x7b: {  	[sflag:s19] =	ssyncset.done $0x0  }
0x7c: {  	[sflag:s19] =	ssyncadd.s32 $0xFFFFD800  }
0x7d: {  	_ =	swait.ge [sflag:s21], $0x2800  }
0x7e: {  	[sflag:s21] =	ssyncset.done $0x0  }
0x7f: {  	[sflag:s21] =	ssyncadd.s32 $0xFFFFD800  }
0x80: {  	[spmem:s2] =	stream.indirect.scatter.add.f32 [tilespmem:s18], [sflag:$0x3], $0x80, s28, s22, $0xb8;
	[tilespmem:$0x1B800] =	vst v63  }
0x81: {  	s30 =	stileid.u32;
	_ =	swait.ge [sflag:s19], $0x2800  }
0x82: {  	s31 =	sshrl.u32 s4, $0x3;
	s29 =	sadd.s32 $0x1, s29;
	[sflag:s19] =	ssyncset.done $0x0  }
0x83: {  	p0 =	sne.s32 s29, s15;
	s1 =	sshll.u32 s30, $0x6;
	[sflag:s19] =	ssyncadd.s32 $0xFFFFD800  }
.Ltmp2:
0x84: {  	s1 =	sor.u32 $0x1C03, s1;
	[bflag:$0x0] =	sbarrier.arrive $0xFFFF;
	(pc) =	sbr.rel @p0 .LBB2_1-.Ltmp2, $4  }
0x85: {  	[hbm:s24], [sflag:s1] =	dma.local [spmem:s31], $0x2800  }
0x86: {  	_ =	swait.ge [sflag:s19], $0x2800  }
0x87: {  	[sflag:s19] =	ssyncset.done $0x0  }
0x88: {  	[sflag:s19] =	ssyncadd.s32 $0xFFFFD800  }
0x89: {  	_ =	sfence.sel $0x180000  }
0x8a: {  	[bflag:$0x0] =	sbarrier.arrive $0xFFFF  }
0x8b: {  	_ =	strace $0x9000004D  }
0x8c: {  	s0 =	stileid.u32;
	[bflag:$0x2] =	sbarrier.arrive $0xFFFF  }
0x8d: {  	p0 =	sne.s32 s0, $0x0;
	s0 =	rddreg [dreg:$0x2]  }
0x8e: {  	s0 =	sadd.s32 @!p0 $0x100000, s0  }
0x8f: {  	[sflag:s0] =	ssyncadd.tile.s32 @!p0 $0x1;
	_ =	shalt  }
.Lfunc_end2:
_tile_overlayer_lowered:
.L_overlay_start_2:
0x90: {  	(tag) =	ssettag $0x2  }
0x91: {  	s0 =	rddreg [dreg:$0x0];
	s2 =	stileid.u32  }
0x92: {  	s1 =	rddreg [dreg:$0x1];
	p0 =	sne.s32 s2, $0x0  }
0x93: {  	s3 =	rddreg [dreg:$0x2];
	[bflag:$0x3] =	sbarrier.arrive $0xFFFF;
	s2 =	simm.s32 @!p0 $0x1C03  }
0x94: {  	[timem:s3], [sflag:s2] =	dma.local @!p0 [hbm:s0], s1  }
0x95: {  	s0 =	simm.s32 @!p0 $0x3  }
0x96: {  	_ =	swait.ge @!p0 [sflag:s0], s1  }
0x97: {  	s1 =	ssub.s32 @!p0 $0x0, s1;
	[sflag:s0] =	ssyncset.done @!p0 $0x0  }
0x98: {  	[sflag:s0] =	ssyncadd.s32 @!p0 s1  }
0x99: {  	[bflag:$0x3] =	sbarrier.arrive $0xFFFF  }
0x9a: {  	_ =	shalt  }

// kernel: kernel.17.cloned.1.call-start
scs
__scs_entry_jumppad:
0x0: {  	(pc) =	sbr.rel $0x88, $3  }
0x1: {  	(tag) =	ssettag $0x0;
	lr =	simm.s32 $0x1  }
0x2: {  	[smem:$0x3F8B] =	sst lr;
	_ =	strace $0xD0000000  }
0x3: {  	_ = 	snop  }
0x4: {  	_ = 	snop  }
0x5: {  	_ = 	snop  }
0x6: {  	_ = 	snop  }
0x7: {  	_ = 	snop  }
__scs_overlays_trampoline_lowered:
0x8: {  	[smem:$0x3F9A] =	sst s0  }
0x9: {  	[smem:$0x3F9B] =	sst s1  }
0xa: {  	[smem:$0x3F9C] =	sst s2  }
0xb: {  	[smem:$0x3F9D] =	sst s3  }
0xc: {  	[smem:$0x3F9E] =	sst s4  }
0xd: {  	[smem:$0x3F9F] =	sst s5  }
0xe: {  	[smem:$0x3FA0] =	sst s6  }
0xf: {  	[smem:$0x3FA1] =	sst s7  }
0x10: {  	[smem:$0x3FA2] =	sst s8  }
0x11: {  	[smem:$0x3FA3] =	sst s9;
	s0 =	simm.s32 @!p0 $0x0  }
0x12: {  	s1 =	sld [smem:$0x3F89];
	s0 =	simm.s32 @p0 $0x1  }
0x13: {  	[smem:$0x3FA4] =	sst s0;
	s0 =	simm.s32 @!p1 $0x0  }
0x14: {  	s2 =	sld [smem:$0x3F88];
	s0 =	simm.s32 @p1 $0x1  }
0x15: {  	[smem:$0x3FA5] =	sst s0;
	s0 =	simm.s32 @!p2 $0x0  }
0x16: {  	s3 =	sld [smem:$0x3FDB];
	s0 =	simm.s32 @p2 $0x1  }
0x17: {  	s4 =	simm.s32 $0x1BF5;
	[smem:$0x3FA7] =	sst s0  }
0x18: {  	s0 =	sld [smem:$0x3F8A];
	_ =	swait.ge [sflag:s4], $0x0  }
0x19: {  	s7 =	sld [smem:$0x3F8B]  }
0x1a: {  	s8 =	sadd.s32 $0xFFFFE003, lr  }
0x1b: {  	s9 =	sadd.s32 $0xFFFFFEF7, lr;
	s5 =	simm.s32 $0xFFFFFFFF;
	p2 =	slt.u32 s8, $0xFFFFF086  }
0x1c: {  	p1 =	slt.u32 s9, $0xF7A;
	s5 =	simm.s32 @!p2 $0x0  }
0x1d: {  	s5 =	simm.s32 @p1 $0x1;
	p0 =	seq.s32 s7, s2  }
0x1e: {  	s7 =	smul.u32 @!p0 $0xF7A, s2;
	p2 =	seq.s32 @!p0 s5, $0x0  }
0x1f: {  	s9 =	smul.u32 $0xF7A, s1;
	s8 =	simm.s32 @!p0 $0x1BF5;
	p2 =	por !p2, p0  }
0x20: {  	[sflag:s8] =	ssyncset.s32 @!p0 $0xFFFFF086;
	s6 =	sadd.s32 @!p0 s3, s7;
	s7 =	simm.s32 @!p0 $0x108  }
0x21: {  	s3 =	sadd.s32 s3, s9;
	s6 =	sadd.s32 @!p0 $0x88, s6;
	s7 =	simm.s32 @p2 $0x1082  }
0x22: {  	[simem:s7], [sflag:s8] =	dma.local @!p0 [hbm:s6], $0xF7A  }
0x23: {  	s9 =	sor.u32 $0xD0000000, s2;
	s6 =	simm.s32 $0x108;
	_ =	swait.ge @!p0 [sflag:s8], $0x0  }
0x24: {  	s3 =	sadd.s32 $0x88, s3;
	s6 =	simm.s32 @!p1 $0x1082;
	[sflag:s4] =	ssyncset.s32 $0xFFFFF086  }
0x25: {  	[simem:s6], [sflag:s4] =	dma.local [hbm:s3], $0xF7A  }
0x26: {  	[smem:$0x3F8B] =	sst s1;
	(tag) =	ssettag s2;
	_ =	strace s9  }
0x27: {  	s1 =	sld [smem:$0x3F9B]  }
0x28: {  	s2 =	sld [smem:$0x3F9C]  }
0x29: {  	s4 =	sld [smem:$0x3F9E]  }
0x2a: {  	p0 =	seq.s32 s5, $0x0;
	s5 =	sld [smem:$0x3F9F]  }
0x2b: {  	s6 =	sld [smem:$0x3FA0]  }
0x2c: {  	s7 =	sld [smem:$0x3FA1]  }
0x2d: {  	s3 =	simm.s32 $0x108;
	s8 =	sld [smem:$0x3FA2]  }
0x2e: {  	s3 =	simm.s32 @!p0 $0x1082;
	s9 =	sld [smem:$0x3FA3]  }
0x2f: {  	lr =	sadd.s32 s0, s3;
	s0 =	sld [smem:$0x3F9A]  }
0x30: {  	s3 =	sld [smem:$0x3F9D]  }
0x31: {  	[smem:$0x3FA6] =	sst s10  }
0x32: {  	s10 =	sld [smem:$0x3FA4];
	_ =	sdelay $0x3  }
0x33: {  	p0 =	seq.s32 s10, $0x1;
	s10 =	sld [smem:$0x3FA6];
	_ =	sdelay $0x3  }
0x34: {  	[smem:$0x3FA6] =	sst s10  }
0x35: {  	s10 =	sld [smem:$0x3FA5];
	_ =	sdelay $0x3  }
0x36: {  	p1 =	seq.s32 s10, $0x1;
	s10 =	sld [smem:$0x3FA6];
	_ =	sdelay $0x3  }
0x37: {  	[smem:$0x3FA6] =	sst s10  }
0x38: {  	s10 =	sld [smem:$0x3FA7]  }
0x39: {  	_ = 	snop;
	(pc) =	sbr.ind lr, $3  }
0x3a: {  	_ = 	snop  }
0x3b: {  	_ = 	snop  }
0x3c: {  	p2 =	seq.s32 s10, $0x1;
	s10 =	sld [smem:$0x3FA6]  }
0x3d: {  	_ =	shalt  }
0x3e: {  	_ =	shalt  }
0x3f: {  	_ =	shalt  }
0x40: {  	_ =	shalt  }
0x41: {  	_ =	shalt  }
0x42: {  	_ =	shalt  }
0x43: {  	_ =	shalt  }
0x44: {  	_ =	shalt  }
0x45: {  	_ =	shalt  }
0x46: {  	_ =	shalt  }
0x47: {  	_ =	shalt  }
0x48: {  	_ =	shalt  }
0x49: {  	_ =	shalt  }
0x4a: {  	_ =	shalt  }
0x4b: {  	_ =	shalt  }
0x4c: {  	_ =	shalt  }
0x4d: {  	_ =	shalt  }
0x4e: {  	_ =	shalt  }
0x4f: {  	_ =	shalt  }
0x50: {  	_ =	shalt  }
0x51: {  	_ =	shalt  }
0x52: {  	_ =	shalt  }
0x53: {  	_ =	shalt  }
0x54: {  	_ =	shalt  }
0x55: {  	_ =	shalt  }
0x56: {  	_ =	shalt  }
0x57: {  	_ =	shalt  }
0x58: {  	_ =	shalt  }
0x59: {  	_ =	shalt  }
0x5a: {  	_ =	shalt  }
0x5b: {  	_ =	shalt  }
0x5c: {  	_ =	shalt  }
0x5d: {  	_ =	shalt  }
0x5e: {  	_ =	shalt  }
0x5f: {  	_ =	shalt  }
0x60: {  	_ =	shalt  }
0x61: {  	_ =	shalt  }
0x62: {  	_ =	shalt  }
0x63: {  	_ =	shalt  }
0x64: {  	_ =	shalt  }
0x65: {  	_ =	shalt  }
0x66: {  	_ =	shalt  }
0x67: {  	_ =	shalt  }
0x68: {  	_ =	shalt  }
0x69: {  	_ =	shalt  }
0x6a: {  	_ =	shalt  }
0x6b: {  	_ =	shalt  }
0x6c: {  	_ =	shalt  }
0x6d: {  	_ =	shalt  }
0x6e: {  	_ =	shalt  }
0x6f: {  	_ =	shalt  }
0x70: {  	_ =	shalt  }
0x71: {  	_ =	shalt  }
0x72: {  	_ =	shalt  }
0x73: {  	_ =	shalt  }
0x74: {  	_ =	shalt  }
0x75: {  	_ =	shalt  }
0x76: {  	_ =	shalt  }
0x77: {  	_ =	shalt  }
0x78: {  	_ =	shalt  }
0x79: {  	_ =	shalt  }
0x7a: {  	_ =	shalt  }
0x7b: {  	_ =	shalt  }
0x7c: {  	_ =	shalt  }
0x7d: {  	_ =	shalt  }
0x7e: {  	_ =	shalt  }
0x7f: {  	_ =	shalt  }
0x80: {  	_ =	shalt  }
0x81: {  	_ =	shalt  }
0x82: {  	_ =	shalt  }
0x83: {  	_ =	shalt  }
0x84: {  	_ =	shalt  }
0x85: {  	_ =	shalt  }
0x86: {  	_ =	shalt  }
0x87: {  	_ =	shalt  }
.Lfunc_end0:
.L_simem_size_0:
called_computation.2_lowered:
.L_overlay_start_0:
0x88: {  	s2 =	sld [smem:$0x3FD9]  }
0x89: {  	s3 =	sld [smem:$0x3FFE];
	_ =	sdelay $0x1  }
0x8a: {  	s1 =	srdreg.scid  }
0x8b: {  	s0 =	sand.u32 $0x1, s1  }
0x8c: {  	s17 =	sshll.u32 s0, $0xA;
	s2 =	sadd.s32 s3, s2  }
0x8d: {  	s2 =	sadd.s32 s2, s17  }
0x8e: {  	[smem:$0x3FB2] =	sst s2  }
0x8f: {  	_ = 	snop  }
0x90: {  	s18 =	sld [smem:$0x3FD0];
	(tm) =	ssettm $0x1  }
0x91: {  	s19 =	sld [smem:$0x3FFB];
	_ =	sdelay $0x3  }
0x92: {  	_ =	strace s19  }
0x93: {  	s2 =	sld [smem:$0x3FFC];
	_ =	sdelay $0x3  }
0x94: {  	_ =	strace s2  }
0x95: {  	s2 =	sld [smem:$0x3FFD];
	_ =	sdelay $0x3  }
0x96: {  	_ =	strace s2  }
0x97: {  	_ =	strace $0x8FFFFFFF  }
0x98: {  	s20 =	sld [smem:$0x3FDB];
	_ =	sdelay $0x1  }
0x99: {  	s4 =	simm.s32 $_scs_section_size  }
0x9a: {  	s5 =	simm.s32 $_size__tile_overlayer_lowered;
	s6 =	simm.s32 $_tile_overlayer_lowered  }
0x9b: {  	s7 =	simm.s32 $0x1BFF;
	s21 =	sshll.u32 s6, $0x1;
	s4 =	sadd.s32 s4, s20  }
0x9c: {  	s22 =	simm.s32 $0x0;
	s5 =	sshll.u32 s5, $0x1;
	s6 =	sadd.s32 s21, s4  }
0x9d: {  	[timem:s22], [sflag:s7] =	dma.local [hbm:s6], s5  }
0x9e: {  	_ =	swait.ge [sflag:s7], s5  }
0x9f: {  	s5 =	ssub.s32 $0x0, s5;
	[sflag:s7] =	ssyncset.done $0x0  }
0xa0: {  	[sflag:s7] =	ssyncadd.s32 s5;
	_ =	sdelay $0x1  }
0xa1: {  	s23 =	simm.s32 $0x1B8B  }
0xa2: {  	_ =	swait.ge [sflag:s23], $0x1  }
0xa3: {  	[sflag:s23] =	ssyncset.done $0x0  }
0xa4: {  	[sflag:s23] =	ssyncadd.s32 $0xFFFFFFFF  }
0xa5: {  	s5 =	sld [smem:$0x0]  }
0xa6: {  	s6 =	sand.u32 $0xFFFFFFFE, s1  }
0xa7: {  	p0 =	sne.s32 s1, s6  }
0xa8: {  	s6 =	sshll.u32 @p0 s6, $0xE  }
0xa9: {  	s6 =	sadd.s32 @p0 $0x11B8D, s6;
	s7 =	sshll.u32 @p0 s5, $0x11  }
0xaa: {  	s6 =	sor.u32 @p0 s7, s6  }
0xab: {  	[sflag:s6] =	ssyncadd.remote.s32 @p0 $0x1;
	_ =	sdelay $0x1  }
0xac: {  	s6 =	simm.s32 @p0 $0x1B8D  }
0xad: {  	_ =	swait.eq @p0 [sflag:s6], $0x1  }
0xae: {  	[sflag:s6] =	ssyncadd.s32 @p0 $0xFFFFFFFF  }
0xaf: {  	s7 =	sshll.u32 @!p0 s1, $0xE  }
0xb0: {  	s7 =	sor.u32 @!p0 $0x4000, s7;
	s6 =	simm.s32 @!p0 $0x1B8D  }
0xb1: {  	s5 =	sshll.u32 @!p0 s5, $0x11;
	s7 =	sadd.s32 @!p0 $0x11B8D, s7;
	_ =	swait.eq @!p0 [sflag:s6], $0x1  }
0xb2: {  	s5 =	sor.u32 @!p0 s5, s7;
	[sflag:s6] =	ssyncadd.s32 @!p0 $0xFFFFFFFF  }
0xb3: {  	s25 =	simm.s32 $0x1B8E;
	s24 =	sld [smem:$0x3FFE];
	[sflag:s5] =	ssyncadd.remote.s32 @!p0 $0x1  }
0xb4: {  	s26 =	simm.s32 $execute0_lowered;
	[smem:$0x3FD2] =	sst s25  }
0xb5: {  	s6 =	sshll.u32 s26, $0x1;
	_ =	strace $0x80000049;
	[dreg:$0x1] =	wrdreg $0xFFFFFFFF  }
0xb6: {  	s28 =	simm.s32 $_size_execute0_lowered;
	s4 =	sadd.s32 s4, s6;
	[dreg:$0x0] =	wrdreg $0x0  }
0xb7: {  	s6 =	sshll.u32 s28, $0x1;
	[dreg:$0x2] =	wrdreg s4  }
0xb8: {  	[dreg:$0x3] =	wrdreg s6  }
0xb9: {  	[dreg:$0x4] =	wrdreg $0xC0  }
0xba: {  	_ =	task [dreg:s22], $0x5FFFF  }
0xbb: {  	[dreg:$0x1] =	wrdreg $0xFFFFFFFF  }
0xbc: {  	[dreg:$0x0] =	wrdreg $0x60  }
0xbd: {  	[dreg:$0x2] =	wrdreg s24  }
0xbe: {  	[dreg:$0x3] =	wrdreg s18  }
0xbf: {  	[dreg:$0x4] =	wrdreg $0xA  }
0xc0: {  	_ =	task.clear_ibuf [dreg:s22], $0x5FFFF;
	_ =	strace $0x90000049  }
0xc1: {  	s29 =	simm.s32 $0xA;
	_ =	strace $0x8000004B  }
0xc2: {  	_ =	swait.ge [sflag:s29], $0x1  }
0xc3: {  	[sflag:s29] =	ssyncadd.s32 $0xFFFFFFFF  }
0xc4: {  	_ =	strace $0x9000004B  }
0xc5: {  	_ =	sfence  }
0xc6: {  	s30 =	sld [smem:$0x0];
	_ =	sdelay $0x2  }
0xc7: {  	s31 =	sshll.u32 s1, $0xD;
	s1 =	sshrl.u32 s1, $0x2  }
0xc8: {  	s4 =	sand.u32 $0x4000, s31;
	s1 =	sadd.s32 s1, s30  }
0xc9: {  	s0 =	sor.u32 s4, s0;
	s1 =	sshll.u32 s1, $0x11  }
0xca: {  	s0 =	sor.u32 s1, s0  }
0xcb: {  	s0 =	sadd.s32 $0x8F2B, s0  }
0xcc: {  	[sflag:s0] =	ssyncadd.remote.s32 $0x1  }
0xcd: {  	_ =	sfence.sel $0xFFFF  }
0xce: {  	[dreg:$0x0] =	wrdreg $0xFFFFFFFF;
	(pc) =	sbr.abs _section_cstart, $3  }
0xcf: {  	[dreg:$0x1] =	wrdreg $0xFFFFFFFF  }
0xd0: {  	_ =	task.clear_ibuf [dreg:s22], $0x2FFFF;
	_ =	strace $0x9FFFFFFF  }
0xd1: {  	(tm) =	ssettm $0x7FFFFFFF  }
tec
execute0_lowered:
.L_overlay_start_1:
0x0: {  	(tag) =	ssettag $0x1  }
0x1: {  	s0 =	rddreg [dreg:$0x0];
	s1 =	srdreg.scid  }
0x2: {  	s2 =	stileid.u32;
	s3 =	simm.s32 $0x0;
	s16 =	simm.s32 $0x5  }
0x3: {  	s18 =	simm.s32 $0x3800;
	s19 =	simm.s32 $0x5F80;
	s20 =	simm.s32 $0x8700  }
0x4: {  	s21 =	simm.s32 $0x50;
	s22 =	simm.s32 $0xAE80;
	s23 =	simm.s32 $0xD680  }
0x5: {  	s28 =	simm.s32 $0x12680;
	s29 =	simm.s32 $0x1;
	s30 =	simm.s32 $0x2  }
0x6: {  	s31 =	simm.s32 $0x3;
	s1 =	sand.u32 $0x1, s1;
	s2 =	sshll.u32 s2, $0x1  }
0x7: {  	[smem:$0x7FF] =	sst s3;
	s4 =	sadd.s32 $0x18600, s0;
	s5 =	sadd.s32 $0x3F800, s0  }
0x8: {  	s8 =	sadd.s32 $0x4000, s0;
	s9 =	sadd.s32 $0x36C800, s0;
	s2 =	sor.u32 s1, s2  }
0x9: {  	s24 =	sadd.s32 $0x3A00, s0;
	_ =	strace $0x8000004A;
	s7 =	smul.u32 $0x380, s2  }
0xa: {  	[dreg:$0x3] =	wrdreg s8;
	s1 =	ssub.s32 $0x2, s1;
	s6 =	smul.u32 $0xFA0, s2  }
0xb: {  	[dreg:$0x4] =	wrdreg s24;
	s2 =	smul.u32 $0x7D000, s2;
	s26 =	sshrl.u32 s1, $0x1  }
0xc: {  	s1 =	ssub.s32 s1, s26;
	s7 =	sadd.s32 s7, s0;
	s25 =	sshrl.u32 s6, $0x3  }
0xd: {  	s2 =	sshrl.u32 s2, $0x3;
	s15 =	smax.u32 s1, $0x1;
	s0 =	sadd.s32 s25, s0  }
0xe: {  	s10 =	sadd.s32 $0x361800, s7;
	s2 =	sadd.s32 s9, s2;
	s11 =	sadd.s32 $0x35A800, s7  }
0xf: {  	s25 =	simm.s32 $0xFE80;
	s12 =	sadd.s32 $0xF000, s2;
	s13 =	sadd.s32 $0xF500, s2  }
0x10: {  	s14 =	sadd.s32 $0x368800, s0;
	s0 =	simm.s32 $0x4;
	s2 =	simm.s32 $0x0  }
.LBB2_1:
0x11: {  	[tilespmem:s3], [sflag:$0x5] =	stream.linear.gather [hbm4b:s10+s3], $0x1900, $0x38;
	[tilespmem:$0x15E80] =	vst v63  }
0x12: {  	_ =	swait.ge [sflag:s16], $0x1900  }
0x13: {  	[sflag:s16] =	ssyncset.done $0x0  }
0x14: {  	s7 =	simm.s32 $0x1C00;
	[sflag:s16] =	ssyncadd.s32 $0xFFFFE700  }
0x15: {  	[tilespmem:s7], [sflag:$0x5] =	stream.linear.gather [hbm4b:s11+s3], $0x1900, $0x38;
	[tilespmem:$0x15E80] =	vst v63  }
0x16: {  	_ =	swait.ge [sflag:s16], $0x1900  }
0x17: {  	[sflag:s16] =	ssyncset.done $0x0  }
0x18: {  	s1 =	rddreg [dreg:$0x3];
	[sflag:s16] =	ssyncadd.s32 $0xFFFFE700  }
0x19: {  	[tilespmem:s18], [sflag:$0x5] =	stream.linear.gather [hbm4b:s1+s3], $0x2780, $0x38;
	[tilespmem:$0x15E80] =	vst v63  }
0x1a: {  	_ =	swait.ge [sflag:s16], $0x2780  }
0x1b: {  	[sflag:s16] =	ssyncset.done $0x0  }
0x1c: {  	s8 =	rddreg [dreg:$0x4];
	[sflag:s16] =	ssyncadd.s32 $0xFFFFD880  }
0x1d: {  	[tilespmem:s19], [sflag:$0x5] =	stream.linear.gather [hbm4b:s8+s3], $0x2780, $0x38;
	[tilespmem:$0x15E80] =	vst v63  }
0x1e: {  	_ =	swait.ge [sflag:s16], $0x2780  }
0x1f: {  	[sflag:s16] =	ssyncset.done $0x0  }
0x20: {  	[sflag:s16] =	ssyncadd.s32 $0xFFFFD880  }
0x21: {  	s17 =	rddreg [dreg:$0x1]  }
0x22: {  	[tilespmem:s20], [sflag:$0x5] =	stream.linear.gather [hbm4b:s17+s3], $0x2780, $0x38;
	[tilespmem:$0x15E80] =	vst v63  }
0x23: {  	_ =	swait.ge [sflag:s16], $0x2780  }
0x24: {  	[sflag:s16] =	ssyncset.done $0x0  }
0x25: {  	[sflag:s16] =	ssyncadd.s32 $0xFFFFD880  }
0x26: {  	[tilespmem:s22], [sflag:$0x1] =	stream.indirect.gather [hbm4b:s4+s21], $0x80, s7, s21, $0xb8;
	[tilespmem:$0x15E80] =	vst v63  }
0x27: {  	_ = 	snop  }
0x28: {  	[tilespmem:s23], [sflag:$0x2] =	stream.indirect.gather [hbm4b:s5+s21], $0x80, s3, s21, $0xb8;
	[tilespmem:$0x15E80] =	vst v63  }
0x29: {  	s24 =	simm.s32 $0x1C80  }
0x2a: {  	[tilespmem:s25], [sflag:$0x3] =	stream.indirect.gather [hbm4b:s4+s21], $0x80, s24, s21, $0xb8;
	[tilespmem:$0x15E80] =	vst v63  }
0x2b: {  	s26 =	simm.s32 $0x80;
	s24 =	simm.s32 $0x0  }
0x2c: {  	[tilespmem:s28], [sflag:$0x4] =	stream.indirect.gather [hbm4b:s5+s21], $0x80, s26, s21, $0xb8;
	[tilespmem:$0x15E80] =	vst v63  }
.LBB2_2:
0x2d: {  	s26 =	sshll.u32 s24, $0x8  }
0x2e: {  	v0 =	vld [tilespmem:s26+$0x1C00]  }
0x2f: {  	v1 =	vld [tilespmem:s26+$0x0];
	_ =	sdelay $0x6  }
0x30: {  	v2 =	vld.idx.msk [tilespmem:v0+s18+$0x0], $0xffff  }
0x31: {  	v3 =	vld.idx.msk [tilespmem:v1+s18+$0x0], $0xffff  }
0x32: {  	v4 =	vld.idx.msk [tilespmem:v0+s19+$0x0], $0xffff  }
0x33: {  	v5 =	vld.idx.msk [tilespmem:v1+s19+$0x0], $0xffff  }
0x34: {  	v0 =	vld.idx.msk [tilespmem:v0+s20+$0x0], $0xffff  }
0x35: {  	v1 =	vld.idx.msk [tilespmem:v1+s20+$0x0], $0xffff;
	_ =	sdelay $0x2  }
0x36: {  	v2 =	vsub.f32 v2, v3;
	v3 =	vsub.f32 v4, v5;
	_ =	sdelay $0x1  }
0x37: {  	v0 =	vsub.f32 v0, v1;
	v1 =	vmul.f32 v2, v2;
	v2 =	vmul.f32 v3, v3;
	_ =	sdelay $0x1  }
0x38: {  	v0 =	vmul.f32 v0, v0;
	v1 =	vadd.f32 v2, v1;
	_ =	sdelay $0x1  }
0x39: {  	s1 =	smul.u32 $0xA0, s24;
	v0 =	vadd.f32 v0, v1;
	_ =	sdelay $0x1  }
0x3a: {  	[tilespmem:s1+$0x14E80] =	vst v0  }
0x3b: {  	v0 =	vld [tilespmem:s26+$0x1C10]  }
0x3c: {  	v1 =	vld [tilespmem:s26+$0x10];
	_ =	sdelay $0x6  }
0x3d: {  	v2 =	vld.idx.msk [tilespmem:v0+s18+$0x0], $0xffff  }
0x3e: {  	v3 =	vld.idx.msk [tilespmem:v1+s18+$0x0], $0xffff  }
0x3f: {  	v4 =	vld.idx.msk [tilespmem:v0+s19+$0x0], $0xffff  }
0x40: {  	v5 =	vld.idx.msk [tilespmem:v1+s19+$0x0], $0xffff  }
0x41: {  	v0 =	vld.idx.msk [tilespmem:v0+s20+$0x0], $0xffff  }
0x42: {  	v1 =	vld.idx.msk [tilespmem:v1+s20+$0x0], $0xffff;
	_ =	sdelay $0x2  }
0x43: {  	v2 =	vsub.f32 v2, v3;
	v3 =	vsub.f32 v4, v5;
	_ =	sdelay $0x1  }
0x44: {  	v0 =	vsub.f32 v0, v1;
	v1 =	vmul.f32 v2, v2;
	v2 =	vmul.f32 v3, v3;
	_ =	sdelay $0x1  }
0x45: {  	v0 =	vmul.f32 v0, v0;
	v1 =	vadd.f32 v2, v1;
	_ =	sdelay $0x1  }
0x46: {  	v0 =	vadd.f32 v0, v1;
	_ =	sdelay $0x1  }
0x47: {  	[tilespmem:s1+$0x14E90] =	vst v0  }
0x48: {  	v0 =	vld [tilespmem:s26+$0x1C20]  }
0x49: {  	v1 =	vld [tilespmem:s26+$0x20];
	_ =	sdelay $0x6  }
0x4a: {  	v2 =	vld.idx.msk [tilespmem:v0+s18+$0x0], $0xffff  }
0x4b: {  	v3 =	vld.idx.msk [tilespmem:v1+s18+$0x0], $0xffff  }
0x4c: {  	v4 =	vld.idx.msk [tilespmem:v0+s19+$0x0], $0xffff  }
0x4d: {  	v5 =	vld.idx.msk [tilespmem:v1+s19+$0x0], $0xffff  }
0x4e: {  	v0 =	vld.idx.msk [tilespmem:v0+s20+$0x0], $0xffff  }
0x4f: {  	v1 =	vld.idx.msk [tilespmem:v1+s20+$0x0], $0xffff;
	_ =	sdelay $0x2  }
0x50: {  	v2 =	vsub.f32 v2, v3;
	v3 =	vsub.f32 v4, v5;
	_ =	sdelay $0x1  }
0x51: {  	v0 =	vsub.f32 v0, v1;
	v1 =	vmul.f32 v2, v2;
	v2 =	vmul.f32 v3, v3;
	_ =	sdelay $0x1  }
0x52: {  	v0 =	vmul.f32 v0, v0;
	v1 =	vadd.f32 v2, v1;
	_ =	sdelay $0x1  }
0x53: {  	v0 =	vadd.f32 v0, v1;
	_ =	sdelay $0x1  }
0x54: {  	[tilespmem:s1+$0x14EA0] =	vst v0  }
0x55: {  	v0 =	vld [tilespmem:s26+$0x1C30]  }
0x56: {  	v1 =	vld [tilespmem:s26+$0x30];
	_ =	sdelay $0x6  }
0x57: {  	v2 =	vld.idx.msk [tilespmem:v0+s18+$0x0], $0xffff  }
0x58: {  	v3 =	vld.idx.msk [tilespmem:v1+s18+$0x0], $0xffff  }
0x59: {  	v4 =	vld.idx.msk [tilespmem:v0+s19+$0x0], $0xffff  }
0x5a: {  	v5 =	vld.idx.msk [tilespmem:v1+s19+$0x0], $0xffff  }
0x5b: {  	v0 =	vld.idx.msk [tilespmem:v0+s20+$0x0], $0xffff  }
0x5c: {  	v1 =	vld.idx.msk [tilespmem:v1+s20+$0x0], $0xffff;
	_ =	sdelay $0x2  }
0x5d: {  	v2 =	vsub.f32 v2, v3;
	v3 =	vsub.f32 v4, v5;
	_ =	sdelay $0x1  }
0x5e: {  	v0 =	vsub.f32 v0, v1;
	v1 =	vmul.f32 v2, v2;
	v2 =	vmul.f32 v3, v3;
	_ =	sdelay $0x1  }
0x5f: {  	v0 =	vmul.f32 v0, v0;
	v1 =	vadd.f32 v2, v1;
	_ =	sdelay $0x1  }
0x60: {  	v0 =	vadd.f32 v0, v1;
	_ =	sdelay $0x1  }
0x61: {  	[tilespmem:s1+$0x14EB0] =	vst v0  }
0x62: {  	v0 =	vld [tilespmem:s26+$0x1C40]  }
0x63: {  	v1 =	vld [tilespmem:s26+$0x40];
	_ =	sdelay $0x6  }
0x64: {  	v2 =	vld.idx.msk [tilespmem:v0+s18+$0x0], $0xffff  }
0x65: {  	v3 =	vld.idx.msk [tilespmem:v1+s18+$0x0], $0xffff  }
0x66: {  	v4 =	vld.idx.msk [tilespmem:v0+s19+$0x0], $0xffff  }
0x67: {  	v5 =	vld.idx.msk [tilespmem:v1+s19+$0x0], $0xffff  }
0x68: {  	v0 =	vld.idx.msk [tilespmem:v0+s20+$0x0], $0xffff  }
0x69: {  	v1 =	vld.idx.msk [tilespmem:v1+s20+$0x0], $0xffff;
	_ =	sdelay $0x2  }
0x6a: {  	v2 =	vsub.f32 v2, v3;
	v3 =	vsub.f32 v4, v5;
	_ =	sdelay $0x1  }
0x6b: {  	v0 =	vsub.f32 v0, v1;
	v1 =	vmul.f32 v2, v2;
	v2 =	vmul.f32 v3, v3;
	_ =	sdelay $0x1  }
0x6c: {  	v0 =	vmul.f32 v0, v0;
	v1 =	vadd.f32 v2, v1;
	_ =	sdelay $0x1  }
0x6d: {  	v0 =	vadd.f32 v0, v1;
	_ =	sdelay $0x1  }
0x6e: {  	[tilespmem:s1+$0x14EC0] =	vst v0  }
0x6f: {  	_ =	swait.ge [sflag:s29], $0x2800  }
0x70: {  	[sflag:s29] =	ssyncset.done $0x0  }
0x71: {  	[sflag:s29] =	ssyncadd.s32 $0xFFFFD800  }
0x72: {  	_ =	swait.ge [sflag:s30], $0x2800  }
0x73: {  	[sflag:s30] =	ssyncset.done $0x0  }
0x74: {  	s7 =	simm.s32 $0x0;
	[sflag:s30] =	ssyncadd.s32 $0xFFFFD800  }
0x75: {  	v7 =	vld [tilespmem:s7+$0xD680]  }
0x76: {  	v11 =	vld [tilespmem:s7+$0xD690]  }
0x77: {  	v5 =	vld [tilespmem:s7+$0xD6A0]  }
0x78: {  	v4 =	vld [tilespmem:s7+$0xD6B0]  }
0x79: {  	v3 =	vld [tilespmem:s7+$0xD6C0]  }
0x7a: {  	v2 =	vld [tilespmem:s7+$0xD6D0]  }
0x7b: {  	v1 =	vld [tilespmem:s7+$0xD6E0]  }
0x7c: {  	v0 =	vld [tilespmem:s7+$0xD6F0]  }
0x7d: {  	v12 =	vld [tilespmem:s7+$0xAE80]  }
0x7e: {  	v13 =	vld [tilespmem:s7+$0xAE90]  }
0x7f: {  	v10 =	vld [tilespmem:s7+$0xAEA0]  }
0x80: {  	v9 =	vld [tilespmem:s7+$0xAEB0]  }
0x81: {  	v8 =	vld [tilespmem:s7+$0xAEC0]  }
0x82: {  	v6 =	vld [tilespmem:s7+$0xAED0];
	v12 =	vadd.f32 v7, v12  }
0x83: {  	s8 =	simm.s32 $0x200;
	v11 =	vadd.f32 v11, v13;
	v7 =	vld [tilespmem:s7+$0xAEE0]  }
.LBB2_3:
0x84: {  	s17 =	sshra.s32 s8, $0x2;
	p0 =	sne.s32 s8, $0x9E00;
	[tilespmem:s7+$0xAE80] =	vst v12;
	v5 =	vadd.f32 v5, v10;
	v10 =	vld [tilespmem:s7+$0xAEF0]  }
0x85: {  	v12 =	vld [tilespmem:s17+$0xD680];
	[tilespmem:s7+$0xAE90] =	vst v11;
	v4 =	vadd.f32 v4, v9  }
0x86: {  	v11 =	vld [tilespmem:s17+$0xD690];
	[tilespmem:s7+$0xAEA0] =	vst v5;
	v3 =	vadd.f32 v3, v8  }
0x87: {  	v5 =	vld [tilespmem:s17+$0xD6A0];
	[tilespmem:s7+$0xAEB0] =	vst v4;
	v2 =	vadd.f32 v2, v6  }
0x88: {  	v4 =	vld [tilespmem:s17+$0xD6B0];
	[tilespmem:s7+$0xAEC0] =	vst v3;
	v1 =	vadd.f32 v1, v7  }
0x89: {  	v3 =	vld [tilespmem:s17+$0xD6C0];
	[tilespmem:s7+$0xAED0] =	vst v2;
	v0 =	vadd.f32 v0, v10  }
0x8a: {  	v2 =	vld [tilespmem:s17+$0xD6D0];
	[tilespmem:s7+$0xAEE0] =	vst v1  }
0x8b: {  	v1 =	vld [tilespmem:s17+$0xD6E0];
	[tilespmem:s7+$0xAEF0] =	vst v0;
	s7 =	smov.u32 s17  }
0x8c: {  	v0 =	vld [tilespmem:s7+$0xD6F0]  }
0x8d: {  	v6 =	vld [tilespmem:s7+$0xAE80]  }
0x8e: {  	v7 =	vld [tilespmem:s7+$0xAE90]  }
.Ltmp0:
0x8f: {  	v10 =	vld [tilespmem:s7+$0xAEA0];
	(pc) =	sbr.rel @p0 .LBB2_3-.Ltmp0, $4  }
0x90: {  	v9 =	vld [tilespmem:s7+$0xAEB0]  }
0x91: {  	v8 =	vld [tilespmem:s7+$0xAEC0]  }
0x92: {  	v12 =	vadd.f32 v12, v6;
	v6 =	vld [tilespmem:s7+$0xAED0]  }
0x93: {  	s8 =	sadd.s32 $0x200, s8;
	v11 =	vadd.f32 v11, v7;
	v7 =	vld [tilespmem:s7+$0xAEE0]  }
0x94: {  	[tilespmem:s7+$0xAE80] =	vst v12;
	v5 =	vadd.f32 v5, v10;
	v10 =	vld [tilespmem:s7+$0xAEF0]  }
0x95: {  	[tilespmem:s7+$0xAE90] =	vst v11;
	v4 =	vadd.f32 v4, v9  }
0x96: {  	[tilespmem:s7+$0xAEA0] =	vst v5;
	v3 =	vadd.f32 v3, v8  }
0x97: {  	[tilespmem:s7+$0xAEB0] =	vst v4;
	v2 =	vadd.f32 v2, v6  }
0x98: {  	[tilespmem:s7+$0xAEC0] =	vst v3;
	v1 =	vadd.f32 v1, v7  }
0x99: {  	s1 =	sadd.s32 s6, s1;
	[tilespmem:s7+$0xAED0] =	vst v2;
	v0 =	vadd.f32 v0, v10  }
0x9a: {  	s1 =	sshll.u32 s1, $0x4;
	[tilespmem:s7+$0xAEE0] =	vst v1  }
0x9b: {  	s8 =	simm.s32 $0x0;
	s1 =	sadd.s32 s9, s1;
	[tilespmem:s7+$0xAEF0] =	vst v0  }
0x9c: {  	[hbm4b:s1+s8] =	stream.linear.scatter [tilespmem:s22], [sflag:$0x5], $0x2800, $0x38;
	[tilespmem:$0x15E80] =	vst v63  }
0x9d: {  	_ =	swait.ge [sflag:s16], $0x2800  }
0x9e: {  	[sflag:s16] =	ssyncset.done $0x0  }
0x9f: {  	s17 =	sadd.s32 $0x1D00, s26;
	s8 =	sshllo.u32 s24, $0x1;
	[sflag:s16] =	ssyncadd.s32 $0xFFFFD800  }
0xa0: {  	[tilespmem:s22], [sflag:$0x1] =	stream.indirect.gather [hbm4b:s4+s21], $0x80, s17, s21, $0xb8;
	[tilespmem:$0x15E80] =	vst v63  }
0xa1: {  	s7 =	sadd.s32 $0x100, s26;
	s17 =	sshll.u32 s8, $0x7  }
0xa2: {  	[tilespmem:s23], [sflag:$0x2] =	stream.indirect.gather [hbm4b:s5+s21], $0x80, s7, s21, $0xb8;
	[tilespmem:$0x15E80] =	vst v63  }
0xa3: {  	v0 =	vld [tilespmem:s17+$0x1C00]  }
0xa4: {  	v1 =	vld [tilespmem:s17+$0x0];
	_ =	sdelay $0x6  }
0xa5: {  	v2 =	vld.idx.msk [tilespmem:v0+s18+$0x0], $0xffff  }
0xa6: {  	v3 =	vld.idx.msk [tilespmem:v1+s18+$0x0], $0xffff  }
0xa7: {  	v4 =	vld.idx.msk [tilespmem:v0+s19+$0x0], $0xffff  }
0xa8: {  	v5 =	vld.idx.msk [tilespmem:v1+s19+$0x0], $0xffff  }
0xa9: {  	v0 =	vld.idx.msk [tilespmem:v0+s20+$0x0], $0xffff  }
0xaa: {  	v1 =	vld.idx.msk [tilespmem:v1+s20+$0x0], $0xffff;
	_ =	sdelay $0x2  }
0xab: {  	v2 =	vsub.f32 v2, v3;
	v3 =	vsub.f32 v4, v5;
	_ =	sdelay $0x1  }
0xac: {  	v0 =	vsub.f32 v0, v1;
	v1 =	vmul.f32 v2, v2;
	v2 =	vmul.f32 v3, v3;
	_ =	sdelay $0x1  }
0xad: {  	v0 =	vmul.f32 v0, v0;
	v1 =	vadd.f32 v2, v1;
	_ =	sdelay $0x1  }
0xae: {  	s1 =	smul.u32 $0x50, s8;
	v0 =	vadd.f32 v0, v1;
	_ =	sdelay $0x1  }
0xaf: {  	[tilespmem:s1+$0x14E80] =	vst v0  }
0xb0: {  	v0 =	vld [tilespmem:s17+$0x1C10]  }
0xb1: {  	v1 =	vld [tilespmem:s17+$0x10];
	_ =	sdelay $0x6  }
0xb2: {  	v2 =	vld.idx.msk [tilespmem:v0+s18+$0x0], $0xffff  }
0xb3: {  	v3 =	vld.idx.msk [tilespmem:v1+s18+$0x0], $0xffff  }
0xb4: {  	v4 =	vld.idx.msk [tilespmem:v0+s19+$0x0], $0xffff  }
0xb5: {  	v5 =	vld.idx.msk [tilespmem:v1+s19+$0x0], $0xffff  }
0xb6: {  	v0 =	vld.idx.msk [tilespmem:v0+s20+$0x0], $0xffff  }
0xb7: {  	v1 =	vld.idx.msk [tilespmem:v1+s20+$0x0], $0xffff;
	_ =	sdelay $0x2  }
0xb8: {  	v2 =	vsub.f32 v2, v3;
	v3 =	vsub.f32 v4, v5;
	_ =	sdelay $0x1  }
0xb9: {  	v0 =	vsub.f32 v0, v1;
	v1 =	vmul.f32 v2, v2;
	v2 =	vmul.f32 v3, v3;
	_ =	sdelay $0x1  }
0xba: {  	v0 =	vmul.f32 v0, v0;
	v1 =	vadd.f32 v2, v1;
	_ =	sdelay $0x1  }
0xbb: {  	v0 =	vadd.f32 v0, v1;
	_ =	sdelay $0x1  }
0xbc: {  	[tilespmem:s1+$0x14E90] =	vst v0  }
0xbd: {  	v0 =	vld [tilespmem:s17+$0x1C20]  }
0xbe: {  	v1 =	vld [tilespmem:s17+$0x20];
	_ =	sdelay $0x6  }
0xbf: {  	v2 =	vld.idx.msk [tilespmem:v0+s18+$0x0], $0xffff  }
0xc0: {  	v3 =	vld.idx.msk [tilespmem:v1+s18+$0x0], $0xffff  }
0xc1: {  	v4 =	vld.idx.msk [tilespmem:v0+s19+$0x0], $0xffff  }
0xc2: {  	v5 =	vld.idx.msk [tilespmem:v1+s19+$0x0], $0xffff  }
0xc3: {  	v0 =	vld.idx.msk [tilespmem:v0+s20+$0x0], $0xffff  }
0xc4: {  	v1 =	vld.idx.msk [tilespmem:v1+s20+$0x0], $0xffff;
	_ =	sdelay $0x2  }
0xc5: {  	v2 =	vsub.f32 v2, v3;
	v3 =	vsub.f32 v4, v5;
	_ =	sdelay $0x1  }
0xc6: {  	v0 =	vsub.f32 v0, v1;
	v1 =	vmul.f32 v2, v2;
	v2 =	vmul.f32 v3, v3;
	_ =	sdelay $0x1  }
0xc7: {  	v0 =	vmul.f32 v0, v0;
	v1 =	vadd.f32 v2, v1;
	_ =	sdelay $0x1  }
0xc8: {  	v0 =	vadd.f32 v0, v1;
	_ =	sdelay $0x1  }
0xc9: {  	[tilespmem:s1+$0x14EA0] =	vst v0  }
0xca: {  	v0 =	vld [tilespmem:s17+$0x1C30]  }
0xcb: {  	v1 =	vld [tilespmem:s17+$0x30];
	_ =	sdelay $0x6  }
0xcc: {  	v2 =	vld.idx.msk [tilespmem:v0+s18+$0x0], $0xffff  }
0xcd: {  	v3 =	vld.idx.msk [tilespmem:v1+s18+$0x0], $0xffff  }
0xce: {  	v4 =	vld.idx.msk [tilespmem:v0+s19+$0x0], $0xffff  }
0xcf: {  	v5 =	vld.idx.msk [tilespmem:v1+s19+$0x0], $0xffff  }
0xd0: {  	v0 =	vld.idx.msk [tilespmem:v0+s20+$0x0], $0xffff  }
0xd1: {  	v1 =	vld.idx.msk [tilespmem:v1+s20+$0x0], $0xffff;
	_ =	sdelay $0x2  }
0xd2: {  	v2 =	vsub.f32 v2, v3;
	v3 =	vsub.f32 v4, v5;
	_ =	sdelay $0x1  }
0xd3: {  	v0 =	vsub.f32 v0, v1;
	v1 =	vmul.f32 v2, v2;
	v2 =	vmul.f32 v3, v3;
	_ =	sdelay $0x1  }
0xd4: {  	v0 =	vmul.f32 v0, v0;
	v1 =	vadd.f32 v2, v1;
	_ =	sdelay $0x1  }
0xd5: {  	v0 =	vadd.f32 v0, v1;
	_ =	sdelay $0x1  }
0xd6: {  	[tilespmem:s1+$0x14EB0] =	vst v0  }
0xd7: {  	v0 =	vld [tilespmem:s17+$0x1C40]  }
0xd8: {  	v1 =	vld [tilespmem:s17+$0x40];
	_ =	sdelay $0x6  }
0xd9: {  	v2 =	vld.idx.msk [tilespmem:v0+s18+$0x0], $0xffff  }
0xda: {  	v3 =	vld.idx.msk [tilespmem:v1+s18+$0x0], $0xffff  }
0xdb: {  	v4 =	vld.idx.msk [tilespmem:v0+s19+$0x0], $0xffff  }
0xdc: {  	v5 =	vld.idx.msk [tilespmem:v1+s19+$0x0], $0xffff  }
0xdd: {  	v0 =	vld.idx.msk [tilespmem:v0+s20+$0x0], $0xffff  }
0xde: {  	v1 =	vld.idx.msk [tilespmem:v1+s20+$0x0], $0xffff;
	_ =	sdelay $0x2  }
0xdf: {  	v2 =	vsub.f32 v2, v3;
	v3 =	vsub.f32 v4, v5;
	_ =	sdelay $0x1  }
0xe0: {  	v0 =	vsub.f32 v0, v1;
	v1 =	vmul.f32 v2, v2;
	v2 =	vmul.f32 v3, v3;
	_ =	sdelay $0x1  }
0xe1: {  	v0 =	vmul.f32 v0, v0;
	v1 =	vadd.f32 v2, v1;
	_ =	sdelay $0x1  }
0xe2: {  	v0 =	vadd.f32 v0, v1;
	_ =	sdelay $0x1  }
0xe3: {  	[tilespmem:s1+$0x14EC0] =	vst v0  }
0xe4: {  	_ =	swait.ge [sflag:s31], $0x2800  }
0xe5: {  	[sflag:s31] =	ssyncset.done $0x0  }
0xe6: {  	[sflag:s31] =	ssyncadd.s32 $0xFFFFD800  }
0xe7: {  	_ =	swait.ge [sflag:s0], $0x2800  }
0xe8: {  	[sflag:s0] =	ssyncset.done $0x0  }
0xe9: {  	s7 =	simm.s32 $0x0;
	[sflag:s0] =	ssyncadd.s32 $0xFFFFD800  }
0xea: {  	v7 =	vld [tilespmem:s7+$0x12680]  }
0xeb: {  	v11 =	vld [tilespmem:s7+$0x12690]  }
0xec: {  	v5 =	vld [tilespmem:s7+$0x126A0]  }
0xed: {  	v4 =	vld [tilespmem:s7+$0x126B0]  }
0xee: {  	v3 =	vld [tilespmem:s7+$0x126C0]  }
0xef: {  	v2 =	vld [tilespmem:s7+$0x126D0]  }
0xf0: {  	v1 =	vld [tilespmem:s7+$0x126E0]  }
0xf1: {  	v0 =	vld [tilespmem:s7+$0x126F0]  }
0xf2: {  	v12 =	vld [tilespmem:s7+$0xFE80]  }
0xf3: {  	v13 =	vld [tilespmem:s7+$0xFE90]  }
0xf4: {  	v10 =	vld [tilespmem:s7+$0xFEA0]  }
0xf5: {  	v9 =	vld [tilespmem:s7+$0xFEB0]  }
0xf6: {  	v8 =	vld [tilespmem:s7+$0xFEC0]  }
0xf7: {  	v6 =	vld [tilespmem:s7+$0xFED0];
	v12 =	vadd.f32 v7, v12  }
0xf8: {  	s8 =	simm.s32 $0x200;
	v11 =	vadd.f32 v11, v13;
	v7 =	vld [tilespmem:s7+$0xFEE0]  }
.LBB2_5:
0xf9: {  	s17 =	sshra.s32 s8, $0x2;
	p0 =	sne.s32 s8, $0x9E00;
	[tilespmem:s7+$0xFE80] =	vst v12;
	v5 =	vadd.f32 v5, v10;
	v10 =	vld [tilespmem:s7+$0xFEF0]  }
0xfa: {  	v12 =	vld [tilespmem:s17+$0x12680];
	[tilespmem:s7+$0xFE90] =	vst v11;
	v4 =	vadd.f32 v4, v9  }
0xfb: {  	v11 =	vld [tilespmem:s17+$0x12690];
	[tilespmem:s7+$0xFEA0] =	vst v5;
	v3 =	vadd.f32 v3, v8  }
0xfc: {  	v5 =	vld [tilespmem:s17+$0x126A0];
	[tilespmem:s7+$0xFEB0] =	vst v4;
	v2 =	vadd.f32 v2, v6  }
0xfd: {  	v4 =	vld [tilespmem:s17+$0x126B0];
	[tilespmem:s7+$0xFEC0] =	vst v3;
	v1 =	vadd.f32 v1, v7  }
0xfe: {  	v3 =	vld [tilespmem:s17+$0x126C0];
	[tilespmem:s7+$0xFED0] =	vst v2;
	v0 =	vadd.f32 v0, v10  }
0xff: {  	v2 =	vld [tilespmem:s17+$0x126D0];
	[tilespmem:s7+$0xFEE0] =	vst v1  }
0x100: {  	v1 =	vld [tilespmem:s17+$0x126E0];
	[tilespmem:s7+$0xFEF0] =	vst v0;
	s7 =	smov.u32 s17  }
0x101: {  	v0 =	vld [tilespmem:s7+$0x126F0]  }
0x102: {  	v6 =	vld [tilespmem:s7+$0xFE80]  }
0x103: {  	v7 =	vld [tilespmem:s7+$0xFE90]  }
.Ltmp1:
0x104: {  	v10 =	vld [tilespmem:s7+$0xFEA0];
	(pc) =	sbr.rel @p0 .LBB2_5-.Ltmp1, $4  }
0x105: {  	v9 =	vld [tilespmem:s7+$0xFEB0]  }
0x106: {  	v8 =	vld [tilespmem:s7+$0xFEC0]  }
0x107: {  	v12 =	vadd.f32 v12, v6;
	v6 =	vld [tilespmem:s7+$0xFED0]  }
0x108: {  	s8 =	sadd.s32 $0x200, s8;
	v11 =	vadd.f32 v11, v7;
	v7 =	vld [tilespmem:s7+$0xFEE0]  }
0x109: {  	[tilespmem:s7+$0xFE80] =	vst v12;
	v5 =	vadd.f32 v5, v10;
	v63 =	vld [tilespmem:s7+$0xFEF0]  }
0x10a: {  	[tilespmem:s7+$0xFE90] =	vst v11;
	v4 =	vadd.f32 v4, v9  }
0x10b: {  	[tilespmem:s7+$0xFEA0] =	vst v5;
	v3 =	vadd.f32 v3, v8  }
0x10c: {  	[tilespmem:s7+$0xFEB0] =	vst v4;
	v2 =	vadd.f32 v2, v6  }
0x10d: {  	[tilespmem:s7+$0xFEC0] =	vst v3;
	v1 =	vadd.f32 v1, v7  }
0x10e: {  	s1 =	sadd.s32 s6, s1;
	[tilespmem:s7+$0xFED0] =	vst v2;
	v0 =	vadd.f32 v0, v63  }
0x10f: {  	s1 =	sshll.u32 s1, $0x4;
	[tilespmem:s7+$0xFEE0] =	vst v1  }
0x110: {  	s24 =	sadd.s32 $0x1, s24;
	s1 =	sadd.s32 s9, s1;
	[tilespmem:s7+$0xFEF0] =	vst v0  }
0x111: {  	[hbm4b:s1+s3] =	stream.linear.scatter [tilespmem:s25], [sflag:$0x5], $0x2800, $0x38;
	[tilespmem:$0x15E80] =	vst v63  }
0x112: {  	p0 =	sne.s32 s24, $0x18;
	_ =	swait.ge [sflag:s16], $0x2800  }
.Ltmp2:
0x113: {  	[sflag:s16] =	ssyncset.done $0x0;
	(pc) =	sbr.rel @p0 .LBB2_2-.Ltmp2, $4  }
0x114: {  	s17 =	sadd.s32 $0x1D80, s26;
	[sflag:s16] =	ssyncadd.s32 $0xFFFFD800  }
0x115: {  	[tilespmem:s25], [sflag:$0x3] =	stream.indirect.gather [hbm4b:s4+s21], $0x80, s17, s21, $0xb8;
	[tilespmem:$0x15E80] =	vst v63  }
0x116: {  	s26 =	sadd.s32 $0x180, s26  }
0x117: {  	[tilespmem:s28], [sflag:$0x4] =	stream.indirect.gather [hbm4b:s5+s21], $0x80, s26, s21, $0xb8;
	[tilespmem:$0x15E80] =	vst v63  }
0x118: {  	v0 =	vld [tilespmem:$0x3400]  }
0x119: {  	v1 =	vld [tilespmem:$0x1800];
	_ =	sdelay $0x6  }
0x11a: {  	v2 =	vld.idx.msk [tilespmem:v0+s18+$0x0], $0xffff  }
0x11b: {  	v3 =	vld.idx.msk [tilespmem:v1+s18+$0x0], $0xffff  }
0x11c: {  	v4 =	vld.idx.msk [tilespmem:v0+s19+$0x0], $0xffff  }
0x11d: {  	v5 =	vld.idx.msk [tilespmem:v1+s19+$0x0], $0xffff  }
0x11e: {  	v0 =	vld.idx.msk [tilespmem:v0+s20+$0x0], $0xffff  }
0x11f: {  	v1 =	vld.idx.msk [tilespmem:v1+s20+$0x0], $0xffff;
	_ =	sdelay $0x2  }
0x120: {  	v2 =	vsub.f32 v2, v3;
	v3 =	vsub.f32 v4, v5  }
0x121: {  	v4 =	vld [tilespmem:$0x3410]  }
0x122: {  	v0 =	vsub.f32 v0, v1;
	v1 =	vmul.f32 v2, v2;
	v2 =	vmul.f32 v3, v3  }
0x123: {  	v3 =	vld [tilespmem:$0x1810]  }
0x124: {  	v0 =	vmul.f32 v0, v0;
	v1 =	vadd.f32 v2, v1;
	_ =	sdelay $0x1  }
0x125: {  	v0 =	vadd.f32 v0, v1;
	_ =	sdelay $0x1  }
0x126: {  	[tilespmem:$0x15D80] =	vst v0  }
0x127: {  	v0 =	vld.idx.msk [tilespmem:v4+s18+$0x0], $0xffff  }
0x128: {  	v2 =	vld.idx.msk [tilespmem:v4+s19+$0x0], $0xffff  }
0x129: {  	v1 =	vld.idx.msk [tilespmem:v3+s18+$0x0], $0xffff  }
0x12a: {  	v5 =	vld.idx.msk [tilespmem:v3+s19+$0x0], $0xffff  }
0x12b: {  	v4 =	vld.idx.msk [tilespmem:v4+s20+$0x0], $0xffff  }
0x12c: {  	v3 =	vld.idx.msk [tilespmem:v3+s20+$0x0], $0xffff;
	_ =	sdelay $0x2  }
0x12d: {  	v0 =	vsub.f32 v0, v1;
	v1 =	vsub.f32 v2, v5  }
0x12e: {  	v2 =	vld [tilespmem:$0x3420]  }
0x12f: {  	v3 =	vsub.f32 v4, v3;
	v4 =	vld [tilespmem:$0x1820];
	v0 =	vmul.f32 v0, v0;
	v1 =	vmul.f32 v1, v1;
	_ =	sdelay $0x1  }
0x130: {  	v0 =	vadd.f32 v1, v0;
	v1 =	vmul.f32 v3, v3;
	_ =	sdelay $0x1  }
0x131: {  	v0 =	vadd.f32 v1, v0;
	_ =	sdelay $0x1  }
0x132: {  	[tilespmem:$0x15D90] =	vst v0  }
0x133: {  	v0 =	vld.idx.msk [tilespmem:v2+s18+$0x0], $0xffff  }
0x134: {  	v1 =	vld.idx.msk [tilespmem:v4+s18+$0x0], $0xffff  }
0x135: {  	v3 =	vld.idx.msk [tilespmem:v2+s19+$0x0], $0xffff  }
0x136: {  	v5 =	vld.idx.msk [tilespmem:v4+s19+$0x0], $0xffff  }
0x137: {  	v2 =	vld.idx.msk [tilespmem:v2+s20+$0x0], $0xffff  }
0x138: {  	v4 =	vld.idx.msk [tilespmem:v4+s20+$0x0], $0xffff;
	_ =	sdelay $0x2  }
0x139: {  	v0 =	vsub.f32 v0, v1;
	v1 =	vsub.f32 v3, v5  }
0x13a: {  	v3 =	vld [tilespmem:$0x3430]  }
0x13b: {  	v2 =	vsub.f32 v2, v4;
	v4 =	vld [tilespmem:$0x1830];
	v0 =	vmul.f32 v0, v0;
	v1 =	vmul.f32 v1, v1;
	_ =	sdelay $0x1  }
0x13c: {  	v0 =	vadd.f32 v1, v0;
	v1 =	vmul.f32 v2, v2;
	_ =	sdelay $0x1  }
0x13d: {  	v0 =	vadd.f32 v1, v0;
	_ =	sdelay $0x1  }
0x13e: {  	[tilespmem:$0x15DA0] =	vst v0  }
0x13f: {  	v0 =	vld.idx.msk [tilespmem:v3+s18+$0x0], $0xffff  }
0x140: {  	v1 =	vld.idx.msk [tilespmem:v4+s18+$0x0], $0xffff  }
0x141: {  	v2 =	vld.idx.msk [tilespmem:v3+s19+$0x0], $0xffff  }
0x142: {  	v5 =	vld.idx.msk [tilespmem:v4+s19+$0x0], $0xffff  }
0x143: {  	v3 =	vld.idx.msk [tilespmem:v3+s20+$0x0], $0xffff  }
0x144: {  	v4 =	vld.idx.msk [tilespmem:v4+s20+$0x0], $0xffff;
	_ =	sdelay $0x2  }
0x145: {  	v0 =	vsub.f32 v0, v1;
	v1 =	vsub.f32 v2, v5  }
0x146: {  	v2 =	vld [tilespmem:$0x3440]  }
0x147: {  	v3 =	vsub.f32 v3, v4;
	v4 =	vld [tilespmem:$0x1840];
	v0 =	vmul.f32 v0, v0;
	v1 =	vmul.f32 v1, v1;
	_ =	sdelay $0x1  }
0x148: {  	v0 =	vadd.f32 v1, v0;
	v1 =	vmul.f32 v3, v3;
	_ =	sdelay $0x1  }
0x149: {  	v0 =	vadd.f32 v1, v0;
	_ =	sdelay $0x1  }
0x14a: {  	[tilespmem:$0x15DB0] =	vst v0  }
0x14b: {  	v0 =	vld.idx.msk [tilespmem:v2+s18+$0x0], $0xffff  }
0x14c: {  	v1 =	vld.idx.msk [tilespmem:v4+s18+$0x0], $0xffff  }
0x14d: {  	v3 =	vld.idx.msk [tilespmem:v2+s19+$0x0], $0xffff  }
0x14e: {  	v5 =	vld.idx.msk [tilespmem:v4+s19+$0x0], $0xffff  }
0x14f: {  	v2 =	vld.idx.msk [tilespmem:v2+s20+$0x0], $0xffff  }
0x150: {  	v4 =	vld.idx.msk [tilespmem:v4+s20+$0x0], $0xffff;
	_ =	sdelay $0x2  }
0x151: {  	v0 =	vsub.f32 v0, v1;
	v1 =	vsub.f32 v3, v5;
	_ =	sdelay $0x1  }
0x152: {  	v2 =	vsub.f32 v2, v4;
	v0 =	vmul.f32 v0, v0;
	v1 =	vmul.f32 v1, v1;
	_ =	sdelay $0x1  }
0x153: {  	v0 =	vadd.f32 v1, v0;
	v1 =	vmul.f32 v2, v2;
	_ =	sdelay $0x1  }
0x154: {  	v0 =	vadd.f32 v1, v0;
	_ =	sdelay $0x1  }
0x155: {  	[tilespmem:$0x15DC0] =	vst v0  }
0x156: {  	_ =	swait.ge [sflag:s29], $0x2800  }
0x157: {  	[sflag:s29] =	ssyncset.done $0x0  }
0x158: {  	[sflag:s29] =	ssyncadd.s32 $0xFFFFD800  }
0x159: {  	_ =	swait.ge [sflag:s30], $0x2800  }
0x15a: {  	[sflag:s30] =	ssyncset.done $0x0  }
0x15b: {  	s1 =	simm.s32 $0x0;
	[sflag:s30] =	ssyncadd.s32 $0xFFFFD800  }
0x15c: {  	v7 =	vld [tilespmem:s1+$0xD680]  }
0x15d: {  	v11 =	vld [tilespmem:s1+$0xD690]  }
0x15e: {  	v5 =	vld [tilespmem:s1+$0xD6A0]  }
0x15f: {  	v4 =	vld [tilespmem:s1+$0xD6B0]  }
0x160: {  	v3 =	vld [tilespmem:s1+$0xD6C0]  }
0x161: {  	v2 =	vld [tilespmem:s1+$0xD6D0]  }
0x162: {  	v1 =	vld [tilespmem:s1+$0xD6E0]  }
0x163: {  	v0 =	vld [tilespmem:s1+$0xD6F0]  }
0x164: {  	v12 =	vld [tilespmem:s1+$0xAE80]  }
0x165: {  	v13 =	vld [tilespmem:s1+$0xAE90]  }
0x166: {  	v10 =	vld [tilespmem:s1+$0xAEA0]  }
0x167: {  	v9 =	vld [tilespmem:s1+$0xAEB0]  }
0x168: {  	v8 =	vld [tilespmem:s1+$0xAEC0]  }
0x169: {  	v6 =	vld [tilespmem:s1+$0xAED0];
	v12 =	vadd.f32 v7, v12  }
0x16a: {  	s7 =	simm.s32 $0x200;
	v11 =	vadd.f32 v11, v13;
	v7 =	vld [tilespmem:s1+$0xAEE0]  }
.LBB2_8:
0x16b: {  	s8 =	sshra.s32 s7, $0x2;
	p0 =	sne.s32 s7, $0x9E00;
	[tilespmem:s1+$0xAE80] =	vst v12;
	v5 =	vadd.f32 v5, v10;
	v10 =	vld [tilespmem:s1+$0xAEF0]  }
0x16c: {  	v12 =	vld [tilespmem:s8+$0xD680];
	[tilespmem:s1+$0xAE90] =	vst v11;
	v4 =	vadd.f32 v4, v9  }
0x16d: {  	v11 =	vld [tilespmem:s8+$0xD690];
	[tilespmem:s1+$0xAEA0] =	vst v5;
	v3 =	vadd.f32 v3, v8  }
0x16e: {  	v5 =	vld [tilespmem:s8+$0xD6A0];
	[tilespmem:s1+$0xAEB0] =	vst v4;
	v2 =	vadd.f32 v2, v6  }
0x16f: {  	v4 =	vld [tilespmem:s8+$0xD6B0];
	[tilespmem:s1+$0xAEC0] =	vst v3;
	v1 =	vadd.f32 v1, v7  }
0x170: {  	v3 =	vld [tilespmem:s8+$0xD6C0];
	[tilespmem:s1+$0xAED0] =	vst v2;
	v0 =	vadd.f32 v0, v10  }
0x171: {  	v2 =	vld [tilespmem:s8+$0xD6D0];
	[tilespmem:s1+$0xAEE0] =	vst v1  }
0x172: {  	v1 =	vld [tilespmem:s8+$0xD6E0];
	[tilespmem:s1+$0xAEF0] =	vst v0;
	s1 =	smov.u32 s8  }
0x173: {  	v0 =	vld [tilespmem:s1+$0xD6F0]  }
0x174: {  	v6 =	vld [tilespmem:s1+$0xAE80]  }
0x175: {  	v7 =	vld [tilespmem:s1+$0xAE90]  }
.Ltmp3:
0x176: {  	v10 =	vld [tilespmem:s1+$0xAEA0];
	(pc) =	sbr.rel @p0 .LBB2_8-.Ltmp3, $4  }
0x177: {  	v9 =	vld [tilespmem:s1+$0xAEB0]  }
0x178: {  	v8 =	vld [tilespmem:s1+$0xAEC0]  }
0x179: {  	v12 =	vadd.f32 v12, v6;
	v6 =	vld [tilespmem:s1+$0xAED0]  }
0x17a: {  	s7 =	sadd.s32 $0x200, s7;
	v11 =	vadd.f32 v11, v7;
	v7 =	vld [tilespmem:s1+$0xAEE0]  }
0x17b: {  	[tilespmem:s1+$0xAE80] =	vst v12;
	v5 =	vadd.f32 v5, v10;
	v10 =	vld [tilespmem:s1+$0xAEF0]  }
0x17c: {  	[tilespmem:s1+$0xAE90] =	vst v11;
	v4 =	vadd.f32 v4, v9  }
0x17d: {  	[tilespmem:s1+$0xAEA0] =	vst v5;
	v3 =	vadd.f32 v3, v8  }
0x17e: {  	[tilespmem:s1+$0xAEB0] =	vst v4;
	v2 =	vadd.f32 v2, v6  }
0x17f: {  	[tilespmem:s1+$0xAEC0] =	vst v3;
	v1 =	vadd.f32 v1, v7  }
0x180: {  	[tilespmem:s1+$0xAED0] =	vst v2;
	v0 =	vadd.f32 v0, v10  }
0x181: {  	[tilespmem:s1+$0xAEE0] =	vst v1  }
0x182: {  	s26 =	simm.s32 $0x0;
	[tilespmem:s1+$0xAEF0] =	vst v0  }
0x183: {  	[hbm4b:s12+s26] =	stream.linear.scatter [tilespmem:s22], [sflag:$0x5], $0x2800, $0x38;
	[tilespmem:$0x15E80] =	vst v63  }
0x184: {  	_ =	swait.ge [sflag:s16], $0x2800  }
0x185: {  	[sflag:s16] =	ssyncset.done $0x0  }
0x186: {  	[sflag:s16] =	ssyncadd.s32 $0xFFFFD800  }
0x187: {  	v0 =	vld [tilespmem:$0x3480]  }
0x188: {  	v1 =	vld [tilespmem:$0x1880];
	_ =	sdelay $0x6  }
0x189: {  	v2 =	vld.idx.msk [tilespmem:v0+s18+$0x0], $0xffff  }
0x18a: {  	v3 =	vld.idx.msk [tilespmem:v1+s18+$0x0], $0xffff  }
0x18b: {  	v4 =	vld.idx.msk [tilespmem:v0+s19+$0x0], $0xffff  }
0x18c: {  	v5 =	vld.idx.msk [tilespmem:v1+s19+$0x0], $0xffff  }
0x18d: {  	v0 =	vld.idx.msk [tilespmem:v0+s20+$0x0], $0xffff  }
0x18e: {  	v1 =	vld.idx.msk [tilespmem:v1+s20+$0x0], $0xffff;
	_ =	sdelay $0x2  }
0x18f: {  	v2 =	vsub.f32 v2, v3;
	v3 =	vsub.f32 v4, v5  }
0x190: {  	v4 =	vld [tilespmem:$0x3490]  }
0x191: {  	v0 =	vsub.f32 v0, v1;
	v1 =	vmul.f32 v2, v2;
	v2 =	vmul.f32 v3, v3  }
0x192: {  	v3 =	vld [tilespmem:$0x1890]  }
0x193: {  	v0 =	vmul.f32 v0, v0;
	v1 =	vadd.f32 v2, v1;
	_ =	sdelay $0x1  }
0x194: {  	v0 =	vadd.f32 v0, v1;
	_ =	sdelay $0x1  }
0x195: {  	[tilespmem:$0x15DD0] =	vst v0  }
0x196: {  	v0 =	vld.idx.msk [tilespmem:v4+s18+$0x0], $0xffff  }
0x197: {  	v2 =	vld.idx.msk [tilespmem:v4+s19+$0x0], $0xffff  }
0x198: {  	v1 =	vld.idx.msk [tilespmem:v3+s18+$0x0], $0xffff  }
0x199: {  	v5 =	vld.idx.msk [tilespmem:v3+s19+$0x0], $0xffff  }
0x19a: {  	v4 =	vld.idx.msk [tilespmem:v4+s20+$0x0], $0xffff  }
0x19b: {  	v3 =	vld.idx.msk [tilespmem:v3+s20+$0x0], $0xffff;
	_ =	sdelay $0x2  }
0x19c: {  	v0 =	vsub.f32 v0, v1;
	v1 =	vsub.f32 v2, v5  }
0x19d: {  	v2 =	vld [tilespmem:$0x34A0]  }
0x19e: {  	v3 =	vsub.f32 v4, v3;
	v4 =	vld [tilespmem:$0x18A0];
	v0 =	vmul.f32 v0, v0;
	v1 =	vmul.f32 v1, v1;
	_ =	sdelay $0x1  }
0x19f: {  	v0 =	vadd.f32 v1, v0;
	v1 =	vmul.f32 v3, v3;
	_ =	sdelay $0x1  }
0x1a0: {  	v0 =	vadd.f32 v1, v0;
	_ =	sdelay $0x1  }
0x1a1: {  	[tilespmem:$0x15DE0] =	vst v0  }
0x1a2: {  	v0 =	vld.idx.msk [tilespmem:v2+s18+$0x0], $0xffff  }
0x1a3: {  	v1 =	vld.idx.msk [tilespmem:v4+s18+$0x0], $0xffff  }
0x1a4: {  	v3 =	vld.idx.msk [tilespmem:v2+s19+$0x0], $0xffff  }
0x1a5: {  	v5 =	vld.idx.msk [tilespmem:v4+s19+$0x0], $0xffff  }
0x1a6: {  	v2 =	vld.idx.msk [tilespmem:v2+s20+$0x0], $0xffff  }
0x1a7: {  	v4 =	vld.idx.msk [tilespmem:v4+s20+$0x0], $0xffff;
	_ =	sdelay $0x2  }
0x1a8: {  	v0 =	vsub.f32 v0, v1;
	v1 =	vsub.f32 v3, v5  }
0x1a9: {  	v3 =	vld [tilespmem:$0x34B0]  }
0x1aa: {  	v2 =	vsub.f32 v2, v4;
	v4 =	vld [tilespmem:$0x18B0];
	v0 =	vmul.f32 v0, v0;
	v1 =	vmul.f32 v1, v1;
	_ =	sdelay $0x1  }
0x1ab: {  	v0 =	vadd.f32 v1, v0;
	v1 =	vmul.f32 v2, v2;
	_ =	sdelay $0x1  }
0x1ac: {  	v0 =	vadd.f32 v1, v0;
	_ =	sdelay $0x1  }
0x1ad: {  	[tilespmem:$0x15DF0] =	vst v0  }
0x1ae: {  	v0 =	vld.idx.msk [tilespmem:v3+s18+$0x0], $0xffff  }
0x1af: {  	v1 =	vld.idx.msk [tilespmem:v4+s18+$0x0], $0xffff  }
0x1b0: {  	v2 =	vld.idx.msk [tilespmem:v3+s19+$0x0], $0xffff  }
0x1b1: {  	v5 =	vld.idx.msk [tilespmem:v4+s19+$0x0], $0xffff  }
0x1b2: {  	v3 =	vld.idx.msk [tilespmem:v3+s20+$0x0], $0xffff  }
0x1b3: {  	v4 =	vld.idx.msk [tilespmem:v4+s20+$0x0], $0xffff;
	_ =	sdelay $0x2  }
0x1b4: {  	v0 =	vsub.f32 v0, v1;
	v1 =	vsub.f32 v2, v5  }
0x1b5: {  	v2 =	vld [tilespmem:$0x34C0]  }
0x1b6: {  	v3 =	vsub.f32 v3, v4;
	v4 =	vld [tilespmem:$0x18C0];
	v0 =	vmul.f32 v0, v0;
	v1 =	vmul.f32 v1, v1;
	_ =	sdelay $0x1  }
0x1b7: {  	v0 =	vadd.f32 v1, v0;
	v1 =	vmul.f32 v3, v3;
	_ =	sdelay $0x1  }
0x1b8: {  	v0 =	vadd.f32 v1, v0;
	_ =	sdelay $0x1  }
0x1b9: {  	[tilespmem:$0x15E00] =	vst v0  }
0x1ba: {  	v0 =	vld.idx.msk [tilespmem:v2+s18+$0x0], $0xffff  }
0x1bb: {  	v1 =	vld.idx.msk [tilespmem:v4+s18+$0x0], $0xffff  }
0x1bc: {  	v3 =	vld.idx.msk [tilespmem:v2+s19+$0x0], $0xffff  }
0x1bd: {  	v5 =	vld.idx.msk [tilespmem:v4+s19+$0x0], $0xffff  }
0x1be: {  	v2 =	vld.idx.msk [tilespmem:v2+s20+$0x0], $0xffff  }
0x1bf: {  	v4 =	vld.idx.msk [tilespmem:v4+s20+$0x0], $0xffff;
	_ =	sdelay $0x2  }
0x1c0: {  	v0 =	vsub.f32 v0, v1;
	v1 =	vsub.f32 v3, v5;
	_ =	sdelay $0x1  }
0x1c1: {  	v2 =	vsub.f32 v2, v4;
	v0 =	vmul.f32 v0, v0;
	v1 =	vmul.f32 v1, v1;
	_ =	sdelay $0x1  }
0x1c2: {  	v0 =	vadd.f32 v1, v0;
	v1 =	vmul.f32 v2, v2;
	_ =	sdelay $0x1  }
0x1c3: {  	v0 =	vadd.f32 v1, v0;
	_ =	sdelay $0x1  }
0x1c4: {  	[tilespmem:$0x15E10] =	vst v0  }
0x1c5: {  	_ =	swait.ge [sflag:s31], $0x2800  }
0x1c6: {  	[sflag:s31] =	ssyncset.done $0x0  }
0x1c7: {  	[sflag:s31] =	ssyncadd.s32 $0xFFFFD800  }
0x1c8: {  	_ =	swait.ge [sflag:s0], $0x2800  }
0x1c9: {  	[sflag:s0] =	ssyncset.done $0x0  }
0x1ca: {  	s1 =	simm.s32 $0x0;
	[sflag:s0] =	ssyncadd.s32 $0xFFFFD800  }
0x1cb: {  	v7 =	vld [tilespmem:s1+$0x12680]  }
0x1cc: {  	v11 =	vld [tilespmem:s1+$0x12690]  }
0x1cd: {  	v5 =	vld [tilespmem:s1+$0x126A0]  }
0x1ce: {  	v4 =	vld [tilespmem:s1+$0x126B0]  }
0x1cf: {  	v3 =	vld [tilespmem:s1+$0x126C0]  }
0x1d0: {  	v2 =	vld [tilespmem:s1+$0x126D0]  }
0x1d1: {  	v1 =	vld [tilespmem:s1+$0x126E0]  }
0x1d2: {  	v0 =	vld [tilespmem:s1+$0x126F0]  }
0x1d3: {  	v12 =	vld [tilespmem:s1+$0xFE80]  }
0x1d4: {  	v13 =	vld [tilespmem:s1+$0xFE90]  }
0x1d5: {  	v10 =	vld [tilespmem:s1+$0xFEA0]  }
0x1d6: {  	v9 =	vld [tilespmem:s1+$0xFEB0]  }
0x1d7: {  	v8 =	vld [tilespmem:s1+$0xFEC0]  }
0x1d8: {  	v6 =	vld [tilespmem:s1+$0xFED0];
	v12 =	vadd.f32 v7, v12  }
0x1d9: {  	s7 =	simm.s32 $0x200;
	v11 =	vadd.f32 v11, v13;
	v7 =	vld [tilespmem:s1+$0xFEE0]  }
.LBB2_10:
0x1da: {  	s8 =	sshra.s32 s7, $0x2;
	p0 =	sne.s32 s7, $0x9E00;
	[tilespmem:s1+$0xFE80] =	vst v12;
	v5 =	vadd.f32 v5, v10;
	v10 =	vld [tilespmem:s1+$0xFEF0]  }
0x1db: {  	v12 =	vld [tilespmem:s8+$0x12680];
	[tilespmem:s1+$0xFE90] =	vst v11;
	v4 =	vadd.f32 v4, v9  }
0x1dc: {  	v11 =	vld [tilespmem:s8+$0x12690];
	[tilespmem:s1+$0xFEA0] =	vst v5;
	v3 =	vadd.f32 v3, v8  }
0x1dd: {  	v5 =	vld [tilespmem:s8+$0x126A0];
	[tilespmem:s1+$0xFEB0] =	vst v4;
	v2 =	vadd.f32 v2, v6  }
0x1de: {  	v4 =	vld [tilespmem:s8+$0x126B0];
	[tilespmem:s1+$0xFEC0] =	vst v3;
	v1 =	vadd.f32 v1, v7  }
0x1df: {  	v3 =	vld [tilespmem:s8+$0x126C0];
	[tilespmem:s1+$0xFED0] =	vst v2;
	v0 =	vadd.f32 v0, v10  }
0x1e0: {  	v2 =	vld [tilespmem:s8+$0x126D0];
	[tilespmem:s1+$0xFEE0] =	vst v1  }
0x1e1: {  	v1 =	vld [tilespmem:s8+$0x126E0];
	[tilespmem:s1+$0xFEF0] =	vst v0;
	s1 =	smov.u32 s8  }
0x1e2: {  	v0 =	vld [tilespmem:s1+$0x126F0]  }
0x1e3: {  	v6 =	vld [tilespmem:s1+$0xFE80]  }
0x1e4: {  	v7 =	vld [tilespmem:s1+$0xFE90]  }
.Ltmp4:
0x1e5: {  	v10 =	vld [tilespmem:s1+$0xFEA0];
	(pc) =	sbr.rel @p0 .LBB2_10-.Ltmp4, $4  }
0x1e6: {  	v9 =	vld [tilespmem:s1+$0xFEB0]  }
0x1e7: {  	v8 =	vld [tilespmem:s1+$0xFEC0]  }
0x1e8: {  	v12 =	vadd.f32 v12, v6;
	v6 =	vld [tilespmem:s1+$0xFED0]  }
0x1e9: {  	s7 =	sadd.s32 $0x200, s7;
	v11 =	vadd.f32 v11, v7;
	v7 =	vld [tilespmem:s1+$0xFEE0]  }
0x1ea: {  	[tilespmem:s1+$0xFE80] =	vst v12;
	v5 =	vadd.f32 v5, v10;
	v63 =	vld [tilespmem:s1+$0xFEF0]  }
0x1eb: {  	[tilespmem:s1+$0xFE90] =	vst v11;
	v4 =	vadd.f32 v4, v9  }
0x1ec: {  	[tilespmem:s1+$0xFEA0] =	vst v5;
	v3 =	vadd.f32 v3, v8  }
0x1ed: {  	[tilespmem:s1+$0xFEB0] =	vst v4;
	v2 =	vadd.f32 v2, v6  }
0x1ee: {  	[tilespmem:s1+$0xFEC0] =	vst v3;
	v1 =	vadd.f32 v1, v7  }
0x1ef: {  	[tilespmem:s1+$0xFED0] =	vst v2;
	v0 =	vadd.f32 v0, v63  }
0x1f0: {  	[tilespmem:s1+$0xFEE0] =	vst v1  }
0x1f1: {  	[tilespmem:s1+$0xFEF0] =	vst v0  }
0x1f2: {  	[hbm4b:s13+s3] =	stream.linear.scatter [tilespmem:s25], [sflag:$0x5], $0x2800, $0x38;
	[tilespmem:$0x15E80] =	vst v63  }
0x1f3: {  	s2 =	sadd.s32 $0x1, s2;
	_ =	swait.ge [sflag:s16], $0x2800  }
0x1f4: {  	p0 =	sne.s32 s2, s15;
	[sflag:s16] =	ssyncset.done $0x0  }
.Ltmp5:
0x1f5: {  	s26 =	simm.s32 $0x14E80;
	[sflag:s16] =	ssyncadd.s32 $0xFFFFD800;
	(pc) =	sbr.rel @p0 .LBB2_1-.Ltmp5, $4  }
0x1f6: {  	[hbm4b:s14+s3] =	stream.linear.scatter [tilespmem:s26], [sflag:$0x5], $0xFA0, $0x38;
	[tilespmem:$0x15E80] =	vst v63  }
0x1f7: {  	_ =	swait.ge [sflag:s16], $0xFA0  }
0x1f8: {  	[sflag:s16] =	ssyncset.done $0x0  }
0x1f9: {  	[sflag:s16] =	ssyncadd.s32 $0xFFFFF060  }
0x1fa: {  	_ =	sfence.sel $0x180000  }
0x1fb: {  	[bflag:$0x0] =	sbarrier.arrive $0xFFFF  }
0x1fc: {  	_ =	strace $0x9000004A  }
0x1fd: {  	s0 =	stileid.u32;
	[bflag:$0x2] =	sbarrier.arrive $0xFFFF  }
0x1fe: {  	p0 =	sne.s32 s0, $0x0;
	s0 =	rddreg [dreg:$0x2]  }
0x1ff: {  	s0 =	sadd.s32 @!p0 $0x100000, s0  }
0x200: {  	[sflag:s0] =	ssyncadd.tile.s32 @!p0 $0x1;
	_ =	shalt  }
.Lfunc_end2:
_tile_overlayer_lowered:
.L_overlay_start_2:
0x201: {  	(tag) =	ssettag $0x2  }
0x202: {  	s0 =	rddreg [dreg:$0x0];
	s2 =	stileid.u32  }
0x203: {  	s1 =	rddreg [dreg:$0x1];
	p0 =	sne.s32 s2, $0x0  }
0x204: {  	s3 =	rddreg [dreg:$0x2];
	[bflag:$0x3] =	sbarrier.arrive $0xFFFF;
	s2 =	simm.s32 @!p0 $0x1C05  }
0x205: {  	[timem:s3], [sflag:s2] =	dma.local @!p0 [hbm:s0], s1  }
0x206: {  	s0 =	simm.s32 @!p0 $0x5  }
0x207: {  	_ =	swait.ge @!p0 [sflag:s0], s1  }
0x208: {  	s1 =	ssub.s32 @!p0 $0x0, s1;
	[sflag:s0] =	ssyncset.done @!p0 $0x0  }
0x209: {  	[sflag:s0] =	ssyncadd.s32 @!p0 s1  }
0x20a: {  	[bflag:$0x3] =	sbarrier.arrive $0xFFFF  }
0x20b: {  	_ =	shalt  }

// kernel: kernel.20.cloned.1.call-start
scs
__scs_entry_jumppad:
0x0: {  	(pc) =	sbr.rel $0x88, $3  }
0x1: {  	(tag) =	ssettag $0x0;
	lr =	simm.s32 $0x1  }
0x2: {  	[smem:$0x3F8B] =	sst lr;
	_ =	strace $0xD0000000  }
0x3: {  	_ = 	snop  }
0x4: {  	_ = 	snop  }
0x5: {  	_ = 	snop  }
0x6: {  	_ = 	snop  }
0x7: {  	_ = 	snop  }
__scs_overlays_trampoline_lowered:
0x8: {  	[smem:$0x3F9A] =	sst s0  }
0x9: {  	[smem:$0x3F9B] =	sst s1  }
0xa: {  	[smem:$0x3F9C] =	sst s2  }
0xb: {  	[smem:$0x3F9D] =	sst s3  }
0xc: {  	[smem:$0x3F9E] =	sst s4  }
0xd: {  	[smem:$0x3F9F] =	sst s5  }
0xe: {  	[smem:$0x3FA0] =	sst s6  }
0xf: {  	[smem:$0x3FA1] =	sst s7  }
0x10: {  	[smem:$0x3FA2] =	sst s8  }
0x11: {  	[smem:$0x3FA3] =	sst s9;
	s0 =	simm.s32 @!p0 $0x0  }
0x12: {  	s1 =	sld [smem:$0x3F89];
	s0 =	simm.s32 @p0 $0x1  }
0x13: {  	[smem:$0x3FA4] =	sst s0;
	s0 =	simm.s32 @!p1 $0x0  }
0x14: {  	s2 =	sld [smem:$0x3F88];
	s0 =	simm.s32 @p1 $0x1  }
0x15: {  	[smem:$0x3FA5] =	sst s0;
	s0 =	simm.s32 @!p2 $0x0  }
0x16: {  	s3 =	sld [smem:$0x3FDB];
	s0 =	simm.s32 @p2 $0x1  }
0x17: {  	s4 =	simm.s32 $0x1BF5;
	[smem:$0x3FA7] =	sst s0  }
0x18: {  	s0 =	sld [smem:$0x3F8A];
	_ =	swait.ge [sflag:s4], $0x0  }
0x19: {  	s7 =	sld [smem:$0x3F8B]  }
0x1a: {  	s8 =	sadd.s32 $0xFFFFE003, lr  }
0x1b: {  	s9 =	sadd.s32 $0xFFFFFEF7, lr;
	s5 =	simm.s32 $0xFFFFFFFF;
	p2 =	slt.u32 s8, $0xFFFFF086  }
0x1c: {  	p1 =	slt.u32 s9, $0xF7A;
	s5 =	simm.s32 @!p2 $0x0  }
0x1d: {  	s5 =	simm.s32 @p1 $0x1;
	p0 =	seq.s32 s7, s2  }
0x1e: {  	s7 =	smul.u32 @!p0 $0xF7A, s2;
	p2 =	seq.s32 @!p0 s5, $0x0  }
0x1f: {  	s9 =	smul.u32 $0xF7A, s1;
	s8 =	simm.s32 @!p0 $0x1BF5;
	p2 =	por !p2, p0  }
0x20: {  	[sflag:s8] =	ssyncset.s32 @!p0 $0xFFFFF086;
	s6 =	sadd.s32 @!p0 s3, s7;
	s7 =	simm.s32 @!p0 $0x108  }
0x21: {  	s3 =	sadd.s32 s3, s9;
	s6 =	sadd.s32 @!p0 $0x88, s6;
	s7 =	simm.s32 @p2 $0x1082  }
0x22: {  	[simem:s7], [sflag:s8] =	dma.local @!p0 [hbm:s6], $0xF7A  }
0x23: {  	s9 =	sor.u32 $0xD0000000, s2;
	s6 =	simm.s32 $0x108;
	_ =	swait.ge @!p0 [sflag:s8], $0x0  }
0x24: {  	s3 =	sadd.s32 $0x88, s3;
	s6 =	simm.s32 @!p1 $0x1082;
	[sflag:s4] =	ssyncset.s32 $0xFFFFF086  }
0x25: {  	[simem:s6], [sflag:s4] =	dma.local [hbm:s3], $0xF7A  }
0x26: {  	[smem:$0x3F8B] =	sst s1;
	(tag) =	ssettag s2;
	_ =	strace s9  }
0x27: {  	s1 =	sld [smem:$0x3F9B]  }
0x28: {  	s2 =	sld [smem:$0x3F9C]  }
0x29: {  	s4 =	sld [smem:$0x3F9E]  }
0x2a: {  	p0 =	seq.s32 s5, $0x0;
	s5 =	sld [smem:$0x3F9F]  }
0x2b: {  	s6 =	sld [smem:$0x3FA0]  }
0x2c: {  	s7 =	sld [smem:$0x3FA1]  }
0x2d: {  	s3 =	simm.s32 $0x108;
	s8 =	sld [smem:$0x3FA2]  }
0x2e: {  	s3 =	simm.s32 @!p0 $0x1082;
	s9 =	sld [smem:$0x3FA3]  }
0x2f: {  	lr =	sadd.s32 s0, s3;
	s0 =	sld [smem:$0x3F9A]  }
0x30: {  	s3 =	sld [smem:$0x3F9D]  }
0x31: {  	[smem:$0x3FA6] =	sst s10  }
0x32: {  	s10 =	sld [smem:$0x3FA4];
	_ =	sdelay $0x3  }
0x33: {  	p0 =	seq.s32 s10, $0x1;
	s10 =	sld [smem:$0x3FA6];
	_ =	sdelay $0x3  }
0x34: {  	[smem:$0x3FA6] =	sst s10  }
0x35: {  	s10 =	sld [smem:$0x3FA5];
	_ =	sdelay $0x3  }
0x36: {  	p1 =	seq.s32 s10, $0x1;
	s10 =	sld [smem:$0x3FA6];
	_ =	sdelay $0x3  }
0x37: {  	[smem:$0x3FA6] =	sst s10  }
0x38: {  	s10 =	sld [smem:$0x3FA7]  }
0x39: {  	_ = 	snop;
	(pc) =	sbr.ind lr, $3  }
0x3a: {  	_ = 	snop  }
0x3b: {  	_ = 	snop  }
0x3c: {  	p2 =	seq.s32 s10, $0x1;
	s10 =	sld [smem:$0x3FA6]  }
0x3d: {  	_ =	shalt  }
0x3e: {  	_ =	shalt  }
0x3f: {  	_ =	shalt  }
0x40: {  	_ =	shalt  }
0x41: {  	_ =	shalt  }
0x42: {  	_ =	shalt  }
0x43: {  	_ =	shalt  }
0x44: {  	_ =	shalt  }
0x45: {  	_ =	shalt  }
0x46: {  	_ =	shalt  }
0x47: {  	_ =	shalt  }
0x48: {  	_ =	shalt  }
0x49: {  	_ =	shalt  }
0x4a: {  	_ =	shalt  }
0x4b: {  	_ =	shalt  }
0x4c: {  	_ =	shalt  }
0x4d: {  	_ =	shalt  }
0x4e: {  	_ =	shalt  }
0x4f: {  	_ =	shalt  }
0x50: {  	_ =	shalt  }
0x51: {  	_ =	shalt  }
0x52: {  	_ =	shalt  }
0x53: {  	_ =	shalt  }
0x54: {  	_ =	shalt  }
0x55: {  	_ =	shalt  }
0x56: {  	_ =	shalt  }
0x57: {  	_ =	shalt  }
0x58: {  	_ =	shalt  }
0x59: {  	_ =	shalt  }
0x5a: {  	_ =	shalt  }
0x5b: {  	_ =	shalt  }
0x5c: {  	_ =	shalt  }
0x5d: {  	_ =	shalt  }
0x5e: {  	_ =	shalt  }
0x5f: {  	_ =	shalt  }
0x60: {  	_ =	shalt  }
0x61: {  	_ =	shalt  }
0x62: {  	_ =	shalt  }
0x63: {  	_ =	shalt  }
0x64: {  	_ =	shalt  }
0x65: {  	_ =	shalt  }
0x66: {  	_ =	shalt  }
0x67: {  	_ =	shalt  }
0x68: {  	_ =	shalt  }
0x69: {  	_ =	shalt  }
0x6a: {  	_ =	shalt  }
0x6b: {  	_ =	shalt  }
0x6c: {  	_ =	shalt  }
0x6d: {  	_ =	shalt  }
0x6e: {  	_ =	shalt  }
0x6f: {  	_ =	shalt  }
0x70: {  	_ =	shalt  }
0x71: {  	_ =	shalt  }
0x72: {  	_ =	shalt  }
0x73: {  	_ =	shalt  }
0x74: {  	_ =	shalt  }
0x75: {  	_ =	shalt  }
0x76: {  	_ =	shalt  }
0x77: {  	_ =	shalt  }
0x78: {  	_ =	shalt  }
0x79: {  	_ =	shalt  }
0x7a: {  	_ =	shalt  }
0x7b: {  	_ =	shalt  }
0x7c: {  	_ =	shalt  }
0x7d: {  	_ =	shalt  }
0x7e: {  	_ =	shalt  }
0x7f: {  	_ =	shalt  }
0x80: {  	_ =	shalt  }
0x81: {  	_ =	shalt  }
0x82: {  	_ =	shalt  }
0x83: {  	_ =	shalt  }
0x84: {  	_ =	shalt  }
0x85: {  	_ =	shalt  }
0x86: {  	_ =	shalt  }
0x87: {  	_ =	shalt  }
.Lfunc_end0:
.L_simem_size_0:
called_computation.3_lowered:
.L_overlay_start_0:
0x88: {  	s2 =	sld [smem:$0x3FD9]  }
0x89: {  	s3 =	sld [smem:$0x3FFE];
	_ =	sdelay $0x1  }
0x8a: {  	s1 =	srdreg.scid  }
0x8b: {  	s0 =	sand.u32 $0x1, s1  }
0x8c: {  	s17 =	sshll.u32 s0, $0xA;
	s2 =	sadd.s32 s3, s2  }
0x8d: {  	s2 =	sadd.s32 s2, s17  }
0x8e: {  	[smem:$0x3FB2] =	sst s2  }
0x8f: {  	_ = 	snop  }
0x90: {  	(tm) =	ssettm $0x1  }
0x91: {  	s18 =	sld [smem:$0x3FFB];
	_ =	sdelay $0x3  }
0x92: {  	_ =	strace s18  }
0x93: {  	s2 =	sld [smem:$0x3FFC];
	_ =	sdelay $0x3  }
0x94: {  	_ =	strace s2  }
0x95: {  	s2 =	sld [smem:$0x3FFD];
	_ =	sdelay $0x3  }
0x96: {  	_ =	strace s2  }
0x97: {  	_ =	strace $0x8FFFFFFF  }
0x98: {  	s19 =	sld [smem:$0x3FDB];
	_ =	sdelay $0x1  }
0x99: {  	s20 =	simm.s32 $_scs_section_size  }
0x9a: {  	s4 =	simm.s32 $_size__tile_overlayer_lowered;
	s5 =	simm.s32 $_tile_overlayer_lowered  }
0x9b: {  	s6 =	simm.s32 $0x1BFF;
	s21 =	sshll.u32 s5, $0x1;
	s3 =	sadd.s32 s20, s19  }
0x9c: {  	s22 =	simm.s32 $0x0;
	s4 =	sshll.u32 s4, $0x1;
	s5 =	sadd.s32 s21, s3  }
0x9d: {  	[timem:s22], [sflag:s6] =	dma.local [hbm:s5], s4  }
0x9e: {  	_ =	swait.ge [sflag:s6], s4  }
0x9f: {  	s4 =	ssub.s32 $0x0, s4;
	[sflag:s6] =	ssyncset.done $0x0  }
0xa0: {  	[sflag:s6] =	ssyncadd.s32 s4;
	_ =	sdelay $0x1  }
0xa1: {  	s23 =	simm.s32 $0x1B8B  }
0xa2: {  	_ =	swait.ge [sflag:s23], $0x1  }
0xa3: {  	[sflag:s23] =	ssyncset.done $0x0  }
0xa4: {  	[sflag:s23] =	ssyncadd.s32 $0xFFFFFFFF  }
0xa5: {  	s4 =	sld [smem:$0x0]  }
0xa6: {  	s5 =	sand.u32 $0xFFFFFFFE, s1  }
0xa7: {  	p0 =	sne.s32 s1, s5  }
0xa8: {  	s5 =	sshll.u32 @p0 s5, $0xE  }
0xa9: {  	s5 =	sadd.s32 @p0 $0x11B8D, s5;
	s6 =	sshll.u32 @p0 s4, $0x11  }
0xaa: {  	s5 =	sor.u32 @p0 s6, s5  }
0xab: {  	[sflag:s5] =	ssyncadd.remote.s32 @p0 $0x1;
	_ =	sdelay $0x1  }
0xac: {  	s5 =	simm.s32 @p0 $0x1B8D  }
0xad: {  	_ =	swait.eq @p0 [sflag:s5], $0x1  }
0xae: {  	[sflag:s5] =	ssyncadd.s32 @p0 $0xFFFFFFFF  }
0xaf: {  	s6 =	sshll.u32 @!p0 s1, $0xE  }
0xb0: {  	s6 =	sor.u32 @!p0 $0x4000, s6;
	s5 =	simm.s32 @!p0 $0x1B8D  }
0xb1: {  	s4 =	sshll.u32 @!p0 s4, $0x11;
	s6 =	sadd.s32 @!p0 $0x11B8D, s6;
	_ =	swait.eq @!p0 [sflag:s5], $0x1  }
0xb2: {  	s4 =	sor.u32 @!p0 s4, s6;
	[sflag:s5] =	ssyncadd.s32 @!p0 $0xFFFFFFFF  }
0xb3: {  	s25 =	simm.s32 $0x1B8E;
	s24 =	sld [smem:$0x3FFE];
	[sflag:s4] =	ssyncadd.remote.s32 @!p0 $0x1  }
0xb4: {  	s26 =	simm.s32 $execute0_lowered;
	[smem:$0x3FD2] =	sst s25  }
0xb5: {  	s5 =	sshll.u32 s26, $0x1;
	_ =	strace $0x8000004F;
	[dreg:$0x1] =	wrdreg $0xFFFFFFFF  }
0xb6: {  	s28 =	simm.s32 $_size_execute0_lowered;
	s3 =	sadd.s32 s3, s5;
	[dreg:$0x0] =	wrdreg $0x0  }
0xb7: {  	s5 =	sshll.u32 s28, $0x1;
	[dreg:$0x2] =	wrdreg s3  }
0xb8: {  	[dreg:$0x3] =	wrdreg s5  }
0xb9: {  	[dreg:$0x4] =	wrdreg $0xC0  }
0xba: {  	_ =	task [dreg:s22], $0x5FFFF  }
0xbb: {  	[dreg:$0x1] =	wrdreg $0xFFFFFFFF  }
0xbc: {  	[dreg:$0x0] =	wrdreg $0x60  }
0xbd: {  	[dreg:$0x2] =	wrdreg s24  }
0xbe: {  	[dreg:$0x3] =	wrdreg $0x6C000  }
0xbf: {  	[dreg:$0x4] =	wrdreg $0xA  }
0xc0: {  	_ =	task.clear_ibuf [dreg:s22], $0x5FFFF;
	_ =	strace $0x9000004F  }
0xc1: {  	s29 =	simm.s32 $0xA;
	_ =	strace $0x80000051  }
0xc2: {  	_ =	swait.ge [sflag:s29], $0x1  }
0xc3: {  	[sflag:s29] =	ssyncadd.s32 $0xFFFFFFFF  }
0xc4: {  	_ =	strace $0x90000051  }
0xc5: {  	_ =	sfence  }
0xc6: {  	s30 =	sld [smem:$0x0];
	_ =	sdelay $0x2  }
0xc7: {  	s31 =	sshll.u32 s1, $0xD;
	s1 =	sshrl.u32 s1, $0x2  }
0xc8: {  	s4 =	sand.u32 $0x4000, s31;
	s1 =	sadd.s32 s1, s30  }
0xc9: {  	s0 =	sor.u32 s4, s0;
	s1 =	sshll.u32 s1, $0x11  }
0xca: {  	s0 =	sor.u32 s1, s0  }
0xcb: {  	s0 =	sadd.s32 $0x8F2B, s0  }
0xcc: {  	[sflag:s0] =	ssyncadd.remote.s32 $0x1  }
0xcd: {  	_ =	sfence.sel $0xFFFF  }
0xce: {  	[dreg:$0x0] =	wrdreg $0xFFFFFFFF;
	(pc) =	sbr.abs _section_cstart, $3  }
0xcf: {  	[dreg:$0x1] =	wrdreg $0xFFFFFFFF  }
0xd0: {  	_ =	task.clear_ibuf [dreg:s22], $0x2FFFF;
	_ =	strace $0x9FFFFFFF  }
0xd1: {  	(tm) =	ssettm $0x7FFFFFFF  }
tec
execute0_lowered:
.L_overlay_start_1:
0x0: {  	(tag) =	ssettag $0x1  }
0x1: {  	s4 =	rddreg [dreg:$0x0]  }
0x2: {  	s1 =	srdreg.scid;
	s0 =	stileid.u32  }
0x3: {  	s2 =	rddreg [dreg:$0x1];
	s6 =	smul.u32 $0x50000, s0  }
0x4: {  	s3 =	simm.s32 $0x0;
	s21 =	simm.s32 $0x50;
	s19 =	smul.u32 $0x1F400, s0  }
0x5: {  	s22 =	simm.s32 $0x2;
	s13 =	sand.u32 $0x1, s1;
	s25 =	smul.u32 $0x2800, s0  }
0x6: {  	s23 =	simm.s32 $0x1800;
	s5 =	sshll.u32 s0, $0x1;
	s7 =	smul.u32 $0x28000, s13  }
0x7: {  	s26 =	simm.s32 $0x0;
	s11 =	sor.u32 s13, s5;
	s20 =	smul.u32 $0xFA00, s13  }
0x8: {  	[smem:$0x7FF] =	sst s3;
	s15 =	sadd.s32 $0x754800, s4;
	s5 =	smul.u32 $0x380, s11  }
0x9: {  	_ =	strace $0x80000050;
	s29 =	ssub.s32 $0x2, s13;
	s14 =	smul.u32 $0x7D000, s11  }
0xa: {  	s6 =	sshrl.u32 s6, $0x2;
	s30 =	sshrl.u32 s29, $0x1;
	s18 =	smul.u32 $0xFA00, s11  }
0xb: {  	s16 =	sadd.s32 s7, s4;
	s17 =	ssub.s32 s29, s30;
	s12 =	sadd.s32 s5, s4  }
0xc: {  	s4 =	sadd.s32 s6, s2;
	s14 =	sshrl.u32 s14, $0x3;
	s13 =	sadd.s32 s15, s18  }
0xd: {  	s24 =	sadd.s32 $0xE600, s16;
	s18 =	simm.s32 $0x3;
	s5 =	sadd.s32 $0x2800, s4  }
0xe: {  	s6 =	sadd.s32 $0x5000, s4;
	s7 =	sadd.s32 $0x7800, s4;
	s8 =	sadd.s32 $0xA000, s4  }
0xf: {  	s9 =	sadd.s32 $0xC800, s4;
	s10 =	sadd.s32 $0xF000, s4;
	s11 =	sadd.s32 $0x11800, s4  }
0x10: {  	s12 =	sadd.s32 $0x35A800, s12;
	s14 =	sadd.s32 s15, s14;
	s15 =	sadd.s32 s19, s15  }
0x11: {  	s19 =	simm.s32 $0x4400;
	s24 =	sadd.s32 s25, s24;
	s25 =	simm.s32 $0x1880  }
0x12: {  	s14 =	sadd.s32 $0x500, s14;
	s31 =	sadd.s32 s20, s15;
	s15 =	smax.u32 s17, $0x1  }
0x13: {  	v0 =	vimm.f32 $0.0e+00;
	s17 =	simm.s32 $0x1C00;
	s20 =	simm.s32 $0x1;
	s16 =	sadd.s32 $0xF00, s31  }
.LBB2_1:
0x14: {  	s28 =	simm.s32 $0x0;
	s29 =	simm.s32 $0x200  }
.LBB2_2:
0x15: {  	p0 =	sne.s32 s29, $0x9E00;
	[tilespmem:s28+$0x1C70] =	vst v0  }
0x16: {  	[tilespmem:s28+$0x1C00] =	vst v0  }
0x17: {  	[tilespmem:s28+$0x1C10] =	vst v0  }
.Ltmp0:
0x18: {  	[tilespmem:s28+$0x1C20] =	vst v0;
	(pc) =	sbr.rel @p0 .LBB2_2-.Ltmp0, $4  }
0x19: {  	[tilespmem:s28+$0x1C30] =	vst v0  }
0x1a: {  	[tilespmem:s28+$0x1C40] =	vst v0  }
0x1b: {  	[tilespmem:s28+$0x1C50] =	vst v0  }
0x1c: {  	[tilespmem:s28+$0x1C60] =	vst v0;
	s28 =	sshra.s32 s29, $0x2;
	s29 =	sadd.s32 $0x200, s29  }
0x1d: {  	[tilespmem:s28+$0x1C70] =	vst v0  }
0x1e: {  	[tilespmem:s28+$0x1C00] =	vst v0  }
0x1f: {  	[tilespmem:s28+$0x1C10] =	vst v0  }
0x20: {  	[tilespmem:s28+$0x1C20] =	vst v0  }
0x21: {  	[tilespmem:s28+$0x1C30] =	vst v0  }
0x22: {  	[tilespmem:s28+$0x1C40] =	vst v0  }
0x23: {  	[tilespmem:s28+$0x1C50] =	vst v0  }
0x24: {  	[tilespmem:s28+$0x1C60] =	vst v0  }
0x25: {  	[spmem:s4] =	stream.linear.scatter [tilespmem:s17], [sflag:$0x3], $0x2800, $0x38;
	[tilespmem:$0x1AC00] =	vst v63  }
0x26: {  	_ =	swait.ge [sflag:s18], $0x2800  }
0x27: {  	[sflag:s18] =	ssyncset.done $0x0  }
0x28: {  	[sflag:s18] =	ssyncadd.s32 $0xFFFFD800  }
0x29: {  	[spmem:s5] =	stream.linear.scatter [tilespmem:s17], [sflag:$0x3], $0x2800, $0x38;
	[tilespmem:$0x1AC00] =	vst v63  }
0x2a: {  	_ =	swait.ge [sflag:s18], $0x2800  }
0x2b: {  	[sflag:s18] =	ssyncset.done $0x0  }
0x2c: {  	[sflag:s18] =	ssyncadd.s32 $0xFFFFD800  }
0x2d: {  	[spmem:s6] =	stream.linear.scatter [tilespmem:s17], [sflag:$0x3], $0x2800, $0x38;
	[tilespmem:$0x1AC00] =	vst v63  }
0x2e: {  	_ =	swait.ge [sflag:s18], $0x2800  }
0x2f: {  	[sflag:s18] =	ssyncset.done $0x0  }
0x30: {  	[sflag:s18] =	ssyncadd.s32 $0xFFFFD800  }
0x31: {  	[spmem:s7] =	stream.linear.scatter [tilespmem:s17], [sflag:$0x3], $0x2800, $0x38;
	[tilespmem:$0x1AC00] =	vst v63  }
0x32: {  	_ =	swait.ge [sflag:s18], $0x2800  }
0x33: {  	[sflag:s18] =	ssyncset.done $0x0  }
0x34: {  	[sflag:s18] =	ssyncadd.s32 $0xFFFFD800  }
0x35: {  	[spmem:s8] =	stream.linear.scatter [tilespmem:s17], [sflag:$0x3], $0x2800, $0x38;
	[tilespmem:$0x1AC00] =	vst v63  }
0x36: {  	_ =	swait.ge [sflag:s18], $0x2800  }
0x37: {  	[sflag:s18] =	ssyncset.done $0x0  }
0x38: {  	[sflag:s18] =	ssyncadd.s32 $0xFFFFD800  }
0x39: {  	[spmem:s9] =	stream.linear.scatter [tilespmem:s17], [sflag:$0x3], $0x2800, $0x38;
	[tilespmem:$0x1AC00] =	vst v63  }
0x3a: {  	_ =	swait.ge [sflag:s18], $0x2800  }
0x3b: {  	[sflag:s18] =	ssyncset.done $0x0  }
0x3c: {  	[sflag:s18] =	ssyncadd.s32 $0xFFFFD800  }
0x3d: {  	[spmem:s10] =	stream.linear.scatter [tilespmem:s17], [sflag:$0x3], $0x2800, $0x38;
	[tilespmem:$0x1AC00] =	vst v63  }
0x3e: {  	_ =	swait.ge [sflag:s18], $0x2800  }
0x3f: {  	[sflag:s18] =	ssyncset.done $0x0  }
0x40: {  	[sflag:s18] =	ssyncadd.s32 $0xFFFFD800  }
0x41: {  	[spmem:s11] =	stream.linear.scatter [tilespmem:s17], [sflag:$0x3], $0x2800, $0x38;
	[tilespmem:$0x1AC00] =	vst v63  }
0x42: {  	_ =	swait.ge [sflag:s18], $0x2800  }
0x43: {  	[sflag:s18] =	ssyncset.done $0x0  }
0x44: {  	[sflag:s18] =	ssyncadd.s32 $0xFFFFD800  }
0x45: {  	s28 =	simm.s32 $0x0;
	[bflag:$0x0] =	sbarrier.arrive $0xFFFF  }
0x46: {  	[tilespmem:s28], [sflag:$0x3] =	stream.linear.gather [hbm4b:s12+s28], $0x1900, $0x38;
	[tilespmem:$0x1AC00] =	vst v63  }
0x47: {  	_ =	swait.ge [sflag:s18], $0x1900  }
0x48: {  	[sflag:s18] =	ssyncset.done $0x0  }
0x49: {  	[sflag:s18] =	ssyncadd.s32 $0xFFFFE700  }
0x4a: {  	[tilespmem:s17], [sflag:$0x1] =	stream.linear.gather [hbm4b:s13+s28], $0x2800, $0x38;
	[tilespmem:$0x1AC00] =	vst v63  }
0x4b: {  	_ = 	snop  }
0x4c: {  	[tilespmem:s19], [sflag:$0x2] =	stream.linear.gather [hbm4b:s14+s28], $0x2800, $0x38;
	[tilespmem:$0x1AC00] =	vst v63  }
0x4d: {  	_ =	swait.ge [sflag:s20], $0x2800  }
0x4e: {  	[sflag:s20] =	ssyncset.done $0x0  }
0x4f: {  	s28 =	simm.s32 $0x0;
	[sflag:s20] =	ssyncadd.s32 $0xFFFFD800  }
0x50: {  	[spmem:s2] =	stream.indirect.scatter.add.f32 [tilespmem:s17], [sflag:$0x3], $0x80, s28, s21, $0xb8;
	[tilespmem:$0x1AC00] =	vst v63  }
0x51: {  	_ =	swait.ge [sflag:s18], $0x2800  }
0x52: {  	[sflag:s18] =	ssyncset.done $0x0  }
0x53: {  	s28 =	sadd.s32 $0xFFFFFB00, s16;
	[sflag:s18] =	ssyncadd.s32 $0xFFFFD800  }
0x54: {  	[tilespmem:s17], [sflag:$0x1] =	stream.linear.gather [hbm4b:s28+s3], $0x2800, $0x38;
	[tilespmem:$0x1AC00] =	vst v63  }
0x55: {  	_ =	swait.ge [sflag:s22], $0x2800  }
0x56: {  	[sflag:s22] =	ssyncset.done $0x0  }
0x57: {  	s28 =	simm.s32 $0x80;
	[sflag:s22] =	ssyncadd.s32 $0xFFFFD800  }
0x58: {  	[spmem:s2] =	stream.indirect.scatter.add.f32 [tilespmem:s19], [sflag:$0x3], $0x80, s28, s21, $0xb8;
	[tilespmem:$0x1AC00] =	vst v63  }
0x59: {  	_ =	swait.ge [sflag:s18], $0x2800  }
0x5a: {  	s29 =	sadd.s32 $0xA00, s16;
	[sflag:s18] =	ssyncset.done $0x0  }
0x5b: {  	s30 =	smov.u32 s16;
	s28 =	simm.s32 $0x400;
	[sflag:s18] =	ssyncadd.s32 $0xFFFFD800  }
.LBB2_4:
0x5c: {  	[tilespmem:s19], [sflag:$0x2] =	stream.linear.gather [hbm4b:s30+s3], $0x2800, $0x38;
	[tilespmem:$0x1AC00] =	vst v63  }
0x5d: {  	s31 =	smov.u32 s28;
	s30 =	smov.u32 s29  }
0x5e: {  	p0 =	sne.s32 s28, $0x5C00;
	s28 =	sadd.s32 $0x400, s28;
	_ =	swait.ge [sflag:s20], $0x2800  }
0x5f: {  	[sflag:s20] =	ssyncset.done $0x0  }
0x60: {  	s31 =	sshra.s32 s31, $0x2;
	[sflag:s20] =	ssyncadd.s32 $0xFFFFD800  }
0x61: {  	[spmem:s2] =	stream.indirect.scatter.add.f32 [tilespmem:s17], [sflag:$0x3], $0x80, s31, s21, $0xb8;
	[tilespmem:$0x1AC00] =	vst v63  }
0x62: {  	_ =	swait.ge [sflag:s18], $0x2800  }
0x63: {  	[sflag:s18] =	ssyncset.done $0x0  }
0x64: {  	s1 =	sadd.s32 $0xFFFFFB00, s29;
	[sflag:s18] =	ssyncadd.s32 $0xFFFFD800  }
0x65: {  	[tilespmem:s17], [sflag:$0x1] =	stream.linear.gather [hbm4b:s1+s3], $0x2800, $0x38;
	[tilespmem:$0x1AC00] =	vst v63  }
0x66: {  	_ =	swait.ge [sflag:s22], $0x2800  }
0x67: {  	[sflag:s22] =	ssyncset.done $0x0  }
.Ltmp1:
0x68: {  	s1 =	sadd.s32 $0x80, s31;
	[sflag:s22] =	ssyncadd.s32 $0xFFFFD800;
	(pc) =	sbr.rel @p0 .LBB2_4-.Ltmp1, $4  }
0x69: {  	[spmem:s2] =	stream.indirect.scatter.add.f32 [tilespmem:s19], [sflag:$0x3], $0x80, s1, s21, $0xb8;
	[tilespmem:$0x1AC00] =	vst v63  }
0x6a: {  	_ =	swait.ge [sflag:s18], $0x2800  }
0x6b: {  	[sflag:s18] =	ssyncset.done $0x0  }
0x6c: {  	s29 =	sadd.s32 $0xA00, s29;
	[sflag:s18] =	ssyncadd.s32 $0xFFFFD800  }
0x6d: {  	[tilespmem:s19], [sflag:$0x2] =	stream.linear.gather [hbm4b:s30+s3], $0x2800, $0x38;
	[tilespmem:$0x1AC00] =	vst v63  }
0x6e: {  	_ =	swait.ge [sflag:s20], $0x2800  }
0x6f: {  	[sflag:s20] =	ssyncset.done $0x0  }
0x70: {  	[sflag:s20] =	ssyncadd.s32 $0xFFFFD800  }
0x71: {  	[spmem:s2] =	stream.indirect.scatter.add.f32 [tilespmem:s17], [sflag:$0x3], $0x80, s23, s21, $0xb8;
	[tilespmem:$0x1AC00] =	vst v63  }
0x72: {  	_ =	swait.ge [sflag:s18], $0x2800  }
0x73: {  	[sflag:s18] =	ssyncset.done $0x0  }
0x74: {  	[sflag:s18] =	ssyncadd.s32 $0xFFFFD800  }
0x75: {  	_ =	swait.ge [sflag:s22], $0x2800  }
0x76: {  	[sflag:s22] =	ssyncset.done $0x0  }
0x77: {  	[sflag:s22] =	ssyncadd.s32 $0xFFFFD800  }
0x78: {  	[spmem:s2] =	stream.indirect.scatter.add.f32 [tilespmem:s19], [sflag:$0x3], $0x80, s25, s21, $0xb8;
	[tilespmem:$0x1AC00] =	vst v63  }
0x79: {  	_ =	swait.ge [sflag:s18], $0x2800  }
0x7a: {  	s1 =	sshll.u32 s0, $0x6;
	s26 =	sadd.s32 $0x1, s26;
	[sflag:s18] =	ssyncset.done $0x0  }
0x7b: {  	s28 =	sshrl.u32 s4, $0x3;
	p0 =	sne.s32 s26, s15;
	[sflag:s18] =	ssyncadd.s32 $0xFFFFD800  }
.Ltmp2:
0x7c: {  	s1 =	sor.u32 $0x1C03, s1;
	[bflag:$0x0] =	sbarrier.arrive $0xFFFF;
	(pc) =	sbr.rel @p0 .LBB2_1-.Ltmp2, $4  }
0x7d: {  	[hbm:s24], [sflag:s1] =	dma.local [spmem:s28], $0x2800  }
0x7e: {  	_ =	swait.ge [sflag:s18], $0x2800  }
0x7f: {  	[sflag:s18] =	ssyncset.done $0x0  }
0x80: {  	[sflag:s18] =	ssyncadd.s32 $0xFFFFD800  }
0x81: {  	_ =	sfence.sel $0x180000  }
0x82: {  	[bflag:$0x0] =	sbarrier.arrive $0xFFFF  }
0x83: {  	_ =	strace $0x90000050  }
0x84: {  	[bflag:$0x2] =	sbarrier.arrive $0xFFFF  }
0x85: {  	p0 =	sne.s32 s0, $0x0;
	s0 =	rddreg [dreg:$0x2]  }
0x86: {  	s0 =	sadd.s32 @!p0 $0x100000, s0  }
0x87: {  	[sflag:s0] =	ssyncadd.tile.s32 @!p0 $0x1;
	_ =	shalt  }
.Lfunc_end2:
_tile_overlayer_lowered:
.L_overlay_start_2:
0x88: {  	(tag) =	ssettag $0x2  }
0x89: {  	s0 =	rddreg [dreg:$0x0];
	s2 =	stileid.u32  }
0x8a: {  	s1 =	rddreg [dreg:$0x1];
	p0 =	sne.s32 s2, $0x0  }
0x8b: {  	s3 =	rddreg [dreg:$0x2];
	[bflag:$0x3] =	sbarrier.arrive $0xFFFF;
	s2 =	simm.s32 @!p0 $0x1C03  }
0x8c: {  	[timem:s3], [sflag:s2] =	dma.local @!p0 [hbm:s0], s1  }
0x8d: {  	s0 =	simm.s32 @!p0 $0x3  }
0x8e: {  	_ =	swait.ge @!p0 [sflag:s0], s1  }
0x8f: {  	s1 =	ssub.s32 @!p0 $0x0, s1;
	[sflag:s0] =	ssyncset.done @!p0 $0x0  }
0x90: {  	[sflag:s0] =	ssyncadd.s32 @!p0 s1  }
0x91: {  	[bflag:$0x3] =	sbarrier.arrive $0xFFFF  }
0x92: {  	_ =	shalt  }

</sc_bundles>
